<compile_context>
chip_gen: v7x
topology: tpu7x:2x2x1
jax: 0.10.2.dev20260603
libtpu: 0.0.44.dev20260713+nightly
codegen_flags: <defaults>
</compile_context>

<pallas_src>
import functools

import jax
import jax.numpy as jnp
from jax import lax
from jax.experimental import pallas as pl
from jax.experimental.pallas import tpu as pltpu
from jax.experimental.pallas import tpu_sc as plsc

N = 10000
E = 320000
DIN = 128
DH = 256
HALF = 128
NP = 10240
TRASH = NP - 1

NTILES = 16
CH = 128
NCH = 160
SUP = 16
NSB = NCH // SUP
EP = NTILES * NCH * CH
NCHA = 79
EPA = 2 * NTILES * NCHA * CH
NMASKP = 2048
ROWS_PT = NP // NTILES

R = 512
NB = NP // R


def _sc_prep(dstA, maskA):
    return _make_sc_prep()(dstA, maskA)


def _sc_spmm(srcE, dstE, tab):
    return _make_sc_spmm()(srcE, dstE, tab)


@functools.cache
def _mesh():
    return plsc.VectorSubcoreMesh(core_axis_name="c", subcore_axis_name="s")


@functools.cache
def _make_sc_prep():
    return functools.partial(
        pl.kernel,
        out_type=(
            jax.ShapeDtypeStruct((2, NP, HALF), jnp.float32),
            jax.ShapeDtypeStruct((NP, HALF), jnp.float32),
        ),
        mesh=_mesh(),
        scratch_types=[
            pltpu.VMEM((NCHA, CH), jnp.int32),
            pltpu.VMEM((1, CH), jnp.int32),
            pltpu.VMEM((CH, HALF), jnp.float32),
            pltpu.VMEM_SHARED((NP, HALF), jnp.float32),
        ],
    )(_sc_prep_body)


def _sc_prep_body(dstA, maskA, deg_out, flag_out, dst_stage, mask_stage,
                  ones_buf, acc_sh):
    c = lax.axis_index("c")
    s = lax.axis_index("s")

    def _fill(i, val):
        for k in range(HALF // 16):
            ones_buf[i, pl.ds(k * 16, 16)] = jnp.full((16,), val, jnp.float32)
        return val

    def _zero_acc():
        lax.fori_loop(0, CH, _fill, 0.0)
        for t in range(ROWS_PT // CH):
            pltpu.sync_copy(ones_buf, acc_sh.at[pl.ds(s * ROWS_PT + t * CH, CH)])
        lax.fori_loop(0, CH, _fill, 1.0)

    _zero_acc()
    plsc.subcore_barrier()
    pltpu.sync_copy(dstA.at[c, s], dst_stage)

    def _step(j, carry):
        pltpu.sync_copy(ones_buf, acc_sh.at[dst_stage.at[j]], add=True)
        return carry

    lax.fori_loop(0, NCHA, _step, 0)
    plsc.subcore_barrier()
    for t in range(ROWS_PT // CH):
        off = s * ROWS_PT + t * CH
        pltpu.sync_copy(acc_sh.at[pl.ds(off, CH)], deg_out.at[c, pl.ds(off, CH)])

    _zero_acc()
    plsc.subcore_barrier()

    @pl.when(c == 0)
    def _():
        pltpu.sync_copy(maskA.at[s], mask_stage.at[0])
        pltpu.sync_copy(ones_buf, acc_sh.at[mask_stage.at[0]], add=True)

    plsc.subcore_barrier()

    @pl.when(c == 0)
    def _():
        for t in range(ROWS_PT // CH):
            off = s * ROWS_PT + t * CH
            pltpu.sync_copy(acc_sh.at[pl.ds(off, CH)], flag_out.at[pl.ds(off, CH)])


@functools.cache
def _make_sc_spmm():
    return functools.partial(
        pl.kernel,
        out_type=jax.ShapeDtypeStruct((2, NP, HALF), jnp.float32),
        mesh=_mesh(),
        scratch_types=[
            pltpu.VMEM((SUP, CH), jnp.int32),
            pltpu.VMEM((SUP, CH), jnp.int32),
            pltpu.VMEM((2, CH), jnp.int32),
            pltpu.VMEM((2, CH, HALF), jnp.float32),
            pltpu.VMEM_SHARED((NP, HALF), jnp.float32),
            pltpu.SemaphoreType.DMA,
            pltpu.SemaphoreType.DMA,
            pltpu.SemaphoreType.DMA,
            pltpu.SemaphoreType.DMA,
        ],
    )(_sc_spmm_body)


def _sc_spmm_body(srcE, dstE, tab, acc_out, src_st, dst_st, idx_buf,
                  rows_buf, acc_sh, sem0, sem1, ssem0, ssem1):
    c = lax.axis_index("c")
    s = lax.axis_index("s")
    sems = (sem0, sem1)
    ssems = (ssem0, ssem1)

    def _zero(i, carry):
        for k in range(HALF // 16):
            rows_buf[0, i, pl.ds(k * 16, 16)] = jnp.zeros((16,), jnp.float32)
        return carry

    lax.fori_loop(0, CH, _zero, 0)
    for t in range(ROWS_PT // CH):
        pltpu.sync_copy(rows_buf.at[0], acc_sh.at[pl.ds(s * ROWS_PT + t * CH, CH)])
    plsc.subcore_barrier()

    def _fire(jj, b):
        for k in range(CH // 16):
            idx_buf[b, pl.ds(k * 16, 16)] = src_st[jj, pl.ds(k * 16, 16)] * 2 + c
        pltpu.async_copy(tab.at[idx_buf.at[b]], rows_buf.at[b], sems[b])

    def _wait_g(b):
        pltpu.make_async_copy(tab.at[idx_buf.at[b]], rows_buf.at[b],
                              sems[b]).wait()

    def _fire_s(jj, b):
        pltpu.async_copy(rows_buf.at[b], acc_sh.at[dst_st.at[jj]], ssems[b],
                         add=True)

    def _wait_s(jj, b):
        pltpu.make_async_copy(rows_buf.at[b], acc_sh.at[dst_st.at[jj]],
                              ssems[b]).wait()

    def _block(sb, carry):
        pltpu.sync_copy(srcE.at[s, pl.ds(sb * SUP, SUP)], src_st)
        pltpu.sync_copy(dstE.at[s, pl.ds(sb * SUP, SUP)], dst_st)
        _fire(0, 0)

        def _inner(q, carry2):
            _wait_g(0)

            @pl.when(q >= 1)
            def _():
                _wait_s(2 * q - 1, 1)

            _fire(2 * q + 1, 1)
            _fire_s(2 * q, 0)
            _wait_g(1)
            _wait_s(2 * q, 0)

            @pl.when(q < SUP // 2 - 1)
            def _():
                _fire(2 * q + 2, 0)

            _fire_s(2 * q + 1, 1)
            return carry2

        lax.fori_loop(0, SUP // 2, _inner, 0)
        _wait_s(SUP - 1, 1)
        return carry

    lax.fori_loop(0, NSB, _block, 0)

    plsc.subcore_barrier()
    for t in range(ROWS_PT // CH):
        off = s * ROWS_PT + t * CH
        pltpu.sync_copy(acc_sh.at[pl.ds(off, CH)], acc_out.at[c, pl.ds(off, CH)])



def _dinv_of(d0_ref, d1_ref):
    return lax.rsqrt(d0_ref[0, :, 0:1] + d1_ref[0, :, 0:1] + 1.0)


def _rows_of(i):
    return i * R + lax.broadcasted_iota(jnp.int32, (R, 1), 0)


def _enc_body(x_ref, fl_ref, d0_ref, d1_ref, mt_ref, w1_ref, b1_ref, w2_ref,
              b2_ref, wc0_ref, out_ref):
    i = pl.program_id(0)
    dinv = _dinv_of(d0_ref, d1_ref)
    fl = fl_ref[:, 0:1] > 0.5
    xm = jnp.where(fl, mt_ref[...], x_ref[...])
    h1 = jnp.maximum(jnp.dot(xm, w1_ref[...]) + b1_ref[...], 0.0)
    h = jnp.dot(h1, w2_ref[...]) + b2_ref[...]
    hw = jnp.dot(h, wc0_ref[...])
    out_ref[...] = jnp.where(_rows_of(i) < N, dinv * hw, 0.0)


def _dm_body(a0_ref, a1_ref, hwp_ref, d0_ref, d1_ref, b_ref, w_ref, out_ref):
    i = pl.program_id(0)
    dinv = _dinv_of(d0_ref, d1_ref)
    acc = jnp.concatenate([a0_ref[0], a1_ref[0]], axis=1)
    h1 = jnp.maximum(dinv * acc + dinv * hwp_ref[...] + b_ref[...], 0.0)
    hw = jnp.dot(h1, w_ref[...])
    out_ref[...] = jnp.where(_rows_of(i) < N, dinv * hw, 0.0)


def _fin_body(a0_ref, a1_ref, hwp_ref, d0_ref, d1_ref, b_ref, wp1_ref, bp1_ref,
              wp2_ref, bp2_ref, h3_ref, g_ref, ssum, smax):
    i = pl.program_id(0)
    dinv = _dinv_of(d0_ref, d1_ref)
    acc = jnp.concatenate([a0_ref[0], a1_ref[0]], axis=1)
    h3 = jnp.maximum(dinv * acc + dinv * hwp_ref[...] + b_ref[...], 0.0)
    valid = _rows_of(i) < N
    h3z = jnp.where(valid, h3, 0.0)
    h3_ref[...] = h3z
    psum = jnp.sum(h3z, axis=0, keepdims=True)
    pmax = jnp.max(jnp.where(valid, h3, -jnp.inf), axis=0, keepdims=True)

    @pl.when(i == 0)
    def _():
        ssum[0:1, :] = psum
        smax[0:1, :] = pmax

    @pl.when(i > 0)
    def _():
        ssum[0:1, :] = ssum[0:1, :] + psum
        smax[0:1, :] = jnp.maximum(smax[0:1, :], pmax)

    @pl.when(i == NB - 1)
    def _():
        g = jnp.concatenate([ssum[0:1, :] / float(N), smax[0:1, :]], axis=1)
        g1 = jnp.maximum(jnp.dot(g, wp1_ref[...]) + bp1_ref[...], 0.0)
        ge = jnp.dot(g1, wp2_ref[...]) + bp2_ref[...]
        g_ref[...] = jnp.broadcast_to(ge, (8, DIN))


def _full(shape):
    return pl.BlockSpec(shape, lambda i: tuple(0 for _ in shape))


def _enc_call(xp, flag, deg, mask_token, w1, b1, w2, b2, wc0):
    return pl.pallas_call(
        _enc_body,
        grid=(NB,),
        in_specs=[
            pl.BlockSpec((R, DIN), lambda i: (i, 0)),
            pl.BlockSpec((R, HALF), lambda i: (i, 0)),
            pl.BlockSpec((1, R, HALF), lambda i: (0, i, 0)),
            pl.BlockSpec((1, R, HALF), lambda i: (1, i, 0)),
            _full((1, DIN)),
            _full((DIN, DH)),
            _full((1, DH)),
            _full((DH, DH)),
            _full((1, DH)),
            _full((DH, DH)),
        ],
        out_specs=pl.BlockSpec((R, DH), lambda i: (i, 0)),
        out_shape=jax.ShapeDtypeStruct((NP, DH), jnp.float32),
    )(xp, flag, deg, deg, mask_token, w1, b1.reshape(1, -1), w2,
      b2.reshape(1, -1), wc0)


def _dm_call(acc, hwp, deg, b, w_next):
    return pl.pallas_call(
        _dm_body,
        grid=(NB,),
        in_specs=[
            pl.BlockSpec((1, R, HALF), lambda i: (0, i, 0)),
            pl.BlockSpec((1, R, HALF), lambda i: (1, i, 0)),
            pl.BlockSpec((R, DH), lambda i: (i, 0)),
            pl.BlockSpec((1, R, HALF), lambda i: (0, i, 0)),
            pl.BlockSpec((1, R, HALF), lambda i: (1, i, 0)),
            _full((1, DH)),
            _full((DH, DH)),
        ],
        out_specs=pl.BlockSpec((R, DH), lambda i: (i, 0)),
        out_shape=jax.ShapeDtypeStruct((NP, DH), jnp.float32),
    )(acc, acc, hwp, deg, deg, b.reshape(1, -1), w_next)


def _fin_call(acc, hwp, deg, b, wp1, bp1, wp2, bp2):
    return pl.pallas_call(
        _fin_body,
        grid=(NB,),
        in_specs=[
            pl.BlockSpec((1, R, HALF), lambda i: (0, i, 0)),
            pl.BlockSpec((1, R, HALF), lambda i: (1, i, 0)),
            pl.BlockSpec((R, DH), lambda i: (i, 0)),
            pl.BlockSpec((1, R, HALF), lambda i: (0, i, 0)),
            pl.BlockSpec((1, R, HALF), lambda i: (1, i, 0)),
            _full((1, DH)),
            _full((2 * DH, DH)),
            _full((1, DH)),
            _full((DH, DIN)),
            _full((1, DIN)),
        ],
        out_specs=[
            pl.BlockSpec((R, DH), lambda i: (i, 0)),
            pl.BlockSpec((8, DIN), lambda i: (0, 0)),
        ],
        out_shape=[
            jax.ShapeDtypeStruct((NP, DH), jnp.float32),
            jax.ShapeDtypeStruct((8, DIN), jnp.float32),
        ],
        scratch_shapes=[
            pltpu.VMEM((8, DH), jnp.float32),
            pltpu.VMEM((8, DH), jnp.float32),
        ],
    )(acc, acc, hwp, deg, deg, b.reshape(1, -1), wp1, bp1.reshape(1, -1), wp2,
      bp2.reshape(1, -1))



def kernel(x, edge_index, mask_nodes, mask_token, W_enc1, b_enc1, W_enc2,
           b_enc2, Wc0, bc0, Wc1, bc1, Wc2, bc2, Wp1, bp1, Wp2, bp2):
    src = edge_index[0].astype(jnp.int32)
    dst = edge_index[1].astype(jnp.int32)
    srcE = jnp.concatenate(
        [src, jnp.full((EP - E,), TRASH, jnp.int32)]).reshape(NTILES, NCH, CH)
    dstE = jnp.concatenate(
        [dst, jnp.full((EP - E,), TRASH, jnp.int32)]).reshape(NTILES, NCH, CH)
    dstA = jnp.concatenate(
        [dst, jnp.full((EPA - E,), TRASH, jnp.int32)]
    ).reshape(2, NTILES, NCHA, CH)
    maskA = jnp.concatenate(
        [mask_nodes.astype(jnp.int32),
         jnp.full((NMASKP - mask_nodes.shape[0],), TRASH, jnp.int32)]
    ).reshape(NTILES, CH)
    xp = jnp.concatenate([x, jnp.zeros((NP - N, DIN), x.dtype)], axis=0)

    deg, flag = _sc_prep(dstA, maskA)
    hwp0 = _enc_call(xp, flag, deg, mask_token, W_enc1, b_enc1, W_enc2, b_enc2,
                     Wc0)
    acc0 = _sc_spmm(srcE, dstE, hwp0.reshape(2 * NP, HALF))
    hwp1 = _dm_call(acc0, hwp0, deg, bc0, Wc1)
    acc1 = _sc_spmm(srcE, dstE, hwp1.reshape(2 * NP, HALF))
    hwp2 = _dm_call(acc1, hwp1, deg, bc1, Wc2)
    acc2 = _sc_spmm(srcE, dstE, hwp2.reshape(2 * NP, HALF))
    h3, gemb = _fin_call(acc2, hwp2, deg, bc2, Wp1, bp1, Wp2, bp2)
    return (gemb[0:1, :], h3[:N, :])

# --- scband reference (transcript-rebuilt; emitter-appended) ---
"""Pipeline reference for scband-graph-maeencoder-58995670778274 (READ-ONLY COPY).

The authoritative reference and input builder live on the scoring server;
editing this copy changes nothing except your own understanding.
"""

import jax, jax.numpy as jnp
import numpy as np

N = 10000
E = 320000
D_IN = 128
D_H = 256
D_EMB = 128
N_MASK = 1500


def setup_inputs(seed: int = 0) -> dict:
    key = jax.random.key(seed)
    ks = jax.random.split(key, 20)
    inp = {}
    inp["x"] = jax.random.normal(ks[0], (N, D_IN), dtype=jnp.float32)
    inp["edge_index"] = jax.random.randint(ks[1], (2, E), 0, N)
    inp["mask_nodes"] = jax.random.randint(ks[2], (N_MASK,), 0, N)
    # learned parameters
    inp["mask_token"] = 0.02 * jax.random.normal(ks[3], (1, D_IN), dtype=jnp.float32)
    inp["W_enc1"] = 0.05 * jax.random.normal(ks[4], (D_IN, D_H), dtype=jnp.float32)
    inp["b_enc1"] = jnp.zeros((D_H,), dtype=jnp.float32)
    inp["W_enc2"] = 0.05 * jax.random.normal(ks[5], (D_H, D_H), dtype=jnp.float32)
    inp["b_enc2"] = jnp.zeros((D_H,), dtype=jnp.float32)
    inp["Wc0"] = 0.05 * jax.random.normal(ks[6], (D_H, D_H), dtype=jnp.float32)
    inp["bc0"] = jnp.zeros((D_H,), dtype=jnp.float32)
    inp["Wc1"] = 0.05 * jax.random.normal(ks[7], (D_H, D_H), dtype=jnp.float32)
    inp["bc1"] = jnp.zeros((D_H,), dtype=jnp.float32)
    inp["Wc2"] = 0.05 * jax.random.normal(ks[8], (D_H, D_H), dtype=jnp.float32)
    inp["bc2"] = jnp.zeros((D_H,), dtype=jnp.float32)
    inp["Wp1"] = 0.05 * jax.random.normal(ks[9], (2 * D_H, D_H), dtype=jnp.float32)
    inp["bp1"] = jnp.zeros((D_H,), dtype=jnp.float32)
    inp["Wp2"] = 0.05 * jax.random.normal(ks[10], (D_H, D_EMB), dtype=jnp.float32)
    inp["bp2"] = jnp.zeros((D_EMB,), dtype=jnp.float32)
    return inp


def _gcn_layer(h, W, b, src, dst):
    # PyG GCNConv: x' = D^-1/2 (A+I) D^-1/2 (x W) + b, self loops added
    loop = jnp.arange(N)
    s = jnp.concatenate([src, loop])
    d = jnp.concatenate([dst, loop])
    deg = jnp.zeros((N,), h.dtype).at[d].add(1.0)
    dinv = jnp.where(deg > 0, 1.0 / jnp.sqrt(deg), 0.0)
    norm = dinv[s] * dinv[d]
    hw = h @ W
    msg = hw[s] * norm[:, None]
    out = jnp.zeros_like(hw).at[d].add(msg)
    return out + b


def reference(x, edge_index, mask_nodes, mask_token, W_enc1, b_enc1, W_enc2, b_enc2,
              Wc0, bc0, Wc1, bc1, Wc2, bc2, Wp1, bp1, Wp2, bp2):
    # mask node features with learned mask token
    x = x.at[mask_nodes].set(mask_token[0])
    # node encoder MLP (dropout = identity in eval mode)
    h = jax.nn.relu(x @ W_enc1 + b_enc1)
    h = h @ W_enc2 + b_enc2
    src, dst = edge_index[0], edge_index[1]
    for W, b in ((Wc0, bc0), (Wc1, bc1), (Wc2, bc2)):
        h = jax.nn.relu(_gcn_layer(h, W, b, src, dst))
    # single-graph global pooling (batch = zeros)
    mean_pool = jnp.mean(h, axis=0, keepdims=True)
    max_pool = jnp.max(h, axis=0, keepdims=True)
    g = jnp.concatenate([mean_pool, max_pool], axis=1)
    g = jax.nn.relu(g @ Wp1 + bp1)
    graph_embedding = g @ Wp2 + bp2
    return (graph_embedding, h)

if __name__ == "__main__":
    import jax
    _d = setup_inputs()
    print(jax.jit(kernel)(*tuple(_d.values())))

</pallas_src>

<mosaic_0001>
#map = affine_map<(d0, d1) -> (0, 0, 0)>
#map1 = affine_map<(d0, d1) -> (0, 0)>
module attributes {stable_mosaic.version = 14 : i64} {
  func.func @_sc_spmm_body(%arg0: i32, %arg1: i32, %arg2: memref<16x160x128xi32, #tpu.memory_space<hbm>>, %arg3: memref<16x160x128xi32, #tpu.memory_space<hbm>>, %arg4: memref<20480x128xf32, #tpu.memory_space<hbm>>, %arg5: memref<2x10240x128xf32, #tpu.memory_space<hbm>>, %arg6: memref<16x128xi32, #tpu.memory_space<vmem>>, %arg7: memref<16x128xi32, #tpu.memory_space<vmem>>, %arg8: memref<2x128xi32, #tpu.memory_space<vmem>>, %arg9: memref<2x128x128xf32, #tpu.memory_space<vmem>>, %arg10: memref<10240x128xf32, #tpu.memory_space<vmem_shared>>, %arg11: memref<!tpu.dma_semaphore, #tpu.memory_space<semaphore_mem>>, %arg12: memref<!tpu.dma_semaphore, #tpu.memory_space<semaphore_mem>>, %arg13: memref<!tpu.dma_semaphore, #tpu.memory_space<semaphore_mem>>, %arg14: memref<!tpu.dma_semaphore, #tpu.memory_space<semaphore_mem>>) attributes {dimension_semantics = [#tpu.dimension_semantics<core_parallel>, #tpu.dimension_semantics<subcore_parallel>], iteration_bounds = array<i64: 2, 16>, scalar_prefetch = 0 : i64, scratch_operands = 9 : i64, tpu.core_type = #tpu.core_type<sc_vector_subcore>, window_params = [{transform_indices = #map}, {transform_indices = #map}, {transform_indices = #map1}, {transform_indices = #map}]} {
    %scan3A = arith.constant 0 : i32
    %scan3A_0 = arith.constant 0 : i32
    %scan3A_1 = arith.constant 128 : i32
    %scan3A_2 = arith.addi %scan3A_0, %scan3A_1 : i32
    %scan3A_3 = arith.constant 1 : i32
    scf.for %scan3A_54 = %scan3A_0 to %scan3A_2 step %scan3A_3  : i32 {
      %broadcast_in_dim3A = arith.constant 0.000000e+00 : f32
      %broadcast_in_dim3A_55 = vector.broadcast %broadcast_in_dim3A : f32 to vector<16xf32>
      %swap3A = arith.constant 0 : i32
      %swap3A_56 = arith.index_cast %swap3A : i32 to index
      %swap3A_57 = arith.index_cast %scan3A_54 : i32 to index
      %swap3A_58 = arith.constant 0 : index
      %swap3A_59 = tpu.vector_load %arg9[%swap3A_56, %swap3A_57, %swap3A_58] {strides = array<i32>} : memref<2x128x128xf32, #tpu.memory_space<vmem>>, vector<1x1x16xf32>,
      %swap3A_60 = vector.shape_cast %swap3A_59 : vector<1x1x16xf32> to vector<16xf32>
      %swap3A_61 = vector.shape_cast %broadcast_in_dim3A_55 : vector<16xf32> to vector<1x1x16xf32>
      tpu.vector_store %arg9[%swap3A_56, %swap3A_57, %swap3A_58], %swap3A_61 {strides = array<i32>} : memref<2x128x128xf32, #tpu.memory_space<vmem>>, vector<1x1x16xf32>,
      %broadcast_in_dim3A_62 = arith.constant 0.000000e+00 : f32
      %broadcast_in_dim3A_63 = vector.broadcast %broadcast_in_dim3A_62 : f32 to vector<16xf32>
      %swap3A_64 = arith.constant 0 : i32
      %swap3A_65 = arith.index_cast %swap3A_64 : i32 to index
      %swap3A_66 = arith.index_cast %scan3A_54 : i32 to index
      %swap3A_67 = arith.constant 16 : index
      %swap3A_68 = tpu.vector_load %arg9[%swap3A_65, %swap3A_66, %swap3A_67] {strides = array<i32>} : memref<2x128x128xf32, #tpu.memory_space<vmem>>, vector<1x1x16xf32>,
      %swap3A_69 = vector.shape_cast %swap3A_68 : vector<1x1x16xf32> to vector<16xf32>
      %swap3A_70 = vector.shape_cast %broadcast_in_dim3A_63 : vector<16xf32> to vector<1x1x16xf32>
      tpu.vector_store %arg9[%swap3A_65, %swap3A_66, %swap3A_67], %swap3A_70 {strides = array<i32>} : memref<2x128x128xf32, #tpu.memory_space<vmem>>, vector<1x1x16xf32>,
      %broadcast_in_dim3A_71 = arith.constant 0.000000e+00 : f32
      %broadcast_in_dim3A_72 = vector.broadcast %broadcast_in_dim3A_71 : f32 to vector<16xf32>
      %swap3A_73 = arith.constant 0 : i32
      %swap3A_74 = arith.index_cast %swap3A_73 : i32 to index
      %swap3A_75 = arith.index_cast %scan3A_54 : i32 to index
      %swap3A_76 = arith.constant 32 : index
      %swap3A_77 = tpu.vector_load %arg9[%swap3A_74, %swap3A_75, %swap3A_76] {strides = array<i32>} : memref<2x128x128xf32, #tpu.memory_space<vmem>>, vector<1x1x16xf32>,
      %swap3A_78 = vector.shape_cast %swap3A_77 : vector<1x1x16xf32> to vector<16xf32>
      %swap3A_79 = vector.shape_cast %broadcast_in_dim3A_72 : vector<16xf32> to vector<1x1x16xf32>
      tpu.vector_store %arg9[%swap3A_74, %swap3A_75, %swap3A_76], %swap3A_79 {strides = array<i32>} : memref<2x128x128xf32, #tpu.memory_space<vmem>>, vector<1x1x16xf32>,
      %broadcast_in_dim3A_80 = arith.constant 0.000000e+00 : f32
      %broadcast_in_dim3A_81 = vector.broadcast %broadcast_in_dim3A_80 : f32 to vector<16xf32>
      %swap3A_82 = arith.constant 0 : i32
      %swap3A_83 = arith.index_cast %swap3A_82 : i32 to index
      %swap3A_84 = arith.index_cast %scan3A_54 : i32 to index
      %swap3A_85 = arith.constant 48 : index
      %swap3A_86 = tpu.vector_load %arg9[%swap3A_83, %swap3A_84, %swap3A_85] {strides = array<i32>} : memref<2x128x128xf32, #tpu.memory_space<vmem>>, vector<1x1x16xf32>,
      %swap3A_87 = vector.shape_cast %swap3A_86 : vector<1x1x16xf32> to vector<16xf32>
      %swap3A_88 = vector.shape_cast %broadcast_in_dim3A_81 : vector<16xf32> to vector<1x1x16xf32>
      tpu.vector_store %arg9[%swap3A_83, %swap3A_84, %swap3A_85], %swap3A_88 {strides = array<i32>} : memref<2x128x128xf32, #tpu.memory_space<vmem>>, vector<1x1x16xf32>,
      %broadcast_in_dim3A_89 = arith.constant 0.000000e+00 : f32
      %broadcast_in_dim3A_90 = vector.broadcast %broadcast_in_dim3A_89 : f32 to vector<16xf32>
      %swap3A_91 = arith.constant 0 : i32
      %swap3A_92 = arith.index_cast %swap3A_91 : i32 to index
      %swap3A_93 = arith.index_cast %scan3A_54 : i32 to index
      %swap3A_94 = arith.constant 64 : index
      %swap3A_95 = tpu.vector_load %arg9[%swap3A_92, %swap3A_93, %swap3A_94] {strides = array<i32>} : memref<2x128x128xf32, #tpu.memory_space<vmem>>, vector<1x1x16xf32>,
      %swap3A_96 = vector.shape_cast %swap3A_95 : vector<1x1x16xf32> to vector<16xf32>
      %swap3A_97 = vector.shape_cast %broadcast_in_dim3A_90 : vector<16xf32> to vector<1x1x16xf32>
      tpu.vector_store %arg9[%swap3A_92, %swap3A_93, %swap3A_94], %swap3A_97 {strides = array<i32>} : memref<2x128x128xf32, #tpu.memory_space<vmem>>, vector<1x1x16xf32>,
      %broadcast_in_dim3A_98 = arith.constant 0.000000e+00 : f32
      %broadcast_in_dim3A_99 = vector.broadcast %broadcast_in_dim3A_98 : f32 to vector<16xf32>
      %swap3A_100 = arith.constant 0 : i32
      %swap3A_101 = arith.index_cast %swap3A_100 : i32 to index
      %swap3A_102 = arith.index_cast %scan3A_54 : i32 to index
      %swap3A_103 = arith.constant 80 : index
      %swap3A_104 = tpu.vector_load %arg9[%swap3A_101, %swap3A_102, %swap3A_103] {strides = array<i32>} : memref<2x128x128xf32, #tpu.memory_space<vmem>>, vector<1x1x16xf32>,
      %swap3A_105 = vector.shape_cast %swap3A_104 : vector<1x1x16xf32> to vector<16xf32>
      %swap3A_106 = vector.shape_cast %broadcast_in_dim3A_99 : vector<16xf32> to vector<1x1x16xf32>
      tpu.vector_store %arg9[%swap3A_101, %swap3A_102, %swap3A_103], %swap3A_106 {strides = array<i32>} : memref<2x128x128xf32, #tpu.memory_space<vmem>>, vector<1x1x16xf32>,
      %broadcast_in_dim3A_107 = arith.constant 0.000000e+00 : f32
      %broadcast_in_dim3A_108 = vector.broadcast %broadcast_in_dim3A_107 : f32 to vector<16xf32>
      %swap3A_109 = arith.constant 0 : i32
      %swap3A_110 = arith.index_cast %swap3A_109 : i32 to index
      %swap3A_111 = arith.index_cast %scan3A_54 : i32 to index
      %swap3A_112 = arith.constant 96 : index
      %swap3A_113 = tpu.vector_load %arg9[%swap3A_110, %swap3A_111, %swap3A_112] {strides = array<i32>} : memref<2x128x128xf32, #tpu.memory_space<vmem>>, vector<1x1x16xf32>,
      %swap3A_114 = vector.shape_cast %swap3A_113 : vector<1x1x16xf32> to vector<16xf32>
      %swap3A_115 = vector.shape_cast %broadcast_in_dim3A_108 : vector<16xf32> to vector<1x1x16xf32>
      tpu.vector_store %arg9[%swap3A_110, %swap3A_111, %swap3A_112], %swap3A_115 {strides = array<i32>} : memref<2x128x128xf32, #tpu.memory_space<vmem>>, vector<1x1x16xf32>,
      %broadcast_in_dim3A_116 = arith.constant 0.000000e+00 : f32
      %broadcast_in_dim3A_117 = vector.broadcast %broadcast_in_dim3A_116 : f32 to vector<16xf32>
      %swap3A_118 = arith.constant 0 : i32
      %swap3A_119 = arith.index_cast %swap3A_118 : i32 to index
      %swap3A_120 = arith.index_cast %scan3A_54 : i32 to index
      %swap3A_121 = arith.constant 112 : index
      %swap3A_122 = tpu.vector_load %arg9[%swap3A_119, %swap3A_120, %swap3A_121] {strides = array<i32>} : memref<2x128x128xf32, #tpu.memory_space<vmem>>, vector<1x1x16xf32>,
      %swap3A_123 = vector.shape_cast %swap3A_122 : vector<1x1x16xf32> to vector<16xf32>
      %swap3A_124 = vector.shape_cast %broadcast_in_dim3A_117 : vector<16xf32> to vector<1x1x16xf32>
      tpu.vector_store %arg9[%swap3A_119, %swap3A_120, %swap3A_121], %swap3A_124 {strides = array<i32>} : memref<2x128x128xf32, #tpu.memory_space<vmem>>, vector<1x1x16xf32>,
    }
    %scan3A_4 = arith.constant 128 : i32
    %mul3A = arith.constant 640 : i32
    %mul3A_5 = arith.muli %arg1, %mul3A : i32
    %add3A = arith.constant 0 : i32
    %add3A_6 = arith.addi %mul3A_5, %add3A : i32
    %run_scoped3A = arith.constant 0 : i32
    "tpu.region"() ({
      %run_scoped3A_54 = tpu.sem_alloc : memref<!tpu.dma_semaphore, #tpu.memory_space<semaphore_mem>>
      %dma_start3A = arith.constant 0 : i32
      %dma_start3A_55 = arith.constant 0 : i32
      %dma_start3A_56 = tpu.memref_slice %arg9[%run_scoped3A, %dma_start3A, %dma_start3A_55] : memref<2x128x128xf32, #tpu.memory_space<vmem>> -> memref<1x128x128xf32, #tpu.memory_space<vmem>>
      %dma_start3A_57 = tpu.memref_squeeze %dma_start3A_56 : memref<1x128x128xf32, #tpu.memory_space<vmem>> -> memref<128x128xf32, #tpu.memory_space<vmem>>
      %dma_start3A_58 = arith.constant 0 : i32
      %dma_start3A_59 = tpu.memref_slice %arg10[%add3A_6, %dma_start3A_58] : memref<10240x128xf32, #tpu.memory_space<vmem_shared>> -> memref<128x128xf32, #tpu.memory_space<vmem_shared>>
      %dma_start3A_60 = arith.constant 0 : i32
      %dma_start3A_61 = tpu.memref_slice %arg10[%add3A_6, %dma_start3A_60] : memref<10240x128xf32, #tpu.memory_space<vmem_shared>> -> memref<128x128xf32, #tpu.memory_space<vmem_shared>>
      %dma_start3A_62 = arith.constant 0 : i32
      %dma_start3A_63 = arith.constant 0 : i32
      %dma_start3A_64 = tpu.memref_slice %arg9[%run_scoped3A, %dma_start3A_62, %dma_start3A_63] : memref<2x128x128xf32, #tpu.memory_space<vmem>> -> memref<1x128x128xf32, #tpu.memory_space<vmem>>
      %dma_start3A_65 = tpu.memref_squeeze %dma_start3A_64 : memref<1x128x128xf32, #tpu.memory_space<vmem>> -> memref<128x128xf32, #tpu.memory_space<vmem>>
      tpu.enqueue_dma source(%dma_start3A_65 : memref<128x128xf32, #tpu.memory_space<vmem>>) target(%dma_start3A_61 : memref<128x128xf32, #tpu.memory_space<vmem_shared>>) target_semaphore(%run_scoped3A_54 : memref<!tpu.dma_semaphore, #tpu.memory_space<semaphore_mem>>)
      %dma_wait3A = arith.constant 0 : i32
      %dma_wait3A_66 = arith.constant 0 : i32
      %dma_wait3A_67 = tpu.memref_slice %arg9[%run_scoped3A, %dma_wait3A, %dma_wait3A_66] : memref<2x128x128xf32, #tpu.memory_space<vmem>> -> memref<1x128x128xf32, #tpu.memory_space<vmem>>
      %dma_wait3A_68 = tpu.memref_squeeze %dma_wait3A_67 : memref<1x128x128xf32, #tpu.memory_space<vmem>> -> memref<128x128xf32, #tpu.memory_space<vmem>>
      %dma_wait3A_69 = arith.constant 0 : i32
      %dma_wait3A_70 = tpu.memref_slice %arg10[%add3A_6, %dma_wait3A_69] : memref<10240x128xf32, #tpu.memory_space<vmem_shared>> -> memref<128x128xf32, #tpu.memory_space<vmem_shared>>
      %dma_wait3A_71 = arith.constant 0 : i32
      %dma_wait3A_72 = tpu.memref_slice %arg10[%add3A_6, %dma_wait3A_71] : memref<10240x128xf32, #tpu.memory_space<vmem_shared>> -> memref<128x128xf32, #tpu.memory_space<vmem_shared>>
      %dma_wait3A_73 = arith.constant 0 : i32
      %dma_wait3A_74 = arith.constant 0 : i32
      %dma_wait3A_75 = tpu.memref_slice %arg9[%run_scoped3A, %dma_wait3A_73, %dma_wait3A_74] : memref<2x128x128xf32, #tpu.memory_space<vmem>> -> memref<1x128x128xf32, #tpu.memory_space<vmem>>
      %dma_wait3A_76 = tpu.memref_squeeze %dma_wait3A_75 : memref<1x128x128xf32, #tpu.memory_space<vmem>> -> memref<128x128xf32, #tpu.memory_space<vmem>>
      tpu.wait_dma2 semaphore(%run_scoped3A_54 : memref<!tpu.dma_semaphore, #tpu.memory_space<semaphore_mem>>) src(%dma_wait3A_76 : memref<128x128xf32, #tpu.memory_space<vmem>>) dst(%dma_wait3A_72 : memref<128x128xf32, #tpu.memory_space<vmem_shared>>)
      tpu.yield
    }) : () -> ()
    %mul3A_7 = arith.constant 640 : i32
    %mul3A_8 = arith.muli %arg1, %mul3A_7 : i32
    %add3A_9 = arith.constant 128 : i32
    %add3A_10 = arith.addi %mul3A_8, %add3A_9 : i32
    %run_scoped3A_11 = arith.constant 0 : i32
    "tpu.region"() ({
      %run_scoped3A_54 = tpu.sem_alloc : memref<!tpu.dma_semaphore, #tpu.memory_space<semaphore_mem>>
      %dma_start3A = arith.constant 0 : i32
      %dma_start3A_55 = arith.constant 0 : i32
      %dma_start3A_56 = tpu.memref_slice %arg9[%run_scoped3A_11, %dma_start3A, %dma_start3A_55] : memref<2x128x128xf32, #tpu.memory_space<vmem>> -> memref<1x128x128xf32, #tpu.memory_space<vmem>>
      %dma_start3A_57 = tpu.memref_squeeze %dma_start3A_56 : memref<1x128x128xf32, #tpu.memory_space<vmem>> -> memref<128x128xf32, #tpu.memory_space<vmem>>
      %dma_start3A_58 = arith.constant 0 : i32
      %dma_start3A_59 = tpu.memref_slice %arg10[%add3A_10, %dma_start3A_58] : memref<10240x128xf32, #tpu.memory_space<vmem_shared>> -> memref<128x128xf32, #tpu.memory_space<vmem_shared>>
      %dma_start3A_60 = arith.constant 0 : i32
      %dma_start3A_61 = tpu.memref_slice %arg10[%add3A_10, %dma_start3A_60] : memref<10240x128xf32, #tpu.memory_space<vmem_shared>> -> memref<128x128xf32, #tpu.memory_space<vmem_shared>>
      %dma_start3A_62 = arith.constant 0 : i32
      %dma_start3A_63 = arith.constant 0 : i32
      %dma_start3A_64 = tpu.memref_slice %arg9[%run_scoped3A_11, %dma_start3A_62, %dma_start3A_63] : memref<2x128x128xf32, #tpu.memory_space<vmem>> -> memref<1x128x128xf32, #tpu.memory_space<vmem>>
      %dma_start3A_65 = tpu.memref_squeeze %dma_start3A_64 : memref<1x128x128xf32, #tpu.memory_space<vmem>> -> memref<128x128xf32, #tpu.memory_space<vmem>>
      tpu.enqueue_dma source(%dma_start3A_65 : memref<128x128xf32, #tpu.memory_space<vmem>>) target(%dma_start3A_61 : memref<128x128xf32, #tpu.memory_space<vmem_shared>>) target_semaphore(%run_scoped3A_54 : memref<!tpu.dma_semaphore, #tpu.memory_space<semaphore_mem>>)
      %dma_wait3A = arith.constant 0 : i32
      %dma_wait3A_66 = arith.constant 0 : i32
      %dma_wait3A_67 = tpu.memref_slice %arg9[%run_scoped3A_11, %dma_wait3A, %dma_wait3A_66] : memref<2x128x128xf32, #tpu.memory_space<vmem>> -> memref<1x128x128xf32, #tpu.memory_space<vmem>>
      %dma_wait3A_68 = tpu.memref_squeeze %dma_wait3A_67 : memref<1x128x128xf32, #tpu.memory_space<vmem>> -> memref<128x128xf32, #tpu.memory_space<vmem>>
      %dma_wait3A_69 = arith.constant 0 : i32
      %dma_wait3A_70 = tpu.memref_slice %arg10[%add3A_10, %dma_wait3A_69] : memref<10240x128xf32, #tpu.memory_space<vmem_shared>> -> memref<128x128xf32, #tpu.memory_space<vmem_shared>>
      %dma_wait3A_71 = arith.constant 0 : i32
      %dma_wait3A_72 = tpu.memref_slice %arg10[%add3A_10, %dma_wait3A_71] : memref<10240x128xf32, #tpu.memory_space<vmem_shared>> -> memref<128x128xf32, #tpu.memory_space<vmem_shared>>
      %dma_wait3A_73 = arith.constant 0 : i32
      %dma_wait3A_74 = arith.constant 0 : i32
      %dma_wait3A_75 = tpu.memref_slice %arg9[%run_scoped3A_11, %dma_wait3A_73, %dma_wait3A_74] : memref<2x128x128xf32, #tpu.memory_space<vmem>> -> memref<1x128x128xf32, #tpu.memory_space<vmem>>
      %dma_wait3A_76 = tpu.memref_squeeze %dma_wait3A_75 : memref<1x128x128xf32, #tpu.memory_space<vmem>> -> memref<128x128xf32, #tpu.memory_space<vmem>>
      tpu.wait_dma2 semaphore(%run_scoped3A_54 : memref<!tpu.dma_semaphore, #tpu.memory_space<semaphore_mem>>) src(%dma_wait3A_76 : memref<128x128xf32, #tpu.memory_space<vmem>>) dst(%dma_wait3A_72 : memref<128x128xf32, #tpu.memory_space<vmem_shared>>)
      tpu.yield
    }) : () -> ()
    %mul3A_12 = arith.constant 640 : i32
    %mul3A_13 = arith.muli %arg1, %mul3A_12 : i32
    %add3A_14 = arith.constant 256 : i32
    %add3A_15 = arith.addi %mul3A_13, %add3A_14 : i32
    %run_scoped3A_16 = arith.constant 0 : i32
    "tpu.region"() ({
      %run_scoped3A_54 = tpu.sem_alloc : memref<!tpu.dma_semaphore, #tpu.memory_space<semaphore_mem>>
      %dma_start3A = arith.constant 0 : i32
      %dma_start3A_55 = arith.constant 0 : i32
      %dma_start3A_56 = tpu.memref_slice %arg9[%run_scoped3A_16, %dma_start3A, %dma_start3A_55] : memref<2x128x128xf32, #tpu.memory_space<vmem>> -> memref<1x128x128xf32, #tpu.memory_space<vmem>>
      %dma_start3A_57 = tpu.memref_squeeze %dma_start3A_56 : memref<1x128x128xf32, #tpu.memory_space<vmem>> -> memref<128x128xf32, #tpu.memory_space<vmem>>
      %dma_start3A_58 = arith.constant 0 : i32
      %dma_start3A_59 = tpu.memref_slice %arg10[%add3A_15, %dma_start3A_58] : memref<10240x128xf32, #tpu.memory_space<vmem_shared>> -> memref<128x128xf32, #tpu.memory_space<vmem_shared>>
      %dma_start3A_60 = arith.constant 0 : i32
      %dma_start3A_61 = tpu.memref_slice %arg10[%add3A_15, %dma_start3A_60] : memref<10240x128xf32, #tpu.memory_space<vmem_shared>> -> memref<128x128xf32, #tpu.memory_space<vmem_shared>>
      %dma_start3A_62 = arith.constant 0 : i32
      %dma_start3A_63 = arith.constant 0 : i32
      %dma_start3A_64 = tpu.memref_slice %arg9[%run_scoped3A_16, %dma_start3A_62, %dma_start3A_63] : memref<2x128x128xf32, #tpu.memory_space<vmem>> -> memref<1x128x128xf32, #tpu.memory_space<vmem>>
      %dma_start3A_65 = tpu.memref_squeeze %dma_start3A_64 : memref<1x128x128xf32, #tpu.memory_space<vmem>> -> memref<128x128xf32, #tpu.memory_space<vmem>>
      tpu.enqueue_dma source(%dma_start3A_65 : memref<128x128xf32, #tpu.memory_space<vmem>>) target(%dma_start3A_61 : memref<128x128xf32, #tpu.memory_space<vmem_shared>>) target_semaphore(%run_scoped3A_54 : memref<!tpu.dma_semaphore, #tpu.memory_space<semaphore_mem>>)
      %dma_wait3A = arith.constant 0 : i32
      %dma_wait3A_66 = arith.constant 0 : i32
      %dma_wait3A_67 = tpu.memref_slice %arg9[%run_scoped3A_16, %dma_wait3A, %dma_wait3A_66] : memref<2x128x128xf32, #tpu.memory_space<vmem>> -> memref<1x128x128xf32, #tpu.memory_space<vmem>>
      %dma_wait3A_68 = tpu.memref_squeeze %dma_wait3A_67 : memref<1x128x128xf32, #tpu.memory_space<vmem>> -> memref<128x128xf32, #tpu.memory_space<vmem>>
      %dma_wait3A_69 = arith.constant 0 : i32
      %dma_wait3A_70 = tpu.memref_slice %arg10[%add3A_15, %dma_wait3A_69] : memref<10240x128xf32, #tpu.memory_space<vmem_shared>> -> memref<128x128xf32, #tpu.memory_space<vmem_shared>>
      %dma_wait3A_71 = arith.constant 0 : i32
      %dma_wait3A_72 = tpu.memref_slice %arg10[%add3A_15, %dma_wait3A_71] : memref<10240x128xf32, #tpu.memory_space<vmem_shared>> -> memref<128x128xf32, #tpu.memory_space<vmem_shared>>
      %dma_wait3A_73 = arith.constant 0 : i32
      %dma_wait3A_74 = arith.constant 0 : i32
      %dma_wait3A_75 = tpu.memref_slice %arg9[%run_scoped3A_16, %dma_wait3A_73, %dma_wait3A_74] : memref<2x128x128xf32, #tpu.memory_space<vmem>> -> memref<1x128x128xf32, #tpu.memory_space<vmem>>
      %dma_wait3A_76 = tpu.memref_squeeze %dma_wait3A_75 : memref<1x128x128xf32, #tpu.memory_space<vmem>> -> memref<128x128xf32, #tpu.memory_space<vmem>>
      tpu.wait_dma2 semaphore(%run_scoped3A_54 : memref<!tpu.dma_semaphore, #tpu.memory_space<semaphore_mem>>) src(%dma_wait3A_76 : memref<128x128xf32, #tpu.memory_space<vmem>>) dst(%dma_wait3A_72 : memref<128x128xf32, #tpu.memory_space<vmem_shared>>)
      tpu.yield
    }) : () -> ()
    %mul3A_17 = arith.constant 640 : i32
    %mul3A_18 = arith.muli %arg1, %mul3A_17 : i32
    %add3A_19 = arith.constant 384 : i32
    %add3A_20 = arith.addi %mul3A_18, %add3A_19 : i32
    %run_scoped3A_21 = arith.constant 0 : i32
    "tpu.region"() ({
      %run_scoped3A_54 = tpu.sem_alloc : memref<!tpu.dma_semaphore, #tpu.memory_space<semaphore_mem>>
      %dma_start3A = arith.constant 0 : i32
      %dma_start3A_55 = arith.constant 0 : i32
      %dma_start3A_56 = tpu.memref_slice %arg9[%run_scoped3A_21, %dma_start3A, %dma_start3A_55] : memref<2x128x128xf32, #tpu.memory_space<vmem>> -> memref<1x128x128xf32, #tpu.memory_space<vmem>>
      %dma_start3A_57 = tpu.memref_squeeze %dma_start3A_56 : memref<1x128x128xf32, #tpu.memory_space<vmem>> -> memref<128x128xf32, #tpu.memory_space<vmem>>
      %dma_start3A_58 = arith.constant 0 : i32
      %dma_start3A_59 = tpu.memref_slice %arg10[%add3A_20, %dma_start3A_58] : memref<10240x128xf32, #tpu.memory_space<vmem_shared>> -> memref<128x128xf32, #tpu.memory_space<vmem_shared>>
      %dma_start3A_60 = arith.constant 0 : i32
      %dma_start3A_61 = tpu.memref_slice %arg10[%add3A_20, %dma_start3A_60] : memref<10240x128xf32, #tpu.memory_space<vmem_shared>> -> memref<128x128xf32, #tpu.memory_space<vmem_shared>>
      %dma_start3A_62 = arith.constant 0 : i32
      %dma_start3A_63 = arith.constant 0 : i32
      %dma_start3A_64 = tpu.memref_slice %arg9[%run_scoped3A_21, %dma_start3A_62, %dma_start3A_63] : memref<2x128x128xf32, #tpu.memory_space<vmem>> -> memref<1x128x128xf32, #tpu.memory_space<vmem>>
      %dma_start3A_65 = tpu.memref_squeeze %dma_start3A_64 : memref<1x128x128xf32, #tpu.memory_space<vmem>> -> memref<128x128xf32, #tpu.memory_space<vmem>>
      tpu.enqueue_dma source(%dma_start3A_65 : memref<128x128xf32, #tpu.memory_space<vmem>>) target(%dma_start3A_61 : memref<128x128xf32, #tpu.memory_space<vmem_shared>>) target_semaphore(%run_scoped3A_54 : memref<!tpu.dma_semaphore, #tpu.memory_space<semaphore_mem>>)
      %dma_wait3A = arith.constant 0 : i32
      %dma_wait3A_66 = arith.constant 0 : i32
      %dma_wait3A_67 = tpu.memref_slice %arg9[%run_scoped3A_21, %dma_wait3A, %dma_wait3A_66] : memref<2x128x128xf32, #tpu.memory_space<vmem>> -> memref<1x128x128xf32, #tpu.memory_space<vmem>>
      %dma_wait3A_68 = tpu.memref_squeeze %dma_wait3A_67 : memref<1x128x128xf32, #tpu.memory_space<vmem>> -> memref<128x128xf32, #tpu.memory_space<vmem>>
      %dma_wait3A_69 = arith.constant 0 : i32
      %dma_wait3A_70 = tpu.memref_slice %arg10[%add3A_20, %dma_wait3A_69] : memref<10240x128xf32, #tpu.memory_space<vmem_shared>> -> memref<128x128xf32, #tpu.memory_space<vmem_shared>>
      %dma_wait3A_71 = arith.constant 0 : i32
      %dma_wait3A_72 = tpu.memref_slice %arg10[%add3A_20, %dma_wait3A_71] : memref<10240x128xf32, #tpu.memory_space<vmem_shared>> -> memref<128x128xf32, #tpu.memory_space<vmem_shared>>
      %dma_wait3A_73 = arith.constant 0 : i32
      %dma_wait3A_74 = arith.constant 0 : i32
      %dma_wait3A_75 = tpu.memref_slice %arg9[%run_scoped3A_21, %dma_wait3A_73, %dma_wait3A_74] : memref<2x128x128xf32, #tpu.memory_space<vmem>> -> memref<1x128x128xf32, #tpu.memory_space<vmem>>
      %dma_wait3A_76 = tpu.memref_squeeze %dma_wait3A_75 : memref<1x128x128xf32, #tpu.memory_space<vmem>> -> memref<128x128xf32, #tpu.memory_space<vmem>>
      tpu.wait_dma2 semaphore(%run_scoped3A_54 : memref<!tpu.dma_semaphore, #tpu.memory_space<semaphore_mem>>) src(%dma_wait3A_76 : memref<128x128xf32, #tpu.memory_space<vmem>>) dst(%dma_wait3A_72 : memref<128x128xf32, #tpu.memory_space<vmem_shared>>)
      tpu.yield
    }) : () -> ()
    %mul3A_22 = arith.constant 640 : i32
    %mul3A_23 = arith.muli %arg1, %mul3A_22 : i32
    %add3A_24 = arith.constant 512 : i32
    %add3A_25 = arith.addi %mul3A_23, %add3A_24 : i32
    %run_scoped3A_26 = arith.constant 0 : i32
    "tpu.region"() ({
      %run_scoped3A_54 = tpu.sem_alloc : memref<!tpu.dma_semaphore, #tpu.memory_space<semaphore_mem>>
      %dma_start3A = arith.constant 0 : i32
      %dma_start3A_55 = arith.constant 0 : i32
      %dma_start3A_56 = tpu.memref_slice %arg9[%run_scoped3A_26, %dma_start3A, %dma_start3A_55] : memref<2x128x128xf32, #tpu.memory_space<vmem>> -> memref<1x128x128xf32, #tpu.memory_space<vmem>>
      %dma_start3A_57 = tpu.memref_squeeze %dma_start3A_56 : memref<1x128x128xf32, #tpu.memory_space<vmem>> -> memref<128x128xf32, #tpu.memory_space<vmem>>
      %dma_start3A_58 = arith.constant 0 : i32
      %dma_start3A_59 = tpu.memref_slice %arg10[%add3A_25, %dma_start3A_58] : memref<10240x128xf32, #tpu.memory_space<vmem_shared>> -> memref<128x128xf32, #tpu.memory_space<vmem_shared>>
      %dma_start3A_60 = arith.constant 0 : i32
      %dma_start3A_61 = tpu.memref_slice %arg10[%add3A_25, %dma_start3A_60] : memref<10240x128xf32, #tpu.memory_space<vmem_shared>> -> memref<128x128xf32, #tpu.memory_space<vmem_shared>>
      %dma_start3A_62 = arith.constant 0 : i32
      %dma_start3A_63 = arith.constant 0 : i32
      %dma_start3A_64 = tpu.memref_slice %arg9[%run_scoped3A_26, %dma_start3A_62, %dma_start3A_63] : memref<2x128x128xf32, #tpu.memory_space<vmem>> -> memref<1x128x128xf32, #tpu.memory_space<vmem>>
      %dma_start3A_65 = tpu.memref_squeeze %dma_start3A_64 : memref<1x128x128xf32, #tpu.memory_space<vmem>> -> memref<128x128xf32, #tpu.memory_space<vmem>>
      tpu.enqueue_dma source(%dma_start3A_65 : memref<128x128xf32, #tpu.memory_space<vmem>>) target(%dma_start3A_61 : memref<128x128xf32, #tpu.memory_space<vmem_shared>>) target_semaphore(%run_scoped3A_54 : memref<!tpu.dma_semaphore, #tpu.memory_space<semaphore_mem>>)
      %dma_wait3A = arith.constant 0 : i32
      %dma_wait3A_66 = arith.constant 0 : i32
      %dma_wait3A_67 = tpu.memref_slice %arg9[%run_scoped3A_26, %dma_wait3A, %dma_wait3A_66] : memref<2x128x128xf32, #tpu.memory_space<vmem>> -> memref<1x128x128xf32, #tpu.memory_space<vmem>>
      %dma_wait3A_68 = tpu.memref_squeeze %dma_wait3A_67 : memref<1x128x128xf32, #tpu.memory_space<vmem>> -> memref<128x128xf32, #tpu.memory_space<vmem>>
      %dma_wait3A_69 = arith.constant 0 : i32
      %dma_wait3A_70 = tpu.memref_slice %arg10[%add3A_25, %dma_wait3A_69] : memref<10240x128xf32, #tpu.memory_space<vmem_shared>> -> memref<128x128xf32, #tpu.memory_space<vmem_shared>>
      %dma_wait3A_71 = arith.constant 0 : i32
      %dma_wait3A_72 = tpu.memref_slice %arg10[%add3A_25, %dma_wait3A_71] : memref<10240x128xf32, #tpu.memory_space<vmem_shared>> -> memref<128x128xf32, #tpu.memory_space<vmem_shared>>
      %dma_wait3A_73 = arith.constant 0 : i32
      %dma_wait3A_74 = arith.constant 0 : i32
      %dma_wait3A_75 = tpu.memref_slice %arg9[%run_scoped3A_26, %dma_wait3A_73, %dma_wait3A_74] : memref<2x128x128xf32, #tpu.memory_space<vmem>> -> memref<1x128x128xf32, #tpu.memory_space<vmem>>
      %dma_wait3A_76 = tpu.memref_squeeze %dma_wait3A_75 : memref<1x128x128xf32, #tpu.memory_space<vmem>> -> memref<128x128xf32, #tpu.memory_space<vmem>>
      tpu.wait_dma2 semaphore(%run_scoped3A_54 : memref<!tpu.dma_semaphore, #tpu.memory_space<semaphore_mem>>) src(%dma_wait3A_76 : memref<128x128xf32, #tpu.memory_space<vmem>>) dst(%dma_wait3A_72 : memref<128x128xf32, #tpu.memory_space<vmem_shared>>)
      tpu.yield
    }) : () -> ()
    %barrier3A = arith.constant 0 : index
    tpu.barrier barrier_id(%barrier3A)
    %scan3A_27 = arith.constant 0 : i32
    %scan3A_28 = arith.constant 0 : i32
    %scan3A_29 = arith.constant 10 : i32
    %scan3A_30 = arith.addi %scan3A_28, %scan3A_29 : i32
    %scan3A_31 = arith.constant 1 : i32
    scf.for %scan3A_54 = %scan3A_28 to %scan3A_30 step %scan3A_31  : i32 {
      %mul3A_55 = arith.constant 16 : i32
      %mul3A_56 = arith.muli %scan3A_54, %mul3A_55 : i32
      "tpu.region"() ({
        %run_scoped3A_213 = tpu.sem_alloc : memref<!tpu.dma_semaphore, #tpu.memory_space<semaphore_mem>>
        %dma_start3A_214 = arith.constant 0 : i32
        %dma_start3A_215 = tpu.memref_slice %arg2[%arg1, %mul3A_56, %dma_start3A_214] : memref<16x160x128xi32, #tpu.memory_space<hbm>> -> memref<1x16x128xi32, #tpu.memory_space<hbm>>
        %dma_start3A_216 = tpu.memref_squeeze %dma_start3A_215 : memref<1x16x128xi32, #tpu.memory_space<hbm>> -> memref<16x128xi32, #tpu.memory_space<hbm>>
        %dma_start3A_217 = arith.constant 0 : i32
        %dma_start3A_218 = tpu.memref_slice %arg2[%arg1, %mul3A_56, %dma_start3A_217] : memref<16x160x128xi32, #tpu.memory_space<hbm>> -> memref<1x16x128xi32, #tpu.memory_space<hbm>>
        %dma_start3A_219 = tpu.memref_squeeze %dma_start3A_218 : memref<1x16x128xi32, #tpu.memory_space<hbm>> -> memref<16x128xi32, #tpu.memory_space<hbm>>
        tpu.enqueue_dma source(%dma_start3A_219 : memref<16x128xi32, #tpu.memory_space<hbm>>) target(%arg6 : memref<16x128xi32, #tpu.memory_space<vmem>>) target_semaphore(%run_scoped3A_213 : memref<!tpu.dma_semaphore, #tpu.memory_space<semaphore_mem>>)
        %dma_wait3A_220 = arith.constant 0 : i32
        %dma_wait3A_221 = tpu.memref_slice %arg2[%arg1, %mul3A_56, %dma_wait3A_220] : memref<16x160x128xi32, #tpu.memory_space<hbm>> -> memref<1x16x128xi32, #tpu.memory_space<hbm>>
        %dma_wait3A_222 = tpu.memref_squeeze %dma_wait3A_221 : memref<1x16x128xi32, #tpu.memory_space<hbm>> -> memref<16x128xi32, #tpu.memory_space<hbm>>
        %dma_wait3A_223 = arith.constant 0 : i32
        %dma_wait3A_224 = tpu.memref_slice %arg2[%arg1, %mul3A_56, %dma_wait3A_223] : memref<16x160x128xi32, #tpu.memory_space<hbm>> -> memref<1x16x128xi32, #tpu.memory_space<hbm>>
        %dma_wait3A_225 = tpu.memref_squeeze %dma_wait3A_224 : memref<1x16x128xi32, #tpu.memory_space<hbm>> -> memref<16x128xi32, #tpu.memory_space<hbm>>
        tpu.wait_dma2 semaphore(%run_scoped3A_213 : memref<!tpu.dma_semaphore, #tpu.memory_space<semaphore_mem>>) src(%dma_wait3A_225 : memref<16x128xi32, #tpu.memory_space<hbm>>) dst(%arg6 : memref<16x128xi32, #tpu.memory_space<vmem>>)
        tpu.yield
      }) : () -> ()
      %mul3A_57 = arith.constant 16 : i32
      %mul3A_58 = arith.muli %scan3A_54, %mul3A_57 : i32
      "tpu.region"() ({
        %run_scoped3A_213 = tpu.sem_alloc : memref<!tpu.dma_semaphore, #tpu.memory_space<semaphore_mem>>
        %dma_start3A_214 = arith.constant 0 : i32
        %dma_start3A_215 = tpu.memref_slice %arg3[%arg1, %mul3A_58, %dma_start3A_214] : memref<16x160x128xi32, #tpu.memory_space<hbm>> -> memref<1x16x128xi32, #tpu.memory_space<hbm>>
        %dma_start3A_216 = tpu.memref_squeeze %dma_start3A_215 : memref<1x16x128xi32, #tpu.memory_space<hbm>> -> memref<16x128xi32, #tpu.memory_space<hbm>>
        %dma_start3A_217 = arith.constant 0 : i32
        %dma_start3A_218 = tpu.memref_slice %arg3[%arg1, %mul3A_58, %dma_start3A_217] : memref<16x160x128xi32, #tpu.memory_space<hbm>> -> memref<1x16x128xi32, #tpu.memory_space<hbm>>
        %dma_start3A_219 = tpu.memref_squeeze %dma_start3A_218 : memref<1x16x128xi32, #tpu.memory_space<hbm>> -> memref<16x128xi32, #tpu.memory_space<hbm>>
        tpu.enqueue_dma source(%dma_start3A_219 : memref<16x128xi32, #tpu.memory_space<hbm>>) target(%arg7 : memref<16x128xi32, #tpu.memory_space<vmem>>) target_semaphore(%run_scoped3A_213 : memref<!tpu.dma_semaphore, #tpu.memory_space<semaphore_mem>>)
        %dma_wait3A_220 = arith.constant 0 : i32
        %dma_wait3A_221 = tpu.memref_slice %arg3[%arg1, %mul3A_58, %dma_wait3A_220] : memref<16x160x128xi32, #tpu.memory_space<hbm>> -> memref<1x16x128xi32, #tpu.memory_space<hbm>>
        %dma_wait3A_222 = tpu.memref_squeeze %dma_wait3A_221 : memref<1x16x128xi32, #tpu.memory_space<hbm>> -> memref<16x128xi32, #tpu.memory_space<hbm>>
        %dma_wait3A_223 = arith.constant 0 : i32
        %dma_wait3A_224 = tpu.memref_slice %arg3[%arg1, %mul3A_58, %dma_wait3A_223] : memref<16x160x128xi32, #tpu.memory_space<hbm>> -> memref<1x16x128xi32, #tpu.memory_space<hbm>>
        %dma_wait3A_225 = tpu.memref_squeeze %dma_wait3A_224 : memref<1x16x128xi32, #tpu.memory_space<hbm>> -> memref<16x128xi32, #tpu.memory_space<hbm>>
        tpu.wait_dma2 semaphore(%run_scoped3A_213 : memref<!tpu.dma_semaphore, #tpu.memory_space<semaphore_mem>>) src(%dma_wait3A_225 : memref<16x128xi32, #tpu.memory_space<hbm>>) dst(%arg7 : memref<16x128xi32, #tpu.memory_space<vmem>>)
        tpu.yield
      }) : () -> ()
      %get3A = arith.constant 0 : i32
      %get3A_59 = arith.index_cast %get3A : i32 to index
      %get3A_60 = arith.constant 0 : index
      %get3A_61 = tpu.vector_load %arg6[%get3A_59, %get3A_60] {strides = array<i32>} : memref<16x128xi32, #tpu.memory_space<vmem>>, vector<1x16xi32>,
      %get3A_62 = vector.shape_cast %get3A_61 : vector<1x16xi32> to vector<16xi32>
      %mul3A_63 = arith.constant 2 : i32
      %mul3A_64 = vector.broadcast %mul3A_63 : i32 to vector<16xi32>
      %mul3A_65 = arith.muli %get3A_62, %mul3A_64 : vector<16xi32>
      %add3A_66 = vector.broadcast %arg0 : i32 to vector<16xi32>
      %add3A_67 = arith.addi %mul3A_65, %add3A_66 : vector<16xi32>
      %swap3A = arith.constant 0 : i32
      %swap3A_68 = arith.index_cast %swap3A : i32 to index
      %swap3A_69 = arith.constant 0 : index
      %swap3A_70 = tpu.vector_load %arg8[%swap3A_68, %swap3A_69] {strides = array<i32>} : memref<2x128xi32, #tpu.memory_space<vmem>>, vector<1x16xi32>,
      %swap3A_71 = vector.shape_cast %swap3A_70 : vector<1x16xi32> to vector<16xi32>
      %swap3A_72 = vector.shape_cast %add3A_67 : vector<16xi32> to vector<1x16xi32>
      tpu.vector_store %arg8[%swap3A_68, %swap3A_69], %swap3A_72 {strides = array<i32>} : memref<2x128xi32, #tpu.memory_space<vmem>>, vector<1x16xi32>,
      %get3A_73 = arith.constant 0 : i32
      %get3A_74 = arith.index_cast %get3A_73 : i32 to index
      %get3A_75 = arith.constant 16 : index
      %get3A_76 = tpu.vector_load %arg6[%get3A_74, %get3A_75] {strides = array<i32>} : memref<16x128xi32, #tpu.memory_space<vmem>>, vector<1x16xi32>,
      %get3A_77 = vector.shape_cast %get3A_76 : vector<1x16xi32> to vector<16xi32>
      %mul3A_78 = arith.constant 2 : i32
      %mul3A_79 = vector.broadcast %mul3A_78 : i32 to vector<16xi32>
      %mul3A_80 = arith.muli %get3A_77, %mul3A_79 : vector<16xi32>
      %add3A_81 = vector.broadcast %arg0 : i32 to vector<16xi32>
      %add3A_82 = arith.addi %mul3A_80, %add3A_81 : vector<16xi32>
      %swap3A_83 = arith.constant 0 : i32
      %swap3A_84 = arith.index_cast %swap3A_83 : i32 to index
      %swap3A_85 = arith.constant 16 : index
      %swap3A_86 = tpu.vector_load %arg8[%swap3A_84, %swap3A_85] {strides = array<i32>} : memref<2x128xi32, #tpu.memory_space<vmem>>, vector<1x16xi32>,
      %swap3A_87 = vector.shape_cast %swap3A_86 : vector<1x16xi32> to vector<16xi32>
      %swap3A_88 = vector.shape_cast %add3A_82 : vector<16xi32> to vector<1x16xi32>
      tpu.vector_store %arg8[%swap3A_84, %swap3A_85], %swap3A_88 {strides = array<i32>} : memref<2x128xi32, #tpu.memory_space<vmem>>, vector<1x16xi32>,
      %get3A_89 = arith.constant 0 : i32
      %get3A_90 = arith.index_cast %get3A_89 : i32 to index
      %get3A_91 = arith.constant 32 : index
      %get3A_92 = tpu.vector_load %arg6[%get3A_90, %get3A_91] {strides = array<i32>} : memref<16x128xi32, #tpu.memory_space<vmem>>, vector<1x16xi32>,
      %get3A_93 = vector.shape_cast %get3A_92 : vector<1x16xi32> to vector<16xi32>
      %mul3A_94 = arith.constant 2 : i32
      %mul3A_95 = vector.broadcast %mul3A_94 : i32 to vector<16xi32>
      %mul3A_96 = arith.muli %get3A_93, %mul3A_95 : vector<16xi32>
      %add3A_97 = vector.broadcast %arg0 : i32 to vector<16xi32>
      %add3A_98 = arith.addi %mul3A_96, %add3A_97 : vector<16xi32>
      %swap3A_99 = arith.constant 0 : i32
      %swap3A_100 = arith.index_cast %swap3A_99 : i32 to index
      %swap3A_101 = arith.constant 32 : index
      %swap3A_102 = tpu.vector_load %arg8[%swap3A_100, %swap3A_101] {strides = array<i32>} : memref<2x128xi32, #tpu.memory_space<vmem>>, vector<1x16xi32>,
      %swap3A_103 = vector.shape_cast %swap3A_102 : vector<1x16xi32> to vector<16xi32>
      %swap3A_104 = vector.shape_cast %add3A_98 : vector<16xi32> to vector<1x16xi32>
      tpu.vector_store %arg8[%swap3A_100, %swap3A_101], %swap3A_104 {strides = array<i32>} : memref<2x128xi32, #tpu.memory_space<vmem>>, vector<1x16xi32>,
      %get3A_105 = arith.constant 0 : i32
      %get3A_106 = arith.index_cast %get3A_105 : i32 to index
      %get3A_107 = arith.constant 48 : index
      %get3A_108 = tpu.vector_load %arg6[%get3A_106, %get3A_107] {strides = array<i32>} : memref<16x128xi32, #tpu.memory_space<vmem>>, vector<1x16xi32>,
      %get3A_109 = vector.shape_cast %get3A_108 : vector<1x16xi32> to vector<16xi32>
      %mul3A_110 = arith.constant 2 : i32
      %mul3A_111 = vector.broadcast %mul3A_110 : i32 to vector<16xi32>
      %mul3A_112 = arith.muli %get3A_109, %mul3A_111 : vector<16xi32>
      %add3A_113 = vector.broadcast %arg0 : i32 to vector<16xi32>
      %add3A_114 = arith.addi %mul3A_112, %add3A_113 : vector<16xi32>
      %swap3A_115 = arith.constant 0 : i32
      %swap3A_116 = arith.index_cast %swap3A_115 : i32 to index
      %swap3A_117 = arith.constant 48 : index
      %swap3A_118 = tpu.vector_load %arg8[%swap3A_116, %swap3A_117] {strides = array<i32>} : memref<2x128xi32, #tpu.memory_space<vmem>>, vector<1x16xi32>,
      %swap3A_119 = vector.shape_cast %swap3A_118 : vector<1x16xi32> to vector<16xi32>
      %swap3A_120 = vector.shape_cast %add3A_114 : vector<16xi32> to vector<1x16xi32>
      tpu.vector_store %arg8[%swap3A_116, %swap3A_117], %swap3A_120 {strides = array<i32>} : memref<2x128xi32, #tpu.memory_space<vmem>>, vector<1x16xi32>,
      %get3A_121 = arith.constant 0 : i32
      %get3A_122 = arith.index_cast %get3A_121 : i32 to index
      %get3A_123 = arith.constant 64 : index
      %get3A_124 = tpu.vector_load %arg6[%get3A_122, %get3A_123] {strides = array<i32>} : memref<16x128xi32, #tpu.memory_space<vmem>>, vector<1x16xi32>,
      %get3A_125 = vector.shape_cast %get3A_124 : vector<1x16xi32> to vector<16xi32>
      %mul3A_126 = arith.constant 2 : i32
      %mul3A_127 = vector.broadcast %mul3A_126 : i32 to vector<16xi32>
      %mul3A_128 = arith.muli %get3A_125, %mul3A_127 : vector<16xi32>
      %add3A_129 = vector.broadcast %arg0 : i32 to vector<16xi32>
      %add3A_130 = arith.addi %mul3A_128, %add3A_129 : vector<16xi32>
      %swap3A_131 = arith.constant 0 : i32
      %swap3A_132 = arith.index_cast %swap3A_131 : i32 to index
      %swap3A_133 = arith.constant 64 : index
      %swap3A_134 = tpu.vector_load %arg8[%swap3A_132, %swap3A_133] {strides = array<i32>} : memref<2x128xi32, #tpu.memory_space<vmem>>, vector<1x16xi32>,
      %swap3A_135 = vector.shape_cast %swap3A_134 : vector<1x16xi32> to vector<16xi32>
      %swap3A_136 = vector.shape_cast %add3A_130 : vector<16xi32> to vector<1x16xi32>
      tpu.vector_store %arg8[%swap3A_132, %swap3A_133], %swap3A_136 {strides = array<i32>} : memref<2x128xi32, #tpu.memory_space<vmem>>, vector<1x16xi32>,
      %get3A_137 = arith.constant 0 : i32
      %get3A_138 = arith.index_cast %get3A_137 : i32 to index
      %get3A_139 = arith.constant 80 : index
      %get3A_140 = tpu.vector_load %arg6[%get3A_138, %get3A_139] {strides = array<i32>} : memref<16x128xi32, #tpu.memory_space<vmem>>, vector<1x16xi32>,
      %get3A_141 = vector.shape_cast %get3A_140 : vector<1x16xi32> to vector<16xi32>
      %mul3A_142 = arith.constant 2 : i32
      %mul3A_143 = vector.broadcast %mul3A_142 : i32 to vector<16xi32>
      %mul3A_144 = arith.muli %get3A_141, %mul3A_143 : vector<16xi32>
      %add3A_145 = vector.broadcast %arg0 : i32 to vector<16xi32>
      %add3A_146 = arith.addi %mul3A_144, %add3A_145 : vector<16xi32>
      %swap3A_147 = arith.constant 0 : i32
      %swap3A_148 = arith.index_cast %swap3A_147 : i32 to index
      %swap3A_149 = arith.constant 80 : index
      %swap3A_150 = tpu.vector_load %arg8[%swap3A_148, %swap3A_149] {strides = array<i32>} : memref<2x128xi32, #tpu.memory_space<vmem>>, vector<1x16xi32>,
      %swap3A_151 = vector.shape_cast %swap3A_150 : vector<1x16xi32> to vector<16xi32>
      %swap3A_152 = vector.shape_cast %add3A_146 : vector<16xi32> to vector<1x16xi32>
      tpu.vector_store %arg8[%swap3A_148, %swap3A_149], %swap3A_152 {strides = array<i32>} : memref<2x128xi32, #tpu.memory_space<vmem>>, vector<1x16xi32>,
      %get3A_153 = arith.constant 0 : i32
      %get3A_154 = arith.index_cast %get3A_153 : i32 to index
      %get3A_155 = arith.constant 96 : index
      %get3A_156 = tpu.vector_load %arg6[%get3A_154, %get3A_155] {strides = array<i32>} : memref<16x128xi32, #tpu.memory_space<vmem>>, vector<1x16xi32>,
      %get3A_157 = vector.shape_cast %get3A_156 : vector<1x16xi32> to vector<16xi32>
      %mul3A_158 = arith.constant 2 : i32
      %mul3A_159 = vector.broadcast %mul3A_158 : i32 to vector<16xi32>
      %mul3A_160 = arith.muli %get3A_157, %mul3A_159 : vector<16xi32>
      %add3A_161 = vector.broadcast %arg0 : i32 to vector<16xi32>
      %add3A_162 = arith.addi %mul3A_160, %add3A_161 : vector<16xi32>
      %swap3A_163 = arith.constant 0 : i32
      %swap3A_164 = arith.index_cast %swap3A_163 : i32 to index
      %swap3A_165 = arith.constant 96 : index
      %swap3A_166 = tpu.vector_load %arg8[%swap3A_164, %swap3A_165] {strides = array<i32>} : memref<2x128xi32, #tpu.memory_space<vmem>>, vector<1x16xi32>,
      %swap3A_167 = vector.shape_cast %swap3A_166 : vector<1x16xi32> to vector<16xi32>
      %swap3A_168 = vector.shape_cast %add3A_162 : vector<16xi32> to vector<1x16xi32>
      tpu.vector_store %arg8[%swap3A_164, %swap3A_165], %swap3A_168 {strides = array<i32>} : memref<2x128xi32, #tpu.memory_space<vmem>>, vector<1x16xi32>,
      %get3A_169 = arith.constant 0 : i32
      %get3A_170 = arith.index_cast %get3A_169 : i32 to index
      %get3A_171 = arith.constant 112 : index
      %get3A_172 = tpu.vector_load %arg6[%get3A_170, %get3A_171] {strides = array<i32>} : memref<16x128xi32, #tpu.memory_space<vmem>>, vector<1x16xi32>,
      %get3A_173 = vector.shape_cast %get3A_172 : vector<1x16xi32> to vector<16xi32>
      %mul3A_174 = arith.constant 2 : i32
      %mul3A_175 = vector.broadcast %mul3A_174 : i32 to vector<16xi32>
      %mul3A_176 = arith.muli %get3A_173, %mul3A_175 : vector<16xi32>
      %add3A_177 = vector.broadcast %arg0 : i32 to vector<16xi32>
      %add3A_178 = arith.addi %mul3A_176, %add3A_177 : vector<16xi32>
      %swap3A_179 = arith.constant 0 : i32
      %swap3A_180 = arith.index_cast %swap3A_179 : i32 to index
      %swap3A_181 = arith.constant 112 : index
      %swap3A_182 = tpu.vector_load %arg8[%swap3A_180, %swap3A_181] {strides = array<i32>} : memref<2x128xi32, #tpu.memory_space<vmem>>, vector<1x16xi32>,
      %swap3A_183 = vector.shape_cast %swap3A_182 : vector<1x16xi32> to vector<16xi32>
      %swap3A_184 = vector.shape_cast %add3A_178 : vector<16xi32> to vector<1x16xi32>
      tpu.vector_store %arg8[%swap3A_180, %swap3A_181], %swap3A_184 {strides = array<i32>} : memref<2x128xi32, #tpu.memory_space<vmem>>, vector<1x16xi32>,
      %dma_start3A = arith.constant 0 : i32
      %dma_start3A_185 = arith.constant 0 : i32
      %dma_start3A_186 = arith.constant 0 : i32
      %dma_start3A_187 = arith.constant 0 : i32
      %dma_start3A_188 = tpu.memref_slice %arg9[%dma_start3A_185, %dma_start3A_186, %dma_start3A_187] : memref<2x128x128xf32, #tpu.memory_space<vmem>> -> memref<1x128x128xf32, #tpu.memory_space<vmem>>
      %dma_start3A_189 = tpu.memref_squeeze %dma_start3A_188 : memref<1x128x128xf32, #tpu.memory_space<vmem>> -> memref<128x128xf32, #tpu.memory_space<vmem>>
      %dma_start3A_190 = arith.constant 0 : i32
      %dma_start3A_191 = tpu.memref_slice %arg8[%dma_start3A, %dma_start3A_190] : memref<2x128xi32, #tpu.memory_space<vmem>> -> memref<1x128xi32, #tpu.memory_space<vmem>>
      %dma_start3A_192 = tpu.memref_squeeze %dma_start3A_191 : memref<1x128xi32, #tpu.memory_space<vmem>> -> memref<128xi32, #tpu.memory_space<vmem>>
      %dma_start3A_193 = arith.constant 0 : i32
      %dma_start3A_194 = arith.constant 0 : i32
      %dma_start3A_195 = tpu.memref_slice %arg4[%dma_start3A_193, %dma_start3A_194] : memref<20480x128xf32, #tpu.memory_space<hbm>> -> memref<20480x128xf32, #tpu.memory_space<hbm>>
      tpu.enqueue_indirect_dma source(%dma_start3A_195 : memref<20480x128xf32, #tpu.memory_space<hbm>>) target(%dma_start3A_189 : memref<128x128xf32, #tpu.memory_space<vmem>>) offsets(%dma_start3A_192 : memref<128xi32, #tpu.memory_space<vmem>>) semaphore(%arg11 : memref<!tpu.dma_semaphore, #tpu.memory_space<semaphore_mem>>)
      %scan3A_196 = arith.constant 0 : i32
      %scan3A_197 = arith.constant 0 : i32
      %scan3A_198 = arith.constant 8 : i32
      %scan3A_199 = arith.addi %scan3A_197, %scan3A_198 : i32
      %scan3A_200 = arith.constant 1 : i32
      scf.for %scan3A_213 = %scan3A_197 to %scan3A_199 step %scan3A_200  : i32 {
        %dma_wait3A_214 = arith.constant 0 : i32
        %dma_wait3A_215 = arith.constant 0 : i32
        %dma_wait3A_216 = arith.constant 0 : i32
        %dma_wait3A_217 = arith.constant 0 : i32
        %dma_wait3A_218 = tpu.memref_slice %arg9[%dma_wait3A_215, %dma_wait3A_216, %dma_wait3A_217] : memref<2x128x128xf32, #tpu.memory_space<vmem>> -> memref<1x128x128xf32, #tpu.memory_space<vmem>>
        %dma_wait3A_219 = tpu.memref_squeeze %dma_wait3A_218 : memref<1x128x128xf32, #tpu.memory_space<vmem>> -> memref<128x128xf32, #tpu.memory_space<vmem>>
        %dma_wait3A_220 = arith.constant 0 : i32
        %dma_wait3A_221 = tpu.memref_slice %arg8[%dma_wait3A_214, %dma_wait3A_220] : memref<2x128xi32, #tpu.memory_space<vmem>> -> memref<1x128xi32, #tpu.memory_space<vmem>>
        %dma_wait3A_222 = tpu.memref_squeeze %dma_wait3A_221 : memref<1x128xi32, #tpu.memory_space<vmem>> -> memref<128xi32, #tpu.memory_space<vmem>>
        %dma_wait3A_223 = arith.constant 0 : i32
        %dma_wait3A_224 = arith.constant 0 : i32
        %dma_wait3A_225 = tpu.memref_slice %arg4[%dma_wait3A_223, %dma_wait3A_224] : memref<20480x128xf32, #tpu.memory_space<hbm>> -> memref<20480x128xf32, #tpu.memory_space<hbm>>
        tpu.wait_indirect_dma semaphore(%arg11 : memref<!tpu.dma_semaphore, #tpu.memory_space<semaphore_mem>>) src(%dma_wait3A_225 : memref<20480x128xf32, #tpu.memory_space<hbm>>) dst(%dma_wait3A_219 : memref<128x128xf32, #tpu.memory_space<vmem>>)
        %ge3A = arith.constant 1 : i32
        %ge3A_226 = arith.cmpi sge, %scan3A_213, %ge3A : i32
        %convert_element_type3A = arith.extui %ge3A_226 : i1 to i32
        %cond3A = arith.constant 0 : i32
        %cond3A_227 = arith.cmpi ne, %convert_element_type3A, %cond3A : i32
        scf.if %cond3A_227 {
          %mul3A_421 = arith.constant 2 : i32
          %mul3A_422 = arith.muli %mul3A_421, %scan3A_213 : i32
          %sub3A = arith.constant 1 : i32
          %sub3A_423 = arith.subi %mul3A_422, %sub3A : i32
          %dma_wait3A_424 = arith.constant 1 : i32
          %dma_wait3A_425 = arith.constant 0 : i32
          %dma_wait3A_426 = arith.constant 0 : i32
          %dma_wait3A_427 = tpu.memref_slice %arg9[%dma_wait3A_424, %dma_wait3A_425, %dma_wait3A_426] : memref<2x128x128xf32, #tpu.memory_space<vmem>> -> memref<1x128x128xf32, #tpu.memory_space<vmem>>
          %dma_wait3A_428 = tpu.memref_squeeze %dma_wait3A_427 : memref<1x128x128xf32, #tpu.memory_space<vmem>> -> memref<128x128xf32, #tpu.memory_space<vmem>>
          %dma_wait3A_429 = arith.constant 0 : i32
          %dma_wait3A_430 = tpu.memref_slice %arg7[%sub3A_423, %dma_wait3A_429] : memref<16x128xi32, #tpu.memory_space<vmem>> -> memref<1x128xi32, #tpu.memory_space<vmem>>
          %dma_wait3A_431 = tpu.memref_squeeze %dma_wait3A_430 : memref<1x128xi32, #tpu.memory_space<vmem>> -> memref<128xi32, #tpu.memory_space<vmem>>
          %dma_wait3A_432 = arith.constant 0 : i32
          %dma_wait3A_433 = arith.constant 0 : i32
          %dma_wait3A_434 = tpu.memref_slice %arg10[%dma_wait3A_432, %dma_wait3A_433] : memref<10240x128xf32, #tpu.memory_space<vmem_shared>> -> memref<10240x128xf32, #tpu.memory_space<vmem_shared>>
          tpu.wait_indirect_dma semaphore(%arg14 : memref<!tpu.dma_semaphore, #tpu.memory_space<semaphore_mem>>) src(%dma_wait3A_428 : memref<128x128xf32, #tpu.memory_space<vmem>>) dst(%dma_wait3A_434 : memref<10240x128xf32, #tpu.memory_space<vmem_shared>>)
        } else {
        }
        %mul3A_228 = arith.constant 2 : i32
        %mul3A_229 = arith.muli %mul3A_228, %scan3A_213 : i32
        %add3A_230 = arith.constant 1 : i32
        %add3A_231 = arith.addi %mul3A_229, %add3A_230 : i32
        %get3A_232 = arith.index_cast %add3A_231 : i32 to index
        %get3A_233 = arith.constant 0 : index
        %get3A_234 = tpu.vector_load %arg6[%get3A_232, %get3A_233] {strides = array<i32>} : memref<16x128xi32, #tpu.memory_space<vmem>>, vector<1x16xi32>,
        %get3A_235 = vector.shape_cast %get3A_234 : vector<1x16xi32> to vector<16xi32>
        %mul3A_236 = arith.constant 2 : i32
        %mul3A_237 = vector.broadcast %mul3A_236 : i32 to vector<16xi32>
        %mul3A_238 = arith.muli %get3A_235, %mul3A_237 : vector<16xi32>
        %add3A_239 = vector.broadcast %arg0 : i32 to vector<16xi32>
        %add3A_240 = arith.addi %mul3A_238, %add3A_239 : vector<16xi32>
        %swap3A_241 = arith.constant 1 : i32
        %swap3A_242 = arith.index_cast %swap3A_241 : i32 to index
        %swap3A_243 = arith.constant 0 : index
        %swap3A_244 = tpu.vector_load %arg8[%swap3A_242, %swap3A_243] {strides = array<i32>} : memref<2x128xi32, #tpu.memory_space<vmem>>, vector<1x16xi32>,
        %swap3A_245 = vector.shape_cast %swap3A_244 : vector<1x16xi32> to vector<16xi32>
        %swap3A_246 = vector.shape_cast %add3A_240 : vector<16xi32> to vector<1x16xi32>
        tpu.vector_store %arg8[%swap3A_242, %swap3A_243], %swap3A_246 {strides = array<i32>} : memref<2x128xi32, #tpu.memory_space<vmem>>, vector<1x16xi32>,
        %get3A_247 = arith.index_cast %add3A_231 : i32 to index
        %get3A_248 = arith.constant 16 : index
        %get3A_249 = tpu.vector_load %arg6[%get3A_247, %get3A_248] {strides = array<i32>} : memref<16x128xi32, #tpu.memory_space<vmem>>, vector<1x16xi32>,
        %get3A_250 = vector.shape_cast %get3A_249 : vector<1x16xi32> to vector<16xi32>
        %mul3A_251 = arith.constant 2 : i32
        %mul3A_252 = vector.broadcast %mul3A_251 : i32 to vector<16xi32>
        %mul3A_253 = arith.muli %get3A_250, %mul3A_252 : vector<16xi32>
        %add3A_254 = vector.broadcast %arg0 : i32 to vector<16xi32>
        %add3A_255 = arith.addi %mul3A_253, %add3A_254 : vector<16xi32>
        %swap3A_256 = arith.constant 1 : i32
        %swap3A_257 = arith.index_cast %swap3A_256 : i32 to index
        %swap3A_258 = arith.constant 16 : index
        %swap3A_259 = tpu.vector_load %arg8[%swap3A_257, %swap3A_258] {strides = array<i32>} : memref<2x128xi32, #tpu.memory_space<vmem>>, vector<1x16xi32>,
        %swap3A_260 = vector.shape_cast %swap3A_259 : vector<1x16xi32> to vector<16xi32>
        %swap3A_261 = vector.shape_cast %add3A_255 : vector<16xi32> to vector<1x16xi32>
        tpu.vector_store %arg8[%swap3A_257, %swap3A_258], %swap3A_261 {strides = array<i32>} : memref<2x128xi32, #tpu.memory_space<vmem>>, vector<1x16xi32>,
        %get3A_262 = arith.index_cast %add3A_231 : i32 to index
        %get3A_263 = arith.constant 32 : index
        %get3A_264 = tpu.vector_load %arg6[%get3A_262, %get3A_263] {strides = array<i32>} : memref<16x128xi32, #tpu.memory_space<vmem>>, vector<1x16xi32>,
        %get3A_265 = vector.shape_cast %get3A_264 : vector<1x16xi32> to vector<16xi32>
        %mul3A_266 = arith.constant 2 : i32
        %mul3A_267 = vector.broadcast %mul3A_266 : i32 to vector<16xi32>
        %mul3A_268 = arith.muli %get3A_265, %mul3A_267 : vector<16xi32>
        %add3A_269 = vector.broadcast %arg0 : i32 to vector<16xi32>
        %add3A_270 = arith.addi %mul3A_268, %add3A_269 : vector<16xi32>
        %swap3A_271 = arith.constant 1 : i32
        %swap3A_272 = arith.index_cast %swap3A_271 : i32 to index
        %swap3A_273 = arith.constant 32 : index
        %swap3A_274 = tpu.vector_load %arg8[%swap3A_272, %swap3A_273] {strides = array<i32>} : memref<2x128xi32, #tpu.memory_space<vmem>>, vector<1x16xi32>,
        %swap3A_275 = vector.shape_cast %swap3A_274 : vector<1x16xi32> to vector<16xi32>
        %swap3A_276 = vector.shape_cast %add3A_270 : vector<16xi32> to vector<1x16xi32>
        tpu.vector_store %arg8[%swap3A_272, %swap3A_273], %swap3A_276 {strides = array<i32>} : memref<2x128xi32, #tpu.memory_space<vmem>>, vector<1x16xi32>,
        %get3A_277 = arith.index_cast %add3A_231 : i32 to index
        %get3A_278 = arith.constant 48 : index
        %get3A_279 = tpu.vector_load %arg6[%get3A_277, %get3A_278] {strides = array<i32>} : memref<16x128xi32, #tpu.memory_space<vmem>>, vector<1x16xi32>,
        %get3A_280 = vector.shape_cast %get3A_279 : vector<1x16xi32> to vector<16xi32>
        %mul3A_281 = arith.constant 2 : i32
        %mul3A_282 = vector.broadcast %mul3A_281 : i32 to vector<16xi32>
        %mul3A_283 = arith.muli %get3A_280, %mul3A_282 : vector<16xi32>
        %add3A_284 = vector.broadcast %arg0 : i32 to vector<16xi32>
        %add3A_285 = arith.addi %mul3A_283, %add3A_284 : vector<16xi32>
        %swap3A_286 = arith.constant 1 : i32
        %swap3A_287 = arith.index_cast %swap3A_286 : i32 to index
        %swap3A_288 = arith.constant 48 : index
        %swap3A_289 = tpu.vector_load %arg8[%swap3A_287, %swap3A_288] {strides = array<i32>} : memref<2x128xi32, #tpu.memory_space<vmem>>, vector<1x16xi32>,
        %swap3A_290 = vector.shape_cast %swap3A_289 : vector<1x16xi32> to vector<16xi32>
        %swap3A_291 = vector.shape_cast %add3A_285 : vector<16xi32> to vector<1x16xi32>
        tpu.vector_store %arg8[%swap3A_287, %swap3A_288], %swap3A_291 {strides = array<i32>} : memref<2x128xi32, #tpu.memory_space<vmem>>, vector<1x16xi32>,
        %get3A_292 = arith.index_cast %add3A_231 : i32 to index
        %get3A_293 = arith.constant 64 : index
        %get3A_294 = tpu.vector_load %arg6[%get3A_292, %get3A_293] {strides = array<i32>} : memref<16x128xi32, #tpu.memory_space<vmem>>, vector<1x16xi32>,
        %get3A_295 = vector.shape_cast %get3A_294 : vector<1x16xi32> to vector<16xi32>
        %mul3A_296 = arith.constant 2 : i32
        %mul3A_297 = vector.broadcast %mul3A_296 : i32 to vector<16xi32>
        %mul3A_298 = arith.muli %get3A_295, %mul3A_297 : vector<16xi32>
        %add3A_299 = vector.broadcast %arg0 : i32 to vector<16xi32>
        %add3A_300 = arith.addi %mul3A_298, %add3A_299 : vector<16xi32>
        %swap3A_301 = arith.constant 1 : i32
        %swap3A_302 = arith.index_cast %swap3A_301 : i32 to index
        %swap3A_303 = arith.constant 64 : index
        %swap3A_304 = tpu.vector_load %arg8[%swap3A_302, %swap3A_303] {strides = array<i32>} : memref<2x128xi32, #tpu.memory_space<vmem>>, vector<1x16xi32>,
        %swap3A_305 = vector.shape_cast %swap3A_304 : vector<1x16xi32> to vector<16xi32>
        %swap3A_306 = vector.shape_cast %add3A_300 : vector<16xi32> to vector<1x16xi32>
        tpu.vector_store %arg8[%swap3A_302, %swap3A_303], %swap3A_306 {strides = array<i32>} : memref<2x128xi32, #tpu.memory_space<vmem>>, vector<1x16xi32>,
        %get3A_307 = arith.index_cast %add3A_231 : i32 to index
        %get3A_308 = arith.constant 80 : index
        %get3A_309 = tpu.vector_load %arg6[%get3A_307, %get3A_308] {strides = array<i32>} : memref<16x128xi32, #tpu.memory_space<vmem>>, vector<1x16xi32>,
        %get3A_310 = vector.shape_cast %get3A_309 : vector<1x16xi32> to vector<16xi32>
        %mul3A_311 = arith.constant 2 : i32
        %mul3A_312 = vector.broadcast %mul3A_311 : i32 to vector<16xi32>
        %mul3A_313 = arith.muli %get3A_310, %mul3A_312 : vector<16xi32>
        %add3A_314 = vector.broadcast %arg0 : i32 to vector<16xi32>
        %add3A_315 = arith.addi %mul3A_313, %add3A_314 : vector<16xi32>
        %swap3A_316 = arith.constant 1 : i32
        %swap3A_317 = arith.index_cast %swap3A_316 : i32 to index
        %swap3A_318 = arith.constant 80 : index
        %swap3A_319 = tpu.vector_load %arg8[%swap3A_317, %swap3A_318] {strides = array<i32>} : memref<2x128xi32, #tpu.memory_space<vmem>>, vector<1x16xi32>,
        %swap3A_320 = vector.shape_cast %swap3A_319 : vector<1x16xi32> to vector<16xi32>
        %swap3A_321 = vector.shape_cast %add3A_315 : vector<16xi32> to vector<1x16xi32>
        tpu.vector_store %arg8[%swap3A_317, %swap3A_318], %swap3A_321 {strides = array<i32>} : memref<2x128xi32, #tpu.memory_space<vmem>>, vector<1x16xi32>,
        %get3A_322 = arith.index_cast %add3A_231 : i32 to index
        %get3A_323 = arith.constant 96 : index
        %get3A_324 = tpu.vector_load %arg6[%get3A_322, %get3A_323] {strides = array<i32>} : memref<16x128xi32, #tpu.memory_space<vmem>>, vector<1x16xi32>,
        %get3A_325 = vector.shape_cast %get3A_324 : vector<1x16xi32> to vector<16xi32>
        %mul3A_326 = arith.constant 2 : i32
        %mul3A_327 = vector.broadcast %mul3A_326 : i32 to vector<16xi32>
        %mul3A_328 = arith.muli %get3A_325, %mul3A_327 : vector<16xi32>
        %add3A_329 = vector.broadcast %arg0 : i32 to vector<16xi32>
        %add3A_330 = arith.addi %mul3A_328, %add3A_329 : vector<16xi32>
        %swap3A_331 = arith.constant 1 : i32
        %swap3A_332 = arith.index_cast %swap3A_331 : i32 to index
        %swap3A_333 = arith.constant 96 : index
        %swap3A_334 = tpu.vector_load %arg8[%swap3A_332, %swap3A_333] {strides = array<i32>} : memref<2x128xi32, #tpu.memory_space<vmem>>, vector<1x16xi32>,
        %swap3A_335 = vector.shape_cast %swap3A_334 : vector<1x16xi32> to vector<16xi32>
        %swap3A_336 = vector.shape_cast %add3A_330 : vector<16xi32> to vector<1x16xi32>
        tpu.vector_store %arg8[%swap3A_332, %swap3A_333], %swap3A_336 {strides = array<i32>} : memref<2x128xi32, #tpu.memory_space<vmem>>, vector<1x16xi32>,
        %get3A_337 = arith.index_cast %add3A_231 : i32 to index
        %get3A_338 = arith.constant 112 : index
        %get3A_339 = tpu.vector_load %arg6[%get3A_337, %get3A_338] {strides = array<i32>} : memref<16x128xi32, #tpu.memory_space<vmem>>, vector<1x16xi32>,
        %get3A_340 = vector.shape_cast %get3A_339 : vector<1x16xi32> to vector<16xi32>
        %mul3A_341 = arith.constant 2 : i32
        %mul3A_342 = vector.broadcast %mul3A_341 : i32 to vector<16xi32>
        %mul3A_343 = arith.muli %get3A_340, %mul3A_342 : vector<16xi32>
        %add3A_344 = vector.broadcast %arg0 : i32 to vector<16xi32>
        %add3A_345 = arith.addi %mul3A_343, %add3A_344 : vector<16xi32>
        %swap3A_346 = arith.constant 1 : i32
        %swap3A_347 = arith.index_cast %swap3A_346 : i32 to index
        %swap3A_348 = arith.constant 112 : index
        %swap3A_349 = tpu.vector_load %arg8[%swap3A_347, %swap3A_348] {strides = array<i32>} : memref<2x128xi32, #tpu.memory_space<vmem>>, vector<1x16xi32>,
        %swap3A_350 = vector.shape_cast %swap3A_349 : vector<1x16xi32> to vector<16xi32>
        %swap3A_351 = vector.shape_cast %add3A_345 : vector<16xi32> to vector<1x16xi32>
        tpu.vector_store %arg8[%swap3A_347, %swap3A_348], %swap3A_351 {strides = array<i32>} : memref<2x128xi32, #tpu.memory_space<vmem>>, vector<1x16xi32>,
        %dma_start3A_352 = arith.constant 1 : i32
        %dma_start3A_353 = arith.constant 1 : i32
        %dma_start3A_354 = arith.constant 0 : i32
        %dma_start3A_355 = arith.constant 0 : i32
        %dma_start3A_356 = tpu.memref_slice %arg9[%dma_start3A_353, %dma_start3A_354, %dma_start3A_355] : memref<2x128x128xf32, #tpu.memory_space<vmem>> -> memref<1x128x128xf32, #tpu.memory_space<vmem>>
        %dma_start3A_357 = tpu.memref_squeeze %dma_start3A_356 : memref<1x128x128xf32, #tpu.memory_space<vmem>> -> memref<128x128xf32, #tpu.memory_space<vmem>>
        %dma_start3A_358 = arith.constant 0 : i32
        %dma_start3A_359 = tpu.memref_slice %arg8[%dma_start3A_352, %dma_start3A_358] : memref<2x128xi32, #tpu.memory_space<vmem>> -> memref<1x128xi32, #tpu.memory_space<vmem>>
        %dma_start3A_360 = tpu.memref_squeeze %dma_start3A_359 : memref<1x128xi32, #tpu.memory_space<vmem>> -> memref<128xi32, #tpu.memory_space<vmem>>
        %dma_start3A_361 = arith.constant 0 : i32
        %dma_start3A_362 = arith.constant 0 : i32
        %dma_start3A_363 = tpu.memref_slice %arg4[%dma_start3A_361, %dma_start3A_362] : memref<20480x128xf32, #tpu.memory_space<hbm>> -> memref<20480x128xf32, #tpu.memory_space<hbm>>
        tpu.enqueue_indirect_dma source(%dma_start3A_363 : memref<20480x128xf32, #tpu.memory_space<hbm>>) target(%dma_start3A_357 : memref<128x128xf32, #tpu.memory_space<vmem>>) offsets(%dma_start3A_360 : memref<128xi32, #tpu.memory_space<vmem>>) semaphore(%arg12 : memref<!tpu.dma_semaphore, #tpu.memory_space<semaphore_mem>>)
        %mul3A_364 = arith.constant 2 : i32
        %mul3A_365 = arith.muli %mul3A_364, %scan3A_213 : i32
        %dma_start3A_366 = arith.constant 0 : i32
        %dma_start3A_367 = arith.constant 0 : i32
        %dma_start3A_368 = arith.constant 0 : i32
        %dma_start3A_369 = tpu.memref_slice %arg9[%dma_start3A_366, %dma_start3A_367, %dma_start3A_368] : memref<2x128x128xf32, #tpu.memory_space<vmem>> -> memref<1x128x128xf32, #tpu.memory_space<vmem>>
        %dma_start3A_370 = tpu.memref_squeeze %dma_start3A_369 : memref<1x128x128xf32, #tpu.memory_space<vmem>> -> memref<128x128xf32, #tpu.memory_space<vmem>>
        %dma_start3A_371 = arith.constant 0 : i32
        %dma_start3A_372 = tpu.memref_slice %arg7[%mul3A_365, %dma_start3A_371] : memref<16x128xi32, #tpu.memory_space<vmem>> -> memref<1x128xi32, #tpu.memory_space<vmem>>
        %dma_start3A_373 = tpu.memref_squeeze %dma_start3A_372 : memref<1x128xi32, #tpu.memory_space<vmem>> -> memref<128xi32, #tpu.memory_space<vmem>>
        %dma_start3A_374 = arith.constant 0 : i32
        %dma_start3A_375 = arith.constant 0 : i32
        %dma_start3A_376 = tpu.memref_slice %arg10[%dma_start3A_374, %dma_start3A_375] : memref<10240x128xf32, #tpu.memory_space<vmem_shared>> -> memref<10240x128xf32, #tpu.memory_space<vmem_shared>>
        tpu.enqueue_indirect_dma source(%dma_start3A_370 : memref<128x128xf32, #tpu.memory_space<vmem>>) target(%dma_start3A_376 : memref<10240x128xf32, #tpu.memory_space<vmem_shared>>) offsets(%dma_start3A_373 : memref<128xi32, #tpu.memory_space<vmem>>) semaphore(%arg13 : memref<!tpu.dma_semaphore, #tpu.memory_space<semaphore_mem>>) {add = true}
        %dma_wait3A_377 = arith.constant 1 : i32
        %dma_wait3A_378 = arith.constant 1 : i32
        %dma_wait3A_379 = arith.constant 0 : i32
        %dma_wait3A_380 = arith.constant 0 : i32
        %dma_wait3A_381 = tpu.memref_slice %arg9[%dma_wait3A_378, %dma_wait3A_379, %dma_wait3A_380] : memref<2x128x128xf32, #tpu.memory_space<vmem>> -> memref<1x128x128xf32, #tpu.memory_space<vmem>>
        %dma_wait3A_382 = tpu.memref_squeeze %dma_wait3A_381 : memref<1x128x128xf32, #tpu.memory_space<vmem>> -> memref<128x128xf32, #tpu.memory_space<vmem>>
        %dma_wait3A_383 = arith.constant 0 : i32
        %dma_wait3A_384 = tpu.memref_slice %arg8[%dma_wait3A_377, %dma_wait3A_383] : memref<2x128xi32, #tpu.memory_space<vmem>> -> memref<1x128xi32, #tpu.memory_space<vmem>>
        %dma_wait3A_385 = tpu.memref_squeeze %dma_wait3A_384 : memref<1x128xi32, #tpu.memory_space<vmem>> -> memref<128xi32, #tpu.memory_space<vmem>>
        %dma_wait3A_386 = arith.constant 0 : i32
        %dma_wait3A_387 = arith.constant 0 : i32
        %dma_wait3A_388 = tpu.memref_slice %arg4[%dma_wait3A_386, %dma_wait3A_387] : memref<20480x128xf32, #tpu.memory_space<hbm>> -> memref<20480x128xf32, #tpu.memory_space<hbm>>
        tpu.wait_indirect_dma semaphore(%arg12 : memref<!tpu.dma_semaphore, #tpu.memory_space<semaphore_mem>>) src(%dma_wait3A_388 : memref<20480x128xf32, #tpu.memory_space<hbm>>) dst(%dma_wait3A_382 : memref<128x128xf32, #tpu.memory_space<vmem>>)
        %mul3A_389 = arith.constant 2 : i32
        %mul3A_390 = arith.muli %mul3A_389, %scan3A_213 : i32
        %dma_wait3A_391 = arith.constant 0 : i32
        %dma_wait3A_392 = arith.constant 0 : i32
        %dma_wait3A_393 = arith.constant 0 : i32
        %dma_wait3A_394 = tpu.memref_slice %arg9[%dma_wait3A_391, %dma_wait3A_392, %dma_wait3A_393] : memref<2x128x128xf32, #tpu.memory_space<vmem>> -> memref<1x128x128xf32, #tpu.memory_space<vmem>>
        %dma_wait3A_395 = tpu.memref_squeeze %dma_wait3A_394 : memref<1x128x128xf32, #tpu.memory_space<vmem>> -> memref<128x128xf32, #tpu.memory_space<vmem>>
        %dma_wait3A_396 = arith.constant 0 : i32
        %dma_wait3A_397 = tpu.memref_slice %arg7[%mul3A_390, %dma_wait3A_396] : memref<16x128xi32, #tpu.memory_space<vmem>> -> memref<1x128xi32, #tpu.memory_space<vmem>>
        %dma_wait3A_398 = tpu.memref_squeeze %dma_wait3A_397 : memref<1x128xi32, #tpu.memory_space<vmem>> -> memref<128xi32, #tpu.memory_space<vmem>>
        %dma_wait3A_399 = arith.constant 0 : i32
        %dma_wait3A_400 = arith.constant 0 : i32
        %dma_wait3A_401 = tpu.memref_slice %arg10[%dma_wait3A_399, %dma_wait3A_400] : memref<10240x128xf32, #tpu.memory_space<vmem_shared>> -> memref<10240x128xf32, #tpu.memory_space<vmem_shared>>
        tpu.wait_indirect_dma semaphore(%arg13 : memref<!tpu.dma_semaphore, #tpu.memory_space<semaphore_mem>>) src(%dma_wait3A_395 : memref<128x128xf32, #tpu.memory_space<vmem>>) dst(%dma_wait3A_401 : memref<10240x128xf32, #tpu.memory_space<vmem_shared>>)
        %lt3A = arith.constant 7 : i32
        %lt3A_402 = arith.cmpi slt, %scan3A_213, %lt3A : i32
        %convert_element_type3A_403 = arith.extui %lt3A_402 : i1 to i32
        %cond3A_404 = arith.constant 0 : i32
        %cond3A_405 = arith.cmpi ne, %convert_element_type3A_403, %cond3A_404 : i32
        scf.if %cond3A_405 {
          %mul3A_421 = arith.constant 2 : i32
          %mul3A_422 = arith.muli %mul3A_421, %scan3A_213 : i32
          %add3A_423 = arith.constant 2 : i32
          %add3A_424 = arith.addi %mul3A_422, %add3A_423 : i32
          %get3A_425 = arith.index_cast %add3A_424 : i32 to index
          %get3A_426 = arith.constant 0 : index
          %get3A_427 = tpu.vector_load %arg6[%get3A_425, %get3A_426] {strides = array<i32>} : memref<16x128xi32, #tpu.memory_space<vmem>>, vector<1x16xi32>,
          %get3A_428 = vector.shape_cast %get3A_427 : vector<1x16xi32> to vector<16xi32>
          %mul3A_429 = arith.constant 2 : i32
          %mul3A_430 = vector.broadcast %mul3A_429 : i32 to vector<16xi32>
          %mul3A_431 = arith.muli %get3A_428, %mul3A_430 : vector<16xi32>
          %add3A_432 = vector.broadcast %arg0 : i32 to vector<16xi32>
          %add3A_433 = arith.addi %mul3A_431, %add3A_432 : vector<16xi32>
          %swap3A_434 = arith.constant 0 : i32
          %swap3A_435 = arith.index_cast %swap3A_434 : i32 to index
          %swap3A_436 = arith.constant 0 : index
          %swap3A_437 = tpu.vector_load %arg8[%swap3A_435, %swap3A_436] {strides = array<i32>} : memref<2x128xi32, #tpu.memory_space<vmem>>, vector<1x16xi32>,
          %swap3A_438 = vector.shape_cast %swap3A_437 : vector<1x16xi32> to vector<16xi32>
          %swap3A_439 = vector.shape_cast %add3A_433 : vector<16xi32> to vector<1x16xi32>
          tpu.vector_store %arg8[%swap3A_435, %swap3A_436], %swap3A_439 {strides = array<i32>} : memref<2x128xi32, #tpu.memory_space<vmem>>, vector<1x16xi32>,
          %get3A_440 = arith.index_cast %add3A_424 : i32 to index
          %get3A_441 = arith.constant 16 : index
          %get3A_442 = tpu.vector_load %arg6[%get3A_440, %get3A_441] {strides = array<i32>} : memref<16x128xi32, #tpu.memory_space<vmem>>, vector<1x16xi32>,
          %get3A_443 = vector.shape_cast %get3A_442 : vector<1x16xi32> to vector<16xi32>
          %mul3A_444 = arith.constant 2 : i32
          %mul3A_445 = vector.broadcast %mul3A_444 : i32 to vector<16xi32>
          %mul3A_446 = arith.muli %get3A_443, %mul3A_445 : vector<16xi32>
          %add3A_447 = vector.broadcast %arg0 : i32 to vector<16xi32>
          %add3A_448 = arith.addi %mul3A_446, %add3A_447 : vector<16xi32>
          %swap3A_449 = arith.constant 0 : i32
          %swap3A_450 = arith.index_cast %swap3A_449 : i32 to index
          %swap3A_451 = arith.constant 16 : index
          %swap3A_452 = tpu.vector_load %arg8[%swap3A_450, %swap3A_451] {strides = array<i32>} : memref<2x128xi32, #tpu.memory_space<vmem>>, vector<1x16xi32>,
          %swap3A_453 = vector.shape_cast %swap3A_452 : vector<1x16xi32> to vector<16xi32>
          %swap3A_454 = vector.shape_cast %add3A_448 : vector<16xi32> to vector<1x16xi32>
          tpu.vector_store %arg8[%swap3A_450, %swap3A_451], %swap3A_454 {strides = array<i32>} : memref<2x128xi32, #tpu.memory_space<vmem>>, vector<1x16xi32>,
          %get3A_455 = arith.index_cast %add3A_424 : i32 to index
          %get3A_456 = arith.constant 32 : index
          %get3A_457 = tpu.vector_load %arg6[%get3A_455, %get3A_456] {strides = array<i32>} : memref<16x128xi32, #tpu.memory_space<vmem>>, vector<1x16xi32>,
          %get3A_458 = vector.shape_cast %get3A_457 : vector<1x16xi32> to vector<16xi32>
          %mul3A_459 = arith.constant 2 : i32
          %mul3A_460 = vector.broadcast %mul3A_459 : i32 to vector<16xi32>
          %mul3A_461 = arith.muli %get3A_458, %mul3A_460 : vector<16xi32>
          %add3A_462 = vector.broadcast %arg0 : i32 to vector<16xi32>
          %add3A_463 = arith.addi %mul3A_461, %add3A_462 : vector<16xi32>
          %swap3A_464 = arith.constant 0 : i32
          %swap3A_465 = arith.index_cast %swap3A_464 : i32 to index
          %swap3A_466 = arith.constant 32 : index
          %swap3A_467 = tpu.vector_load %arg8[%swap3A_465, %swap3A_466] {strides = array<i32>} : memref<2x128xi32, #tpu.memory_space<vmem>>, vector<1x16xi32>,
          %swap3A_468 = vector.shape_cast %swap3A_467 : vector<1x16xi32> to vector<16xi32>
          %swap3A_469 = vector.shape_cast %add3A_463 : vector<16xi32> to vector<1x16xi32>
          tpu.vector_store %arg8[%swap3A_465, %swap3A_466], %swap3A_469 {strides = array<i32>} : memref<2x128xi32, #tpu.memory_space<vmem>>, vector<1x16xi32>,
          %get3A_470 = arith.index_cast %add3A_424 : i32 to index
          %get3A_471 = arith.constant 48 : index
          %get3A_472 = tpu.vector_load %arg6[%get3A_470, %get3A_471] {strides = array<i32>} : memref<16x128xi32, #tpu.memory_space<vmem>>, vector<1x16xi32>,
          %get3A_473 = vector.shape_cast %get3A_472 : vector<1x16xi32> to vector<16xi32>
          %mul3A_474 = arith.constant 2 : i32
          %mul3A_475 = vector.broadcast %mul3A_474 : i32 to vector<16xi32>
          %mul3A_476 = arith.muli %get3A_473, %mul3A_475 : vector<16xi32>
          %add3A_477 = vector.broadcast %arg0 : i32 to vector<16xi32>
          %add3A_478 = arith.addi %mul3A_476, %add3A_477 : vector<16xi32>
          %swap3A_479 = arith.constant 0 : i32
          %swap3A_480 = arith.index_cast %swap3A_479 : i32 to index
          %swap3A_481 = arith.constant 48 : index
          %swap3A_482 = tpu.vector_load %arg8[%swap3A_480, %swap3A_481] {strides = array<i32>} : memref<2x128xi32, #tpu.memory_space<vmem>>, vector<1x16xi32>,
          %swap3A_483 = vector.shape_cast %swap3A_482 : vector<1x16xi32> to vector<16xi32>
          %swap3A_484 = vector.shape_cast %add3A_478 : vector<16xi32> to vector<1x16xi32>
          tpu.vector_store %arg8[%swap3A_480, %swap3A_481], %swap3A_484 {strides = array<i32>} : memref<2x128xi32, #tpu.memory_space<vmem>>, vector<1x16xi32>,
          %get3A_485 = arith.index_cast %add3A_424 : i32 to index
          %get3A_486 = arith.constant 64 : index
          %get3A_487 = tpu.vector_load %arg6[%get3A_485, %get3A_486] {strides = array<i32>} : memref<16x128xi32, #tpu.memory_space<vmem>>, vector<1x16xi32>,
          %get3A_488 = vector.shape_cast %get3A_487 : vector<1x16xi32> to vector<16xi32>
          %mul3A_489 = arith.constant 2 : i32
          %mul3A_490 = vector.broadcast %mul3A_489 : i32 to vector<16xi32>
          %mul3A_491 = arith.muli %get3A_488, %mul3A_490 : vector<16xi32>
          %add3A_492 = vector.broadcast %arg0 : i32 to vector<16xi32>
          %add3A_493 = arith.addi %mul3A_491, %add3A_492 : vector<16xi32>
          %swap3A_494 = arith.constant 0 : i32
          %swap3A_495 = arith.index_cast %swap3A_494 : i32 to index
          %swap3A_496 = arith.constant 64 : index
          %swap3A_497 = tpu.vector_load %arg8[%swap3A_495, %swap3A_496] {strides = array<i32>} : memref<2x128xi32, #tpu.memory_space<vmem>>, vector<1x16xi32>,
          %swap3A_498 = vector.shape_cast %swap3A_497 : vector<1x16xi32> to vector<16xi32>
          %swap3A_499 = vector.shape_cast %add3A_493 : vector<16xi32> to vector<1x16xi32>
          tpu.vector_store %arg8[%swap3A_495, %swap3A_496], %swap3A_499 {strides = array<i32>} : memref<2x128xi32, #tpu.memory_space<vmem>>, vector<1x16xi32>,
          %get3A_500 = arith.index_cast %add3A_424 : i32 to index
          %get3A_501 = arith.constant 80 : index
          %get3A_502 = tpu.vector_load %arg6[%get3A_500, %get3A_501] {strides = array<i32>} : memref<16x128xi32, #tpu.memory_space<vmem>>, vector<1x16xi32>,
          %get3A_503 = vector.shape_cast %get3A_502 : vector<1x16xi32> to vector<16xi32>
          %mul3A_504 = arith.constant 2 : i32
          %mul3A_505 = vector.broadcast %mul3A_504 : i32 to vector<16xi32>
          %mul3A_506 = arith.muli %get3A_503, %mul3A_505 : vector<16xi32>
          %add3A_507 = vector.broadcast %arg0 : i32 to vector<16xi32>
          %add3A_508 = arith.addi %mul3A_506, %add3A_507 : vector<16xi32>
          %swap3A_509 = arith.constant 0 : i32
          %swap3A_510 = arith.index_cast %swap3A_509 : i32 to index
          %swap3A_511 = arith.constant 80 : index
          %swap3A_512 = tpu.vector_load %arg8[%swap3A_510, %swap3A_511] {strides = array<i32>} : memref<2x128xi32, #tpu.memory_space<vmem>>, vector<1x16xi32>,
          %swap3A_513 = vector.shape_cast %swap3A_512 : vector<1x16xi32> to vector<16xi32>
          %swap3A_514 = vector.shape_cast %add3A_508 : vector<16xi32> to vector<1x16xi32>
          tpu.vector_store %arg8[%swap3A_510, %swap3A_511], %swap3A_514 {strides = array<i32>} : memref<2x128xi32, #tpu.memory_space<vmem>>, vector<1x16xi32>,
          %get3A_515 = arith.index_cast %add3A_424 : i32 to index
          %get3A_516 = arith.constant 96 : index
          %get3A_517 = tpu.vector_load %arg6[%get3A_515, %get3A_516] {strides = array<i32>} : memref<16x128xi32, #tpu.memory_space<vmem>>, vector<1x16xi32>,
          %get3A_518 = vector.shape_cast %get3A_517 : vector<1x16xi32> to vector<16xi32>
          %mul3A_519 = arith.constant 2 : i32
          %mul3A_520 = vector.broadcast %mul3A_519 : i32 to vector<16xi32>
          %mul3A_521 = arith.muli %get3A_518, %mul3A_520 : vector<16xi32>
          %add3A_522 = vector.broadcast %arg0 : i32 to vector<16xi32>
          %add3A_523 = arith.addi %mul3A_521, %add3A_522 : vector<16xi32>
          %swap3A_524 = arith.constant 0 : i32
          %swap3A_525 = arith.index_cast %swap3A_524 : i32 to index
          %swap3A_526 = arith.constant 96 : index
          %swap3A_527 = tpu.vector_load %arg8[%swap3A_525, %swap3A_526] {strides = array<i32>} : memref<2x128xi32, #tpu.memory_space<vmem>>, vector<1x16xi32>,
          %swap3A_528 = vector.shape_cast %swap3A_527 : vector<1x16xi32> to vector<16xi32>
          %swap3A_529 = vector.shape_cast %add3A_523 : vector<16xi32> to vector<1x16xi32>
          tpu.vector_store %arg8[%swap3A_525, %swap3A_526], %swap3A_529 {strides = array<i32>} : memref<2x128xi32, #tpu.memory_space<vmem>>, vector<1x16xi32>,
          %get3A_530 = arith.index_cast %add3A_424 : i32 to index
          %get3A_531 = arith.constant 112 : index
          %get3A_532 = tpu.vector_load %arg6[%get3A_530, %get3A_531] {strides = array<i32>} : memref<16x128xi32, #tpu.memory_space<vmem>>, vector<1x16xi32>,
          %get3A_533 = vector.shape_cast %get3A_532 : vector<1x16xi32> to vector<16xi32>
          %mul3A_534 = arith.constant 2 : i32
          %mul3A_535 = vector.broadcast %mul3A_534 : i32 to vector<16xi32>
          %mul3A_536 = arith.muli %get3A_533, %mul3A_535 : vector<16xi32>
          %add3A_537 = vector.broadcast %arg0 : i32 to vector<16xi32>
          %add3A_538 = arith.addi %mul3A_536, %add3A_537 : vector<16xi32>
          %swap3A_539 = arith.constant 0 : i32
          %swap3A_540 = arith.index_cast %swap3A_539 : i32 to index
          %swap3A_541 = arith.constant 112 : index
          %swap3A_542 = tpu.vector_load %arg8[%swap3A_540, %swap3A_541] {strides = array<i32>} : memref<2x128xi32, #tpu.memory_space<vmem>>, vector<1x16xi32>,
          %swap3A_543 = vector.shape_cast %swap3A_542 : vector<1x16xi32> to vector<16xi32>
          %swap3A_544 = vector.shape_cast %add3A_538 : vector<16xi32> to vector<1x16xi32>
          tpu.vector_store %arg8[%swap3A_540, %swap3A_541], %swap3A_544 {strides = array<i32>} : memref<2x128xi32, #tpu.memory_space<vmem>>, vector<1x16xi32>,
          %dma_start3A_545 = arith.constant 0 : i32
          %dma_start3A_546 = arith.constant 0 : i32
          %dma_start3A_547 = arith.constant 0 : i32
          %dma_start3A_548 = arith.constant 0 : i32
          %dma_start3A_549 = tpu.memref_slice %arg9[%dma_start3A_546, %dma_start3A_547, %dma_start3A_548] : memref<2x128x128xf32, #tpu.memory_space<vmem>> -> memref<1x128x128xf32, #tpu.memory_space<vmem>>
          %dma_start3A_550 = tpu.memref_squeeze %dma_start3A_549 : memref<1x128x128xf32, #tpu.memory_space<vmem>> -> memref<128x128xf32, #tpu.memory_space<vmem>>
          %dma_start3A_551 = arith.constant 0 : i32
          %dma_start3A_552 = tpu.memref_slice %arg8[%dma_start3A_545, %dma_start3A_551] : memref<2x128xi32, #tpu.memory_space<vmem>> -> memref<1x128xi32, #tpu.memory_space<vmem>>
          %dma_start3A_553 = tpu.memref_squeeze %dma_start3A_552 : memref<1x128xi32, #tpu.memory_space<vmem>> -> memref<128xi32, #tpu.memory_space<vmem>>
          %dma_start3A_554 = arith.constant 0 : i32
          %dma_start3A_555 = arith.constant 0 : i32
          %dma_start3A_556 = tpu.memref_slice %arg4[%dma_start3A_554, %dma_start3A_555] : memref<20480x128xf32, #tpu.memory_space<hbm>> -> memref<20480x128xf32, #tpu.memory_space<hbm>>
          tpu.enqueue_indirect_dma source(%dma_start3A_556 : memref<20480x128xf32, #tpu.memory_space<hbm>>) target(%dma_start3A_550 : memref<128x128xf32, #tpu.memory_space<vmem>>) offsets(%dma_start3A_553 : memref<128xi32, #tpu.memory_space<vmem>>) semaphore(%arg11 : memref<!tpu.dma_semaphore, #tpu.memory_space<semaphore_mem>>)
        } else {
        }
        %mul3A_406 = arith.constant 2 : i32
        %mul3A_407 = arith.muli %mul3A_406, %scan3A_213 : i32
        %add3A_408 = arith.constant 1 : i32
        %add3A_409 = arith.addi %mul3A_407, %add3A_408 : i32
        %dma_start3A_410 = arith.constant 1 : i32
        %dma_start3A_411 = arith.constant 0 : i32
        %dma_start3A_412 = arith.constant 0 : i32
        %dma_start3A_413 = tpu.memref_slice %arg9[%dma_start3A_410, %dma_start3A_411, %dma_start3A_412] : memref<2x128x128xf32, #tpu.memory_space<vmem>> -> memref<1x128x128xf32, #tpu.memory_space<vmem>>
        %dma_start3A_414 = tpu.memref_squeeze %dma_start3A_413 : memref<1x128x128xf32, #tpu.memory_space<vmem>> -> memref<128x128xf32, #tpu.memory_space<vmem>>
        %dma_start3A_415 = arith.constant 0 : i32
        %dma_start3A_416 = tpu.memref_slice %arg7[%add3A_409, %dma_start3A_415] : memref<16x128xi32, #tpu.memory_space<vmem>> -> memref<1x128xi32, #tpu.memory_space<vmem>>
        %dma_start3A_417 = tpu.memref_squeeze %dma_start3A_416 : memref<1x128xi32, #tpu.memory_space<vmem>> -> memref<128xi32, #tpu.memory_space<vmem>>
        %dma_start3A_418 = arith.constant 0 : i32
        %dma_start3A_419 = arith.constant 0 : i32
        %dma_start3A_420 = tpu.memref_slice %arg10[%dma_start3A_418, %dma_start3A_419] : memref<10240x128xf32, #tpu.memory_space<vmem_shared>> -> memref<10240x128xf32, #tpu.memory_space<vmem_shared>>
        tpu.enqueue_indirect_dma source(%dma_start3A_414 : memref<128x128xf32, #tpu.memory_space<vmem>>) target(%dma_start3A_420 : memref<10240x128xf32, #tpu.memory_space<vmem_shared>>) offsets(%dma_start3A_417 : memref<128xi32, #tpu.memory_space<vmem>>) semaphore(%arg14 : memref<!tpu.dma_semaphore, #tpu.memory_space<semaphore_mem>>) {add = true}
      }
      %scan3A_201 = arith.constant 8 : i32
      %dma_wait3A = arith.constant 1 : i32
      %dma_wait3A_202 = arith.constant 15 : i32
      %dma_wait3A_203 = arith.constant 0 : i32
      %dma_wait3A_204 = arith.constant 0 : i32
      %dma_wait3A_205 = tpu.memref_slice %arg9[%dma_wait3A, %dma_wait3A_203, %dma_wait3A_204] : memref<2x128x128xf32, #tpu.memory_space<vmem>> -> memref<1x128x128xf32, #tpu.memory_space<vmem>>
      %dma_wait3A_206 = tpu.memref_squeeze %dma_wait3A_205 : memref<1x128x128xf32, #tpu.memory_space<vmem>> -> memref<128x128xf32, #tpu.memory_space<vmem>>
      %dma_wait3A_207 = arith.constant 0 : i32
      %dma_wait3A_208 = tpu.memref_slice %arg7[%dma_wait3A_202, %dma_wait3A_207] : memref<16x128xi32, #tpu.memory_space<vmem>> -> memref<1x128xi32, #tpu.memory_space<vmem>>
      %dma_wait3A_209 = tpu.memref_squeeze %dma_wait3A_208 : memref<1x128xi32, #tpu.memory_space<vmem>> -> memref<128xi32, #tpu.memory_space<vmem>>
      %dma_wait3A_210 = arith.constant 0 : i32
      %dma_wait3A_211 = arith.constant 0 : i32
      %dma_wait3A_212 = tpu.memref_slice %arg10[%dma_wait3A_210, %dma_wait3A_211] : memref<10240x128xf32, #tpu.memory_space<vmem_shared>> -> memref<10240x128xf32, #tpu.memory_space<vmem_shared>>
      tpu.wait_indirect_dma semaphore(%arg14 : memref<!tpu.dma_semaphore, #tpu.memory_space<semaphore_mem>>) src(%dma_wait3A_206 : memref<128x128xf32, #tpu.memory_space<vmem>>) dst(%dma_wait3A_212 : memref<10240x128xf32, #tpu.memory_space<vmem_shared>>)
    }
    %scan3A_32 = arith.constant 10 : i32
    %barrier3A_33 = arith.constant 0 : index
    tpu.barrier barrier_id(%barrier3A_33)
    %mul3A_34 = arith.constant 640 : i32
    %mul3A_35 = arith.muli %arg1, %mul3A_34 : i32
    %add3A_36 = arith.constant 0 : i32
    %add3A_37 = arith.addi %mul3A_35, %add3A_36 : i32
    "tpu.region"() ({
      %run_scoped3A_54 = tpu.sem_alloc : memref<!tpu.dma_semaphore, #tpu.memory_space<semaphore_mem>>
      %dma_start3A = arith.constant 0 : i32
      %dma_start3A_55 = tpu.memref_slice %arg5[%arg0, %add3A_37, %dma_start3A] : memref<2x10240x128xf32, #tpu.memory_space<hbm>> -> memref<1x128x128xf32, #tpu.memory_space<hbm>>
      %dma_start3A_56 = tpu.memref_squeeze %dma_start3A_55 : memref<1x128x128xf32, #tpu.memory_space<hbm>> -> memref<128x128xf32, #tpu.memory_space<hbm>>
      %dma_start3A_57 = arith.constant 0 : i32
      %dma_start3A_58 = tpu.memref_slice %arg10[%add3A_37, %dma_start3A_57] : memref<10240x128xf32, #tpu.memory_space<vmem_shared>> -> memref<128x128xf32, #tpu.memory_space<vmem_shared>>
      tpu.enqueue_dma source(%dma_start3A_58 : memref<128x128xf32, #tpu.memory_space<vmem_shared>>) target(%dma_start3A_56 : memref<128x128xf32, #tpu.memory_space<hbm>>) target_semaphore(%run_scoped3A_54 : memref<!tpu.dma_semaphore, #tpu.memory_space<semaphore_mem>>)
      %dma_wait3A = arith.constant 0 : i32
      %dma_wait3A_59 = tpu.memref_slice %arg5[%arg0, %add3A_37, %dma_wait3A] : memref<2x10240x128xf32, #tpu.memory_space<hbm>> -> memref<1x128x128xf32, #tpu.memory_space<hbm>>
      %dma_wait3A_60 = tpu.memref_squeeze %dma_wait3A_59 : memref<1x128x128xf32, #tpu.memory_space<hbm>> -> memref<128x128xf32, #tpu.memory_space<hbm>>
      %dma_wait3A_61 = arith.constant 0 : i32
      %dma_wait3A_62 = tpu.memref_slice %arg10[%add3A_37, %dma_wait3A_61] : memref<10240x128xf32, #tpu.memory_space<vmem_shared>> -> memref<128x128xf32, #tpu.memory_space<vmem_shared>>
      tpu.wait_dma2 semaphore(%run_scoped3A_54 : memref<!tpu.dma_semaphore, #tpu.memory_space<semaphore_mem>>) src(%dma_wait3A_62 : memref<128x128xf32, #tpu.memory_space<vmem_shared>>) dst(%dma_wait3A_60 : memref<128x128xf32, #tpu.memory_space<hbm>>)
      tpu.yield
    }) : () -> ()
    %mul3A_38 = arith.constant 640 : i32
    %mul3A_39 = arith.muli %arg1, %mul3A_38 : i32
    %add3A_40 = arith.constant 128 : i32
    %add3A_41 = arith.addi %mul3A_39, %add3A_40 : i32
    "tpu.region"() ({
      %run_scoped3A_54 = tpu.sem_alloc : memref<!tpu.dma_semaphore, #tpu.memory_space<semaphore_mem>>
      %dma_start3A = arith.constant 0 : i32
      %dma_start3A_55 = tpu.memref_slice %arg5[%arg0, %add3A_41, %dma_start3A] : memref<2x10240x128xf32, #tpu.memory_space<hbm>> -> memref<1x128x128xf32, #tpu.memory_space<hbm>>
      %dma_start3A_56 = tpu.memref_squeeze %dma_start3A_55 : memref<1x128x128xf32, #tpu.memory_space<hbm>> -> memref<128x128xf32, #tpu.memory_space<hbm>>
      %dma_start3A_57 = arith.constant 0 : i32
      %dma_start3A_58 = tpu.memref_slice %arg10[%add3A_41, %dma_start3A_57] : memref<10240x128xf32, #tpu.memory_space<vmem_shared>> -> memref<128x128xf32, #tpu.memory_space<vmem_shared>>
      tpu.enqueue_dma source(%dma_start3A_58 : memref<128x128xf32, #tpu.memory_space<vmem_shared>>) target(%dma_start3A_56 : memref<128x128xf32, #tpu.memory_space<hbm>>) target_semaphore(%run_scoped3A_54 : memref<!tpu.dma_semaphore, #tpu.memory_space<semaphore_mem>>)
      %dma_wait3A = arith.constant 0 : i32
      %dma_wait3A_59 = tpu.memref_slice %arg5[%arg0, %add3A_41, %dma_wait3A] : memref<2x10240x128xf32, #tpu.memory_space<hbm>> -> memref<1x128x128xf32, #tpu.memory_space<hbm>>
      %dma_wait3A_60 = tpu.memref_squeeze %dma_wait3A_59 : memref<1x128x128xf32, #tpu.memory_space<hbm>> -> memref<128x128xf32, #tpu.memory_space<hbm>>
      %dma_wait3A_61 = arith.constant 0 : i32
      %dma_wait3A_62 = tpu.memref_slice %arg10[%add3A_41, %dma_wait3A_61] : memref<10240x128xf32, #tpu.memory_space<vmem_shared>> -> memref<128x128xf32, #tpu.memory_space<vmem_shared>>
      tpu.wait_dma2 semaphore(%run_scoped3A_54 : memref<!tpu.dma_semaphore, #tpu.memory_space<semaphore_mem>>) src(%dma_wait3A_62 : memref<128x128xf32, #tpu.memory_space<vmem_shared>>) dst(%dma_wait3A_60 : memref<128x128xf32, #tpu.memory_space<hbm>>)
      tpu.yield
    }) : () -> ()
    %mul3A_42 = arith.constant 640 : i32
    %mul3A_43 = arith.muli %arg1, %mul3A_42 : i32
    %add3A_44 = arith.constant 256 : i32
    %add3A_45 = arith.addi %mul3A_43, %add3A_44 : i32
    "tpu.region"() ({
      %run_scoped3A_54 = tpu.sem_alloc : memref<!tpu.dma_semaphore, #tpu.memory_space<semaphore_mem>>
      %dma_start3A = arith.constant 0 : i32
      %dma_start3A_55 = tpu.memref_slice %arg5[%arg0, %add3A_45, %dma_start3A] : memref<2x10240x128xf32, #tpu.memory_space<hbm>> -> memref<1x128x128xf32, #tpu.memory_space<hbm>>
      %dma_start3A_56 = tpu.memref_squeeze %dma_start3A_55 : memref<1x128x128xf32, #tpu.memory_space<hbm>> -> memref<128x128xf32, #tpu.memory_space<hbm>>
      %dma_start3A_57 = arith.constant 0 : i32
      %dma_start3A_58 = tpu.memref_slice %arg10[%add3A_45, %dma_start3A_57] : memref<10240x128xf32, #tpu.memory_space<vmem_shared>> -> memref<128x128xf32, #tpu.memory_space<vmem_shared>>
      tpu.enqueue_dma source(%dma_start3A_58 : memref<128x128xf32, #tpu.memory_space<vmem_shared>>) target(%dma_start3A_56 : memref<128x128xf32, #tpu.memory_space<hbm>>) target_semaphore(%run_scoped3A_54 : memref<!tpu.dma_semaphore, #tpu.memory_space<semaphore_mem>>)
      %dma_wait3A = arith.constant 0 : i32
      %dma_wait3A_59 = tpu.memref_slice %arg5[%arg0, %add3A_45, %dma_wait3A] : memref<2x10240x128xf32, #tpu.memory_space<hbm>> -> memref<1x128x128xf32, #tpu.memory_space<hbm>>
      %dma_wait3A_60 = tpu.memref_squeeze %dma_wait3A_59 : memref<1x128x128xf32, #tpu.memory_space<hbm>> -> memref<128x128xf32, #tpu.memory_space<hbm>>
      %dma_wait3A_61 = arith.constant 0 : i32
      %dma_wait3A_62 = tpu.memref_slice %arg10[%add3A_45, %dma_wait3A_61] : memref<10240x128xf32, #tpu.memory_space<vmem_shared>> -> memref<128x128xf32, #tpu.memory_space<vmem_shared>>
      tpu.wait_dma2 semaphore(%run_scoped3A_54 : memref<!tpu.dma_semaphore, #tpu.memory_space<semaphore_mem>>) src(%dma_wait3A_62 : memref<128x128xf32, #tpu.memory_space<vmem_shared>>) dst(%dma_wait3A_60 : memref<128x128xf32, #tpu.memory_space<hbm>>)
      tpu.yield
    }) : () -> ()
    %mul3A_46 = arith.constant 640 : i32
    %mul3A_47 = arith.muli %arg1, %mul3A_46 : i32
    %add3A_48 = arith.constant 384 : i32
    %add3A_49 = arith.addi %mul3A_47, %add3A_48 : i32
    "tpu.region"() ({
      %run_scoped3A_54 = tpu.sem_alloc : memref<!tpu.dma_semaphore, #tpu.memory_space<semaphore_mem>>
      %dma_start3A = arith.constant 0 : i32
      %dma_start3A_55 = tpu.memref_slice %arg5[%arg0, %add3A_49, %dma_start3A] : memref<2x10240x128xf32, #tpu.memory_space<hbm>> -> memref<1x128x128xf32, #tpu.memory_space<hbm>>
      %dma_start3A_56 = tpu.memref_squeeze %dma_start3A_55 : memref<1x128x128xf32, #tpu.memory_space<hbm>> -> memref<128x128xf32, #tpu.memory_space<hbm>>
      %dma_start3A_57 = arith.constant 0 : i32
      %dma_start3A_58 = tpu.memref_slice %arg10[%add3A_49, %dma_start3A_57] : memref<10240x128xf32, #tpu.memory_space<vmem_shared>> -> memref<128x128xf32, #tpu.memory_space<vmem_shared>>
      tpu.enqueue_dma source(%dma_start3A_58 : memref<128x128xf32, #tpu.memory_space<vmem_shared>>) target(%dma_start3A_56 : memref<128x128xf32, #tpu.memory_space<hbm>>) target_semaphore(%run_scoped3A_54 : memref<!tpu.dma_semaphore, #tpu.memory_space<semaphore_mem>>)
      %dma_wait3A = arith.constant 0 : i32
      %dma_wait3A_59 = tpu.memref_slice %arg5[%arg0, %add3A_49, %dma_wait3A] : memref<2x10240x128xf32, #tpu.memory_space<hbm>> -> memref<1x128x128xf32, #tpu.memory_space<hbm>>
      %dma_wait3A_60 = tpu.memref_squeeze %dma_wait3A_59 : memref<1x128x128xf32, #tpu.memory_space<hbm>> -> memref<128x128xf32, #tpu.memory_space<hbm>>
      %dma_wait3A_61 = arith.constant 0 : i32
      %dma_wait3A_62 = tpu.memref_slice %arg10[%add3A_49, %dma_wait3A_61] : memref<10240x128xf32, #tpu.memory_space<vmem_shared>> -> memref<128x128xf32, #tpu.memory_space<vmem_shared>>
      tpu.wait_dma2 semaphore(%run_scoped3A_54 : memref<!tpu.dma_semaphore, #tpu.memory_space<semaphore_mem>>) src(%dma_wait3A_62 : memref<128x128xf32, #tpu.memory_space<vmem_shared>>) dst(%dma_wait3A_60 : memref<128x128xf32, #tpu.memory_space<hbm>>)
      tpu.yield
    }) : () -> ()
    %mul3A_50 = arith.constant 640 : i32
    %mul3A_51 = arith.muli %arg1, %mul3A_50 : i32
    %add3A_52 = arith.constant 512 : i32
    %add3A_53 = arith.addi %mul3A_51, %add3A_52 : i32
    "tpu.region"() ({
      %run_scoped3A_54 = tpu.sem_alloc : memref<!tpu.dma_semaphore, #tpu.memory_space<semaphore_mem>>
      %dma_start3A = arith.constant 0 : i32
      %dma_start3A_55 = tpu.memref_slice %arg5[%arg0, %add3A_53, %dma_start3A] : memref<2x10240x128xf32, #tpu.memory_space<hbm>> -> memref<1x128x128xf32, #tpu.memory_space<hbm>>
      %dma_start3A_56 = tpu.memref_squeeze %dma_start3A_55 : memref<1x128x128xf32, #tpu.memory_space<hbm>> -> memref<128x128xf32, #tpu.memory_space<hbm>>
      %dma_start3A_57 = arith.constant 0 : i32
      %dma_start3A_58 = tpu.memref_slice %arg10[%add3A_53, %dma_start3A_57] : memref<10240x128xf32, #tpu.memory_space<vmem_shared>> -> memref<128x128xf32, #tpu.memory_space<vmem_shared>>
      tpu.enqueue_dma source(%dma_start3A_58 : memref<128x128xf32, #tpu.memory_space<vmem_shared>>) target(%dma_start3A_56 : memref<128x128xf32, #tpu.memory_space<hbm>>) target_semaphore(%run_scoped3A_54 : memref<!tpu.dma_semaphore, #tpu.memory_space<semaphore_mem>>)
      %dma_wait3A = arith.constant 0 : i32
      %dma_wait3A_59 = tpu.memref_slice %arg5[%arg0, %add3A_53, %dma_wait3A] : memref<2x10240x128xf32, #tpu.memory_space<hbm>> -> memref<1x128x128xf32, #tpu.memory_space<hbm>>
      %dma_wait3A_60 = tpu.memref_squeeze %dma_wait3A_59 : memref<1x128x128xf32, #tpu.memory_space<hbm>> -> memref<128x128xf32, #tpu.memory_space<hbm>>
      %dma_wait3A_61 = arith.constant 0 : i32
      %dma_wait3A_62 = tpu.memref_slice %arg10[%add3A_53, %dma_wait3A_61] : memref<10240x128xf32, #tpu.memory_space<vmem_shared>> -> memref<128x128xf32, #tpu.memory_space<vmem_shared>>
      tpu.wait_dma2 semaphore(%run_scoped3A_54 : memref<!tpu.dma_semaphore, #tpu.memory_space<semaphore_mem>>) src(%dma_wait3A_62 : memref<128x128xf32, #tpu.memory_space<vmem_shared>>) dst(%dma_wait3A_60 : memref<128x128xf32, #tpu.memory_space<hbm>>)
      tpu.yield
    }) : () -> ()
    return
  }
}

#map = affine_map<(d0, d1) -> (0, 0, 0, 0)>
#map1 = affine_map<(d0, d1) -> (0, 0)>
#map2 = affine_map<(d0, d1) -> (0, 0, 0)>
module attributes {stable_mosaic.version = 14 : i64} {
  func.func @_sc_prep_body(%arg0: i32, %arg1: i32, %arg2: memref<2x16x79x128xi32, #tpu.memory_space<hbm>>, %arg3: memref<16x128xi32, #tpu.memory_space<hbm>>, %arg4: memref<2x10240x128xf32, #tpu.memory_space<hbm>>, %arg5: memref<10240x128xf32, #tpu.memory_space<hbm>>, %arg6: memref<79x128xi32, #tpu.memory_space<vmem>>, %arg7: memref<1x128xi32, #tpu.memory_space<vmem>>, %arg8: memref<128x128xf32, #tpu.memory_space<vmem>>, %arg9: memref<10240x128xf32, #tpu.memory_space<vmem_shared>>) attributes {dimension_semantics = [#tpu.dimension_semantics<core_parallel>, #tpu.dimension_semantics<subcore_parallel>], iteration_bounds = array<i64: 2, 16>, scalar_prefetch = 0 : i64, scratch_operands = 4 : i64, tpu.core_type = #tpu.core_type<sc_vector_subcore>, window_params = [{transform_indices = #map}, {transform_indices = #map1}, {transform_indices = #map2}, {transform_indices = #map1}]} {
    %scan3A = arith.constant 0.000000e+00 : f32
    %scan3A_0 = arith.constant 0 : i32
    %scan3A_1 = arith.constant 128 : i32
    %scan3A_2 = arith.addi %scan3A_0, %scan3A_1 : i32
    %scan3A_3 = arith.constant 1 : i32
    scf.for %scan3A_97 = %scan3A_0 to %scan3A_2 step %scan3A_3  : i32 {
      %broadcast_in_dim3A = vector.broadcast %scan3A : f32 to vector<16xf32>
      %swap3A = arith.index_cast %scan3A_97 : i32 to index
      %swap3A_98 = arith.constant 0 : index
      %swap3A_99 = tpu.vector_load %arg8[%swap3A, %swap3A_98] {strides = array<i32>} : memref<128x128xf32, #tpu.memory_space<vmem>>, vector<1x16xf32>,
      %swap3A_100 = vector.shape_cast %swap3A_99 : vector<1x16xf32> to vector<16xf32>
      %swap3A_101 = vector.shape_cast %broadcast_in_dim3A : vector<16xf32> to vector<1x16xf32>
      tpu.vector_store %arg8[%swap3A, %swap3A_98], %swap3A_101 {strides = array<i32>} : memref<128x128xf32, #tpu.memory_space<vmem>>, vector<1x16xf32>,
      %broadcast_in_dim3A_102 = vector.broadcast %scan3A : f32 to vector<16xf32>
      %swap3A_103 = arith.index_cast %scan3A_97 : i32 to index
      %swap3A_104 = arith.constant 16 : index
      %swap3A_105 = tpu.vector_load %arg8[%swap3A_103, %swap3A_104] {strides = array<i32>} : memref<128x128xf32, #tpu.memory_space<vmem>>, vector<1x16xf32>,
      %swap3A_106 = vector.shape_cast %swap3A_105 : vector<1x16xf32> to vector<16xf32>
      %swap3A_107 = vector.shape_cast %broadcast_in_dim3A_102 : vector<16xf32> to vector<1x16xf32>
      tpu.vector_store %arg8[%swap3A_103, %swap3A_104], %swap3A_107 {strides = array<i32>} : memref<128x128xf32, #tpu.memory_space<vmem>>, vector<1x16xf32>,
      %broadcast_in_dim3A_108 = vector.broadcast %scan3A : f32 to vector<16xf32>
      %swap3A_109 = arith.index_cast %scan3A_97 : i32 to index
      %swap3A_110 = arith.constant 32 : index
      %swap3A_111 = tpu.vector_load %arg8[%swap3A_109, %swap3A_110] {strides = array<i32>} : memref<128x128xf32, #tpu.memory_space<vmem>>, vector<1x16xf32>,
      %swap3A_112 = vector.shape_cast %swap3A_111 : vector<1x16xf32> to vector<16xf32>
      %swap3A_113 = vector.shape_cast %broadcast_in_dim3A_108 : vector<16xf32> to vector<1x16xf32>
      tpu.vector_store %arg8[%swap3A_109, %swap3A_110], %swap3A_113 {strides = array<i32>} : memref<128x128xf32, #tpu.memory_space<vmem>>, vector<1x16xf32>,
      %broadcast_in_dim3A_114 = vector.broadcast %scan3A : f32 to vector<16xf32>
      %swap3A_115 = arith.index_cast %scan3A_97 : i32 to index
      %swap3A_116 = arith.constant 48 : index
      %swap3A_117 = tpu.vector_load %arg8[%swap3A_115, %swap3A_116] {strides = array<i32>} : memref<128x128xf32, #tpu.memory_space<vmem>>, vector<1x16xf32>,
      %swap3A_118 = vector.shape_cast %swap3A_117 : vector<1x16xf32> to vector<16xf32>
      %swap3A_119 = vector.shape_cast %broadcast_in_dim3A_114 : vector<16xf32> to vector<1x16xf32>
      tpu.vector_store %arg8[%swap3A_115, %swap3A_116], %swap3A_119 {strides = array<i32>} : memref<128x128xf32, #tpu.memory_space<vmem>>, vector<1x16xf32>,
      %broadcast_in_dim3A_120 = vector.broadcast %scan3A : f32 to vector<16xf32>
      %swap3A_121 = arith.index_cast %scan3A_97 : i32 to index
      %swap3A_122 = arith.constant 64 : index
      %swap3A_123 = tpu.vector_load %arg8[%swap3A_121, %swap3A_122] {strides = array<i32>} : memref<128x128xf32, #tpu.memory_space<vmem>>, vector<1x16xf32>,
      %swap3A_124 = vector.shape_cast %swap3A_123 : vector<1x16xf32> to vector<16xf32>
      %swap3A_125 = vector.shape_cast %broadcast_in_dim3A_120 : vector<16xf32> to vector<1x16xf32>
      tpu.vector_store %arg8[%swap3A_121, %swap3A_122], %swap3A_125 {strides = array<i32>} : memref<128x128xf32, #tpu.memory_space<vmem>>, vector<1x16xf32>,
      %broadcast_in_dim3A_126 = vector.broadcast %scan3A : f32 to vector<16xf32>
      %swap3A_127 = arith.index_cast %scan3A_97 : i32 to index
      %swap3A_128 = arith.constant 80 : index
      %swap3A_129 = tpu.vector_load %arg8[%swap3A_127, %swap3A_128] {strides = array<i32>} : memref<128x128xf32, #tpu.memory_space<vmem>>, vector<1x16xf32>,
      %swap3A_130 = vector.shape_cast %swap3A_129 : vector<1x16xf32> to vector<16xf32>
      %swap3A_131 = vector.shape_cast %broadcast_in_dim3A_126 : vector<16xf32> to vector<1x16xf32>
      tpu.vector_store %arg8[%swap3A_127, %swap3A_128], %swap3A_131 {strides = array<i32>} : memref<128x128xf32, #tpu.memory_space<vmem>>, vector<1x16xf32>,
      %broadcast_in_dim3A_132 = vector.broadcast %scan3A : f32 to vector<16xf32>
      %swap3A_133 = arith.index_cast %scan3A_97 : i32 to index
      %swap3A_134 = arith.constant 96 : index
      %swap3A_135 = tpu.vector_load %arg8[%swap3A_133, %swap3A_134] {strides = array<i32>} : memref<128x128xf32, #tpu.memory_space<vmem>>, vector<1x16xf32>,
      %swap3A_136 = vector.shape_cast %swap3A_135 : vector<1x16xf32> to vector<16xf32>
      %swap3A_137 = vector.shape_cast %broadcast_in_dim3A_132 : vector<16xf32> to vector<1x16xf32>
      tpu.vector_store %arg8[%swap3A_133, %swap3A_134], %swap3A_137 {strides = array<i32>} : memref<128x128xf32, #tpu.memory_space<vmem>>, vector<1x16xf32>,
      %broadcast_in_dim3A_138 = vector.broadcast %scan3A : f32 to vector<16xf32>
      %swap3A_139 = arith.index_cast %scan3A_97 : i32 to index
      %swap3A_140 = arith.constant 112 : index
      %swap3A_141 = tpu.vector_load %arg8[%swap3A_139, %swap3A_140] {strides = array<i32>} : memref<128x128xf32, #tpu.memory_space<vmem>>, vector<1x16xf32>,
      %swap3A_142 = vector.shape_cast %swap3A_141 : vector<1x16xf32> to vector<16xf32>
      %swap3A_143 = vector.shape_cast %broadcast_in_dim3A_138 : vector<16xf32> to vector<1x16xf32>
      tpu.vector_store %arg8[%swap3A_139, %swap3A_140], %swap3A_143 {strides = array<i32>} : memref<128x128xf32, #tpu.memory_space<vmem>>, vector<1x16xf32>,
    }
    %scan3A_4 = arith.constant 128 : i32
    %mul3A = arith.constant 640 : i32
    %mul3A_5 = arith.muli %arg1, %mul3A : i32
    %add3A = arith.constant 0 : i32
    %add3A_6 = arith.addi %mul3A_5, %add3A : i32
    "tpu.region"() ({
      %run_scoped3A = tpu.sem_alloc : memref<!tpu.dma_semaphore, #tpu.memory_space<semaphore_mem>>
      %dma_start3A = arith.constant 0 : i32
      %dma_start3A_97 = tpu.memref_slice %arg9[%add3A_6, %dma_start3A] : memref<10240x128xf32, #tpu.memory_space<vmem_shared>> -> memref<128x128xf32, #tpu.memory_space<vmem_shared>>
      %dma_start3A_98 = arith.constant 0 : i32
      %dma_start3A_99 = tpu.memref_slice %arg9[%add3A_6, %dma_start3A_98] : memref<10240x128xf32, #tpu.memory_space<vmem_shared>> -> memref<128x128xf32, #tpu.memory_space<vmem_shared>>
      tpu.enqueue_dma source(%arg8 : memref<128x128xf32, #tpu.memory_space<vmem>>) target(%dma_start3A_99 : memref<128x128xf32, #tpu.memory_space<vmem_shared>>) target_semaphore(%run_scoped3A : memref<!tpu.dma_semaphore, #tpu.memory_space<semaphore_mem>>)
      %dma_wait3A = arith.constant 0 : i32
      %dma_wait3A_100 = tpu.memref_slice %arg9[%add3A_6, %dma_wait3A] : memref<10240x128xf32, #tpu.memory_space<vmem_shared>> -> memref<128x128xf32, #tpu.memory_space<vmem_shared>>
      %dma_wait3A_101 = arith.constant 0 : i32
      %dma_wait3A_102 = tpu.memref_slice %arg9[%add3A_6, %dma_wait3A_101] : memref<10240x128xf32, #tpu.memory_space<vmem_shared>> -> memref<128x128xf32, #tpu.memory_space<vmem_shared>>
      tpu.wait_dma2 semaphore(%run_scoped3A : memref<!tpu.dma_semaphore, #tpu.memory_space<semaphore_mem>>) src(%arg8 : memref<128x128xf32, #tpu.memory_space<vmem>>) dst(%dma_wait3A_102 : memref<128x128xf32, #tpu.memory_space<vmem_shared>>)
      tpu.yield
    }) : () -> ()
    %mul3A_7 = arith.constant 640 : i32
    %mul3A_8 = arith.muli %arg1, %mul3A_7 : i32
    %add3A_9 = arith.constant 128 : i32
    %add3A_10 = arith.addi %mul3A_8, %add3A_9 : i32
    "tpu.region"() ({
      %run_scoped3A = tpu.sem_alloc : memref<!tpu.dma_semaphore, #tpu.memory_space<semaphore_mem>>
      %dma_start3A = arith.constant 0 : i32
      %dma_start3A_97 = tpu.memref_slice %arg9[%add3A_10, %dma_start3A] : memref<10240x128xf32, #tpu.memory_space<vmem_shared>> -> memref<128x128xf32, #tpu.memory_space<vmem_shared>>
      %dma_start3A_98 = arith.constant 0 : i32
      %dma_start3A_99 = tpu.memref_slice %arg9[%add3A_10, %dma_start3A_98] : memref<10240x128xf32, #tpu.memory_space<vmem_shared>> -> memref<128x128xf32, #tpu.memory_space<vmem_shared>>
      tpu.enqueue_dma source(%arg8 : memref<128x128xf32, #tpu.memory_space<vmem>>) target(%dma_start3A_99 : memref<128x128xf32, #tpu.memory_space<vmem_shared>>) target_semaphore(%run_scoped3A : memref<!tpu.dma_semaphore, #tpu.memory_space<semaphore_mem>>)
      %dma_wait3A = arith.constant 0 : i32
      %dma_wait3A_100 = tpu.memref_slice %arg9[%add3A_10, %dma_wait3A] : memref<10240x128xf32, #tpu.memory_space<vmem_shared>> -> memref<128x128xf32, #tpu.memory_space<vmem_shared>>
      %dma_wait3A_101 = arith.constant 0 : i32
      %dma_wait3A_102 = tpu.memref_slice %arg9[%add3A_10, %dma_wait3A_101] : memref<10240x128xf32, #tpu.memory_space<vmem_shared>> -> memref<128x128xf32, #tpu.memory_space<vmem_shared>>
      tpu.wait_dma2 semaphore(%run_scoped3A : memref<!tpu.dma_semaphore, #tpu.memory_space<semaphore_mem>>) src(%arg8 : memref<128x128xf32, #tpu.memory_space<vmem>>) dst(%dma_wait3A_102 : memref<128x128xf32, #tpu.memory_space<vmem_shared>>)
      tpu.yield
    }) : () -> ()
    %mul3A_11 = arith.constant 640 : i32
    %mul3A_12 = arith.muli %arg1, %mul3A_11 : i32
    %add3A_13 = arith.constant 256 : i32
    %add3A_14 = arith.addi %mul3A_12, %add3A_13 : i32
    "tpu.region"() ({
      %run_scoped3A = tpu.sem_alloc : memref<!tpu.dma_semaphore, #tpu.memory_space<semaphore_mem>>
      %dma_start3A = arith.constant 0 : i32
      %dma_start3A_97 = tpu.memref_slice %arg9[%add3A_14, %dma_start3A] : memref<10240x128xf32, #tpu.memory_space<vmem_shared>> -> memref<128x128xf32, #tpu.memory_space<vmem_shared>>
      %dma_start3A_98 = arith.constant 0 : i32
      %dma_start3A_99 = tpu.memref_slice %arg9[%add3A_14, %dma_start3A_98] : memref<10240x128xf32, #tpu.memory_space<vmem_shared>> -> memref<128x128xf32, #tpu.memory_space<vmem_shared>>
      tpu.enqueue_dma source(%arg8 : memref<128x128xf32, #tpu.memory_space<vmem>>) target(%dma_start3A_99 : memref<128x128xf32, #tpu.memory_space<vmem_shared>>) target_semaphore(%run_scoped3A : memref<!tpu.dma_semaphore, #tpu.memory_space<semaphore_mem>>)
      %dma_wait3A = arith.constant 0 : i32
      %dma_wait3A_100 = tpu.memref_slice %arg9[%add3A_14, %dma_wait3A] : memref<10240x128xf32, #tpu.memory_space<vmem_shared>> -> memref<128x128xf32, #tpu.memory_space<vmem_shared>>
      %dma_wait3A_101 = arith.constant 0 : i32
      %dma_wait3A_102 = tpu.memref_slice %arg9[%add3A_14, %dma_wait3A_101] : memref<10240x128xf32, #tpu.memory_space<vmem_shared>> -> memref<128x128xf32, #tpu.memory_space<vmem_shared>>
      tpu.wait_dma2 semaphore(%run_scoped3A : memref<!tpu.dma_semaphore, #tpu.memory_space<semaphore_mem>>) src(%arg8 : memref<128x128xf32, #tpu.memory_space<vmem>>) dst(%dma_wait3A_102 : memref<128x128xf32, #tpu.memory_space<vmem_shared>>)
      tpu.yield
    }) : () -> ()
    %mul3A_15 = arith.constant 640 : i32
    %mul3A_16 = arith.muli %arg1, %mul3A_15 : i32
    %add3A_17 = arith.constant 384 : i32
    %add3A_18 = arith.addi %mul3A_16, %add3A_17 : i32
    "tpu.region"() ({
      %run_scoped3A = tpu.sem_alloc : memref<!tpu.dma_semaphore, #tpu.memory_space<semaphore_mem>>
      %dma_start3A = arith.constant 0 : i32
      %dma_start3A_97 = tpu.memref_slice %arg9[%add3A_18, %dma_start3A] : memref<10240x128xf32, #tpu.memory_space<vmem_shared>> -> memref<128x128xf32, #tpu.memory_space<vmem_shared>>
      %dma_start3A_98 = arith.constant 0 : i32
      %dma_start3A_99 = tpu.memref_slice %arg9[%add3A_18, %dma_start3A_98] : memref<10240x128xf32, #tpu.memory_space<vmem_shared>> -> memref<128x128xf32, #tpu.memory_space<vmem_shared>>
      tpu.enqueue_dma source(%arg8 : memref<128x128xf32, #tpu.memory_space<vmem>>) target(%dma_start3A_99 : memref<128x128xf32, #tpu.memory_space<vmem_shared>>) target_semaphore(%run_scoped3A : memref<!tpu.dma_semaphore, #tpu.memory_space<semaphore_mem>>)
      %dma_wait3A = arith.constant 0 : i32
      %dma_wait3A_100 = tpu.memref_slice %arg9[%add3A_18, %dma_wait3A] : memref<10240x128xf32, #tpu.memory_space<vmem_shared>> -> memref<128x128xf32, #tpu.memory_space<vmem_shared>>
      %dma_wait3A_101 = arith.constant 0 : i32
      %dma_wait3A_102 = tpu.memref_slice %arg9[%add3A_18, %dma_wait3A_101] : memref<10240x128xf32, #tpu.memory_space<vmem_shared>> -> memref<128x128xf32, #tpu.memory_space<vmem_shared>>
      tpu.wait_dma2 semaphore(%run_scoped3A : memref<!tpu.dma_semaphore, #tpu.memory_space<semaphore_mem>>) src(%arg8 : memref<128x128xf32, #tpu.memory_space<vmem>>) dst(%dma_wait3A_102 : memref<128x128xf32, #tpu.memory_space<vmem_shared>>)
      tpu.yield
    }) : () -> ()
    %mul3A_19 = arith.constant 640 : i32
    %mul3A_20 = arith.muli %arg1, %mul3A_19 : i32
    %add3A_21 = arith.constant 512 : i32
    %add3A_22 = arith.addi %mul3A_20, %add3A_21 : i32
    "tpu.region"() ({
      %run_scoped3A = tpu.sem_alloc : memref<!tpu.dma_semaphore, #tpu.memory_space<semaphore_mem>>
      %dma_start3A = arith.constant 0 : i32
      %dma_start3A_97 = tpu.memref_slice %arg9[%add3A_22, %dma_start3A] : memref<10240x128xf32, #tpu.memory_space<vmem_shared>> -> memref<128x128xf32, #tpu.memory_space<vmem_shared>>
      %dma_start3A_98 = arith.constant 0 : i32
      %dma_start3A_99 = tpu.memref_slice %arg9[%add3A_22, %dma_start3A_98] : memref<10240x128xf32, #tpu.memory_space<vmem_shared>> -> memref<128x128xf32, #tpu.memory_space<vmem_shared>>
      tpu.enqueue_dma source(%arg8 : memref<128x128xf32, #tpu.memory_space<vmem>>) target(%dma_start3A_99 : memref<128x128xf32, #tpu.memory_space<vmem_shared>>) target_semaphore(%run_scoped3A : memref<!tpu.dma_semaphore, #tpu.memory_space<semaphore_mem>>)
      %dma_wait3A = arith.constant 0 : i32
      %dma_wait3A_100 = tpu.memref_slice %arg9[%add3A_22, %dma_wait3A] : memref<10240x128xf32, #tpu.memory_space<vmem_shared>> -> memref<128x128xf32, #tpu.memory_space<vmem_shared>>
      %dma_wait3A_101 = arith.constant 0 : i32
      %dma_wait3A_102 = tpu.memref_slice %arg9[%add3A_22, %dma_wait3A_101] : memref<10240x128xf32, #tpu.memory_space<vmem_shared>> -> memref<128x128xf32, #tpu.memory_space<vmem_shared>>
      tpu.wait_dma2 semaphore(%run_scoped3A : memref<!tpu.dma_semaphore, #tpu.memory_space<semaphore_mem>>) src(%arg8 : memref<128x128xf32, #tpu.memory_space<vmem>>) dst(%dma_wait3A_102 : memref<128x128xf32, #tpu.memory_space<vmem_shared>>)
      tpu.yield
    }) : () -> ()
    %scan3A_23 = arith.constant 1.000000e+00 : f32
    %scan3A_24 = arith.constant 0 : i32
    %scan3A_25 = arith.constant 128 : i32
    %scan3A_26 = arith.addi %scan3A_24, %scan3A_25 : i32
    %scan3A_27 = arith.constant 1 : i32
    scf.for %scan3A_97 = %scan3A_24 to %scan3A_26 step %scan3A_27  : i32 {
      %broadcast_in_dim3A = vector.broadcast %scan3A_23 : f32 to vector<16xf32>
      %swap3A = arith.index_cast %scan3A_97 : i32 to index
      %swap3A_98 = arith.constant 0 : index
      %swap3A_99 = tpu.vector_load %arg8[%swap3A, %swap3A_98] {strides = array<i32>} : memref<128x128xf32, #tpu.memory_space<vmem>>, vector<1x16xf32>,
      %swap3A_100 = vector.shape_cast %swap3A_99 : vector<1x16xf32> to vector<16xf32>
      %swap3A_101 = vector.shape_cast %broadcast_in_dim3A : vector<16xf32> to vector<1x16xf32>
      tpu.vector_store %arg8[%swap3A, %swap3A_98], %swap3A_101 {strides = array<i32>} : memref<128x128xf32, #tpu.memory_space<vmem>>, vector<1x16xf32>,
      %broadcast_in_dim3A_102 = vector.broadcast %scan3A_23 : f32 to vector<16xf32>
      %swap3A_103 = arith.index_cast %scan3A_97 : i32 to index
      %swap3A_104 = arith.constant 16 : index
      %swap3A_105 = tpu.vector_load %arg8[%swap3A_103, %swap3A_104] {strides = array<i32>} : memref<128x128xf32, #tpu.memory_space<vmem>>, vector<1x16xf32>,
      %swap3A_106 = vector.shape_cast %swap3A_105 : vector<1x16xf32> to vector<16xf32>
      %swap3A_107 = vector.shape_cast %broadcast_in_dim3A_102 : vector<16xf32> to vector<1x16xf32>
      tpu.vector_store %arg8[%swap3A_103, %swap3A_104], %swap3A_107 {strides = array<i32>} : memref<128x128xf32, #tpu.memory_space<vmem>>, vector<1x16xf32>,
      %broadcast_in_dim3A_108 = vector.broadcast %scan3A_23 : f32 to vector<16xf32>
      %swap3A_109 = arith.index_cast %scan3A_97 : i32 to index
      %swap3A_110 = arith.constant 32 : index
      %swap3A_111 = tpu.vector_load %arg8[%swap3A_109, %swap3A_110] {strides = array<i32>} : memref<128x128xf32, #tpu.memory_space<vmem>>, vector<1x16xf32>,
      %swap3A_112 = vector.shape_cast %swap3A_111 : vector<1x16xf32> to vector<16xf32>
      %swap3A_113 = vector.shape_cast %broadcast_in_dim3A_108 : vector<16xf32> to vector<1x16xf32>
      tpu.vector_store %arg8[%swap3A_109, %swap3A_110], %swap3A_113 {strides = array<i32>} : memref<128x128xf32, #tpu.memory_space<vmem>>, vector<1x16xf32>,
      %broadcast_in_dim3A_114 = vector.broadcast %scan3A_23 : f32 to vector<16xf32>
      %swap3A_115 = arith.index_cast %scan3A_97 : i32 to index
      %swap3A_116 = arith.constant 48 : index
      %swap3A_117 = tpu.vector_load %arg8[%swap3A_115, %swap3A_116] {strides = array<i32>} : memref<128x128xf32, #tpu.memory_space<vmem>>, vector<1x16xf32>,
      %swap3A_118 = vector.shape_cast %swap3A_117 : vector<1x16xf32> to vector<16xf32>
      %swap3A_119 = vector.shape_cast %broadcast_in_dim3A_114 : vector<16xf32> to vector<1x16xf32>
      tpu.vector_store %arg8[%swap3A_115, %swap3A_116], %swap3A_119 {strides = array<i32>} : memref<128x128xf32, #tpu.memory_space<vmem>>, vector<1x16xf32>,
      %broadcast_in_dim3A_120 = vector.broadcast %scan3A_23 : f32 to vector<16xf32>
      %swap3A_121 = arith.index_cast %scan3A_97 : i32 to index
      %swap3A_122 = arith.constant 64 : index
      %swap3A_123 = tpu.vector_load %arg8[%swap3A_121, %swap3A_122] {strides = array<i32>} : memref<128x128xf32, #tpu.memory_space<vmem>>, vector<1x16xf32>,
      %swap3A_124 = vector.shape_cast %swap3A_123 : vector<1x16xf32> to vector<16xf32>
      %swap3A_125 = vector.shape_cast %broadcast_in_dim3A_120 : vector<16xf32> to vector<1x16xf32>
      tpu.vector_store %arg8[%swap3A_121, %swap3A_122], %swap3A_125 {strides = array<i32>} : memref<128x128xf32, #tpu.memory_space<vmem>>, vector<1x16xf32>,
      %broadcast_in_dim3A_126 = vector.broadcast %scan3A_23 : f32 to vector<16xf32>
      %swap3A_127 = arith.index_cast %scan3A_97 : i32 to index
      %swap3A_128 = arith.constant 80 : index
      %swap3A_129 = tpu.vector_load %arg8[%swap3A_127, %swap3A_128] {strides = array<i32>} : memref<128x128xf32, #tpu.memory_space<vmem>>, vector<1x16xf32>,
      %swap3A_130 = vector.shape_cast %swap3A_129 : vector<1x16xf32> to vector<16xf32>
      %swap3A_131 = vector.shape_cast %broadcast_in_dim3A_126 : vector<16xf32> to vector<1x16xf32>
      tpu.vector_store %arg8[%swap3A_127, %swap3A_128], %swap3A_131 {strides = array<i32>} : memref<128x128xf32, #tpu.memory_space<vmem>>, vector<1x16xf32>,
      %broadcast_in_dim3A_132 = vector.broadcast %scan3A_23 : f32 to vector<16xf32>
      %swap3A_133 = arith.index_cast %scan3A_97 : i32 to index
      %swap3A_134 = arith.constant 96 : index
      %swap3A_135 = tpu.vector_load %arg8[%swap3A_133, %swap3A_134] {strides = array<i32>} : memref<128x128xf32, #tpu.memory_space<vmem>>, vector<1x16xf32>,
      %swap3A_136 = vector.shape_cast %swap3A_135 : vector<1x16xf32> to vector<16xf32>
      %swap3A_137 = vector.shape_cast %broadcast_in_dim3A_132 : vector<16xf32> to vector<1x16xf32>
      tpu.vector_store %arg8[%swap3A_133, %swap3A_134], %swap3A_137 {strides = array<i32>} : memref<128x128xf32, #tpu.memory_space<vmem>>, vector<1x16xf32>,
      %broadcast_in_dim3A_138 = vector.broadcast %scan3A_23 : f32 to vector<16xf32>
      %swap3A_139 = arith.index_cast %scan3A_97 : i32 to index
      %swap3A_140 = arith.constant 112 : index
      %swap3A_141 = tpu.vector_load %arg8[%swap3A_139, %swap3A_140] {strides = array<i32>} : memref<128x128xf32, #tpu.memory_space<vmem>>, vector<1x16xf32>,
      %swap3A_142 = vector.shape_cast %swap3A_141 : vector<1x16xf32> to vector<16xf32>
      %swap3A_143 = vector.shape_cast %broadcast_in_dim3A_138 : vector<16xf32> to vector<1x16xf32>
      tpu.vector_store %arg8[%swap3A_139, %swap3A_140], %swap3A_143 {strides = array<i32>} : memref<128x128xf32, #tpu.memory_space<vmem>>, vector<1x16xf32>,
    }
    %scan3A_28 = arith.constant 128 : i32
    %barrier3A = arith.constant 0 : index
    tpu.barrier barrier_id(%barrier3A)
    "tpu.region"() ({
      %run_scoped3A = tpu.sem_alloc : memref<!tpu.dma_semaphore, #tpu.memory_space<semaphore_mem>>
      %dma_start3A = arith.constant 0 : i32
      %dma_start3A_97 = arith.constant 0 : i32
      %dma_start3A_98 = tpu.memref_slice %arg2[%arg0, %arg1, %dma_start3A, %dma_start3A_97] : memref<2x16x79x128xi32, #tpu.memory_space<hbm>> -> memref<1x1x79x128xi32, #tpu.memory_space<hbm>>
      %dma_start3A_99 = tpu.memref_squeeze %dma_start3A_98 : memref<1x1x79x128xi32, #tpu.memory_space<hbm>> -> memref<79x128xi32, #tpu.memory_space<hbm>>
      %dma_start3A_100 = arith.constant 0 : i32
      %dma_start3A_101 = arith.constant 0 : i32
      %dma_start3A_102 = tpu.memref_slice %arg2[%arg0, %arg1, %dma_start3A_100, %dma_start3A_101] : memref<2x16x79x128xi32, #tpu.memory_space<hbm>> -> memref<1x1x79x128xi32, #tpu.memory_space<hbm>>
      %dma_start3A_103 = tpu.memref_squeeze %dma_start3A_102 : memref<1x1x79x128xi32, #tpu.memory_space<hbm>> -> memref<79x128xi32, #tpu.memory_space<hbm>>
      tpu.enqueue_dma source(%dma_start3A_103 : memref<79x128xi32, #tpu.memory_space<hbm>>) target(%arg6 : memref<79x128xi32, #tpu.memory_space<vmem>>) target_semaphore(%run_scoped3A : memref<!tpu.dma_semaphore, #tpu.memory_space<semaphore_mem>>)
      %dma_wait3A = arith.constant 0 : i32
      %dma_wait3A_104 = arith.constant 0 : i32
      %dma_wait3A_105 = tpu.memref_slice %arg2[%arg0, %arg1, %dma_wait3A, %dma_wait3A_104] : memref<2x16x79x128xi32, #tpu.memory_space<hbm>> -> memref<1x1x79x128xi32, #tpu.memory_space<hbm>>
      %dma_wait3A_106 = tpu.memref_squeeze %dma_wait3A_105 : memref<1x1x79x128xi32, #tpu.memory_space<hbm>> -> memref<79x128xi32, #tpu.memory_space<hbm>>
      %dma_wait3A_107 = arith.constant 0 : i32
      %dma_wait3A_108 = arith.constant 0 : i32
      %dma_wait3A_109 = tpu.memref_slice %arg2[%arg0, %arg1, %dma_wait3A_107, %dma_wait3A_108] : memref<2x16x79x128xi32, #tpu.memory_space<hbm>> -> memref<1x1x79x128xi32, #tpu.memory_space<hbm>>
      %dma_wait3A_110 = tpu.memref_squeeze %dma_wait3A_109 : memref<1x1x79x128xi32, #tpu.memory_space<hbm>> -> memref<79x128xi32, #tpu.memory_space<hbm>>
      tpu.wait_dma2 semaphore(%run_scoped3A : memref<!tpu.dma_semaphore, #tpu.memory_space<semaphore_mem>>) src(%dma_wait3A_110 : memref<79x128xi32, #tpu.memory_space<hbm>>) dst(%arg6 : memref<79x128xi32, #tpu.memory_space<vmem>>)
      tpu.yield
    }) : () -> ()
    %scan3A_29 = arith.constant 0 : i32
    %scan3A_30 = arith.constant 0 : i32
    %scan3A_31 = arith.constant 79 : i32
    %scan3A_32 = arith.addi %scan3A_30, %scan3A_31 : i32
    %scan3A_33 = arith.constant 1 : i32
    scf.for %scan3A_97 = %scan3A_30 to %scan3A_32 step %scan3A_33  : i32 {
      "tpu.region"() ({
        %run_scoped3A = tpu.sem_alloc : memref<!tpu.dma_semaphore, #tpu.memory_space<semaphore_mem>>
        %dma_start3A = arith.constant 0 : i32
        %dma_start3A_98 = tpu.memref_slice %arg6[%scan3A_97, %dma_start3A] : memref<79x128xi32, #tpu.memory_space<vmem>> -> memref<1x128xi32, #tpu.memory_space<vmem>>
        %dma_start3A_99 = tpu.memref_squeeze %dma_start3A_98 : memref<1x128xi32, #tpu.memory_space<vmem>> -> memref<128xi32, #tpu.memory_space<vmem>>
        %dma_start3A_100 = arith.constant 0 : i32
        %dma_start3A_101 = arith.constant 0 : i32
        %dma_start3A_102 = tpu.memref_slice %arg9[%dma_start3A_100, %dma_start3A_101] : memref<10240x128xf32, #tpu.memory_space<vmem_shared>> -> memref<10240x128xf32, #tpu.memory_space<vmem_shared>>
        tpu.enqueue_indirect_dma source(%arg8 : memref<128x128xf32, #tpu.memory_space<vmem>>) target(%dma_start3A_102 : memref<10240x128xf32, #tpu.memory_space<vmem_shared>>) offsets(%dma_start3A_99 : memref<128xi32, #tpu.memory_space<vmem>>) semaphore(%run_scoped3A : memref<!tpu.dma_semaphore, #tpu.memory_space<semaphore_mem>>) {add = true}
        %dma_wait3A = arith.constant 0 : i32
        %dma_wait3A_103 = tpu.memref_slice %arg6[%scan3A_97, %dma_wait3A] : memref<79x128xi32, #tpu.memory_space<vmem>> -> memref<1x128xi32, #tpu.memory_space<vmem>>
        %dma_wait3A_104 = tpu.memref_squeeze %dma_wait3A_103 : memref<1x128xi32, #tpu.memory_space<vmem>> -> memref<128xi32, #tpu.memory_space<vmem>>
        %dma_wait3A_105 = arith.constant 0 : i32
        %dma_wait3A_106 = arith.constant 0 : i32
        %dma_wait3A_107 = tpu.memref_slice %arg9[%dma_wait3A_105, %dma_wait3A_106] : memref<10240x128xf32, #tpu.memory_space<vmem_shared>> -> memref<10240x128xf32, #tpu.memory_space<vmem_shared>>
        tpu.wait_indirect_dma semaphore(%run_scoped3A : memref<!tpu.dma_semaphore, #tpu.memory_space<semaphore_mem>>) src(%arg8 : memref<128x128xf32, #tpu.memory_space<vmem>>) dst(%dma_wait3A_107 : memref<10240x128xf32, #tpu.memory_space<vmem_shared>>)
        tpu.yield
      }) : () -> ()
    }
    %scan3A_34 = arith.constant 79 : i32
    %barrier3A_35 = arith.constant 0 : index
    tpu.barrier barrier_id(%barrier3A_35)
    %mul3A_36 = arith.constant 640 : i32
    %mul3A_37 = arith.muli %arg1, %mul3A_36 : i32
    %add3A_38 = arith.constant 0 : i32
    %add3A_39 = arith.addi %mul3A_37, %add3A_38 : i32
    "tpu.region"() ({
      %run_scoped3A = tpu.sem_alloc : memref<!tpu.dma_semaphore, #tpu.memory_space<semaphore_mem>>
      %dma_start3A = arith.constant 0 : i32
      %dma_start3A_97 = tpu.memref_slice %arg4[%arg0, %add3A_39, %dma_start3A] : memref<2x10240x128xf32, #tpu.memory_space<hbm>> -> memref<1x128x128xf32, #tpu.memory_space<hbm>>
      %dma_start3A_98 = tpu.memref_squeeze %dma_start3A_97 : memref<1x128x128xf32, #tpu.memory_space<hbm>> -> memref<128x128xf32, #tpu.memory_space<hbm>>
      %dma_start3A_99 = arith.constant 0 : i32
      %dma_start3A_100 = tpu.memref_slice %arg9[%add3A_39, %dma_start3A_99] : memref<10240x128xf32, #tpu.memory_space<vmem_shared>> -> memref<128x128xf32, #tpu.memory_space<vmem_shared>>
      tpu.enqueue_dma source(%dma_start3A_100 : memref<128x128xf32, #tpu.memory_space<vmem_shared>>) target(%dma_start3A_98 : memref<128x128xf32, #tpu.memory_space<hbm>>) target_semaphore(%run_scoped3A : memref<!tpu.dma_semaphore, #tpu.memory_space<semaphore_mem>>)
      %dma_wait3A = arith.constant 0 : i32
      %dma_wait3A_101 = tpu.memref_slice %arg4[%arg0, %add3A_39, %dma_wait3A] : memref<2x10240x128xf32, #tpu.memory_space<hbm>> -> memref<1x128x128xf32, #tpu.memory_space<hbm>>
      %dma_wait3A_102 = tpu.memref_squeeze %dma_wait3A_101 : memref<1x128x128xf32, #tpu.memory_space<hbm>> -> memref<128x128xf32, #tpu.memory_space<hbm>>
      %dma_wait3A_103 = arith.constant 0 : i32
      %dma_wait3A_104 = tpu.memref_slice %arg9[%add3A_39, %dma_wait3A_103] : memref<10240x128xf32, #tpu.memory_space<vmem_shared>> -> memref<128x128xf32, #tpu.memory_space<vmem_shared>>
      tpu.wait_dma2 semaphore(%run_scoped3A : memref<!tpu.dma_semaphore, #tpu.memory_space<semaphore_mem>>) src(%dma_wait3A_104 : memref<128x128xf32, #tpu.memory_space<vmem_shared>>) dst(%dma_wait3A_102 : memref<128x128xf32, #tpu.memory_space<hbm>>)
      tpu.yield
    }) : () -> ()
    %mul3A_40 = arith.constant 640 : i32
    %mul3A_41 = arith.muli %arg1, %mul3A_40 : i32
    %add3A_42 = arith.constant 128 : i32
    %add3A_43 = arith.addi %mul3A_41, %add3A_42 : i32
    "tpu.region"() ({
      %run_scoped3A = tpu.sem_alloc : memref<!tpu.dma_semaphore, #tpu.memory_space<semaphore_mem>>
      %dma_start3A = arith.constant 0 : i32
      %dma_start3A_97 = tpu.memref_slice %arg4[%arg0, %add3A_43, %dma_start3A] : memref<2x10240x128xf32, #tpu.memory_space<hbm>> -> memref<1x128x128xf32, #tpu.memory_space<hbm>>
      %dma_start3A_98 = tpu.memref_squeeze %dma_start3A_97 : memref<1x128x128xf32, #tpu.memory_space<hbm>> -> memref<128x128xf32, #tpu.memory_space<hbm>>
      %dma_start3A_99 = arith.constant 0 : i32
      %dma_start3A_100 = tpu.memref_slice %arg9[%add3A_43, %dma_start3A_99] : memref<10240x128xf32, #tpu.memory_space<vmem_shared>> -> memref<128x128xf32, #tpu.memory_space<vmem_shared>>
      tpu.enqueue_dma source(%dma_start3A_100 : memref<128x128xf32, #tpu.memory_space<vmem_shared>>) target(%dma_start3A_98 : memref<128x128xf32, #tpu.memory_space<hbm>>) target_semaphore(%run_scoped3A : memref<!tpu.dma_semaphore, #tpu.memory_space<semaphore_mem>>)
      %dma_wait3A = arith.constant 0 : i32
      %dma_wait3A_101 = tpu.memref_slice %arg4[%arg0, %add3A_43, %dma_wait3A] : memref<2x10240x128xf32, #tpu.memory_space<hbm>> -> memref<1x128x128xf32, #tpu.memory_space<hbm>>
      %dma_wait3A_102 = tpu.memref_squeeze %dma_wait3A_101 : memref<1x128x128xf32, #tpu.memory_space<hbm>> -> memref<128x128xf32, #tpu.memory_space<hbm>>
      %dma_wait3A_103 = arith.constant 0 : i32
      %dma_wait3A_104 = tpu.memref_slice %arg9[%add3A_43, %dma_wait3A_103] : memref<10240x128xf32, #tpu.memory_space<vmem_shared>> -> memref<128x128xf32, #tpu.memory_space<vmem_shared>>
      tpu.wait_dma2 semaphore(%run_scoped3A : memref<!tpu.dma_semaphore, #tpu.memory_space<semaphore_mem>>) src(%dma_wait3A_104 : memref<128x128xf32, #tpu.memory_space<vmem_shared>>) dst(%dma_wait3A_102 : memref<128x128xf32, #tpu.memory_space<hbm>>)
      tpu.yield
    }) : () -> ()
    %mul3A_44 = arith.constant 640 : i32
    %mul3A_45 = arith.muli %arg1, %mul3A_44 : i32
    %add3A_46 = arith.constant 256 : i32
    %add3A_47 = arith.addi %mul3A_45, %add3A_46 : i32
    "tpu.region"() ({
      %run_scoped3A = tpu.sem_alloc : memref<!tpu.dma_semaphore, #tpu.memory_space<semaphore_mem>>
      %dma_start3A = arith.constant 0 : i32
      %dma_start3A_97 = tpu.memref_slice %arg4[%arg0, %add3A_47, %dma_start3A] : memref<2x10240x128xf32, #tpu.memory_space<hbm>> -> memref<1x128x128xf32, #tpu.memory_space<hbm>>
      %dma_start3A_98 = tpu.memref_squeeze %dma_start3A_97 : memref<1x128x128xf32, #tpu.memory_space<hbm>> -> memref<128x128xf32, #tpu.memory_space<hbm>>
      %dma_start3A_99 = arith.constant 0 : i32
      %dma_start3A_100 = tpu.memref_slice %arg9[%add3A_47, %dma_start3A_99] : memref<10240x128xf32, #tpu.memory_space<vmem_shared>> -> memref<128x128xf32, #tpu.memory_space<vmem_shared>>
      tpu.enqueue_dma source(%dma_start3A_100 : memref<128x128xf32, #tpu.memory_space<vmem_shared>>) target(%dma_start3A_98 : memref<128x128xf32, #tpu.memory_space<hbm>>) target_semaphore(%run_scoped3A : memref<!tpu.dma_semaphore, #tpu.memory_space<semaphore_mem>>)
      %dma_wait3A = arith.constant 0 : i32
      %dma_wait3A_101 = tpu.memref_slice %arg4[%arg0, %add3A_47, %dma_wait3A] : memref<2x10240x128xf32, #tpu.memory_space<hbm>> -> memref<1x128x128xf32, #tpu.memory_space<hbm>>
      %dma_wait3A_102 = tpu.memref_squeeze %dma_wait3A_101 : memref<1x128x128xf32, #tpu.memory_space<hbm>> -> memref<128x128xf32, #tpu.memory_space<hbm>>
      %dma_wait3A_103 = arith.constant 0 : i32
      %dma_wait3A_104 = tpu.memref_slice %arg9[%add3A_47, %dma_wait3A_103] : memref<10240x128xf32, #tpu.memory_space<vmem_shared>> -> memref<128x128xf32, #tpu.memory_space<vmem_shared>>
      tpu.wait_dma2 semaphore(%run_scoped3A : memref<!tpu.dma_semaphore, #tpu.memory_space<semaphore_mem>>) src(%dma_wait3A_104 : memref<128x128xf32, #tpu.memory_space<vmem_shared>>) dst(%dma_wait3A_102 : memref<128x128xf32, #tpu.memory_space<hbm>>)
      tpu.yield
    }) : () -> ()
    %mul3A_48 = arith.constant 640 : i32
    %mul3A_49 = arith.muli %arg1, %mul3A_48 : i32
    %add3A_50 = arith.constant 384 : i32
    %add3A_51 = arith.addi %mul3A_49, %add3A_50 : i32
    "tpu.region"() ({
      %run_scoped3A = tpu.sem_alloc : memref<!tpu.dma_semaphore, #tpu.memory_space<semaphore_mem>>
      %dma_start3A = arith.constant 0 : i32
      %dma_start3A_97 = tpu.memref_slice %arg4[%arg0, %add3A_51, %dma_start3A] : memref<2x10240x128xf32, #tpu.memory_space<hbm>> -> memref<1x128x128xf32, #tpu.memory_space<hbm>>
      %dma_start3A_98 = tpu.memref_squeeze %dma_start3A_97 : memref<1x128x128xf32, #tpu.memory_space<hbm>> -> memref<128x128xf32, #tpu.memory_space<hbm>>
      %dma_start3A_99 = arith.constant 0 : i32
      %dma_start3A_100 = tpu.memref_slice %arg9[%add3A_51, %dma_start3A_99] : memref<10240x128xf32, #tpu.memory_space<vmem_shared>> -> memref<128x128xf32, #tpu.memory_space<vmem_shared>>
      tpu.enqueue_dma source(%dma_start3A_100 : memref<128x128xf32, #tpu.memory_space<vmem_shared>>) target(%dma_start3A_98 : memref<128x128xf32, #tpu.memory_space<hbm>>) target_semaphore(%run_scoped3A : memref<!tpu.dma_semaphore, #tpu.memory_space<semaphore_mem>>)
      %dma_wait3A = arith.constant 0 : i32
      %dma_wait3A_101 = tpu.memref_slice %arg4[%arg0, %add3A_51, %dma_wait3A] : memref<2x10240x128xf32, #tpu.memory_space<hbm>> -> memref<1x128x128xf32, #tpu.memory_space<hbm>>
      %dma_wait3A_102 = tpu.memref_squeeze %dma_wait3A_101 : memref<1x128x128xf32, #tpu.memory_space<hbm>> -> memref<128x128xf32, #tpu.memory_space<hbm>>
      %dma_wait3A_103 = arith.constant 0 : i32
      %dma_wait3A_104 = tpu.memref_slice %arg9[%add3A_51, %dma_wait3A_103] : memref<10240x128xf32, #tpu.memory_space<vmem_shared>> -> memref<128x128xf32, #tpu.memory_space<vmem_shared>>
      tpu.wait_dma2 semaphore(%run_scoped3A : memref<!tpu.dma_semaphore, #tpu.memory_space<semaphore_mem>>) src(%dma_wait3A_104 : memref<128x128xf32, #tpu.memory_space<vmem_shared>>) dst(%dma_wait3A_102 : memref<128x128xf32, #tpu.memory_space<hbm>>)
      tpu.yield
    }) : () -> ()
    %mul3A_52 = arith.constant 640 : i32
    %mul3A_53 = arith.muli %arg1, %mul3A_52 : i32
    %add3A_54 = arith.constant 512 : i32
    %add3A_55 = arith.addi %mul3A_53, %add3A_54 : i32
    "tpu.region"() ({
      %run_scoped3A = tpu.sem_alloc : memref<!tpu.dma_semaphore, #tpu.memory_space<semaphore_mem>>
      %dma_start3A = arith.constant 0 : i32
      %dma_start3A_97 = tpu.memref_slice %arg4[%arg0, %add3A_55, %dma_start3A] : memref<2x10240x128xf32, #tpu.memory_space<hbm>> -> memref<1x128x128xf32, #tpu.memory_space<hbm>>
      %dma_start3A_98 = tpu.memref_squeeze %dma_start3A_97 : memref<1x128x128xf32, #tpu.memory_space<hbm>> -> memref<128x128xf32, #tpu.memory_space<hbm>>
      %dma_start3A_99 = arith.constant 0 : i32
      %dma_start3A_100 = tpu.memref_slice %arg9[%add3A_55, %dma_start3A_99] : memref<10240x128xf32, #tpu.memory_space<vmem_shared>> -> memref<128x128xf32, #tpu.memory_space<vmem_shared>>
      tpu.enqueue_dma source(%dma_start3A_100 : memref<128x128xf32, #tpu.memory_space<vmem_shared>>) target(%dma_start3A_98 : memref<128x128xf32, #tpu.memory_space<hbm>>) target_semaphore(%run_scoped3A : memref<!tpu.dma_semaphore, #tpu.memory_space<semaphore_mem>>)
      %dma_wait3A = arith.constant 0 : i32
      %dma_wait3A_101 = tpu.memref_slice %arg4[%arg0, %add3A_55, %dma_wait3A] : memref<2x10240x128xf32, #tpu.memory_space<hbm>> -> memref<1x128x128xf32, #tpu.memory_space<hbm>>
      %dma_wait3A_102 = tpu.memref_squeeze %dma_wait3A_101 : memref<1x128x128xf32, #tpu.memory_space<hbm>> -> memref<128x128xf32, #tpu.memory_space<hbm>>
      %dma_wait3A_103 = arith.constant 0 : i32
      %dma_wait3A_104 = tpu.memref_slice %arg9[%add3A_55, %dma_wait3A_103] : memref<10240x128xf32, #tpu.memory_space<vmem_shared>> -> memref<128x128xf32, #tpu.memory_space<vmem_shared>>
      tpu.wait_dma2 semaphore(%run_scoped3A : memref<!tpu.dma_semaphore, #tpu.memory_space<semaphore_mem>>) src(%dma_wait3A_104 : memref<128x128xf32, #tpu.memory_space<vmem_shared>>) dst(%dma_wait3A_102 : memref<128x128xf32, #tpu.memory_space<hbm>>)
      tpu.yield
    }) : () -> ()
    %scan3A_56 = arith.constant 0.000000e+00 : f32
    %scan3A_57 = arith.constant 0 : i32
    %scan3A_58 = arith.constant 128 : i32
    %scan3A_59 = arith.addi %scan3A_57, %scan3A_58 : i32
    %scan3A_60 = arith.constant 1 : i32
    scf.for %scan3A_97 = %scan3A_57 to %scan3A_59 step %scan3A_60  : i32 {
      %broadcast_in_dim3A = vector.broadcast %scan3A_56 : f32 to vector<16xf32>
      %swap3A = arith.index_cast %scan3A_97 : i32 to index
      %swap3A_98 = arith.constant 0 : index
      %swap3A_99 = tpu.vector_load %arg8[%swap3A, %swap3A_98] {strides = array<i32>} : memref<128x128xf32, #tpu.memory_space<vmem>>, vector<1x16xf32>,
      %swap3A_100 = vector.shape_cast %swap3A_99 : vector<1x16xf32> to vector<16xf32>
      %swap3A_101 = vector.shape_cast %broadcast_in_dim3A : vector<16xf32> to vector<1x16xf32>
      tpu.vector_store %arg8[%swap3A, %swap3A_98], %swap3A_101 {strides = array<i32>} : memref<128x128xf32, #tpu.memory_space<vmem>>, vector<1x16xf32>,
      %broadcast_in_dim3A_102 = vector.broadcast %scan3A_56 : f32 to vector<16xf32>
      %swap3A_103 = arith.index_cast %scan3A_97 : i32 to index
      %swap3A_104 = arith.constant 16 : index
      %swap3A_105 = tpu.vector_load %arg8[%swap3A_103, %swap3A_104] {strides = array<i32>} : memref<128x128xf32, #tpu.memory_space<vmem>>, vector<1x16xf32>,
      %swap3A_106 = vector.shape_cast %swap3A_105 : vector<1x16xf32> to vector<16xf32>
      %swap3A_107 = vector.shape_cast %broadcast_in_dim3A_102 : vector<16xf32> to vector<1x16xf32>
      tpu.vector_store %arg8[%swap3A_103, %swap3A_104], %swap3A_107 {strides = array<i32>} : memref<128x128xf32, #tpu.memory_space<vmem>>, vector<1x16xf32>,
      %broadcast_in_dim3A_108 = vector.broadcast %scan3A_56 : f32 to vector<16xf32>
      %swap3A_109 = arith.index_cast %scan3A_97 : i32 to index
      %swap3A_110 = arith.constant 32 : index
      %swap3A_111 = tpu.vector_load %arg8[%swap3A_109, %swap3A_110] {strides = array<i32>} : memref<128x128xf32, #tpu.memory_space<vmem>>, vector<1x16xf32>,
      %swap3A_112 = vector.shape_cast %swap3A_111 : vector<1x16xf32> to vector<16xf32>
      %swap3A_113 = vector.shape_cast %broadcast_in_dim3A_108 : vector<16xf32> to vector<1x16xf32>
      tpu.vector_store %arg8[%swap3A_109, %swap3A_110], %swap3A_113 {strides = array<i32>} : memref<128x128xf32, #tpu.memory_space<vmem>>, vector<1x16xf32>,
      %broadcast_in_dim3A_114 = vector.broadcast %scan3A_56 : f32 to vector<16xf32>
      %swap3A_115 = arith.index_cast %scan3A_97 : i32 to index
      %swap3A_116 = arith.constant 48 : index
      %swap3A_117 = tpu.vector_load %arg8[%swap3A_115, %swap3A_116] {strides = array<i32>} : memref<128x128xf32, #tpu.memory_space<vmem>>, vector<1x16xf32>,
      %swap3A_118 = vector.shape_cast %swap3A_117 : vector<1x16xf32> to vector<16xf32>
      %swap3A_119 = vector.shape_cast %broadcast_in_dim3A_114 : vector<16xf32> to vector<1x16xf32>
      tpu.vector_store %arg8[%swap3A_115, %swap3A_116], %swap3A_119 {strides = array<i32>} : memref<128x128xf32, #tpu.memory_space<vmem>>, vector<1x16xf32>,
      %broadcast_in_dim3A_120 = vector.broadcast %scan3A_56 : f32 to vector<16xf32>
      %swap3A_121 = arith.index_cast %scan3A_97 : i32 to index
      %swap3A_122 = arith.constant 64 : index
      %swap3A_123 = tpu.vector_load %arg8[%swap3A_121, %swap3A_122] {strides = array<i32>} : memref<128x128xf32, #tpu.memory_space<vmem>>, vector<1x16xf32>,
      %swap3A_124 = vector.shape_cast %swap3A_123 : vector<1x16xf32> to vector<16xf32>
      %swap3A_125 = vector.shape_cast %broadcast_in_dim3A_120 : vector<16xf32> to vector<1x16xf32>
      tpu.vector_store %arg8[%swap3A_121, %swap3A_122], %swap3A_125 {strides = array<i32>} : memref<128x128xf32, #tpu.memory_space<vmem>>, vector<1x16xf32>,
      %broadcast_in_dim3A_126 = vector.broadcast %scan3A_56 : f32 to vector<16xf32>
      %swap3A_127 = arith.index_cast %scan3A_97 : i32 to index
      %swap3A_128 = arith.constant 80 : index
      %swap3A_129 = tpu.vector_load %arg8[%swap3A_127, %swap3A_128] {strides = array<i32>} : memref<128x128xf32, #tpu.memory_space<vmem>>, vector<1x16xf32>,
      %swap3A_130 = vector.shape_cast %swap3A_129 : vector<1x16xf32> to vector<16xf32>
      %swap3A_131 = vector.shape_cast %broadcast_in_dim3A_126 : vector<16xf32> to vector<1x16xf32>
      tpu.vector_store %arg8[%swap3A_127, %swap3A_128], %swap3A_131 {strides = array<i32>} : memref<128x128xf32, #tpu.memory_space<vmem>>, vector<1x16xf32>,
      %broadcast_in_dim3A_132 = vector.broadcast %scan3A_56 : f32 to vector<16xf32>
      %swap3A_133 = arith.index_cast %scan3A_97 : i32 to index
      %swap3A_134 = arith.constant 96 : index
      %swap3A_135 = tpu.vector_load %arg8[%swap3A_133, %swap3A_134] {strides = array<i32>} : memref<128x128xf32, #tpu.memory_space<vmem>>, vector<1x16xf32>,
      %swap3A_136 = vector.shape_cast %swap3A_135 : vector<1x16xf32> to vector<16xf32>
      %swap3A_137 = vector.shape_cast %broadcast_in_dim3A_132 : vector<16xf32> to vector<1x16xf32>
      tpu.vector_store %arg8[%swap3A_133, %swap3A_134], %swap3A_137 {strides = array<i32>} : memref<128x128xf32, #tpu.memory_space<vmem>>, vector<1x16xf32>,
      %broadcast_in_dim3A_138 = vector.broadcast %scan3A_56 : f32 to vector<16xf32>
      %swap3A_139 = arith.index_cast %scan3A_97 : i32 to index
      %swap3A_140 = arith.constant 112 : index
      %swap3A_141 = tpu.vector_load %arg8[%swap3A_139, %swap3A_140] {strides = array<i32>} : memref<128x128xf32, #tpu.memory_space<vmem>>, vector<1x16xf32>,
      %swap3A_142 = vector.shape_cast %swap3A_141 : vector<1x16xf32> to vector<16xf32>
      %swap3A_143 = vector.shape_cast %broadcast_in_dim3A_138 : vector<16xf32> to vector<1x16xf32>
      tpu.vector_store %arg8[%swap3A_139, %swap3A_140], %swap3A_143 {strides = array<i32>} : memref<128x128xf32, #tpu.memory_space<vmem>>, vector<1x16xf32>,
    }
    %scan3A_61 = arith.constant 128 : i32
    %mul3A_62 = arith.constant 640 : i32
    %mul3A_63 = arith.muli %arg1, %mul3A_62 : i32
    %add3A_64 = arith.constant 0 : i32
    %add3A_65 = arith.addi %mul3A_63, %add3A_64 : i32
    "tpu.region"() ({
      %run_scoped3A = tpu.sem_alloc : memref<!tpu.dma_semaphore, #tpu.memory_space<semaphore_mem>>
      %dma_start3A = arith.constant 0 : i32
      %dma_start3A_97 = tpu.memref_slice %arg9[%add3A_65, %dma_start3A] : memref<10240x128xf32, #tpu.memory_space<vmem_shared>> -> memref<128x128xf32, #tpu.memory_space<vmem_shared>>
      %dma_start3A_98 = arith.constant 0 : i32
      %dma_start3A_99 = tpu.memref_slice %arg9[%add3A_65, %dma_start3A_98] : memref<10240x128xf32, #tpu.memory_space<vmem_shared>> -> memref<128x128xf32, #tpu.memory_space<vmem_shared>>
      tpu.enqueue_dma source(%arg8 : memref<128x128xf32, #tpu.memory_space<vmem>>) target(%dma_start3A_99 : memref<128x128xf32, #tpu.memory_space<vmem_shared>>) target_semaphore(%run_scoped3A : memref<!tpu.dma_semaphore, #tpu.memory_space<semaphore_mem>>)
      %dma_wait3A = arith.constant 0 : i32
      %dma_wait3A_100 = tpu.memref_slice %arg9[%add3A_65, %dma_wait3A] : memref<10240x128xf32, #tpu.memory_space<vmem_shared>> -> memref<128x128xf32, #tpu.memory_space<vmem_shared>>
      %dma_wait3A_101 = arith.constant 0 : i32
      %dma_wait3A_102 = tpu.memref_slice %arg9[%add3A_65, %dma_wait3A_101] : memref<10240x128xf32, #tpu.memory_space<vmem_shared>> -> memref<128x128xf32, #tpu.memory_space<vmem_shared>>
      tpu.wait_dma2 semaphore(%run_scoped3A : memref<!tpu.dma_semaphore, #tpu.memory_space<semaphore_mem>>) src(%arg8 : memref<128x128xf32, #tpu.memory_space<vmem>>) dst(%dma_wait3A_102 : memref<128x128xf32, #tpu.memory_space<vmem_shared>>)
      tpu.yield
    }) : () -> ()
    %mul3A_66 = arith.constant 640 : i32
    %mul3A_67 = arith.muli %arg1, %mul3A_66 : i32
    %add3A_68 = arith.constant 128 : i32
    %add3A_69 = arith.addi %mul3A_67, %add3A_68 : i32
    "tpu.region"() ({
      %run_scoped3A = tpu.sem_alloc : memref<!tpu.dma_semaphore, #tpu.memory_space<semaphore_mem>>
      %dma_start3A = arith.constant 0 : i32
      %dma_start3A_97 = tpu.memref_slice %arg9[%add3A_69, %dma_start3A] : memref<10240x128xf32, #tpu.memory_space<vmem_shared>> -> memref<128x128xf32, #tpu.memory_space<vmem_shared>>
      %dma_start3A_98 = arith.constant 0 : i32
      %dma_start3A_99 = tpu.memref_slice %arg9[%add3A_69, %dma_start3A_98] : memref<10240x128xf32, #tpu.memory_space<vmem_shared>> -> memref<128x128xf32, #tpu.memory_space<vmem_shared>>
      tpu.enqueue_dma source(%arg8 : memref<128x128xf32, #tpu.memory_space<vmem>>) target(%dma_start3A_99 : memref<128x128xf32, #tpu.memory_space<vmem_shared>>) target_semaphore(%run_scoped3A : memref<!tpu.dma_semaphore, #tpu.memory_space<semaphore_mem>>)
      %dma_wait3A = arith.constant 0 : i32
      %dma_wait3A_100 = tpu.memref_slice %arg9[%add3A_69, %dma_wait3A] : memref<10240x128xf32, #tpu.memory_space<vmem_shared>> -> memref<128x128xf32, #tpu.memory_space<vmem_shared>>
      %dma_wait3A_101 = arith.constant 0 : i32
      %dma_wait3A_102 = tpu.memref_slice %arg9[%add3A_69, %dma_wait3A_101] : memref<10240x128xf32, #tpu.memory_space<vmem_shared>> -> memref<128x128xf32, #tpu.memory_space<vmem_shared>>
      tpu.wait_dma2 semaphore(%run_scoped3A : memref<!tpu.dma_semaphore, #tpu.memory_space<semaphore_mem>>) src(%arg8 : memref<128x128xf32, #tpu.memory_space<vmem>>) dst(%dma_wait3A_102 : memref<128x128xf32, #tpu.memory_space<vmem_shared>>)
      tpu.yield
    }) : () -> ()
    %mul3A_70 = arith.constant 640 : i32
    %mul3A_71 = arith.muli %arg1, %mul3A_70 : i32
    %add3A_72 = arith.constant 256 : i32
    %add3A_73 = arith.addi %mul3A_71, %add3A_72 : i32
    "tpu.region"() ({
      %run_scoped3A = tpu.sem_alloc : memref<!tpu.dma_semaphore, #tpu.memory_space<semaphore_mem>>
      %dma_start3A = arith.constant 0 : i32
      %dma_start3A_97 = tpu.memref_slice %arg9[%add3A_73, %dma_start3A] : memref<10240x128xf32, #tpu.memory_space<vmem_shared>> -> memref<128x128xf32, #tpu.memory_space<vmem_shared>>
      %dma_start3A_98 = arith.constant 0 : i32
      %dma_start3A_99 = tpu.memref_slice %arg9[%add3A_73, %dma_start3A_98] : memref<10240x128xf32, #tpu.memory_space<vmem_shared>> -> memref<128x128xf32, #tpu.memory_space<vmem_shared>>
      tpu.enqueue_dma source(%arg8 : memref<128x128xf32, #tpu.memory_space<vmem>>) target(%dma_start3A_99 : memref<128x128xf32, #tpu.memory_space<vmem_shared>>) target_semaphore(%run_scoped3A : memref<!tpu.dma_semaphore, #tpu.memory_space<semaphore_mem>>)
      %dma_wait3A = arith.constant 0 : i32
      %dma_wait3A_100 = tpu.memref_slice %arg9[%add3A_73, %dma_wait3A] : memref<10240x128xf32, #tpu.memory_space<vmem_shared>> -> memref<128x128xf32, #tpu.memory_space<vmem_shared>>
      %dma_wait3A_101 = arith.constant 0 : i32
      %dma_wait3A_102 = tpu.memref_slice %arg9[%add3A_73, %dma_wait3A_101] : memref<10240x128xf32, #tpu.memory_space<vmem_shared>> -> memref<128x128xf32, #tpu.memory_space<vmem_shared>>
      tpu.wait_dma2 semaphore(%run_scoped3A : memref<!tpu.dma_semaphore, #tpu.memory_space<semaphore_mem>>) src(%arg8 : memref<128x128xf32, #tpu.memory_space<vmem>>) dst(%dma_wait3A_102 : memref<128x128xf32, #tpu.memory_space<vmem_shared>>)
      tpu.yield
    }) : () -> ()
    %mul3A_74 = arith.constant 640 : i32
    %mul3A_75 = arith.muli %arg1, %mul3A_74 : i32
    %add3A_76 = arith.constant 384 : i32
    %add3A_77 = arith.addi %mul3A_75, %add3A_76 : i32
    "tpu.region"() ({
      %run_scoped3A = tpu.sem_alloc : memref<!tpu.dma_semaphore, #tpu.memory_space<semaphore_mem>>
      %dma_start3A = arith.constant 0 : i32
      %dma_start3A_97 = tpu.memref_slice %arg9[%add3A_77, %dma_start3A] : memref<10240x128xf32, #tpu.memory_space<vmem_shared>> -> memref<128x128xf32, #tpu.memory_space<vmem_shared>>
      %dma_start3A_98 = arith.constant 0 : i32
      %dma_start3A_99 = tpu.memref_slice %arg9[%add3A_77, %dma_start3A_98] : memref<10240x128xf32, #tpu.memory_space<vmem_shared>> -> memref<128x128xf32, #tpu.memory_space<vmem_shared>>
      tpu.enqueue_dma source(%arg8 : memref<128x128xf32, #tpu.memory_space<vmem>>) target(%dma_start3A_99 : memref<128x128xf32, #tpu.memory_space<vmem_shared>>) target_semaphore(%run_scoped3A : memref<!tpu.dma_semaphore, #tpu.memory_space<semaphore_mem>>)
      %dma_wait3A = arith.constant 0 : i32
      %dma_wait3A_100 = tpu.memref_slice %arg9[%add3A_77, %dma_wait3A] : memref<10240x128xf32, #tpu.memory_space<vmem_shared>> -> memref<128x128xf32, #tpu.memory_space<vmem_shared>>
      %dma_wait3A_101 = arith.constant 0 : i32
      %dma_wait3A_102 = tpu.memref_slice %arg9[%add3A_77, %dma_wait3A_101] : memref<10240x128xf32, #tpu.memory_space<vmem_shared>> -> memref<128x128xf32, #tpu.memory_space<vmem_shared>>
      tpu.wait_dma2 semaphore(%run_scoped3A : memref<!tpu.dma_semaphore, #tpu.memory_space<semaphore_mem>>) src(%arg8 : memref<128x128xf32, #tpu.memory_space<vmem>>) dst(%dma_wait3A_102 : memref<128x128xf32, #tpu.memory_space<vmem_shared>>)
      tpu.yield
    }) : () -> ()
    %mul3A_78 = arith.constant 640 : i32
    %mul3A_79 = arith.muli %arg1, %mul3A_78 : i32
    %add3A_80 = arith.constant 512 : i32
    %add3A_81 = arith.addi %mul3A_79, %add3A_80 : i32
    "tpu.region"() ({
      %run_scoped3A = tpu.sem_alloc : memref<!tpu.dma_semaphore, #tpu.memory_space<semaphore_mem>>
      %dma_start3A = arith.constant 0 : i32
      %dma_start3A_97 = tpu.memref_slice %arg9[%add3A_81, %dma_start3A] : memref<10240x128xf32, #tpu.memory_space<vmem_shared>> -> memref<128x128xf32, #tpu.memory_space<vmem_shared>>
      %dma_start3A_98 = arith.constant 0 : i32
      %dma_start3A_99 = tpu.memref_slice %arg9[%add3A_81, %dma_start3A_98] : memref<10240x128xf32, #tpu.memory_space<vmem_shared>> -> memref<128x128xf32, #tpu.memory_space<vmem_shared>>
      tpu.enqueue_dma source(%arg8 : memref<128x128xf32, #tpu.memory_space<vmem>>) target(%dma_start3A_99 : memref<128x128xf32, #tpu.memory_space<vmem_shared>>) target_semaphore(%run_scoped3A : memref<!tpu.dma_semaphore, #tpu.memory_space<semaphore_mem>>)
      %dma_wait3A = arith.constant 0 : i32
      %dma_wait3A_100 = tpu.memref_slice %arg9[%add3A_81, %dma_wait3A] : memref<10240x128xf32, #tpu.memory_space<vmem_shared>> -> memref<128x128xf32, #tpu.memory_space<vmem_shared>>
      %dma_wait3A_101 = arith.constant 0 : i32
      %dma_wait3A_102 = tpu.memref_slice %arg9[%add3A_81, %dma_wait3A_101] : memref<10240x128xf32, #tpu.memory_space<vmem_shared>> -> memref<128x128xf32, #tpu.memory_space<vmem_shared>>
      tpu.wait_dma2 semaphore(%run_scoped3A : memref<!tpu.dma_semaphore, #tpu.memory_space<semaphore_mem>>) src(%arg8 : memref<128x128xf32, #tpu.memory_space<vmem>>) dst(%dma_wait3A_102 : memref<128x128xf32, #tpu.memory_space<vmem_shared>>)
      tpu.yield
    }) : () -> ()
    %scan3A_82 = arith.constant 1.000000e+00 : f32
    %scan3A_83 = arith.constant 0 : i32
    %scan3A_84 = arith.constant 128 : i32
    %scan3A_85 = arith.addi %scan3A_83, %scan3A_84 : i32
    %scan3A_86 = arith.constant 1 : i32
    scf.for %scan3A_97 = %scan3A_83 to %scan3A_85 step %scan3A_86  : i32 {
      %broadcast_in_dim3A = vector.broadcast %scan3A_82 : f32 to vector<16xf32>
      %swap3A = arith.index_cast %scan3A_97 : i32 to index
      %swap3A_98 = arith.constant 0 : index
      %swap3A_99 = tpu.vector_load %arg8[%swap3A, %swap3A_98] {strides = array<i32>} : memref<128x128xf32, #tpu.memory_space<vmem>>, vector<1x16xf32>,
      %swap3A_100 = vector.shape_cast %swap3A_99 : vector<1x16xf32> to vector<16xf32>
      %swap3A_101 = vector.shape_cast %broadcast_in_dim3A : vector<16xf32> to vector<1x16xf32>
      tpu.vector_store %arg8[%swap3A, %swap3A_98], %swap3A_101 {strides = array<i32>} : memref<128x128xf32, #tpu.memory_space<vmem>>, vector<1x16xf32>,
      %broadcast_in_dim3A_102 = vector.broadcast %scan3A_82 : f32 to vector<16xf32>
      %swap3A_103 = arith.index_cast %scan3A_97 : i32 to index
      %swap3A_104 = arith.constant 16 : index
      %swap3A_105 = tpu.vector_load %arg8[%swap3A_103, %swap3A_104] {strides = array<i32>} : memref<128x128xf32, #tpu.memory_space<vmem>>, vector<1x16xf32>,
      %swap3A_106 = vector.shape_cast %swap3A_105 : vector<1x16xf32> to vector<16xf32>
      %swap3A_107 = vector.shape_cast %broadcast_in_dim3A_102 : vector<16xf32> to vector<1x16xf32>
      tpu.vector_store %arg8[%swap3A_103, %swap3A_104], %swap3A_107 {strides = array<i32>} : memref<128x128xf32, #tpu.memory_space<vmem>>, vector<1x16xf32>,
      %broadcast_in_dim3A_108 = vector.broadcast %scan3A_82 : f32 to vector<16xf32>
      %swap3A_109 = arith.index_cast %scan3A_97 : i32 to index
      %swap3A_110 = arith.constant 32 : index
      %swap3A_111 = tpu.vector_load %arg8[%swap3A_109, %swap3A_110] {strides = array<i32>} : memref<128x128xf32, #tpu.memory_space<vmem>>, vector<1x16xf32>,
      %swap3A_112 = vector.shape_cast %swap3A_111 : vector<1x16xf32> to vector<16xf32>
      %swap3A_113 = vector.shape_cast %broadcast_in_dim3A_108 : vector<16xf32> to vector<1x16xf32>
      tpu.vector_store %arg8[%swap3A_109, %swap3A_110], %swap3A_113 {strides = array<i32>} : memref<128x128xf32, #tpu.memory_space<vmem>>, vector<1x16xf32>,
      %broadcast_in_dim3A_114 = vector.broadcast %scan3A_82 : f32 to vector<16xf32>
      %swap3A_115 = arith.index_cast %scan3A_97 : i32 to index
      %swap3A_116 = arith.constant 48 : index
      %swap3A_117 = tpu.vector_load %arg8[%swap3A_115, %swap3A_116] {strides = array<i32>} : memref<128x128xf32, #tpu.memory_space<vmem>>, vector<1x16xf32>,
      %swap3A_118 = vector.shape_cast %swap3A_117 : vector<1x16xf32> to vector<16xf32>
      %swap3A_119 = vector.shape_cast %broadcast_in_dim3A_114 : vector<16xf32> to vector<1x16xf32>
      tpu.vector_store %arg8[%swap3A_115, %swap3A_116], %swap3A_119 {strides = array<i32>} : memref<128x128xf32, #tpu.memory_space<vmem>>, vector<1x16xf32>,
      %broadcast_in_dim3A_120 = vector.broadcast %scan3A_82 : f32 to vector<16xf32>
      %swap3A_121 = arith.index_cast %scan3A_97 : i32 to index
      %swap3A_122 = arith.constant 64 : index
      %swap3A_123 = tpu.vector_load %arg8[%swap3A_121, %swap3A_122] {strides = array<i32>} : memref<128x128xf32, #tpu.memory_space<vmem>>, vector<1x16xf32>,
      %swap3A_124 = vector.shape_cast %swap3A_123 : vector<1x16xf32> to vector<16xf32>
      %swap3A_125 = vector.shape_cast %broadcast_in_dim3A_120 : vector<16xf32> to vector<1x16xf32>
      tpu.vector_store %arg8[%swap3A_121, %swap3A_122], %swap3A_125 {strides = array<i32>} : memref<128x128xf32, #tpu.memory_space<vmem>>, vector<1x16xf32>,
      %broadcast_in_dim3A_126 = vector.broadcast %scan3A_82 : f32 to vector<16xf32>
      %swap3A_127 = arith.index_cast %scan3A_97 : i32 to index
      %swap3A_128 = arith.constant 80 : index
      %swap3A_129 = tpu.vector_load %arg8[%swap3A_127, %swap3A_128] {strides = array<i32>} : memref<128x128xf32, #tpu.memory_space<vmem>>, vector<1x16xf32>,
      %swap3A_130 = vector.shape_cast %swap3A_129 : vector<1x16xf32> to vector<16xf32>
      %swap3A_131 = vector.shape_cast %broadcast_in_dim3A_126 : vector<16xf32> to vector<1x16xf32>
      tpu.vector_store %arg8[%swap3A_127, %swap3A_128], %swap3A_131 {strides = array<i32>} : memref<128x128xf32, #tpu.memory_space<vmem>>, vector<1x16xf32>,
      %broadcast_in_dim3A_132 = vector.broadcast %scan3A_82 : f32 to vector<16xf32>
      %swap3A_133 = arith.index_cast %scan3A_97 : i32 to index
      %swap3A_134 = arith.constant 96 : index
      %swap3A_135 = tpu.vector_load %arg8[%swap3A_133, %swap3A_134] {strides = array<i32>} : memref<128x128xf32, #tpu.memory_space<vmem>>, vector<1x16xf32>,
      %swap3A_136 = vector.shape_cast %swap3A_135 : vector<1x16xf32> to vector<16xf32>
      %swap3A_137 = vector.shape_cast %broadcast_in_dim3A_132 : vector<16xf32> to vector<1x16xf32>
      tpu.vector_store %arg8[%swap3A_133, %swap3A_134], %swap3A_137 {strides = array<i32>} : memref<128x128xf32, #tpu.memory_space<vmem>>, vector<1x16xf32>,
      %broadcast_in_dim3A_138 = vector.broadcast %scan3A_82 : f32 to vector<16xf32>
      %swap3A_139 = arith.index_cast %scan3A_97 : i32 to index
      %swap3A_140 = arith.constant 112 : index
      %swap3A_141 = tpu.vector_load %arg8[%swap3A_139, %swap3A_140] {strides = array<i32>} : memref<128x128xf32, #tpu.memory_space<vmem>>, vector<1x16xf32>,
      %swap3A_142 = vector.shape_cast %swap3A_141 : vector<1x16xf32> to vector<16xf32>
      %swap3A_143 = vector.shape_cast %broadcast_in_dim3A_138 : vector<16xf32> to vector<1x16xf32>
      tpu.vector_store %arg8[%swap3A_139, %swap3A_140], %swap3A_143 {strides = array<i32>} : memref<128x128xf32, #tpu.memory_space<vmem>>, vector<1x16xf32>,
    }
    %scan3A_87 = arith.constant 128 : i32
    %barrier3A_88 = arith.constant 0 : index
    tpu.barrier barrier_id(%barrier3A_88)
    %eq3A = arith.constant 0 : i32
    %eq3A_89 = arith.cmpi eq, %arg0, %eq3A : i32
    %convert_element_type3A = arith.extui %eq3A_89 : i1 to i32
    %cond3A = arith.constant 0 : i32
    %cond3A_90 = arith.cmpi ne, %convert_element_type3A, %cond3A : i32
    scf.if %cond3A_90 {
      %run_scoped3A = arith.constant 0 : i32
      "tpu.region"() ({
        %run_scoped3A_98 = tpu.sem_alloc : memref<!tpu.dma_semaphore, #tpu.memory_space<semaphore_mem>>
        %dma_start3A = arith.constant 0 : i32
        %dma_start3A_99 = tpu.memref_slice %arg7[%run_scoped3A, %dma_start3A] : memref<1x128xi32, #tpu.memory_space<vmem>> -> memref<1x128xi32, #tpu.memory_space<vmem>>
        %dma_start3A_100 = tpu.memref_squeeze %dma_start3A_99 : memref<1x128xi32, #tpu.memory_space<vmem>> -> memref<128xi32, #tpu.memory_space<vmem>>
        %dma_start3A_101 = arith.constant 0 : i32
        %dma_start3A_102 = tpu.memref_slice %arg3[%arg1, %dma_start3A_101] : memref<16x128xi32, #tpu.memory_space<hbm>> -> memref<1x128xi32, #tpu.memory_space<hbm>>
        %dma_start3A_103 = tpu.memref_squeeze %dma_start3A_102 : memref<1x128xi32, #tpu.memory_space<hbm>> -> memref<128xi32, #tpu.memory_space<hbm>>
        %dma_start3A_104 = arith.constant 0 : i32
        %dma_start3A_105 = tpu.memref_slice %arg7[%run_scoped3A, %dma_start3A_104] : memref<1x128xi32, #tpu.memory_space<vmem>> -> memref<1x128xi32, #tpu.memory_space<vmem>>
        %dma_start3A_106 = tpu.memref_squeeze %dma_start3A_105 : memref<1x128xi32, #tpu.memory_space<vmem>> -> memref<128xi32, #tpu.memory_space<vmem>>
        %dma_start3A_107 = arith.constant 0 : i32
        %dma_start3A_108 = tpu.memref_slice %arg3[%arg1, %dma_start3A_107] : memref<16x128xi32, #tpu.memory_space<hbm>> -> memref<1x128xi32, #tpu.memory_space<hbm>>
        %dma_start3A_109 = tpu.memref_squeeze %dma_start3A_108 : memref<1x128xi32, #tpu.memory_space<hbm>> -> memref<128xi32, #tpu.memory_space<hbm>>
        tpu.enqueue_dma source(%dma_start3A_109 : memref<128xi32, #tpu.memory_space<hbm>>) target(%dma_start3A_106 : memref<128xi32, #tpu.memory_space<vmem>>) target_semaphore(%run_scoped3A_98 : memref<!tpu.dma_semaphore, #tpu.memory_space<semaphore_mem>>)
        %dma_wait3A = arith.constant 0 : i32
        %dma_wait3A_110 = tpu.memref_slice %arg7[%run_scoped3A, %dma_wait3A] : memref<1x128xi32, #tpu.memory_space<vmem>> -> memref<1x128xi32, #tpu.memory_space<vmem>>
        %dma_wait3A_111 = tpu.memref_squeeze %dma_wait3A_110 : memref<1x128xi32, #tpu.memory_space<vmem>> -> memref<128xi32, #tpu.memory_space<vmem>>
        %dma_wait3A_112 = arith.constant 0 : i32
        %dma_wait3A_113 = tpu.memref_slice %arg3[%arg1, %dma_wait3A_112] : memref<16x128xi32, #tpu.memory_space<hbm>> -> memref<1x128xi32, #tpu.memory_space<hbm>>
        %dma_wait3A_114 = tpu.memref_squeeze %dma_wait3A_113 : memref<1x128xi32, #tpu.memory_space<hbm>> -> memref<128xi32, #tpu.memory_space<hbm>>
        %dma_wait3A_115 = arith.constant 0 : i32
        %dma_wait3A_116 = tpu.memref_slice %arg7[%run_scoped3A, %dma_wait3A_115] : memref<1x128xi32, #tpu.memory_space<vmem>> -> memref<1x128xi32, #tpu.memory_space<vmem>>
        %dma_wait3A_117 = tpu.memref_squeeze %dma_wait3A_116 : memref<1x128xi32, #tpu.memory_space<vmem>> -> memref<128xi32, #tpu.memory_space<vmem>>
        %dma_wait3A_118 = arith.constant 0 : i32
        %dma_wait3A_119 = tpu.memref_slice %arg3[%arg1, %dma_wait3A_118] : memref<16x128xi32, #tpu.memory_space<hbm>> -> memref<1x128xi32, #tpu.memory_space<hbm>>
        %dma_wait3A_120 = tpu.memref_squeeze %dma_wait3A_119 : memref<1x128xi32, #tpu.memory_space<hbm>> -> memref<128xi32, #tpu.memory_space<hbm>>
        tpu.wait_dma2 semaphore(%run_scoped3A_98 : memref<!tpu.dma_semaphore, #tpu.memory_space<semaphore_mem>>) src(%dma_wait3A_120 : memref<128xi32, #tpu.memory_space<hbm>>) dst(%dma_wait3A_117 : memref<128xi32, #tpu.memory_space<vmem>>)
        tpu.yield
      }) : () -> ()
      %run_scoped3A_97 = arith.constant 0 : i32
      "tpu.region"() ({
        %run_scoped3A_98 = tpu.sem_alloc : memref<!tpu.dma_semaphore, #tpu.memory_space<semaphore_mem>>
        %dma_start3A = arith.constant 0 : i32
        %dma_start3A_99 = tpu.memref_slice %arg7[%run_scoped3A_97, %dma_start3A] : memref<1x128xi32, #tpu.memory_space<vmem>> -> memref<1x128xi32, #tpu.memory_space<vmem>>
        %dma_start3A_100 = tpu.memref_squeeze %dma_start3A_99 : memref<1x128xi32, #tpu.memory_space<vmem>> -> memref<128xi32, #tpu.memory_space<vmem>>
        %dma_start3A_101 = arith.constant 0 : i32
        %dma_start3A_102 = arith.constant 0 : i32
        %dma_start3A_103 = tpu.memref_slice %arg9[%dma_start3A_101, %dma_start3A_102] : memref<10240x128xf32, #tpu.memory_space<vmem_shared>> -> memref<10240x128xf32, #tpu.memory_space<vmem_shared>>
        tpu.enqueue_indirect_dma source(%arg8 : memref<128x128xf32, #tpu.memory_space<vmem>>) target(%dma_start3A_103 : memref<10240x128xf32, #tpu.memory_space<vmem_shared>>) offsets(%dma_start3A_100 : memref<128xi32, #tpu.memory_space<vmem>>) semaphore(%run_scoped3A_98 : memref<!tpu.dma_semaphore, #tpu.memory_space<semaphore_mem>>) {add = true}
        %dma_wait3A = arith.constant 0 : i32
        %dma_wait3A_104 = tpu.memref_slice %arg7[%run_scoped3A_97, %dma_wait3A] : memref<1x128xi32, #tpu.memory_space<vmem>> -> memref<1x128xi32, #tpu.memory_space<vmem>>
        %dma_wait3A_105 = tpu.memref_squeeze %dma_wait3A_104 : memref<1x128xi32, #tpu.memory_space<vmem>> -> memref<128xi32, #tpu.memory_space<vmem>>
        %dma_wait3A_106 = arith.constant 0 : i32
        %dma_wait3A_107 = arith.constant 0 : i32
        %dma_wait3A_108 = tpu.memref_slice %arg9[%dma_wait3A_106, %dma_wait3A_107] : memref<10240x128xf32, #tpu.memory_space<vmem_shared>> -> memref<10240x128xf32, #tpu.memory_space<vmem_shared>>
        tpu.wait_indirect_dma semaphore(%run_scoped3A_98 : memref<!tpu.dma_semaphore, #tpu.memory_space<semaphore_mem>>) src(%arg8 : memref<128x128xf32, #tpu.memory_space<vmem>>) dst(%dma_wait3A_108 : memref<10240x128xf32, #tpu.memory_space<vmem_shared>>)
        tpu.yield
      }) : () -> ()
    } else {
    }
    %barrier3A_91 = arith.constant 0 : index
    tpu.barrier barrier_id(%barrier3A_91)
    %eq3A_92 = arith.constant 0 : i32
    %eq3A_93 = arith.cmpi eq, %arg0, %eq3A_92 : i32
    %convert_element_type3A_94 = arith.extui %eq3A_93 : i1 to i32
    %cond3A_95 = arith.constant 0 : i32
    %cond3A_96 = arith.cmpi ne, %convert_element_type3A_94, %cond3A_95 : i32
    scf.if %cond3A_96 {
      %mul3A_97 = arith.constant 640 : i32
      %mul3A_98 = arith.muli %arg1, %mul3A_97 : i32
      %add3A_99 = arith.constant 0 : i32
      %add3A_100 = arith.addi %mul3A_98, %add3A_99 : i32
      "tpu.region"() ({
        %run_scoped3A = tpu.sem_alloc : memref<!tpu.dma_semaphore, #tpu.memory_space<semaphore_mem>>
        %dma_start3A = arith.constant 0 : i32
        %dma_start3A_117 = tpu.memref_slice %arg5[%add3A_100, %dma_start3A] : memref<10240x128xf32, #tpu.memory_space<hbm>> -> memref<128x128xf32, #tpu.memory_space<hbm>>
        %dma_start3A_118 = arith.constant 0 : i32
        %dma_start3A_119 = tpu.memref_slice %arg9[%add3A_100, %dma_start3A_118] : memref<10240x128xf32, #tpu.memory_space<vmem_shared>> -> memref<128x128xf32, #tpu.memory_space<vmem_shared>>
        tpu.enqueue_dma source(%dma_start3A_119 : memref<128x128xf32, #tpu.memory_space<vmem_shared>>) target(%dma_start3A_117 : memref<128x128xf32, #tpu.memory_space<hbm>>) target_semaphore(%run_scoped3A : memref<!tpu.dma_semaphore, #tpu.memory_space<semaphore_mem>>)
        %dma_wait3A = arith.constant 0 : i32
        %dma_wait3A_120 = tpu.memref_slice %arg5[%add3A_100, %dma_wait3A] : memref<10240x128xf32, #tpu.memory_space<hbm>> -> memref<128x128xf32, #tpu.memory_space<hbm>>
        %dma_wait3A_121 = arith.constant 0 : i32
        %dma_wait3A_122 = tpu.memref_slice %arg9[%add3A_100, %dma_wait3A_121] : memref<10240x128xf32, #tpu.memory_space<vmem_shared>> -> memref<128x128xf32, #tpu.memory_space<vmem_shared>>
        tpu.wait_dma2 semaphore(%run_scoped3A : memref<!tpu.dma_semaphore, #tpu.memory_space<semaphore_mem>>) src(%dma_wait3A_122 : memref<128x128xf32, #tpu.memory_space<vmem_shared>>) dst(%dma_wait3A_120 : memref<128x128xf32, #tpu.memory_space<hbm>>)
        tpu.yield
      }) : () -> ()
      %mul3A_101 = arith.constant 640 : i32
      %mul3A_102 = arith.muli %arg1, %mul3A_101 : i32
      %add3A_103 = arith.constant 128 : i32
      %add3A_104 = arith.addi %mul3A_102, %add3A_103 : i32
      "tpu.region"() ({
        %run_scoped3A = tpu.sem_alloc : memref<!tpu.dma_semaphore, #tpu.memory_space<semaphore_mem>>
        %dma_start3A = arith.constant 0 : i32
        %dma_start3A_117 = tpu.memref_slice %arg5[%add3A_104, %dma_start3A] : memref<10240x128xf32, #tpu.memory_space<hbm>> -> memref<128x128xf32, #tpu.memory_space<hbm>>
        %dma_start3A_118 = arith.constant 0 : i32
        %dma_start3A_119 = tpu.memref_slice %arg9[%add3A_104, %dma_start3A_118] : memref<10240x128xf32, #tpu.memory_space<vmem_shared>> -> memref<128x128xf32, #tpu.memory_space<vmem_shared>>
        tpu.enqueue_dma source(%dma_start3A_119 : memref<128x128xf32, #tpu.memory_space<vmem_shared>>) target(%dma_start3A_117 : memref<128x128xf32, #tpu.memory_space<hbm>>) target_semaphore(%run_scoped3A : memref<!tpu.dma_semaphore, #tpu.memory_space<semaphore_mem>>)
        %dma_wait3A = arith.constant 0 : i32
        %dma_wait3A_120 = tpu.memref_slice %arg5[%add3A_104, %dma_wait3A] : memref<10240x128xf32, #tpu.memory_space<hbm>> -> memref<128x128xf32, #tpu.memory_space<hbm>>
        %dma_wait3A_121 = arith.constant 0 : i32
        %dma_wait3A_122 = tpu.memref_slice %arg9[%add3A_104, %dma_wait3A_121] : memref<10240x128xf32, #tpu.memory_space<vmem_shared>> -> memref<128x128xf32, #tpu.memory_space<vmem_shared>>
        tpu.wait_dma2 semaphore(%run_scoped3A : memref<!tpu.dma_semaphore, #tpu.memory_space<semaphore_mem>>) src(%dma_wait3A_122 : memref<128x128xf32, #tpu.memory_space<vmem_shared>>) dst(%dma_wait3A_120 : memref<128x128xf32, #tpu.memory_space<hbm>>)
        tpu.yield
      }) : () -> ()
      %mul3A_105 = arith.constant 640 : i32
      %mul3A_106 = arith.muli %arg1, %mul3A_105 : i32
      %add3A_107 = arith.constant 256 : i32
      %add3A_108 = arith.addi %mul3A_106, %add3A_107 : i32
      "tpu.region"() ({
        %run_scoped3A = tpu.sem_alloc : memref<!tpu.dma_semaphore, #tpu.memory_space<semaphore_mem>>
        %dma_start3A = arith.constant 0 : i32
        %dma_start3A_117 = tpu.memref_slice %arg5[%add3A_108, %dma_start3A] : memref<10240x128xf32, #tpu.memory_space<hbm>> -> memref<128x128xf32, #tpu.memory_space<hbm>>
        %dma_start3A_118 = arith.constant 0 : i32
        %dma_start3A_119 = tpu.memref_slice %arg9[%add3A_108, %dma_start3A_118] : memref<10240x128xf32, #tpu.memory_space<vmem_shared>> -> memref<128x128xf32, #tpu.memory_space<vmem_shared>>
        tpu.enqueue_dma source(%dma_start3A_119 : memref<128x128xf32, #tpu.memory_space<vmem_shared>>) target(%dma_start3A_117 : memref<128x128xf32, #tpu.memory_space<hbm>>) target_semaphore(%run_scoped3A : memref<!tpu.dma_semaphore, #tpu.memory_space<semaphore_mem>>)
        %dma_wait3A = arith.constant 0 : i32
        %dma_wait3A_120 = tpu.memref_slice %arg5[%add3A_108, %dma_wait3A] : memref<10240x128xf32, #tpu.memory_space<hbm>> -> memref<128x128xf32, #tpu.memory_space<hbm>>
        %dma_wait3A_121 = arith.constant 0 : i32
        %dma_wait3A_122 = tpu.memref_slice %arg9[%add3A_108, %dma_wait3A_121] : memref<10240x128xf32, #tpu.memory_space<vmem_shared>> -> memref<128x128xf32, #tpu.memory_space<vmem_shared>>
        tpu.wait_dma2 semaphore(%run_scoped3A : memref<!tpu.dma_semaphore, #tpu.memory_space<semaphore_mem>>) src(%dma_wait3A_122 : memref<128x128xf32, #tpu.memory_space<vmem_shared>>) dst(%dma_wait3A_120 : memref<128x128xf32, #tpu.memory_space<hbm>>)
        tpu.yield
      }) : () -> ()
      %mul3A_109 = arith.constant 640 : i32
      %mul3A_110 = arith.muli %arg1, %mul3A_109 : i32
      %add3A_111 = arith.constant 384 : i32
      %add3A_112 = arith.addi %mul3A_110, %add3A_111 : i32
      "tpu.region"() ({
        %run_scoped3A = tpu.sem_alloc : memref<!tpu.dma_semaphore, #tpu.memory_space<semaphore_mem>>
        %dma_start3A = arith.constant 0 : i32
        %dma_start3A_117 = tpu.memref_slice %arg5[%add3A_112, %dma_start3A] : memref<10240x128xf32, #tpu.memory_space<hbm>> -> memref<128x128xf32, #tpu.memory_space<hbm>>
        %dma_start3A_118 = arith.constant 0 : i32
        %dma_start3A_119 = tpu.memref_slice %arg9[%add3A_112, %dma_start3A_118] : memref<10240x128xf32, #tpu.memory_space<vmem_shared>> -> memref<128x128xf32, #tpu.memory_space<vmem_shared>>
        tpu.enqueue_dma source(%dma_start3A_119 : memref<128x128xf32, #tpu.memory_space<vmem_shared>>) target(%dma_start3A_117 : memref<128x128xf32, #tpu.memory_space<hbm>>) target_semaphore(%run_scoped3A : memref<!tpu.dma_semaphore, #tpu.memory_space<semaphore_mem>>)
        %dma_wait3A = arith.constant 0 : i32
        %dma_wait3A_120 = tpu.memref_slice %arg5[%add3A_112, %dma_wait3A] : memref<10240x128xf32, #tpu.memory_space<hbm>> -> memref<128x128xf32, #tpu.memory_space<hbm>>
        %dma_wait3A_121 = arith.constant 0 : i32
        %dma_wait3A_122 = tpu.memref_slice %arg9[%add3A_112, %dma_wait3A_121] : memref<10240x128xf32, #tpu.memory_space<vmem_shared>> -> memref<128x128xf32, #tpu.memory_space<vmem_shared>>
        tpu.wait_dma2 semaphore(%run_scoped3A : memref<!tpu.dma_semaphore, #tpu.memory_space<semaphore_mem>>) src(%dma_wait3A_122 : memref<128x128xf32, #tpu.memory_space<vmem_shared>>) dst(%dma_wait3A_120 : memref<128x128xf32, #tpu.memory_space<hbm>>)
        tpu.yield
      }) : () -> ()
      %mul3A_113 = arith.constant 640 : i32
      %mul3A_114 = arith.muli %arg1, %mul3A_113 : i32
      %add3A_115 = arith.constant 512 : i32
      %add3A_116 = arith.addi %mul3A_114, %add3A_115 : i32
      "tpu.region"() ({
        %run_scoped3A = tpu.sem_alloc : memref<!tpu.dma_semaphore, #tpu.memory_space<semaphore_mem>>
        %dma_start3A = arith.constant 0 : i32
        %dma_start3A_117 = tpu.memref_slice %arg5[%add3A_116, %dma_start3A] : memref<10240x128xf32, #tpu.memory_space<hbm>> -> memref<128x128xf32, #tpu.memory_space<hbm>>
        %dma_start3A_118 = arith.constant 0 : i32
        %dma_start3A_119 = tpu.memref_slice %arg9[%add3A_116, %dma_start3A_118] : memref<10240x128xf32, #tpu.memory_space<vmem_shared>> -> memref<128x128xf32, #tpu.memory_space<vmem_shared>>
        tpu.enqueue_dma source(%dma_start3A_119 : memref<128x128xf32, #tpu.memory_space<vmem_shared>>) target(%dma_start3A_117 : memref<128x128xf32, #tpu.memory_space<hbm>>) target_semaphore(%run_scoped3A : memref<!tpu.dma_semaphore, #tpu.memory_space<semaphore_mem>>)
        %dma_wait3A = arith.constant 0 : i32
        %dma_wait3A_120 = tpu.memref_slice %arg5[%add3A_116, %dma_wait3A] : memref<10240x128xf32, #tpu.memory_space<hbm>> -> memref<128x128xf32, #tpu.memory_space<hbm>>
        %dma_wait3A_121 = arith.constant 0 : i32
        %dma_wait3A_122 = tpu.memref_slice %arg9[%add3A_116, %dma_wait3A_121] : memref<10240x128xf32, #tpu.memory_space<vmem_shared>> -> memref<128x128xf32, #tpu.memory_space<vmem_shared>>
        tpu.wait_dma2 semaphore(%run_scoped3A : memref<!tpu.dma_semaphore, #tpu.memory_space<semaphore_mem>>) src(%dma_wait3A_122 : memref<128x128xf32, #tpu.memory_space<vmem_shared>>) dst(%dma_wait3A_120 : memref<128x128xf32, #tpu.memory_space<hbm>>)
        tpu.yield
      }) : () -> ()
    } else {
    }
    return
  }
}

#map = affine_map<(d0, d1) -> (0, 0, 0)>
#map1 = affine_map<(d0, d1) -> (0, 0)>
module attributes {stable_mosaic.version = 14 : i64} {
  func.func @_sc_spmm_body(%arg0: i32, %arg1: i32, %arg2: memref<16x160x128xi32, #tpu.memory_space<hbm>>, %arg3: memref<16x160x128xi32, #tpu.memory_space<hbm>>, %arg4: memref<20480x128xf32, #tpu.memory_space<hbm>>, %arg5: memref<2x10240x128xf32, #tpu.memory_space<hbm>>, %arg6: memref<16x128xi32, #tpu.memory_space<vmem>>, %arg7: memref<16x128xi32, #tpu.memory_space<vmem>>, %arg8: memref<2x128xi32, #tpu.memory_space<vmem>>, %arg9: memref<2x128x128xf32, #tpu.memory_space<vmem>>, %arg10: memref<10240x128xf32, #tpu.memory_space<vmem_shared>>, %arg11: memref<!tpu.dma_semaphore, #tpu.memory_space<semaphore_mem>>, %arg12: memref<!tpu.dma_semaphore, #tpu.memory_space<semaphore_mem>>, %arg13: memref<!tpu.dma_semaphore, #tpu.memory_space<semaphore_mem>>, %arg14: memref<!tpu.dma_semaphore, #tpu.memory_space<semaphore_mem>>) attributes {dimension_semantics = [#tpu.dimension_semantics<core_parallel>, #tpu.dimension_semantics<subcore_parallel>], iteration_bounds = array<i64: 2, 16>, scalar_prefetch = 0 : i64, scratch_operands = 9 : i64, tpu.core_type = #tpu.core_type<sc_vector_subcore>, window_params = [{transform_indices = #map}, {transform_indices = #map}, {transform_indices = #map1}, {transform_indices = #map}]} {
    %scan3A = arith.constant 0 : i32
    %scan3A_0 = arith.constant 0 : i32
    %scan3A_1 = arith.constant 128 : i32
    %scan3A_2 = arith.addi %scan3A_0, %scan3A_1 : i32
    %scan3A_3 = arith.constant 1 : i32
    scf.for %scan3A_54 = %scan3A_0 to %scan3A_2 step %scan3A_3  : i32 {
      %broadcast_in_dim3A = arith.constant 0.000000e+00 : f32
      %broadcast_in_dim3A_55 = vector.broadcast %broadcast_in_dim3A : f32 to vector<16xf32>
      %swap3A = arith.constant 0 : i32
      %swap3A_56 = arith.index_cast %swap3A : i32 to index
      %swap3A_57 = arith.index_cast %scan3A_54 : i32 to index
      %swap3A_58 = arith.constant 0 : index
      %swap3A_59 = tpu.vector_load %arg9[%swap3A_56, %swap3A_57, %swap3A_58] {strides = array<i32>} : memref<2x128x128xf32, #tpu.memory_space<vmem>>, vector<1x1x16xf32>,
      %swap3A_60 = vector.shape_cast %swap3A_59 : vector<1x1x16xf32> to vector<16xf32>
      %swap3A_61 = vector.shape_cast %broadcast_in_dim3A_55 : vector<16xf32> to vector<1x1x16xf32>
      tpu.vector_store %arg9[%swap3A_56, %swap3A_57, %swap3A_58], %swap3A_61 {strides = array<i32>} : memref<2x128x128xf32, #tpu.memory_space<vmem>>, vector<1x1x16xf32>,
      %broadcast_in_dim3A_62 = arith.constant 0.000000e+00 : f32
      %broadcast_in_dim3A_63 = vector.broadcast %broadcast_in_dim3A_62 : f32 to vector<16xf32>
      %swap3A_64 = arith.constant 0 : i32
      %swap3A_65 = arith.index_cast %swap3A_64 : i32 to index
      %swap3A_66 = arith.index_cast %scan3A_54 : i32 to index
      %swap3A_67 = arith.constant 16 : index
      %swap3A_68 = tpu.vector_load %arg9[%swap3A_65, %swap3A_66, %swap3A_67] {strides = array<i32>} : memref<2x128x128xf32, #tpu.memory_space<vmem>>, vector<1x1x16xf32>,
      %swap3A_69 = vector.shape_cast %swap3A_68 : vector<1x1x16xf32> to vector<16xf32>
      %swap3A_70 = vector.shape_cast %broadcast_in_dim3A_63 : vector<16xf32> to vector<1x1x16xf32>
      tpu.vector_store %arg9[%swap3A_65, %swap3A_66, %swap3A_67], %swap3A_70 {strides = array<i32>} : memref<2x128x128xf32, #tpu.memory_space<vmem>>, vector<1x1x16xf32>,
      %broadcast_in_dim3A_71 = arith.constant 0.000000e+00 : f32
      %broadcast_in_dim3A_72 = vector.broadcast %broadcast_in_dim3A_71 : f32 to vector<16xf32>
      %swap3A_73 = arith.constant 0 : i32
      %swap3A_74 = arith.index_cast %swap3A_73 : i32 to index
      %swap3A_75 = arith.index_cast %scan3A_54 : i32 to index
      %swap3A_76 = arith.constant 32 : index
      %swap3A_77 = tpu.vector_load %arg9[%swap3A_74, %swap3A_75, %swap3A_76] {strides = array<i32>} : memref<2x128x128xf32, #tpu.memory_space<vmem>>, vector<1x1x16xf32>,
      %swap3A_78 = vector.shape_cast %swap3A_77 : vector<1x1x16xf32> to vector<16xf32>
      %swap3A_79 = vector.shape_cast %broadcast_in_dim3A_72 : vector<16xf32> to vector<1x1x16xf32>
      tpu.vector_store %arg9[%swap3A_74, %swap3A_75, %swap3A_76], %swap3A_79 {strides = array<i32>} : memref<2x128x128xf32, #tpu.memory_space<vmem>>, vector<1x1x16xf32>,
      %broadcast_in_dim3A_80 = arith.constant 0.000000e+00 : f32
      %broadcast_in_dim3A_81 = vector.broadcast %broadcast_in_dim3A_80 : f32 to vector<16xf32>
      %swap3A_82 = arith.constant 0 : i32
      %swap3A_83 = arith.index_cast %swap3A_82 : i32 to index
      %swap3A_84 = arith.index_cast %scan3A_54 : i32 to index
      %swap3A_85 = arith.constant 48 : index
      %swap3A_86 = tpu.vector_load %arg9[%swap3A_83, %swap3A_84, %swap3A_85] {strides = array<i32>} : memref<2x128x128xf32, #tpu.memory_space<vmem>>, vector<1x1x16xf32>,
      %swap3A_87 = vector.shape_cast %swap3A_86 : vector<1x1x16xf32> to vector<16xf32>
      %swap3A_88 = vector.shape_cast %broadcast_in_dim3A_81 : vector<16xf32> to vector<1x1x16xf32>
      tpu.vector_store %arg9[%swap3A_83, %swap3A_84, %swap3A_85], %swap3A_88 {strides = array<i32>} : memref<2x128x128xf32, #tpu.memory_space<vmem>>, vector<1x1x16xf32>,
      %broadcast_in_dim3A_89 = arith.constant 0.000000e+00 : f32
      %broadcast_in_dim3A_90 = vector.broadcast %broadcast_in_dim3A_89 : f32 to vector<16xf32>
      %swap3A_91 = arith.constant 0 : i32
      %swap3A_92 = arith.index_cast %swap3A_91 : i32 to index
      %swap3A_93 = arith.index_cast %scan3A_54 : i32 to index
      %swap3A_94 = arith.constant 64 : index
      %swap3A_95 = tpu.vector_load %arg9[%swap3A_92, %swap3A_93, %swap3A_94] {strides = array<i32>} : memref<2x128x128xf32, #tpu.memory_space<vmem>>, vector<1x1x16xf32>,
      %swap3A_96 = vector.shape_cast %swap3A_95 : vector<1x1x16xf32> to vector<16xf32>
      %swap3A_97 = vector.shape_cast %broadcast_in_dim3A_90 : vector<16xf32> to vector<1x1x16xf32>
      tpu.vector_store %arg9[%swap3A_92, %swap3A_93, %swap3A_94], %swap3A_97 {strides = array<i32>} : memref<2x128x128xf32, #tpu.memory_space<vmem>>, vector<1x1x16xf32>,
      %broadcast_in_dim3A_98 = arith.constant 0.000000e+00 : f32
      %broadcast_in_dim3A_99 = vector.broadcast %broadcast_in_dim3A_98 : f32 to vector<16xf32>
      %swap3A_100 = arith.constant 0 : i32
      %swap3A_101 = arith.index_cast %swap3A_100 : i32 to index
      %swap3A_102 = arith.index_cast %scan3A_54 : i32 to index
      %swap3A_103 = arith.constant 80 : index
      %swap3A_104 = tpu.vector_load %arg9[%swap3A_101, %swap3A_102, %swap3A_103] {strides = array<i32>} : memref<2x128x128xf32, #tpu.memory_space<vmem>>, vector<1x1x16xf32>,
      %swap3A_105 = vector.shape_cast %swap3A_104 : vector<1x1x16xf32> to vector<16xf32>
      %swap3A_106 = vector.shape_cast %broadcast_in_dim3A_99 : vector<16xf32> to vector<1x1x16xf32>
      tpu.vector_store %arg9[%swap3A_101, %swap3A_102, %swap3A_103], %swap3A_106 {strides = array<i32>} : memref<2x128x128xf32, #tpu.memory_space<vmem>>, vector<1x1x16xf32>,
      %broadcast_in_dim3A_107 = arith.constant 0.000000e+00 : f32
      %broadcast_in_dim3A_108 = vector.broadcast %broadcast_in_dim3A_107 : f32 to vector<16xf32>
      %swap3A_109 = arith.constant 0 : i32
      %swap3A_110 = arith.index_cast %swap3A_109 : i32 to index
      %swap3A_111 = arith.index_cast %scan3A_54 : i32 to index
      %swap3A_112 = arith.constant 96 : index
      %swap3A_113 = tpu.vector_load %arg9[%swap3A_110, %swap3A_111, %swap3A_112] {strides = array<i32>} : memref<2x128x128xf32, #tpu.memory_space<vmem>>, vector<1x1x16xf32>,
      %swap3A_114 = vector.shape_cast %swap3A_113 : vector<1x1x16xf32> to vector<16xf32>
      %swap3A_115 = vector.shape_cast %broadcast_in_dim3A_108 : vector<16xf32> to vector<1x1x16xf32>
      tpu.vector_store %arg9[%swap3A_110, %swap3A_111, %swap3A_112], %swap3A_115 {strides = array<i32>} : memref<2x128x128xf32, #tpu.memory_space<vmem>>, vector<1x1x16xf32>,
      %broadcast_in_dim3A_116 = arith.constant 0.000000e+00 : f32
      %broadcast_in_dim3A_117 = vector.broadcast %broadcast_in_dim3A_116 : f32 to vector<16xf32>
      %swap3A_118 = arith.constant 0 : i32
      %swap3A_119 = arith.index_cast %swap3A_118 : i32 to index
      %swap3A_120 = arith.index_cast %scan3A_54 : i32 to index
      %swap3A_121 = arith.constant 112 : index
      %swap3A_122 = tpu.vector_load %arg9[%swap3A_119, %swap3A_120, %swap3A_121] {strides = array<i32>} : memref<2x128x128xf32, #tpu.memory_space<vmem>>, vector<1x1x16xf32>,
      %swap3A_123 = vector.shape_cast %swap3A_122 : vector<1x1x16xf32> to vector<16xf32>
      %swap3A_124 = vector.shape_cast %broadcast_in_dim3A_117 : vector<16xf32> to vector<1x1x16xf32>
      tpu.vector_store %arg9[%swap3A_119, %swap3A_120, %swap3A_121], %swap3A_124 {strides = array<i32>} : memref<2x128x128xf32, #tpu.memory_space<vmem>>, vector<1x1x16xf32>,
    }
    %scan3A_4 = arith.constant 128 : i32
    %mul3A = arith.constant 640 : i32
    %mul3A_5 = arith.muli %arg1, %mul3A : i32
    %add3A = arith.constant 0 : i32
    %add3A_6 = arith.addi %mul3A_5, %add3A : i32
    %run_scoped3A = arith.constant 0 : i32
    "tpu.region"() ({
      %run_scoped3A_54 = tpu.sem_alloc : memref<!tpu.dma_semaphore, #tpu.memory_space<semaphore_mem>>
      %dma_start3A = arith.constant 0 : i32
      %dma_start3A_55 = arith.constant 0 : i32
      %dma_start3A_56 = tpu.memref_slice %arg9[%run_scoped3A, %dma_start3A, %dma_start3A_55] : memref<2x128x128xf32, #tpu.memory_space<vmem>> -> memref<1x128x128xf32, #tpu.memory_space<vmem>>
      %dma_start3A_57 = tpu.memref_squeeze %dma_start3A_56 : memref<1x128x128xf32, #tpu.memory_space<vmem>> -> memref<128x128xf32, #tpu.memory_space<vmem>>
      %dma_start3A_58 = arith.constant 0 : i32
      %dma_start3A_59 = tpu.memref_slice %arg10[%add3A_6, %dma_start3A_58] : memref<10240x128xf32, #tpu.memory_space<vmem_shared>> -> memref<128x128xf32, #tpu.memory_space<vmem_shared>>
      %dma_start3A_60 = arith.constant 0 : i32
      %dma_start3A_61 = tpu.memref_slice %arg10[%add3A_6, %dma_start3A_60] : memref<10240x128xf32, #tpu.memory_space<vmem_shared>> -> memref<128x128xf32, #tpu.memory_space<vmem_shared>>
      %dma_start3A_62 = arith.constant 0 : i32
      %dma_start3A_63 = arith.constant 0 : i32
      %dma_start3A_64 = tpu.memref_slice %arg9[%run_scoped3A, %dma_start3A_62, %dma_start3A_63] : memref<2x128x128xf32, #tpu.memory_space<vmem>> -> memref<1x128x128xf32, #tpu.memory_space<vmem>>
      %dma_start3A_65 = tpu.memref_squeeze %dma_start3A_64 : memref<1x128x128xf32, #tpu.memory_space<vmem>> -> memref<128x128xf32, #tpu.memory_space<vmem>>
      tpu.enqueue_dma source(%dma_start3A_65 : memref<128x128xf32, #tpu.memory_space<vmem>>) target(%dma_start3A_61 : memref<128x128xf32, #tpu.memory_space<vmem_shared>>) target_semaphore(%run_scoped3A_54 : memref<!tpu.dma_semaphore, #tpu.memory_space<semaphore_mem>>)
      %dma_wait3A = arith.constant 0 : i32
      %dma_wait3A_66 = arith.constant 0 : i32
      %dma_wait3A_67 = tpu.memref_slice %arg9[%run_scoped3A, %dma_wait3A, %dma_wait3A_66] : memref<2x128x128xf32, #tpu.memory_space<vmem>> -> memref<1x128x128xf32, #tpu.memory_space<vmem>>
      %dma_wait3A_68 = tpu.memref_squeeze %dma_wait3A_67 : memref<1x128x128xf32, #tpu.memory_space<vmem>> -> memref<128x128xf32, #tpu.memory_space<vmem>>
      %dma_wait3A_69 = arith.constant 0 : i32
      %dma_wait3A_70 = tpu.memref_slice %arg10[%add3A_6, %dma_wait3A_69] : memref<10240x128xf32, #tpu.memory_space<vmem_shared>> -> memref<128x128xf32, #tpu.memory_space<vmem_shared>>
      %dma_wait3A_71 = arith.constant 0 : i32
      %dma_wait3A_72 = tpu.memref_slice %arg10[%add3A_6, %dma_wait3A_71] : memref<10240x128xf32, #tpu.memory_space<vmem_shared>> -> memref<128x128xf32, #tpu.memory_space<vmem_shared>>
      %dma_wait3A_73 = arith.constant 0 : i32
      %dma_wait3A_74 = arith.constant 0 : i32
      %dma_wait3A_75 = tpu.memref_slice %arg9[%run_scoped3A, %dma_wait3A_73, %dma_wait3A_74] : memref<2x128x128xf32, #tpu.memory_space<vmem>> -> memref<1x128x128xf32, #tpu.memory_space<vmem>>
      %dma_wait3A_76 = tpu.memref_squeeze %dma_wait3A_75 : memref<1x128x128xf32, #tpu.memory_space<vmem>> -> memref<128x128xf32, #tpu.memory_space<vmem>>
      tpu.wait_dma2 semaphore(%run_scoped3A_54 : memref<!tpu.dma_semaphore, #tpu.memory_space<semaphore_mem>>) src(%dma_wait3A_76 : memref<128x128xf32, #tpu.memory_space<vmem>>) dst(%dma_wait3A_72 : memref<128x128xf32, #tpu.memory_space<vmem_shared>>)
      tpu.yield
    }) : () -> ()
    %mul3A_7 = arith.constant 640 : i32
    %mul3A_8 = arith.muli %arg1, %mul3A_7 : i32
    %add3A_9 = arith.constant 128 : i32
    %add3A_10 = arith.addi %mul3A_8, %add3A_9 : i32
    %run_scoped3A_11 = arith.constant 0 : i32
    "tpu.region"() ({
      %run_scoped3A_54 = tpu.sem_alloc : memref<!tpu.dma_semaphore, #tpu.memory_space<semaphore_mem>>
      %dma_start3A = arith.constant 0 : i32
      %dma_start3A_55 = arith.constant 0 : i32
      %dma_start3A_56 = tpu.memref_slice %arg9[%run_scoped3A_11, %dma_start3A, %dma_start3A_55] : memref<2x128x128xf32, #tpu.memory_space<vmem>> -> memref<1x128x128xf32, #tpu.memory_space<vmem>>
      %dma_start3A_57 = tpu.memref_squeeze %dma_start3A_56 : memref<1x128x128xf32, #tpu.memory_space<vmem>> -> memref<128x128xf32, #tpu.memory_space<vmem>>
      %dma_start3A_58 = arith.constant 0 : i32
      %dma_start3A_59 = tpu.memref_slice %arg10[%add3A_10, %dma_start3A_58] : memref<10240x128xf32, #tpu.memory_space<vmem_shared>> -> memref<128x128xf32, #tpu.memory_space<vmem_shared>>
      %dma_start3A_60 = arith.constant 0 : i32
      %dma_start3A_61 = tpu.memref_slice %arg10[%add3A_10, %dma_start3A_60] : memref<10240x128xf32, #tpu.memory_space<vmem_shared>> -> memref<128x128xf32, #tpu.memory_space<vmem_shared>>
      %dma_start3A_62 = arith.constant 0 : i32
      %dma_start3A_63 = arith.constant 0 : i32
      %dma_start3A_64 = tpu.memref_slice %arg9[%run_scoped3A_11, %dma_start3A_62, %dma_start3A_63] : memref<2x128x128xf32, #tpu.memory_space<vmem>> -> memref<1x128x128xf32, #tpu.memory_space<vmem>>
      %dma_start3A_65 = tpu.memref_squeeze %dma_start3A_64 : memref<1x128x128xf32, #tpu.memory_space<vmem>> -> memref<128x128xf32, #tpu.memory_space<vmem>>
      tpu.enqueue_dma source(%dma_start3A_65 : memref<128x128xf32, #tpu.memory_space<vmem>>) target(%dma_start3A_61 : memref<128x128xf32, #tpu.memory_space<vmem_shared>>) target_semaphore(%run_scoped3A_54 : memref<!tpu.dma_semaphore, #tpu.memory_space<semaphore_mem>>)
      %dma_wait3A = arith.constant 0 : i32
      %dma_wait3A_66 = arith.constant 0 : i32
      %dma_wait3A_67 = tpu.memref_slice %arg9[%run_scoped3A_11, %dma_wait3A, %dma_wait3A_66] : memref<2x128x128xf32, #tpu.memory_space<vmem>> -> memref<1x128x128xf32, #tpu.memory_space<vmem>>
      %dma_wait3A_68 = tpu.memref_squeeze %dma_wait3A_67 : memref<1x128x128xf32, #tpu.memory_space<vmem>> -> memref<128x128xf32, #tpu.memory_space<vmem>>
      %dma_wait3A_69 = arith.constant 0 : i32
      %dma_wait3A_70 = tpu.memref_slice %arg10[%add3A_10, %dma_wait3A_69] : memref<10240x128xf32, #tpu.memory_space<vmem_shared>> -> memref<128x128xf32, #tpu.memory_space<vmem_shared>>
      %dma_wait3A_71 = arith.constant 0 : i32
      %dma_wait3A_72 = tpu.memref_slice %arg10[%add3A_10, %dma_wait3A_71] : memref<10240x128xf32, #tpu.memory_space<vmem_shared>> -> memref<128x128xf32, #tpu.memory_space<vmem_shared>>
      %dma_wait3A_73 = arith.constant 0 : i32
      %dma_wait3A_74 = arith.constant 0 : i32
      %dma_wait3A_75 = tpu.memref_slice %arg9[%run_scoped3A_11, %dma_wait3A_73, %dma_wait3A_74] : memref<2x128x128xf32, #tpu.memory_space<vmem>> -> memref<1x128x128xf32, #tpu.memory_space<vmem>>
      %dma_wait3A_76 = tpu.memref_squeeze %dma_wait3A_75 : memref<1x128x128xf32, #tpu.memory_space<vmem>> -> memref<128x128xf32, #tpu.memory_space<vmem>>
      tpu.wait_dma2 semaphore(%run_scoped3A_54 : memref<!tpu.dma_semaphore, #tpu.memory_space<semaphore_mem>>) src(%dma_wait3A_76 : memref<128x128xf32, #tpu.memory_space<vmem>>) dst(%dma_wait3A_72 : memref<128x128xf32, #tpu.memory_space<vmem_shared>>)
      tpu.yield
    }) : () -> ()
    %mul3A_12 = arith.constant 640 : i32
    %mul3A_13 = arith.muli %arg1, %mul3A_12 : i32
    %add3A_14 = arith.constant 256 : i32
    %add3A_15 = arith.addi %mul3A_13, %add3A_14 : i32
    %run_scoped3A_16 = arith.constant 0 : i32
    "tpu.region"() ({
      %run_scoped3A_54 = tpu.sem_alloc : memref<!tpu.dma_semaphore, #tpu.memory_space<semaphore_mem>>
      %dma_start3A = arith.constant 0 : i32
      %dma_start3A_55 = arith.constant 0 : i32
      %dma_start3A_56 = tpu.memref_slice %arg9[%run_scoped3A_16, %dma_start3A, %dma_start3A_55] : memref<2x128x128xf32, #tpu.memory_space<vmem>> -> memref<1x128x128xf32, #tpu.memory_space<vmem>>
      %dma_start3A_57 = tpu.memref_squeeze %dma_start3A_56 : memref<1x128x128xf32, #tpu.memory_space<vmem>> -> memref<128x128xf32, #tpu.memory_space<vmem>>
      %dma_start3A_58 = arith.constant 0 : i32
      %dma_start3A_59 = tpu.memref_slice %arg10[%add3A_15, %dma_start3A_58] : memref<10240x128xf32, #tpu.memory_space<vmem_shared>> -> memref<128x128xf32, #tpu.memory_space<vmem_shared>>
      %dma_start3A_60 = arith.constant 0 : i32
      %dma_start3A_61 = tpu.memref_slice %arg10[%add3A_15, %dma_start3A_60] : memref<10240x128xf32, #tpu.memory_space<vmem_shared>> -> memref<128x128xf32, #tpu.memory_space<vmem_shared>>
      %dma_start3A_62 = arith.constant 0 : i32
      %dma_start3A_63 = arith.constant 0 : i32
      %dma_start3A_64 = tpu.memref_slice %arg9[%run_scoped3A_16, %dma_start3A_62, %dma_start3A_63] : memref<2x128x128xf32, #tpu.memory_space<vmem>> -> memref<1x128x128xf32, #tpu.memory_space<vmem>>
      %dma_start3A_65 = tpu.memref_squeeze %dma_start3A_64 : memref<1x128x128xf32, #tpu.memory_space<vmem>> -> memref<128x128xf32, #tpu.memory_space<vmem>>
      tpu.enqueue_dma source(%dma_start3A_65 : memref<128x128xf32, #tpu.memory_space<vmem>>) target(%dma_start3A_61 : memref<128x128xf32, #tpu.memory_space<vmem_shared>>) target_semaphore(%run_scoped3A_54 : memref<!tpu.dma_semaphore, #tpu.memory_space<semaphore_mem>>)
      %dma_wait3A = arith.constant 0 : i32
      %dma_wait3A_66 = arith.constant 0 : i32
      %dma_wait3A_67 = tpu.memref_slice %arg9[%run_scoped3A_16, %dma_wait3A, %dma_wait3A_66] : memref<2x128x128xf32, #tpu.memory_space<vmem>> -> memref<1x128x128xf32, #tpu.memory_space<vmem>>
      %dma_wait3A_68 = tpu.memref_squeeze %dma_wait3A_67 : memref<1x128x128xf32, #tpu.memory_space<vmem>> -> memref<128x128xf32, #tpu.memory_space<vmem>>
      %dma_wait3A_69 = arith.constant 0 : i32
      %dma_wait3A_70 = tpu.memref_slice %arg10[%add3A_15, %dma_wait3A_69] : memref<10240x128xf32, #tpu.memory_space<vmem_shared>> -> memref<128x128xf32, #tpu.memory_space<vmem_shared>>
      %dma_wait3A_71 = arith.constant 0 : i32
      %dma_wait3A_72 = tpu.memref_slice %arg10[%add3A_15, %dma_wait3A_71] : memref<10240x128xf32, #tpu.memory_space<vmem_shared>> -> memref<128x128xf32, #tpu.memory_space<vmem_shared>>
      %dma_wait3A_73 = arith.constant 0 : i32
      %dma_wait3A_74 = arith.constant 0 : i32
      %dma_wait3A_75 = tpu.memref_slice %arg9[%run_scoped3A_16, %dma_wait3A_73, %dma_wait3A_74] : memref<2x128x128xf32, #tpu.memory_space<vmem>> -> memref<1x128x128xf32, #tpu.memory_space<vmem>>
      %dma_wait3A_76 = tpu.memref_squeeze %dma_wait3A_75 : memref<1x128x128xf32, #tpu.memory_space<vmem>> -> memref<128x128xf32, #tpu.memory_space<vmem>>
      tpu.wait_dma2 semaphore(%run_scoped3A_54 : memref<!tpu.dma_semaphore, #tpu.memory_space<semaphore_mem>>) src(%dma_wait3A_76 : memref<128x128xf32, #tpu.memory_space<vmem>>) dst(%dma_wait3A_72 : memref<128x128xf32, #tpu.memory_space<vmem_shared>>)
      tpu.yield
    }) : () -> ()
    %mul3A_17 = arith.constant 640 : i32
    %mul3A_18 = arith.muli %arg1, %mul3A_17 : i32
    %add3A_19 = arith.constant 384 : i32
    %add3A_20 = arith.addi %mul3A_18, %add3A_19 : i32
    %run_scoped3A_21 = arith.constant 0 : i32
    "tpu.region"() ({
      %run_scoped3A_54 = tpu.sem_alloc : memref<!tpu.dma_semaphore, #tpu.memory_space<semaphore_mem>>
      %dma_start3A = arith.constant 0 : i32
      %dma_start3A_55 = arith.constant 0 : i32
      %dma_start3A_56 = tpu.memref_slice %arg9[%run_scoped3A_21, %dma_start3A, %dma_start3A_55] : memref<2x128x128xf32, #tpu.memory_space<vmem>> -> memref<1x128x128xf32, #tpu.memory_space<vmem>>
      %dma_start3A_57 = tpu.memref_squeeze %dma_start3A_56 : memref<1x128x128xf32, #tpu.memory_space<vmem>> -> memref<128x128xf32, #tpu.memory_space<vmem>>
      %dma_start3A_58 = arith.constant 0 : i32
      %dma_start3A_59 = tpu.memref_slice %arg10[%add3A_20, %dma_start3A_58] : memref<10240x128xf32, #tpu.memory_space<vmem_shared>> -> memref<128x128xf32, #tpu.memory_space<vmem_shared>>
      %dma_start3A_60 = arith.constant 0 : i32
      %dma_start3A_61 = tpu.memref_slice %arg10[%add3A_20, %dma_start3A_60] : memref<10240x128xf32, #tpu.memory_space<vmem_shared>> -> memref<128x128xf32, #tpu.memory_space<vmem_shared>>
      %dma_start3A_62 = arith.constant 0 : i32
      %dma_start3A_63 = arith.constant 0 : i32
      %dma_start3A_64 = tpu.memref_slice %arg9[%run_scoped3A_21, %dma_start3A_62, %dma_start3A_63] : memref<2x128x128xf32, #tpu.memory_space<vmem>> -> memref<1x128x128xf32, #tpu.memory_space<vmem>>
      %dma_start3A_65 = tpu.memref_squeeze %dma_start3A_64 : memref<1x128x128xf32, #tpu.memory_space<vmem>> -> memref<128x128xf32, #tpu.memory_space<vmem>>
      tpu.enqueue_dma source(%dma_start3A_65 : memref<128x128xf32, #tpu.memory_space<vmem>>) target(%dma_start3A_61 : memref<128x128xf32, #tpu.memory_space<vmem_shared>>) target_semaphore(%run_scoped3A_54 : memref<!tpu.dma_semaphore, #tpu.memory_space<semaphore_mem>>)
      %dma_wait3A = arith.constant 0 : i32
      %dma_wait3A_66 = arith.constant 0 : i32
      %dma_wait3A_67 = tpu.memref_slice %arg9[%run_scoped3A_21, %dma_wait3A, %dma_wait3A_66] : memref<2x128x128xf32, #tpu.memory_space<vmem>> -> memref<1x128x128xf32, #tpu.memory_space<vmem>>
      %dma_wait3A_68 = tpu.memref_squeeze %dma_wait3A_67 : memref<1x128x128xf32, #tpu.memory_space<vmem>> -> memref<128x128xf32, #tpu.memory_space<vmem>>
      %dma_wait3A_69 = arith.constant 0 : i32
      %dma_wait3A_70 = tpu.memref_slice %arg10[%add3A_20, %dma_wait3A_69] : memref<10240x128xf32, #tpu.memory_space<vmem_shared>> -> memref<128x128xf32, #tpu.memory_space<vmem_shared>>
      %dma_wait3A_71 = arith.constant 0 : i32
      %dma_wait3A_72 = tpu.memref_slice %arg10[%add3A_20, %dma_wait3A_71] : memref<10240x128xf32, #tpu.memory_space<vmem_shared>> -> memref<128x128xf32, #tpu.memory_space<vmem_shared>>
      %dma_wait3A_73 = arith.constant 0 : i32
      %dma_wait3A_74 = arith.constant 0 : i32
      %dma_wait3A_75 = tpu.memref_slice %arg9[%run_scoped3A_21, %dma_wait3A_73, %dma_wait3A_74] : memref<2x128x128xf32, #tpu.memory_space<vmem>> -> memref<1x128x128xf32, #tpu.memory_space<vmem>>
      %dma_wait3A_76 = tpu.memref_squeeze %dma_wait3A_75 : memref<1x128x128xf32, #tpu.memory_space<vmem>> -> memref<128x128xf32, #tpu.memory_space<vmem>>
      tpu.wait_dma2 semaphore(%run_scoped3A_54 : memref<!tpu.dma_semaphore, #tpu.memory_space<semaphore_mem>>) src(%dma_wait3A_76 : memref<128x128xf32, #tpu.memory_space<vmem>>) dst(%dma_wait3A_72 : memref<128x128xf32, #tpu.memory_space<vmem_shared>>)
      tpu.yield
    }) : () -> ()
    %mul3A_22 = arith.constant 640 : i32
    %mul3A_23 = arith.muli %arg1, %mul3A_22 : i32
    %add3A_24 = arith.constant 512 : i32
    %add3A_25 = arith.addi %mul3A_23, %add3A_24 : i32
    %run_scoped3A_26 = arith.constant 0 : i32
    "tpu.region"() ({
      %run_scoped3A_54 = tpu.sem_alloc : memref<!tpu.dma_semaphore, #tpu.memory_space<semaphore_mem>>
      %dma_start3A = arith.constant 0 : i32
      %dma_start3A_55 = arith.constant 0 : i32
      %dma_start3A_56 = tpu.memref_slice %arg9[%run_scoped3A_26, %dma_start3A, %dma_start3A_55] : memref<2x128x128xf32, #tpu.memory_space<vmem>> -> memref<1x128x128xf32, #tpu.memory_space<vmem>>
      %dma_start3A_57 = tpu.memref_squeeze %dma_start3A_56 : memref<1x128x128xf32, #tpu.memory_space<vmem>> -> memref<128x128xf32, #tpu.memory_space<vmem>>
      %dma_start3A_58 = arith.constant 0 : i32
      %dma_start3A_59 = tpu.memref_slice %arg10[%add3A_25, %dma_start3A_58] : memref<10240x128xf32, #tpu.memory_space<vmem_shared>> -> memref<128x128xf32, #tpu.memory_space<vmem_shared>>
      %dma_start3A_60 = arith.constant 0 : i32
      %dma_start3A_61 = tpu.memref_slice %arg10[%add3A_25, %dma_start3A_60] : memref<10240x128xf32, #tpu.memory_space<vmem_shared>> -> memref<128x128xf32, #tpu.memory_space<vmem_shared>>
      %dma_start3A_62 = arith.constant 0 : i32
      %dma_start3A_63 = arith.constant 0 : i32
      %dma_start3A_64 = tpu.memref_slice %arg9[%run_scoped3A_26, %dma_start3A_62, %dma_start3A_63] : memref<2x128x128xf32, #tpu.memory_space<vmem>> -> memref<1x128x128xf32, #tpu.memory_space<vmem>>
      %dma_start3A_65 = tpu.memref_squeeze %dma_start3A_64 : memref<1x128x128xf32, #tpu.memory_space<vmem>> -> memref<128x128xf32, #tpu.memory_space<vmem>>
      tpu.enqueue_dma source(%dma_start3A_65 : memref<128x128xf32, #tpu.memory_space<vmem>>) target(%dma_start3A_61 : memref<128x128xf32, #tpu.memory_space<vmem_shared>>) target_semaphore(%run_scoped3A_54 : memref<!tpu.dma_semaphore, #tpu.memory_space<semaphore_mem>>)
      %dma_wait3A = arith.constant 0 : i32
      %dma_wait3A_66 = arith.constant 0 : i32
      %dma_wait3A_67 = tpu.memref_slice %arg9[%run_scoped3A_26, %dma_wait3A, %dma_wait3A_66] : memref<2x128x128xf32, #tpu.memory_space<vmem>> -> memref<1x128x128xf32, #tpu.memory_space<vmem>>
      %dma_wait3A_68 = tpu.memref_squeeze %dma_wait3A_67 : memref<1x128x128xf32, #tpu.memory_space<vmem>> -> memref<128x128xf32, #tpu.memory_space<vmem>>
      %dma_wait3A_69 = arith.constant 0 : i32
      %dma_wait3A_70 = tpu.memref_slice %arg10[%add3A_25, %dma_wait3A_69] : memref<10240x128xf32, #tpu.memory_space<vmem_shared>> -> memref<128x128xf32, #tpu.memory_space<vmem_shared>>
      %dma_wait3A_71 = arith.constant 0 : i32
      %dma_wait3A_72 = tpu.memref_slice %arg10[%add3A_25, %dma_wait3A_71] : memref<10240x128xf32, #tpu.memory_space<vmem_shared>> -> memref<128x128xf32, #tpu.memory_space<vmem_shared>>
      %dma_wait3A_73 = arith.constant 0 : i32
      %dma_wait3A_74 = arith.constant 0 : i32
      %dma_wait3A_75 = tpu.memref_slice %arg9[%run_scoped3A_26, %dma_wait3A_73, %dma_wait3A_74] : memref<2x128x128xf32, #tpu.memory_space<vmem>> -> memref<1x128x128xf32, #tpu.memory_space<vmem>>
      %dma_wait3A_76 = tpu.memref_squeeze %dma_wait3A_75 : memref<1x128x128xf32, #tpu.memory_space<vmem>> -> memref<128x128xf32, #tpu.memory_space<vmem>>
      tpu.wait_dma2 semaphore(%run_scoped3A_54 : memref<!tpu.dma_semaphore, #tpu.memory_space<semaphore_mem>>) src(%dma_wait3A_76 : memref<128x128xf32, #tpu.memory_space<vmem>>) dst(%dma_wait3A_72 : memref<128x128xf32, #tpu.memory_space<vmem_shared>>)
      tpu.yield
    }) : () -> ()
    %barrier3A = arith.constant 0 : index
    tpu.barrier barrier_id(%barrier3A)
    %scan3A_27 = arith.constant 0 : i32
    %scan3A_28 = arith.constant 0 : i32
    %scan3A_29 = arith.constant 10 : i32
    %scan3A_30 = arith.addi %scan3A_28, %scan3A_29 : i32
    %scan3A_31 = arith.constant 1 : i32
    scf.for %scan3A_54 = %scan3A_28 to %scan3A_30 step %scan3A_31  : i32 {
      %mul3A_55 = arith.constant 16 : i32
      %mul3A_56 = arith.muli %scan3A_54, %mul3A_55 : i32
      "tpu.region"() ({
        %run_scoped3A_213 = tpu.sem_alloc : memref<!tpu.dma_semaphore, #tpu.memory_space<semaphore_mem>>
        %dma_start3A_214 = arith.constant 0 : i32
        %dma_start3A_215 = tpu.memref_slice %arg2[%arg1, %mul3A_56, %dma_start3A_214] : memref<16x160x128xi32, #tpu.memory_space<hbm>> -> memref<1x16x128xi32, #tpu.memory_space<hbm>>
        %dma_start3A_216 = tpu.memref_squeeze %dma_start3A_215 : memref<1x16x128xi32, #tpu.memory_space<hbm>> -> memref<16x128xi32, #tpu.memory_space<hbm>>
        %dma_start3A_217 = arith.constant 0 : i32
        %dma_start3A_218 = tpu.memref_slice %arg2[%arg1, %mul3A_56, %dma_start3A_217] : memref<16x160x128xi32, #tpu.memory_space<hbm>> -> memref<1x16x128xi32, #tpu.memory_space<hbm>>
        %dma_start3A_219 = tpu.memref_squeeze %dma_start3A_218 : memref<1x16x128xi32, #tpu.memory_space<hbm>> -> memref<16x128xi32, #tpu.memory_space<hbm>>
        tpu.enqueue_dma source(%dma_start3A_219 : memref<16x128xi32, #tpu.memory_space<hbm>>) target(%arg6 : memref<16x128xi32, #tpu.memory_space<vmem>>) target_semaphore(%run_scoped3A_213 : memref<!tpu.dma_semaphore, #tpu.memory_space<semaphore_mem>>)
        %dma_wait3A_220 = arith.constant 0 : i32
        %dma_wait3A_221 = tpu.memref_slice %arg2[%arg1, %mul3A_56, %dma_wait3A_220] : memref<16x160x128xi32, #tpu.memory_space<hbm>> -> memref<1x16x128xi32, #tpu.memory_space<hbm>>
        %dma_wait3A_222 = tpu.memref_squeeze %dma_wait3A_221 : memref<1x16x128xi32, #tpu.memory_space<hbm>> -> memref<16x128xi32, #tpu.memory_space<hbm>>
        %dma_wait3A_223 = arith.constant 0 : i32
        %dma_wait3A_224 = tpu.memref_slice %arg2[%arg1, %mul3A_56, %dma_wait3A_223] : memref<16x160x128xi32, #tpu.memory_space<hbm>> -> memref<1x16x128xi32, #tpu.memory_space<hbm>>
        %dma_wait3A_225 = tpu.memref_squeeze %dma_wait3A_224 : memref<1x16x128xi32, #tpu.memory_space<hbm>> -> memref<16x128xi32, #tpu.memory_space<hbm>>
        tpu.wait_dma2 semaphore(%run_scoped3A_213 : memref<!tpu.dma_semaphore, #tpu.memory_space<semaphore_mem>>) src(%dma_wait3A_225 : memref<16x128xi32, #tpu.memory_space<hbm>>) dst(%arg6 : memref<16x128xi32, #tpu.memory_space<vmem>>)
        tpu.yield
      }) : () -> ()
      %mul3A_57 = arith.constant 16 : i32
      %mul3A_58 = arith.muli %scan3A_54, %mul3A_57 : i32
      "tpu.region"() ({
        %run_scoped3A_213 = tpu.sem_alloc : memref<!tpu.dma_semaphore, #tpu.memory_space<semaphore_mem>>
        %dma_start3A_214 = arith.constant 0 : i32
        %dma_start3A_215 = tpu.memref_slice %arg3[%arg1, %mul3A_58, %dma_start3A_214] : memref<16x160x128xi32, #tpu.memory_space<hbm>> -> memref<1x16x128xi32, #tpu.memory_space<hbm>>
        %dma_start3A_216 = tpu.memref_squeeze %dma_start3A_215 : memref<1x16x128xi32, #tpu.memory_space<hbm>> -> memref<16x128xi32, #tpu.memory_space<hbm>>
        %dma_start3A_217 = arith.constant 0 : i32
        %dma_start3A_218 = tpu.memref_slice %arg3[%arg1, %mul3A_58, %dma_start3A_217] : memref<16x160x128xi32, #tpu.memory_space<hbm>> -> memref<1x16x128xi32, #tpu.memory_space<hbm>>
        %dma_start3A_219 = tpu.memref_squeeze %dma_start3A_218 : memref<1x16x128xi32, #tpu.memory_space<hbm>> -> memref<16x128xi32, #tpu.memory_space<hbm>>
        tpu.enqueue_dma source(%dma_start3A_219 : memref<16x128xi32, #tpu.memory_space<hbm>>) target(%arg7 : memref<16x128xi32, #tpu.memory_space<vmem>>) target_semaphore(%run_scoped3A_213 : memref<!tpu.dma_semaphore, #tpu.memory_space<semaphore_mem>>)
        %dma_wait3A_220 = arith.constant 0 : i32
        %dma_wait3A_221 = tpu.memref_slice %arg3[%arg1, %mul3A_58, %dma_wait3A_220] : memref<16x160x128xi32, #tpu.memory_space<hbm>> -> memref<1x16x128xi32, #tpu.memory_space<hbm>>
        %dma_wait3A_222 = tpu.memref_squeeze %dma_wait3A_221 : memref<1x16x128xi32, #tpu.memory_space<hbm>> -> memref<16x128xi32, #tpu.memory_space<hbm>>
        %dma_wait3A_223 = arith.constant 0 : i32
        %dma_wait3A_224 = tpu.memref_slice %arg3[%arg1, %mul3A_58, %dma_wait3A_223] : memref<16x160x128xi32, #tpu.memory_space<hbm>> -> memref<1x16x128xi32, #tpu.memory_space<hbm>>
        %dma_wait3A_225 = tpu.memref_squeeze %dma_wait3A_224 : memref<1x16x128xi32, #tpu.memory_space<hbm>> -> memref<16x128xi32, #tpu.memory_space<hbm>>
        tpu.wait_dma2 semaphore(%run_scoped3A_213 : memref<!tpu.dma_semaphore, #tpu.memory_space<semaphore_mem>>) src(%dma_wait3A_225 : memref<16x128xi32, #tpu.memory_space<hbm>>) dst(%arg7 : memref<16x128xi32, #tpu.memory_space<vmem>>)
        tpu.yield
      }) : () -> ()
      %get3A = arith.constant 0 : i32
      %get3A_59 = arith.index_cast %get3A : i32 to index
      %get3A_60 = arith.constant 0 : index
      %get3A_61 = tpu.vector_load %arg6[%get3A_59, %get3A_60] {strides = array<i32>} : memref<16x128xi32, #tpu.memory_space<vmem>>, vector<1x16xi32>,
      %get3A_62 = vector.shape_cast %get3A_61 : vector<1x16xi32> to vector<16xi32>
      %mul3A_63 = arith.constant 2 : i32
      %mul3A_64 = vector.broadcast %mul3A_63 : i32 to vector<16xi32>
      %mul3A_65 = arith.muli %get3A_62, %mul3A_64 : vector<16xi32>
      %add3A_66 = vector.broadcast %arg0 : i32 to vector<16xi32>
      %add3A_67 = arith.addi %mul3A_65, %add3A_66 : vector<16xi32>
      %swap3A = arith.constant 0 : i32
      %swap3A_68 = arith.index_cast %swap3A : i32 to index
      %swap3A_69 = arith.constant 0 : index
      %swap3A_70 = tpu.vector_load %arg8[%swap3A_68, %swap3A_69] {strides = array<i32>} : memref<2x128xi32, #tpu.memory_space<vmem>>, vector<1x16xi32>,
      %swap3A_71 = vector.shape_cast %swap3A_70 : vector<1x16xi32> to vector<16xi32>
      %swap3A_72 = vector.shape_cast %add3A_67 : vector<16xi32> to vector<1x16xi32>
      tpu.vector_store %arg8[%swap3A_68, %swap3A_69], %swap3A_72 {strides = array<i32>} : memref<2x128xi32, #tpu.memory_space<vmem>>, vector<1x16xi32>,
      %get3A_73 = arith.constant 0 : i32
      %get3A_74 = arith.index_cast %get3A_73 : i32 to index
      %get3A_75 = arith.constant 16 : index
      %get3A_76 = tpu.vector_load %arg6[%get3A_74, %get3A_75] {strides = array<i32>} : memref<16x128xi32, #tpu.memory_space<vmem>>, vector<1x16xi32>,
      %get3A_77 = vector.shape_cast %get3A_76 : vector<1x16xi32> to vector<16xi32>
      %mul3A_78 = arith.constant 2 : i32
      %mul3A_79 = vector.broadcast %mul3A_78 : i32 to vector<16xi32>
      %mul3A_80 = arith.muli %get3A_77, %mul3A_79 : vector<16xi32>
      %add3A_81 = vector.broadcast %arg0 : i32 to vector<16xi32>
      %add3A_82 = arith.addi %mul3A_80, %add3A_81 : vector<16xi32>
      %swap3A_83 = arith.constant 0 : i32
      %swap3A_84 = arith.index_cast %swap3A_83 : i32 to index
      %swap3A_85 = arith.constant 16 : index
      %swap3A_86 = tpu.vector_load %arg8[%swap3A_84, %swap3A_85] {strides = array<i32>} : memref<2x128xi32, #tpu.memory_space<vmem>>, vector<1x16xi32>,
      %swap3A_87 = vector.shape_cast %swap3A_86 : vector<1x16xi32> to vector<16xi32>
      %swap3A_88 = vector.shape_cast %add3A_82 : vector<16xi32> to vector<1x16xi32>
      tpu.vector_store %arg8[%swap3A_84, %swap3A_85], %swap3A_88 {strides = array<i32>} : memref<2x128xi32, #tpu.memory_space<vmem>>, vector<1x16xi32>,
      %get3A_89 = arith.constant 0 : i32
      %get3A_90 = arith.index_cast %get3A_89 : i32 to index
      %get3A_91 = arith.constant 32 : index
      %get3A_92 = tpu.vector_load %arg6[%get3A_90, %get3A_91] {strides = array<i32>} : memref<16x128xi32, #tpu.memory_space<vmem>>, vector<1x16xi32>,
      %get3A_93 = vector.shape_cast %get3A_92 : vector<1x16xi32> to vector<16xi32>
      %mul3A_94 = arith.constant 2 : i32
      %mul3A_95 = vector.broadcast %mul3A_94 : i32 to vector<16xi32>
      %mul3A_96 = arith.muli %get3A_93, %mul3A_95 : vector<16xi32>
      %add3A_97 = vector.broadcast %arg0 : i32 to vector<16xi32>
      %add3A_98 = arith.addi %mul3A_96, %add3A_97 : vector<16xi32>
      %swap3A_99 = arith.constant 0 : i32
      %swap3A_100 = arith.index_cast %swap3A_99 : i32 to index
      %swap3A_101 = arith.constant 32 : index
      %swap3A_102 = tpu.vector_load %arg8[%swap3A_100, %swap3A_101] {strides = array<i32>} : memref<2x128xi32, #tpu.memory_space<vmem>>, vector<1x16xi32>,
      %swap3A_103 = vector.shape_cast %swap3A_102 : vector<1x16xi32> to vector<16xi32>
      %swap3A_104 = vector.shape_cast %add3A_98 : vector<16xi32> to vector<1x16xi32>
      tpu.vector_store %arg8[%swap3A_100, %swap3A_101], %swap3A_104 {strides = array<i32>} : memref<2x128xi32, #tpu.memory_space<vmem>>, vector<1x16xi32>,
      %get3A_105 = arith.constant 0 : i32
      %get3A_106 = arith.index_cast %get3A_105 : i32 to index
      %get3A_107 = arith.constant 48 : index
      %get3A_108 = tpu.vector_load %arg6[%get3A_106, %get3A_107] {strides = array<i32>} : memref<16x128xi32, #tpu.memory_space<vmem>>, vector<1x16xi32>,
      %get3A_109 = vector.shape_cast %get3A_108 : vector<1x16xi32> to vector<16xi32>
      %mul3A_110 = arith.constant 2 : i32
      %mul3A_111 = vector.broadcast %mul3A_110 : i32 to vector<16xi32>
      %mul3A_112 = arith.muli %get3A_109, %mul3A_111 : vector<16xi32>
      %add3A_113 = vector.broadcast %arg0 : i32 to vector<16xi32>
      %add3A_114 = arith.addi %mul3A_112, %add3A_113 : vector<16xi32>
      %swap3A_115 = arith.constant 0 : i32
      %swap3A_116 = arith.index_cast %swap3A_115 : i32 to index
      %swap3A_117 = arith.constant 48 : index
      %swap3A_118 = tpu.vector_load %arg8[%swap3A_116, %swap3A_117] {strides = array<i32>} : memref<2x128xi32, #tpu.memory_space<vmem>>, vector<1x16xi32>,
      %swap3A_119 = vector.shape_cast %swap3A_118 : vector<1x16xi32> to vector<16xi32>
      %swap3A_120 = vector.shape_cast %add3A_114 : vector<16xi32> to vector<1x16xi32>
      tpu.vector_store %arg8[%swap3A_116, %swap3A_117], %swap3A_120 {strides = array<i32>} : memref<2x128xi32, #tpu.memory_space<vmem>>, vector<1x16xi32>,
      %get3A_121 = arith.constant 0 : i32
      %get3A_122 = arith.index_cast %get3A_121 : i32 to index
      %get3A_123 = arith.constant 64 : index
      %get3A_124 = tpu.vector_load %arg6[%get3A_122, %get3A_123] {strides = array<i32>} : memref<16x128xi32, #tpu.memory_space<vmem>>, vector<1x16xi32>,
      %get3A_125 = vector.shape_cast %get3A_124 : vector<1x16xi32> to vector<16xi32>
      %mul3A_126 = arith.constant 2 : i32
      %mul3A_127 = vector.broadcast %mul3A_126 : i32 to vector<16xi32>
      %mul3A_128 = arith.muli %get3A_125, %mul3A_127 : vector<16xi32>
      %add3A_129 = vector.broadcast %arg0 : i32 to vector<16xi32>
      %add3A_130 = arith.addi %mul3A_128, %add3A_129 : vector<16xi32>
      %swap3A_131 = arith.constant 0 : i32
      %swap3A_132 = arith.index_cast %swap3A_131 : i32 to index
      %swap3A_133 = arith.constant 64 : index
      %swap3A_134 = tpu.vector_load %arg8[%swap3A_132, %swap3A_133] {strides = array<i32>} : memref<2x128xi32, #tpu.memory_space<vmem>>, vector<1x16xi32>,
      %swap3A_135 = vector.shape_cast %swap3A_134 : vector<1x16xi32> to vector<16xi32>
      %swap3A_136 = vector.shape_cast %add3A_130 : vector<16xi32> to vector<1x16xi32>
      tpu.vector_store %arg8[%swap3A_132, %swap3A_133], %swap3A_136 {strides = array<i32>} : memref<2x128xi32, #tpu.memory_space<vmem>>, vector<1x16xi32>,
      %get3A_137 = arith.constant 0 : i32
      %get3A_138 = arith.index_cast %get3A_137 : i32 to index
      %get3A_139 = arith.constant 80 : index
      %get3A_140 = tpu.vector_load %arg6[%get3A_138, %get3A_139] {strides = array<i32>} : memref<16x128xi32, #tpu.memory_space<vmem>>, vector<1x16xi32>,
      %get3A_141 = vector.shape_cast %get3A_140 : vector<1x16xi32> to vector<16xi32>
      %mul3A_142 = arith.constant 2 : i32
      %mul3A_143 = vector.broadcast %mul3A_142 : i32 to vector<16xi32>
      %mul3A_144 = arith.muli %get3A_141, %mul3A_143 : vector<16xi32>
      %add3A_145 = vector.broadcast %arg0 : i32 to vector<16xi32>
      %add3A_146 = arith.addi %mul3A_144, %add3A_145 : vector<16xi32>
      %swap3A_147 = arith.constant 0 : i32
      %swap3A_148 = arith.index_cast %swap3A_147 : i32 to index
      %swap3A_149 = arith.constant 80 : index
      %swap3A_150 = tpu.vector_load %arg8[%swap3A_148, %swap3A_149] {strides = array<i32>} : memref<2x128xi32, #tpu.memory_space<vmem>>, vector<1x16xi32>,
      %swap3A_151 = vector.shape_cast %swap3A_150 : vector<1x16xi32> to vector<16xi32>
      %swap3A_152 = vector.shape_cast %add3A_146 : vector<16xi32> to vector<1x16xi32>
      tpu.vector_store %arg8[%swap3A_148, %swap3A_149], %swap3A_152 {strides = array<i32>} : memref<2x128xi32, #tpu.memory_space<vmem>>, vector<1x16xi32>,
      %get3A_153 = arith.constant 0 : i32
      %get3A_154 = arith.index_cast %get3A_153 : i32 to index
      %get3A_155 = arith.constant 96 : index
      %get3A_156 = tpu.vector_load %arg6[%get3A_154, %get3A_155] {strides = array<i32>} : memref<16x128xi32, #tpu.memory_space<vmem>>, vector<1x16xi32>,
      %get3A_157 = vector.shape_cast %get3A_156 : vector<1x16xi32> to vector<16xi32>
      %mul3A_158 = arith.constant 2 : i32
      %mul3A_159 = vector.broadcast %mul3A_158 : i32 to vector<16xi32>
      %mul3A_160 = arith.muli %get3A_157, %mul3A_159 : vector<16xi32>
      %add3A_161 = vector.broadcast %arg0 : i32 to vector<16xi32>
      %add3A_162 = arith.addi %mul3A_160, %add3A_161 : vector<16xi32>
      %swap3A_163 = arith.constant 0 : i32
      %swap3A_164 = arith.index_cast %swap3A_163 : i32 to index
      %swap3A_165 = arith.constant 96 : index
      %swap3A_166 = tpu.vector_load %arg8[%swap3A_164, %swap3A_165] {strides = array<i32>} : memref<2x128xi32, #tpu.memory_space<vmem>>, vector<1x16xi32>,
      %swap3A_167 = vector.shape_cast %swap3A_166 : vector<1x16xi32> to vector<16xi32>
      %swap3A_168 = vector.shape_cast %add3A_162 : vector<16xi32> to vector<1x16xi32>
      tpu.vector_store %arg8[%swap3A_164, %swap3A_165], %swap3A_168 {strides = array<i32>} : memref<2x128xi32, #tpu.memory_space<vmem>>, vector<1x16xi32>,
      %get3A_169 = arith.constant 0 : i32
      %get3A_170 = arith.index_cast %get3A_169 : i32 to index
      %get3A_171 = arith.constant 112 : index
      %get3A_172 = tpu.vector_load %arg6[%get3A_170, %get3A_171] {strides = array<i32>} : memref<16x128xi32, #tpu.memory_space<vmem>>, vector<1x16xi32>,
      %get3A_173 = vector.shape_cast %get3A_172 : vector<1x16xi32> to vector<16xi32>
      %mul3A_174 = arith.constant 2 : i32
      %mul3A_175 = vector.broadcast %mul3A_174 : i32 to vector<16xi32>
      %mul3A_176 = arith.muli %get3A_173, %mul3A_175 : vector<16xi32>
      %add3A_177 = vector.broadcast %arg0 : i32 to vector<16xi32>
      %add3A_178 = arith.addi %mul3A_176, %add3A_177 : vector<16xi32>
      %swap3A_179 = arith.constant 0 : i32
      %swap3A_180 = arith.index_cast %swap3A_179 : i32 to index
      %swap3A_181 = arith.constant 112 : index
      %swap3A_182 = tpu.vector_load %arg8[%swap3A_180, %swap3A_181] {strides = array<i32>} : memref<2x128xi32, #tpu.memory_space<vmem>>, vector<1x16xi32>,
      %swap3A_183 = vector.shape_cast %swap3A_182 : vector<1x16xi32> to vector<16xi32>
      %swap3A_184 = vector.shape_cast %add3A_178 : vector<16xi32> to vector<1x16xi32>
      tpu.vector_store %arg8[%swap3A_180, %swap3A_181], %swap3A_184 {strides = array<i32>} : memref<2x128xi32, #tpu.memory_space<vmem>>, vector<1x16xi32>,
      %dma_start3A = arith.constant 0 : i32
      %dma_start3A_185 = arith.constant 0 : i32
      %dma_start3A_186 = arith.constant 0 : i32
      %dma_start3A_187 = arith.constant 0 : i32
      %dma_start3A_188 = tpu.memref_slice %arg9[%dma_start3A_185, %dma_start3A_186, %dma_start3A_187] : memref<2x128x128xf32, #tpu.memory_space<vmem>> -> memref<1x128x128xf32, #tpu.memory_space<vmem>>
      %dma_start3A_189 = tpu.memref_squeeze %dma_start3A_188 : memref<1x128x128xf32, #tpu.memory_space<vmem>> -> memref<128x128xf32, #tpu.memory_space<vmem>>
      %dma_start3A_190 = arith.constant 0 : i32
      %dma_start3A_191 = tpu.memref_slice %arg8[%dma_start3A, %dma_start3A_190] : memref<2x128xi32, #tpu.memory_space<vmem>> -> memref<1x128xi32, #tpu.memory_space<vmem>>
      %dma_start3A_192 = tpu.memref_squeeze %dma_start3A_191 : memref<1x128xi32, #tpu.memory_space<vmem>> -> memref<128xi32, #tpu.memory_space<vmem>>
      %dma_start3A_193 = arith.constant 0 : i32
      %dma_start3A_194 = arith.constant 0 : i32
      %dma_start3A_195 = tpu.memref_slice %arg4[%dma_start3A_193, %dma_start3A_194] : memref<20480x128xf32, #tpu.memory_space<hbm>> -> memref<20480x128xf32, #tpu.memory_space<hbm>>
      tpu.enqueue_indirect_dma source(%dma_start3A_195 : memref<20480x128xf32, #tpu.memory_space<hbm>>) target(%dma_start3A_189 : memref<128x128xf32, #tpu.memory_space<vmem>>) offsets(%dma_start3A_192 : memref<128xi32, #tpu.memory_space<vmem>>) semaphore(%arg11 : memref<!tpu.dma_semaphore, #tpu.memory_space<semaphore_mem>>)
      %scan3A_196 = arith.constant 0 : i32
      %scan3A_197 = arith.constant 0 : i32
      %scan3A_198 = arith.constant 8 : i32
      %scan3A_199 = arith.addi %scan3A_197, %scan3A_198 : i32
      %scan3A_200 = arith.constant 1 : i32
      scf.for %scan3A_213 = %scan3A_197 to %scan3A_199 step %scan3A_200  : i32 {
        %dma_wait3A_214 = arith.constant 0 : i32
        %dma_wait3A_215 = arith.constant 0 : i32
        %dma_wait3A_216 = arith.constant 0 : i32
        %dma_wait3A_217 = arith.constant 0 : i32
        %dma_wait3A_218 = tpu.memref_slice %arg9[%dma_wait3A_215, %dma_wait3A_216, %dma_wait3A_217] : memref<2x128x128xf32, #tpu.memory_space<vmem>> -> memref<1x128x128xf32, #tpu.memory_space<vmem>>
        %dma_wait3A_219 = tpu.memref_squeeze %dma_wait3A_218 : memref<1x128x128xf32, #tpu.memory_space<vmem>> -> memref<128x128xf32, #tpu.memory_space<vmem>>
        %dma_wait3A_220 = arith.constant 0 : i32
        %dma_wait3A_221 = tpu.memref_slice %arg8[%dma_wait3A_214, %dma_wait3A_220] : memref<2x128xi32, #tpu.memory_space<vmem>> -> memref<1x128xi32, #tpu.memory_space<vmem>>
        %dma_wait3A_222 = tpu.memref_squeeze %dma_wait3A_221 : memref<1x128xi32, #tpu.memory_space<vmem>> -> memref<128xi32, #tpu.memory_space<vmem>>
        %dma_wait3A_223 = arith.constant 0 : i32
        %dma_wait3A_224 = arith.constant 0 : i32
        %dma_wait3A_225 = tpu.memref_slice %arg4[%dma_wait3A_223, %dma_wait3A_224] : memref<20480x128xf32, #tpu.memory_space<hbm>> -> memref<20480x128xf32, #tpu.memory_space<hbm>>
        tpu.wait_indirect_dma semaphore(%arg11 : memref<!tpu.dma_semaphore, #tpu.memory_space<semaphore_mem>>) src(%dma_wait3A_225 : memref<20480x128xf32, #tpu.memory_space<hbm>>) dst(%dma_wait3A_219 : memref<128x128xf32, #tpu.memory_space<vmem>>)
        %ge3A = arith.constant 1 : i32
        %ge3A_226 = arith.cmpi sge, %scan3A_213, %ge3A : i32
        %convert_element_type3A = arith.extui %ge3A_226 : i1 to i32
        %cond3A = arith.constant 0 : i32
        %cond3A_227 = arith.cmpi ne, %convert_element_type3A, %cond3A : i32
        scf.if %cond3A_227 {
          %mul3A_421 = arith.constant 2 : i32
          %mul3A_422 = arith.muli %mul3A_421, %scan3A_213 : i32
          %sub3A = arith.constant 1 : i32
          %sub3A_423 = arith.subi %mul3A_422, %sub3A : i32
          %dma_wait3A_424 = arith.constant 1 : i32
          %dma_wait3A_425 = arith.constant 0 : i32
          %dma_wait3A_426 = arith.constant 0 : i32
          %dma_wait3A_427 = tpu.memref_slice %arg9[%dma_wait3A_424, %dma_wait3A_425, %dma_wait3A_426] : memref<2x128x128xf32, #tpu.memory_space<vmem>> -> memref<1x128x128xf32, #tpu.memory_space<vmem>>
          %dma_wait3A_428 = tpu.memref_squeeze %dma_wait3A_427 : memref<1x128x128xf32, #tpu.memory_space<vmem>> -> memref<128x128xf32, #tpu.memory_space<vmem>>
          %dma_wait3A_429 = arith.constant 0 : i32
          %dma_wait3A_430 = tpu.memref_slice %arg7[%sub3A_423, %dma_wait3A_429] : memref<16x128xi32, #tpu.memory_space<vmem>> -> memref<1x128xi32, #tpu.memory_space<vmem>>
          %dma_wait3A_431 = tpu.memref_squeeze %dma_wait3A_430 : memref<1x128xi32, #tpu.memory_space<vmem>> -> memref<128xi32, #tpu.memory_space<vmem>>
          %dma_wait3A_432 = arith.constant 0 : i32
          %dma_wait3A_433 = arith.constant 0 : i32
          %dma_wait3A_434 = tpu.memref_slice %arg10[%dma_wait3A_432, %dma_wait3A_433] : memref<10240x128xf32, #tpu.memory_space<vmem_shared>> -> memref<10240x128xf32, #tpu.memory_space<vmem_shared>>
          tpu.wait_indirect_dma semaphore(%arg14 : memref<!tpu.dma_semaphore, #tpu.memory_space<semaphore_mem>>) src(%dma_wait3A_428 : memref<128x128xf32, #tpu.memory_space<vmem>>) dst(%dma_wait3A_434 : memref<10240x128xf32, #tpu.memory_space<vmem_shared>>)
        } else {
        }
        %mul3A_228 = arith.constant 2 : i32
        %mul3A_229 = arith.muli %mul3A_228, %scan3A_213 : i32
        %add3A_230 = arith.constant 1 : i32
        %add3A_231 = arith.addi %mul3A_229, %add3A_230 : i32
        %get3A_232 = arith.index_cast %add3A_231 : i32 to index
        %get3A_233 = arith.constant 0 : index
        %get3A_234 = tpu.vector_load %arg6[%get3A_232, %get3A_233] {strides = array<i32>} : memref<16x128xi32, #tpu.memory_space<vmem>>, vector<1x16xi32>,
        %get3A_235 = vector.shape_cast %get3A_234 : vector<1x16xi32> to vector<16xi32>
        %mul3A_236 = arith.constant 2 : i32
        %mul3A_237 = vector.broadcast %mul3A_236 : i32 to vector<16xi32>
        %mul3A_238 = arith.muli %get3A_235, %mul3A_237 : vector<16xi32>
        %add3A_239 = vector.broadcast %arg0 : i32 to vector<16xi32>
        %add3A_240 = arith.addi %mul3A_238, %add3A_239 : vector<16xi32>
        %swap3A_241 = arith.constant 1 : i32
        %swap3A_242 = arith.index_cast %swap3A_241 : i32 to index
        %swap3A_243 = arith.constant 0 : index
        %swap3A_244 = tpu.vector_load %arg8[%swap3A_242, %swap3A_243] {strides = array<i32>} : memref<2x128xi32, #tpu.memory_space<vmem>>, vector<1x16xi32>,
        %swap3A_245 = vector.shape_cast %swap3A_244 : vector<1x16xi32> to vector<16xi32>
        %swap3A_246 = vector.shape_cast %add3A_240 : vector<16xi32> to vector<1x16xi32>
        tpu.vector_store %arg8[%swap3A_242, %swap3A_243], %swap3A_246 {strides = array<i32>} : memref<2x128xi32, #tpu.memory_space<vmem>>, vector<1x16xi32>,
        %get3A_247 = arith.index_cast %add3A_231 : i32 to index
        %get3A_248 = arith.constant 16 : index
        %get3A_249 = tpu.vector_load %arg6[%get3A_247, %get3A_248] {strides = array<i32>} : memref<16x128xi32, #tpu.memory_space<vmem>>, vector<1x16xi32>,
        %get3A_250 = vector.shape_cast %get3A_249 : vector<1x16xi32> to vector<16xi32>
        %mul3A_251 = arith.constant 2 : i32
        %mul3A_252 = vector.broadcast %mul3A_251 : i32 to vector<16xi32>
        %mul3A_253 = arith.muli %get3A_250, %mul3A_252 : vector<16xi32>
        %add3A_254 = vector.broadcast %arg0 : i32 to vector<16xi32>
        %add3A_255 = arith.addi %mul3A_253, %add3A_254 : vector<16xi32>
        %swap3A_256 = arith.constant 1 : i32
        %swap3A_257 = arith.index_cast %swap3A_256 : i32 to index
        %swap3A_258 = arith.constant 16 : index
        %swap3A_259 = tpu.vector_load %arg8[%swap3A_257, %swap3A_258] {strides = array<i32>} : memref<2x128xi32, #tpu.memory_space<vmem>>, vector<1x16xi32>,
        %swap3A_260 = vector.shape_cast %swap3A_259 : vector<1x16xi32> to vector<16xi32>
        %swap3A_261 = vector.shape_cast %add3A_255 : vector<16xi32> to vector<1x16xi32>
        tpu.vector_store %arg8[%swap3A_257, %swap3A_258], %swap3A_261 {strides = array<i32>} : memref<2x128xi32, #tpu.memory_space<vmem>>, vector<1x16xi32>,
        %get3A_262 = arith.index_cast %add3A_231 : i32 to index
        %get3A_263 = arith.constant 32 : index
        %get3A_264 = tpu.vector_load %arg6[%get3A_262, %get3A_263] {strides = array<i32>} : memref<16x128xi32, #tpu.memory_space<vmem>>, vector<1x16xi32>,
        %get3A_265 = vector.shape_cast %get3A_264 : vector<1x16xi32> to vector<16xi32>
        %mul3A_266 = arith.constant 2 : i32
        %mul3A_267 = vector.broadcast %mul3A_266 : i32 to vector<16xi32>
        %mul3A_268 = arith.muli %get3A_265, %mul3A_267 : vector<16xi32>
        %add3A_269 = vector.broadcast %arg0 : i32 to vector<16xi32>
        %add3A_270 = arith.addi %mul3A_268, %add3A_269 : vector<16xi32>
        %swap3A_271 = arith.constant 1 : i32
        %swap3A_272 = arith.index_cast %swap3A_271 : i32 to index
        %swap3A_273 = arith.constant 32 : index
        %swap3A_274 = tpu.vector_load %arg8[%swap3A_272, %swap3A_273] {strides = array<i32>} : memref<2x128xi32, #tpu.memory_space<vmem>>, vector<1x16xi32>,
        %swap3A_275 = vector.shape_cast %swap3A_274 : vector<1x16xi32> to vector<16xi32>
        %swap3A_276 = vector.shape_cast %add3A_270 : vector<16xi32> to vector<1x16xi32>
        tpu.vector_store %arg8[%swap3A_272, %swap3A_273], %swap3A_276 {strides = array<i32>} : memref<2x128xi32, #tpu.memory_space<vmem>>, vector<1x16xi32>,
        %get3A_277 = arith.index_cast %add3A_231 : i32 to index
        %get3A_278 = arith.constant 48 : index
        %get3A_279 = tpu.vector_load %arg6[%get3A_277, %get3A_278] {strides = array<i32>} : memref<16x128xi32, #tpu.memory_space<vmem>>, vector<1x16xi32>,
        %get3A_280 = vector.shape_cast %get3A_279 : vector<1x16xi32> to vector<16xi32>
        %mul3A_281 = arith.constant 2 : i32
        %mul3A_282 = vector.broadcast %mul3A_281 : i32 to vector<16xi32>
        %mul3A_283 = arith.muli %get3A_280, %mul3A_282 : vector<16xi32>
        %add3A_284 = vector.broadcast %arg0 : i32 to vector<16xi32>
        %add3A_285 = arith.addi %mul3A_283, %add3A_284 : vector<16xi32>
        %swap3A_286 = arith.constant 1 : i32
        %swap3A_287 = arith.index_cast %swap3A_286 : i32 to index
        %swap3A_288 = arith.constant 48 : index
        %swap3A_289 = tpu.vector_load %arg8[%swap3A_287, %swap3A_288] {strides = array<i32>} : memref<2x128xi32, #tpu.memory_space<vmem>>, vector<1x16xi32>,
        %swap3A_290 = vector.shape_cast %swap3A_289 : vector<1x16xi32> to vector<16xi32>
        %swap3A_291 = vector.shape_cast %add3A_285 : vector<16xi32> to vector<1x16xi32>
        tpu.vector_store %arg8[%swap3A_287, %swap3A_288], %swap3A_291 {strides = array<i32>} : memref<2x128xi32, #tpu.memory_space<vmem>>, vector<1x16xi32>,
        %get3A_292 = arith.index_cast %add3A_231 : i32 to index
        %get3A_293 = arith.constant 64 : index
        %get3A_294 = tpu.vector_load %arg6[%get3A_292, %get3A_293] {strides = array<i32>} : memref<16x128xi32, #tpu.memory_space<vmem>>, vector<1x16xi32>,
        %get3A_295 = vector.shape_cast %get3A_294 : vector<1x16xi32> to vector<16xi32>
        %mul3A_296 = arith.constant 2 : i32
        %mul3A_297 = vector.broadcast %mul3A_296 : i32 to vector<16xi32>
        %mul3A_298 = arith.muli %get3A_295, %mul3A_297 : vector<16xi32>
        %add3A_299 = vector.broadcast %arg0 : i32 to vector<16xi32>
        %add3A_300 = arith.addi %mul3A_298, %add3A_299 : vector<16xi32>
        %swap3A_301 = arith.constant 1 : i32
        %swap3A_302 = arith.index_cast %swap3A_301 : i32 to index
        %swap3A_303 = arith.constant 64 : index
        %swap3A_304 = tpu.vector_load %arg8[%swap3A_302, %swap3A_303] {strides = array<i32>} : memref<2x128xi32, #tpu.memory_space<vmem>>, vector<1x16xi32>,
        %swap3A_305 = vector.shape_cast %swap3A_304 : vector<1x16xi32> to vector<16xi32>
        %swap3A_306 = vector.shape_cast %add3A_300 : vector<16xi32> to vector<1x16xi32>
        tpu.vector_store %arg8[%swap3A_302, %swap3A_303], %swap3A_306 {strides = array<i32>} : memref<2x128xi32, #tpu.memory_space<vmem>>, vector<1x16xi32>,
        %get3A_307 = arith.index_cast %add3A_231 : i32 to index
        %get3A_308 = arith.constant 80 : index
        %get3A_309 = tpu.vector_load %arg6[%get3A_307, %get3A_308] {strides = array<i32>} : memref<16x128xi32, #tpu.memory_space<vmem>>, vector<1x16xi32>,
        %get3A_310 = vector.shape_cast %get3A_309 : vector<1x16xi32> to vector<16xi32>
        %mul3A_311 = arith.constant 2 : i32
        %mul3A_312 = vector.broadcast %mul3A_311 : i32 to vector<16xi32>
        %mul3A_313 = arith.muli %get3A_310, %mul3A_312 : vector<16xi32>
        %add3A_314 = vector.broadcast %arg0 : i32 to vector<16xi32>
        %add3A_315 = arith.addi %mul3A_313, %add3A_314 : vector<16xi32>
        %swap3A_316 = arith.constant 1 : i32
        %swap3A_317 = arith.index_cast %swap3A_316 : i32 to index
        %swap3A_318 = arith.constant 80 : index
        %swap3A_319 = tpu.vector_load %arg8[%swap3A_317, %swap3A_318] {strides = array<i32>} : memref<2x128xi32, #tpu.memory_space<vmem>>, vector<1x16xi32>,
        %swap3A_320 = vector.shape_cast %swap3A_319 : vector<1x16xi32> to vector<16xi32>
        %swap3A_321 = vector.shape_cast %add3A_315 : vector<16xi32> to vector<1x16xi32>
        tpu.vector_store %arg8[%swap3A_317, %swap3A_318], %swap3A_321 {strides = array<i32>} : memref<2x128xi32, #tpu.memory_space<vmem>>, vector<1x16xi32>,
        %get3A_322 = arith.index_cast %add3A_231 : i32 to index
        %get3A_323 = arith.constant 96 : index
        %get3A_324 = tpu.vector_load %arg6[%get3A_322, %get3A_323] {strides = array<i32>} : memref<16x128xi32, #tpu.memory_space<vmem>>, vector<1x16xi32>,
        %get3A_325 = vector.shape_cast %get3A_324 : vector<1x16xi32> to vector<16xi32>
        %mul3A_326 = arith.constant 2 : i32
        %mul3A_327 = vector.broadcast %mul3A_326 : i32 to vector<16xi32>
        %mul3A_328 = arith.muli %get3A_325, %mul3A_327 : vector<16xi32>
        %add3A_329 = vector.broadcast %arg0 : i32 to vector<16xi32>
        %add3A_330 = arith.addi %mul3A_328, %add3A_329 : vector<16xi32>
        %swap3A_331 = arith.constant 1 : i32
        %swap3A_332 = arith.index_cast %swap3A_331 : i32 to index
        %swap3A_333 = arith.constant 96 : index
        %swap3A_334 = tpu.vector_load %arg8[%swap3A_332, %swap3A_333] {strides = array<i32>} : memref<2x128xi32, #tpu.memory_space<vmem>>, vector<1x16xi32>,
        %swap3A_335 = vector.shape_cast %swap3A_334 : vector<1x16xi32> to vector<16xi32>
        %swap3A_336 = vector.shape_cast %add3A_330 : vector<16xi32> to vector<1x16xi32>
        tpu.vector_store %arg8[%swap3A_332, %swap3A_333], %swap3A_336 {strides = array<i32>} : memref<2x128xi32, #tpu.memory_space<vmem>>, vector<1x16xi32>,
        %get3A_337 = arith.index_cast %add3A_231 : i32 to index
        %get3A_338 = arith.constant 112 : index
        %get3A_339 = tpu.vector_load %arg6[%get3A_337, %get3A_338] {strides = array<i32>} : memref<16x128xi32, #tpu.memory_space<vmem>>, vector<1x16xi32>,
        %get3A_340 = vector.shape_cast %get3A_339 : vector<1x16xi32> to vector<16xi32>
        %mul3A_341 = arith.constant 2 : i32
        %mul3A_342 = vector.broadcast %mul3A_341 : i32 to vector<16xi32>
        %mul3A_343 = arith.muli %get3A_340, %mul3A_342 : vector<16xi32>
        %add3A_344 = vector.broadcast %arg0 : i32 to vector<16xi32>
        %add3A_345 = arith.addi %mul3A_343, %add3A_344 : vector<16xi32>
        %swap3A_346 = arith.constant 1 : i32
        %swap3A_347 = arith.index_cast %swap3A_346 : i32 to index
        %swap3A_348 = arith.constant 112 : index
        %swap3A_349 = tpu.vector_load %arg8[%swap3A_347, %swap3A_348] {strides = array<i32>} : memref<2x128xi32, #tpu.memory_space<vmem>>, vector<1x16xi32>,
        %swap3A_350 = vector.shape_cast %swap3A_349 : vector<1x16xi32> to vector<16xi32>
        %swap3A_351 = vector.shape_cast %add3A_345 : vector<16xi32> to vector<1x16xi32>
        tpu.vector_store %arg8[%swap3A_347, %swap3A_348], %swap3A_351 {strides = array<i32>} : memref<2x128xi32, #tpu.memory_space<vmem>>, vector<1x16xi32>,
        %dma_start3A_352 = arith.constant 1 : i32
        %dma_start3A_353 = arith.constant 1 : i32
        %dma_start3A_354 = arith.constant 0 : i32
        %dma_start3A_355 = arith.constant 0 : i32
        %dma_start3A_356 = tpu.memref_slice %arg9[%dma_start3A_353, %dma_start3A_354, %dma_start3A_355] : memref<2x128x128xf32, #tpu.memory_space<vmem>> -> memref<1x128x128xf32, #tpu.memory_space<vmem>>
        %dma_start3A_357 = tpu.memref_squeeze %dma_start3A_356 : memref<1x128x128xf32, #tpu.memory_space<vmem>> -> memref<128x128xf32, #tpu.memory_space<vmem>>
        %dma_start3A_358 = arith.constant 0 : i32
        %dma_start3A_359 = tpu.memref_slice %arg8[%dma_start3A_352, %dma_start3A_358] : memref<2x128xi32, #tpu.memory_space<vmem>> -> memref<1x128xi32, #tpu.memory_space<vmem>>
        %dma_start3A_360 = tpu.memref_squeeze %dma_start3A_359 : memref<1x128xi32, #tpu.memory_space<vmem>> -> memref<128xi32, #tpu.memory_space<vmem>>
        %dma_start3A_361 = arith.constant 0 : i32
        %dma_start3A_362 = arith.constant 0 : i32
        %dma_start3A_363 = tpu.memref_slice %arg4[%dma_start3A_361, %dma_start3A_362] : memref<20480x128xf32, #tpu.memory_space<hbm>> -> memref<20480x128xf32, #tpu.memory_space<hbm>>
        tpu.enqueue_indirect_dma source(%dma_start3A_363 : memref<20480x128xf32, #tpu.memory_space<hbm>>) target(%dma_start3A_357 : memref<128x128xf32, #tpu.memory_space<vmem>>) offsets(%dma_start3A_360 : memref<128xi32, #tpu.memory_space<vmem>>) semaphore(%arg12 : memref<!tpu.dma_semaphore, #tpu.memory_space<semaphore_mem>>)
        %mul3A_364 = arith.constant 2 : i32
        %mul3A_365 = arith.muli %mul3A_364, %scan3A_213 : i32
        %dma_start3A_366 = arith.constant 0 : i32
        %dma_start3A_367 = arith.constant 0 : i32
        %dma_start3A_368 = arith.constant 0 : i32
        %dma_start3A_369 = tpu.memref_slice %arg9[%dma_start3A_366, %dma_start3A_367, %dma_start3A_368] : memref<2x128x128xf32, #tpu.memory_space<vmem>> -> memref<1x128x128xf32, #tpu.memory_space<vmem>>
        %dma_start3A_370 = tpu.memref_squeeze %dma_start3A_369 : memref<1x128x128xf32, #tpu.memory_space<vmem>> -> memref<128x128xf32, #tpu.memory_space<vmem>>
        %dma_start3A_371 = arith.constant 0 : i32
        %dma_start3A_372 = tpu.memref_slice %arg7[%mul3A_365, %dma_start3A_371] : memref<16x128xi32, #tpu.memory_space<vmem>> -> memref<1x128xi32, #tpu.memory_space<vmem>>
        %dma_start3A_373 = tpu.memref_squeeze %dma_start3A_372 : memref<1x128xi32, #tpu.memory_space<vmem>> -> memref<128xi32, #tpu.memory_space<vmem>>
        %dma_start3A_374 = arith.constant 0 : i32
        %dma_start3A_375 = arith.constant 0 : i32
        %dma_start3A_376 = tpu.memref_slice %arg10[%dma_start3A_374, %dma_start3A_375] : memref<10240x128xf32, #tpu.memory_space<vmem_shared>> -> memref<10240x128xf32, #tpu.memory_space<vmem_shared>>
        tpu.enqueue_indirect_dma source(%dma_start3A_370 : memref<128x128xf32, #tpu.memory_space<vmem>>) target(%dma_start3A_376 : memref<10240x128xf32, #tpu.memory_space<vmem_shared>>) offsets(%dma_start3A_373 : memref<128xi32, #tpu.memory_space<vmem>>) semaphore(%arg13 : memref<!tpu.dma_semaphore, #tpu.memory_space<semaphore_mem>>) {add = true}
        %dma_wait3A_377 = arith.constant 1 : i32
        %dma_wait3A_378 = arith.constant 1 : i32
        %dma_wait3A_379 = arith.constant 0 : i32
        %dma_wait3A_380 = arith.constant 0 : i32
        %dma_wait3A_381 = tpu.memref_slice %arg9[%dma_wait3A_378, %dma_wait3A_379, %dma_wait3A_380] : memref<2x128x128xf32, #tpu.memory_space<vmem>> -> memref<1x128x128xf32, #tpu.memory_space<vmem>>
        %dma_wait3A_382 = tpu.memref_squeeze %dma_wait3A_381 : memref<1x128x128xf32, #tpu.memory_space<vmem>> -> memref<128x128xf32, #tpu.memory_space<vmem>>
        %dma_wait3A_383 = arith.constant 0 : i32
        %dma_wait3A_384 = tpu.memref_slice %arg8[%dma_wait3A_377, %dma_wait3A_383] : memref<2x128xi32, #tpu.memory_space<vmem>> -> memref<1x128xi32, #tpu.memory_space<vmem>>
        %dma_wait3A_385 = tpu.memref_squeeze %dma_wait3A_384 : memref<1x128xi32, #tpu.memory_space<vmem>> -> memref<128xi32, #tpu.memory_space<vmem>>
        %dma_wait3A_386 = arith.constant 0 : i32
        %dma_wait3A_387 = arith.constant 0 : i32
        %dma_wait3A_388 = tpu.memref_slice %arg4[%dma_wait3A_386, %dma_wait3A_387] : memref<20480x128xf32, #tpu.memory_space<hbm>> -> memref<20480x128xf32, #tpu.memory_space<hbm>>
        tpu.wait_indirect_dma semaphore(%arg12 : memref<!tpu.dma_semaphore, #tpu.memory_space<semaphore_mem>>) src(%dma_wait3A_388 : memref<20480x128xf32, #tpu.memory_space<hbm>>) dst(%dma_wait3A_382 : memref<128x128xf32, #tpu.memory_space<vmem>>)
        %mul3A_389 = arith.constant 2 : i32
        %mul3A_390 = arith.muli %mul3A_389, %scan3A_213 : i32
        %dma_wait3A_391 = arith.constant 0 : i32
        %dma_wait3A_392 = arith.constant 0 : i32
        %dma_wait3A_393 = arith.constant 0 : i32
        %dma_wait3A_394 = tpu.memref_slice %arg9[%dma_wait3A_391, %dma_wait3A_392, %dma_wait3A_393] : memref<2x128x128xf32, #tpu.memory_space<vmem>> -> memref<1x128x128xf32, #tpu.memory_space<vmem>>
        %dma_wait3A_395 = tpu.memref_squeeze %dma_wait3A_394 : memref<1x128x128xf32, #tpu.memory_space<vmem>> -> memref<128x128xf32, #tpu.memory_space<vmem>>
        %dma_wait3A_396 = arith.constant 0 : i32
        %dma_wait3A_397 = tpu.memref_slice %arg7[%mul3A_390, %dma_wait3A_396] : memref<16x128xi32, #tpu.memory_space<vmem>> -> memref<1x128xi32, #tpu.memory_space<vmem>>
        %dma_wait3A_398 = tpu.memref_squeeze %dma_wait3A_397 : memref<1x128xi32, #tpu.memory_space<vmem>> -> memref<128xi32, #tpu.memory_space<vmem>>
        %dma_wait3A_399 = arith.constant 0 : i32
        %dma_wait3A_400 = arith.constant 0 : i32
        %dma_wait3A_401 = tpu.memref_slice %arg10[%dma_wait3A_399, %dma_wait3A_400] : memref<10240x128xf32, #tpu.memory_space<vmem_shared>> -> memref<10240x128xf32, #tpu.memory_space<vmem_shared>>
        tpu.wait_indirect_dma semaphore(%arg13 : memref<!tpu.dma_semaphore, #tpu.memory_space<semaphore_mem>>) src(%dma_wait3A_395 : memref<128x128xf32, #tpu.memory_space<vmem>>) dst(%dma_wait3A_401 : memref<10240x128xf32, #tpu.memory_space<vmem_shared>>)
        %lt3A = arith.constant 7 : i32
        %lt3A_402 = arith.cmpi slt, %scan3A_213, %lt3A : i32
        %convert_element_type3A_403 = arith.extui %lt3A_402 : i1 to i32
        %cond3A_404 = arith.constant 0 : i32
        %cond3A_405 = arith.cmpi ne, %convert_element_type3A_403, %cond3A_404 : i32
        scf.if %cond3A_405 {
          %mul3A_421 = arith.constant 2 : i32
          %mul3A_422 = arith.muli %mul3A_421, %scan3A_213 : i32
          %add3A_423 = arith.constant 2 : i32
          %add3A_424 = arith.addi %mul3A_422, %add3A_423 : i32
          %get3A_425 = arith.index_cast %add3A_424 : i32 to index
          %get3A_426 = arith.constant 0 : index
          %get3A_427 = tpu.vector_load %arg6[%get3A_425, %get3A_426] {strides = array<i32>} : memref<16x128xi32, #tpu.memory_space<vmem>>, vector<1x16xi32>,
          %get3A_428 = vector.shape_cast %get3A_427 : vector<1x16xi32> to vector<16xi32>
          %mul3A_429 = arith.constant 2 : i32
          %mul3A_430 = vector.broadcast %mul3A_429 : i32 to vector<16xi32>
          %mul3A_431 = arith.muli %get3A_428, %mul3A_430 : vector<16xi32>
          %add3A_432 = vector.broadcast %arg0 : i32 to vector<16xi32>
          %add3A_433 = arith.addi %mul3A_431, %add3A_432 : vector<16xi32>
          %swap3A_434 = arith.constant 0 : i32
          %swap3A_435 = arith.index_cast %swap3A_434 : i32 to index
          %swap3A_436 = arith.constant 0 : index
          %swap3A_437 = tpu.vector_load %arg8[%swap3A_435, %swap3A_436] {strides = array<i32>} : memref<2x128xi32, #tpu.memory_space<vmem>>, vector<1x16xi32>,
          %swap3A_438 = vector.shape_cast %swap3A_437 : vector<1x16xi32> to vector<16xi32>
          %swap3A_439 = vector.shape_cast %add3A_433 : vector<16xi32> to vector<1x16xi32>
          tpu.vector_store %arg8[%swap3A_435, %swap3A_436], %swap3A_439 {strides = array<i32>} : memref<2x128xi32, #tpu.memory_space<vmem>>, vector<1x16xi32>,
          %get3A_440 = arith.index_cast %add3A_424 : i32 to index
          %get3A_441 = arith.constant 16 : index
          %get3A_442 = tpu.vector_load %arg6[%get3A_440, %get3A_441] {strides = array<i32>} : memref<16x128xi32, #tpu.memory_space<vmem>>, vector<1x16xi32>,
          %get3A_443 = vector.shape_cast %get3A_442 : vector<1x16xi32> to vector<16xi32>
          %mul3A_444 = arith.constant 2 : i32
          %mul3A_445 = vector.broadcast %mul3A_444 : i32 to vector<16xi32>
          %mul3A_446 = arith.muli %get3A_443, %mul3A_445 : vector<16xi32>
          %add3A_447 = vector.broadcast %arg0 : i32 to vector<16xi32>
          %add3A_448 = arith.addi %mul3A_446, %add3A_447 : vector<16xi32>
          %swap3A_449 = arith.constant 0 : i32
          %swap3A_450 = arith.index_cast %swap3A_449 : i32 to index
          %swap3A_451 = arith.constant 16 : index
          %swap3A_452 = tpu.vector_load %arg8[%swap3A_450, %swap3A_451] {strides = array<i32>} : memref<2x128xi32, #tpu.memory_space<vmem>>, vector<1x16xi32>,
          %swap3A_453 = vector.shape_cast %swap3A_452 : vector<1x16xi32> to vector<16xi32>
          %swap3A_454 = vector.shape_cast %add3A_448 : vector<16xi32> to vector<1x16xi32>
          tpu.vector_store %arg8[%swap3A_450, %swap3A_451], %swap3A_454 {strides = array<i32>} : memref<2x128xi32, #tpu.memory_space<vmem>>, vector<1x16xi32>,
          %get3A_455 = arith.index_cast %add3A_424 : i32 to index
          %get3A_456 = arith.constant 32 : index
          %get3A_457 = tpu.vector_load %arg6[%get3A_455, %get3A_456] {strides = array<i32>} : memref<16x128xi32, #tpu.memory_space<vmem>>, vector<1x16xi32>,
          %get3A_458 = vector.shape_cast %get3A_457 : vector<1x16xi32> to vector<16xi32>
          %mul3A_459 = arith.constant 2 : i32
          %mul3A_460 = vector.broadcast %mul3A_459 : i32 to vector<16xi32>
          %mul3A_461 = arith.muli %get3A_458, %mul3A_460 : vector<16xi32>
          %add3A_462 = vector.broadcast %arg0 : i32 to vector<16xi32>
          %add3A_463 = arith.addi %mul3A_461, %add3A_462 : vector<16xi32>
          %swap3A_464 = arith.constant 0 : i32
          %swap3A_465 = arith.index_cast %swap3A_464 : i32 to index
          %swap3A_466 = arith.constant 32 : index
          %swap3A_467 = tpu.vector_load %arg8[%swap3A_465, %swap3A_466] {strides = array<i32>} : memref<2x128xi32, #tpu.memory_space<vmem>>, vector<1x16xi32>,
          %swap3A_468 = vector.shape_cast %swap3A_467 : vector<1x16xi32> to vector<16xi32>
          %swap3A_469 = vector.shape_cast %add3A_463 : vector<16xi32> to vector<1x16xi32>
          tpu.vector_store %arg8[%swap3A_465, %swap3A_466], %swap3A_469 {strides = array<i32>} : memref<2x128xi32, #tpu.memory_space<vmem>>, vector<1x16xi32>,
          %get3A_470 = arith.index_cast %add3A_424 : i32 to index
          %get3A_471 = arith.constant 48 : index
          %get3A_472 = tpu.vector_load %arg6[%get3A_470, %get3A_471] {strides = array<i32>} : memref<16x128xi32, #tpu.memory_space<vmem>>, vector<1x16xi32>,
          %get3A_473 = vector.shape_cast %get3A_472 : vector<1x16xi32> to vector<16xi32>
          %mul3A_474 = arith.constant 2 : i32
          %mul3A_475 = vector.broadcast %mul3A_474 : i32 to vector<16xi32>
          %mul3A_476 = arith.muli %get3A_473, %mul3A_475 : vector<16xi32>
          %add3A_477 = vector.broadcast %arg0 : i32 to vector<16xi32>
          %add3A_478 = arith.addi %mul3A_476, %add3A_477 : vector<16xi32>
          %swap3A_479 = arith.constant 0 : i32
          %swap3A_480 = arith.index_cast %swap3A_479 : i32 to index
          %swap3A_481 = arith.constant 48 : index
          %swap3A_482 = tpu.vector_load %arg8[%swap3A_480, %swap3A_481] {strides = array<i32>} : memref<2x128xi32, #tpu.memory_space<vmem>>, vector<1x16xi32>,
          %swap3A_483 = vector.shape_cast %swap3A_482 : vector<1x16xi32> to vector<16xi32>
          %swap3A_484 = vector.shape_cast %add3A_478 : vector<16xi32> to vector<1x16xi32>
          tpu.vector_store %arg8[%swap3A_480, %swap3A_481], %swap3A_484 {strides = array<i32>} : memref<2x128xi32, #tpu.memory_space<vmem>>, vector<1x16xi32>,
          %get3A_485 = arith.index_cast %add3A_424 : i32 to index
          %get3A_486 = arith.constant 64 : index
          %get3A_487 = tpu.vector_load %arg6[%get3A_485, %get3A_486] {strides = array<i32>} : memref<16x128xi32, #tpu.memory_space<vmem>>, vector<1x16xi32>,
          %get3A_488 = vector.shape_cast %get3A_487 : vector<1x16xi32> to vector<16xi32>
          %mul3A_489 = arith.constant 2 : i32
          %mul3A_490 = vector.broadcast %mul3A_489 : i32 to vector<16xi32>
          %mul3A_491 = arith.muli %get3A_488, %mul3A_490 : vector<16xi32>
          %add3A_492 = vector.broadcast %arg0 : i32 to vector<16xi32>
          %add3A_493 = arith.addi %mul3A_491, %add3A_492 : vector<16xi32>
          %swap3A_494 = arith.constant 0 : i32
          %swap3A_495 = arith.index_cast %swap3A_494 : i32 to index
          %swap3A_496 = arith.constant 64 : index
          %swap3A_497 = tpu.vector_load %arg8[%swap3A_495, %swap3A_496] {strides = array<i32>} : memref<2x128xi32, #tpu.memory_space<vmem>>, vector<1x16xi32>,
          %swap3A_498 = vector.shape_cast %swap3A_497 : vector<1x16xi32> to vector<16xi32>
          %swap3A_499 = vector.shape_cast %add3A_493 : vector<16xi32> to vector<1x16xi32>
          tpu.vector_store %arg8[%swap3A_495, %swap3A_496], %swap3A_499 {strides = array<i32>} : memref<2x128xi32, #tpu.memory_space<vmem>>, vector<1x16xi32>,
          %get3A_500 = arith.index_cast %add3A_424 : i32 to index
          %get3A_501 = arith.constant 80 : index
          %get3A_502 = tpu.vector_load %arg6[%get3A_500, %get3A_501] {strides = array<i32>} : memref<16x128xi32, #tpu.memory_space<vmem>>, vector<1x16xi32>,
          %get3A_503 = vector.shape_cast %get3A_502 : vector<1x16xi32> to vector<16xi32>
          %mul3A_504 = arith.constant 2 : i32
          %mul3A_505 = vector.broadcast %mul3A_504 : i32 to vector<16xi32>
          %mul3A_506 = arith.muli %get3A_503, %mul3A_505 : vector<16xi32>
          %add3A_507 = vector.broadcast %arg0 : i32 to vector<16xi32>
          %add3A_508 = arith.addi %mul3A_506, %add3A_507 : vector<16xi32>
          %swap3A_509 = arith.constant 0 : i32
          %swap3A_510 = arith.index_cast %swap3A_509 : i32 to index
          %swap3A_511 = arith.constant 80 : index
          %swap3A_512 = tpu.vector_load %arg8[%swap3A_510, %swap3A_511] {strides = array<i32>} : memref<2x128xi32, #tpu.memory_space<vmem>>, vector<1x16xi32>,
          %swap3A_513 = vector.shape_cast %swap3A_512 : vector<1x16xi32> to vector<16xi32>
          %swap3A_514 = vector.shape_cast %add3A_508 : vector<16xi32> to vector<1x16xi32>
          tpu.vector_store %arg8[%swap3A_510, %swap3A_511], %swap3A_514 {strides = array<i32>} : memref<2x128xi32, #tpu.memory_space<vmem>>, vector<1x16xi32>,
          %get3A_515 = arith.index_cast %add3A_424 : i32 to index
          %get3A_516 = arith.constant 96 : index
          %get3A_517 = tpu.vector_load %arg6[%get3A_515, %get3A_516] {strides = array<i32>} : memref<16x128xi32, #tpu.memory_space<vmem>>, vector<1x16xi32>,
          %get3A_518 = vector.shape_cast %get3A_517 : vector<1x16xi32> to vector<16xi32>
          %mul3A_519 = arith.constant 2 : i32
          %mul3A_520 = vector.broadcast %mul3A_519 : i32 to vector<16xi32>
          %mul3A_521 = arith.muli %get3A_518, %mul3A_520 : vector<16xi32>
          %add3A_522 = vector.broadcast %arg0 : i32 to vector<16xi32>
          %add3A_523 = arith.addi %mul3A_521, %add3A_522 : vector<16xi32>
          %swap3A_524 = arith.constant 0 : i32
          %swap3A_525 = arith.index_cast %swap3A_524 : i32 to index
          %swap3A_526 = arith.constant 96 : index
          %swap3A_527 = tpu.vector_load %arg8[%swap3A_525, %swap3A_526] {strides = array<i32>} : memref<2x128xi32, #tpu.memory_space<vmem>>, vector<1x16xi32>,
          %swap3A_528 = vector.shape_cast %swap3A_527 : vector<1x16xi32> to vector<16xi32>
          %swap3A_529 = vector.shape_cast %add3A_523 : vector<16xi32> to vector<1x16xi32>
          tpu.vector_store %arg8[%swap3A_525, %swap3A_526], %swap3A_529 {strides = array<i32>} : memref<2x128xi32, #tpu.memory_space<vmem>>, vector<1x16xi32>,
          %get3A_530 = arith.index_cast %add3A_424 : i32 to index
          %get3A_531 = arith.constant 112 : index
          %get3A_532 = tpu.vector_load %arg6[%get3A_530, %get3A_531] {strides = array<i32>} : memref<16x128xi32, #tpu.memory_space<vmem>>, vector<1x16xi32>,
          %get3A_533 = vector.shape_cast %get3A_532 : vector<1x16xi32> to vector<16xi32>
          %mul3A_534 = arith.constant 2 : i32
          %mul3A_535 = vector.broadcast %mul3A_534 : i32 to vector<16xi32>
          %mul3A_536 = arith.muli %get3A_533, %mul3A_535 : vector<16xi32>
          %add3A_537 = vector.broadcast %arg0 : i32 to vector<16xi32>
          %add3A_538 = arith.addi %mul3A_536, %add3A_537 : vector<16xi32>
          %swap3A_539 = arith.constant 0 : i32
          %swap3A_540 = arith.index_cast %swap3A_539 : i32 to index
          %swap3A_541 = arith.constant 112 : index
          %swap3A_542 = tpu.vector_load %arg8[%swap3A_540, %swap3A_541] {strides = array<i32>} : memref<2x128xi32, #tpu.memory_space<vmem>>, vector<1x16xi32>,
          %swap3A_543 = vector.shape_cast %swap3A_542 : vector<1x16xi32> to vector<16xi32>
          %swap3A_544 = vector.shape_cast %add3A_538 : vector<16xi32> to vector<1x16xi32>
          tpu.vector_store %arg8[%swap3A_540, %swap3A_541], %swap3A_544 {strides = array<i32>} : memref<2x128xi32, #tpu.memory_space<vmem>>, vector<1x16xi32>,
          %dma_start3A_545 = arith.constant 0 : i32
          %dma_start3A_546 = arith.constant 0 : i32
          %dma_start3A_547 = arith.constant 0 : i32
          %dma_start3A_548 = arith.constant 0 : i32
          %dma_start3A_549 = tpu.memref_slice %arg9[%dma_start3A_546, %dma_start3A_547, %dma_start3A_548] : memref<2x128x128xf32, #tpu.memory_space<vmem>> -> memref<1x128x128xf32, #tpu.memory_space<vmem>>
          %dma_start3A_550 = tpu.memref_squeeze %dma_start3A_549 : memref<1x128x128xf32, #tpu.memory_space<vmem>> -> memref<128x128xf32, #tpu.memory_space<vmem>>
          %dma_start3A_551 = arith.constant 0 : i32
          %dma_start3A_552 = tpu.memref_slice %arg8[%dma_start3A_545, %dma_start3A_551] : memref<2x128xi32, #tpu.memory_space<vmem>> -> memref<1x128xi32, #tpu.memory_space<vmem>>
          %dma_start3A_553 = tpu.memref_squeeze %dma_start3A_552 : memref<1x128xi32, #tpu.memory_space<vmem>> -> memref<128xi32, #tpu.memory_space<vmem>>
          %dma_start3A_554 = arith.constant 0 : i32
          %dma_start3A_555 = arith.constant 0 : i32
          %dma_start3A_556 = tpu.memref_slice %arg4[%dma_start3A_554, %dma_start3A_555] : memref<20480x128xf32, #tpu.memory_space<hbm>> -> memref<20480x128xf32, #tpu.memory_space<hbm>>
          tpu.enqueue_indirect_dma source(%dma_start3A_556 : memref<20480x128xf32, #tpu.memory_space<hbm>>) target(%dma_start3A_550 : memref<128x128xf32, #tpu.memory_space<vmem>>) offsets(%dma_start3A_553 : memref<128xi32, #tpu.memory_space<vmem>>) semaphore(%arg11 : memref<!tpu.dma_semaphore, #tpu.memory_space<semaphore_mem>>)
        } else {
        }
        %mul3A_406 = arith.constant 2 : i32
        %mul3A_407 = arith.muli %mul3A_406, %scan3A_213 : i32
        %add3A_408 = arith.constant 1 : i32
        %add3A_409 = arith.addi %mul3A_407, %add3A_408 : i32
        %dma_start3A_410 = arith.constant 1 : i32
        %dma_start3A_411 = arith.constant 0 : i32
        %dma_start3A_412 = arith.constant 0 : i32
        %dma_start3A_413 = tpu.memref_slice %arg9[%dma_start3A_410, %dma_start3A_411, %dma_start3A_412] : memref<2x128x128xf32, #tpu.memory_space<vmem>> -> memref<1x128x128xf32, #tpu.memory_space<vmem>>
        %dma_start3A_414 = tpu.memref_squeeze %dma_start3A_413 : memref<1x128x128xf32, #tpu.memory_space<vmem>> -> memref<128x128xf32, #tpu.memory_space<vmem>>
        %dma_start3A_415 = arith.constant 0 : i32
        %dma_start3A_416 = tpu.memref_slice %arg7[%add3A_409, %dma_start3A_415] : memref<16x128xi32, #tpu.memory_space<vmem>> -> memref<1x128xi32, #tpu.memory_space<vmem>>
        %dma_start3A_417 = tpu.memref_squeeze %dma_start3A_416 : memref<1x128xi32, #tpu.memory_space<vmem>> -> memref<128xi32, #tpu.memory_space<vmem>>
        %dma_start3A_418 = arith.constant 0 : i32
        %dma_start3A_419 = arith.constant 0 : i32
        %dma_start3A_420 = tpu.memref_slice %arg10[%dma_start3A_418, %dma_start3A_419] : memref<10240x128xf32, #tpu.memory_space<vmem_shared>> -> memref<10240x128xf32, #tpu.memory_space<vmem_shared>>
        tpu.enqueue_indirect_dma source(%dma_start3A_414 : memref<128x128xf32, #tpu.memory_space<vmem>>) target(%dma_start3A_420 : memref<10240x128xf32, #tpu.memory_space<vmem_shared>>) offsets(%dma_start3A_417 : memref<128xi32, #tpu.memory_space<vmem>>) semaphore(%arg14 : memref<!tpu.dma_semaphore, #tpu.memory_space<semaphore_mem>>) {add = true}
      }
      %scan3A_201 = arith.constant 8 : i32
      %dma_wait3A = arith.constant 1 : i32
      %dma_wait3A_202 = arith.constant 15 : i32
      %dma_wait3A_203 = arith.constant 0 : i32
      %dma_wait3A_204 = arith.constant 0 : i32
      %dma_wait3A_205 = tpu.memref_slice %arg9[%dma_wait3A, %dma_wait3A_203, %dma_wait3A_204] : memref<2x128x128xf32, #tpu.memory_space<vmem>> -> memref<1x128x128xf32, #tpu.memory_space<vmem>>
      %dma_wait3A_206 = tpu.memref_squeeze %dma_wait3A_205 : memref<1x128x128xf32, #tpu.memory_space<vmem>> -> memref<128x128xf32, #tpu.memory_space<vmem>>
      %dma_wait3A_207 = arith.constant 0 : i32
      %dma_wait3A_208 = tpu.memref_slice %arg7[%dma_wait3A_202, %dma_wait3A_207] : memref<16x128xi32, #tpu.memory_space<vmem>> -> memref<1x128xi32, #tpu.memory_space<vmem>>
      %dma_wait3A_209 = tpu.memref_squeeze %dma_wait3A_208 : memref<1x128xi32, #tpu.memory_space<vmem>> -> memref<128xi32, #tpu.memory_space<vmem>>
      %dma_wait3A_210 = arith.constant 0 : i32
      %dma_wait3A_211 = arith.constant 0 : i32
      %dma_wait3A_212 = tpu.memref_slice %arg10[%dma_wait3A_210, %dma_wait3A_211] : memref<10240x128xf32, #tpu.memory_space<vmem_shared>> -> memref<10240x128xf32, #tpu.memory_space<vmem_shared>>
      tpu.wait_indirect_dma semaphore(%arg14 : memref<!tpu.dma_semaphore, #tpu.memory_space<semaphore_mem>>) src(%dma_wait3A_206 : memref<128x128xf32, #tpu.memory_space<vmem>>) dst(%dma_wait3A_212 : memref<10240x128xf32, #tpu.memory_space<vmem_shared>>)
    }
    %scan3A_32 = arith.constant 10 : i32
    %barrier3A_33 = arith.constant 0 : index
    tpu.barrier barrier_id(%barrier3A_33)
    %mul3A_34 = arith.constant 640 : i32
    %mul3A_35 = arith.muli %arg1, %mul3A_34 : i32
    %add3A_36 = arith.constant 0 : i32
    %add3A_37 = arith.addi %mul3A_35, %add3A_36 : i32
    "tpu.region"() ({
      %run_scoped3A_54 = tpu.sem_alloc : memref<!tpu.dma_semaphore, #tpu.memory_space<semaphore_mem>>
      %dma_start3A = arith.constant 0 : i32
      %dma_start3A_55 = tpu.memref_slice %arg5[%arg0, %add3A_37, %dma_start3A] : memref<2x10240x128xf32, #tpu.memory_space<hbm>> -> memref<1x128x128xf32, #tpu.memory_space<hbm>>
      %dma_start3A_56 = tpu.memref_squeeze %dma_start3A_55 : memref<1x128x128xf32, #tpu.memory_space<hbm>> -> memref<128x128xf32, #tpu.memory_space<hbm>>
      %dma_start3A_57 = arith.constant 0 : i32
      %dma_start3A_58 = tpu.memref_slice %arg10[%add3A_37, %dma_start3A_57] : memref<10240x128xf32, #tpu.memory_space<vmem_shared>> -> memref<128x128xf32, #tpu.memory_space<vmem_shared>>
      tpu.enqueue_dma source(%dma_start3A_58 : memref<128x128xf32, #tpu.memory_space<vmem_shared>>) target(%dma_start3A_56 : memref<128x128xf32, #tpu.memory_space<hbm>>) target_semaphore(%run_scoped3A_54 : memref<!tpu.dma_semaphore, #tpu.memory_space<semaphore_mem>>)
      %dma_wait3A = arith.constant 0 : i32
      %dma_wait3A_59 = tpu.memref_slice %arg5[%arg0, %add3A_37, %dma_wait3A] : memref<2x10240x128xf32, #tpu.memory_space<hbm>> -> memref<1x128x128xf32, #tpu.memory_space<hbm>>
      %dma_wait3A_60 = tpu.memref_squeeze %dma_wait3A_59 : memref<1x128x128xf32, #tpu.memory_space<hbm>> -> memref<128x128xf32, #tpu.memory_space<hbm>>
      %dma_wait3A_61 = arith.constant 0 : i32
      %dma_wait3A_62 = tpu.memref_slice %arg10[%add3A_37, %dma_wait3A_61] : memref<10240x128xf32, #tpu.memory_space<vmem_shared>> -> memref<128x128xf32, #tpu.memory_space<vmem_shared>>
      tpu.wait_dma2 semaphore(%run_scoped3A_54 : memref<!tpu.dma_semaphore, #tpu.memory_space<semaphore_mem>>) src(%dma_wait3A_62 : memref<128x128xf32, #tpu.memory_space<vmem_shared>>) dst(%dma_wait3A_60 : memref<128x128xf32, #tpu.memory_space<hbm>>)
      tpu.yield
    }) : () -> ()
    %mul3A_38 = arith.constant 640 : i32
    %mul3A_39 = arith.muli %arg1, %mul3A_38 : i32
    %add3A_40 = arith.constant 128 : i32
    %add3A_41 = arith.addi %mul3A_39, %add3A_40 : i32
    "tpu.region"() ({
      %run_scoped3A_54 = tpu.sem_alloc : memref<!tpu.dma_semaphore, #tpu.memory_space<semaphore_mem>>
      %dma_start3A = arith.constant 0 : i32
      %dma_start3A_55 = tpu.memref_slice %arg5[%arg0, %add3A_41, %dma_start3A] : memref<2x10240x128xf32, #tpu.memory_space<hbm>> -> memref<1x128x128xf32, #tpu.memory_space<hbm>>
      %dma_start3A_56 = tpu.memref_squeeze %dma_start3A_55 : memref<1x128x128xf32, #tpu.memory_space<hbm>> -> memref<128x128xf32, #tpu.memory_space<hbm>>
      %dma_start3A_57 = arith.constant 0 : i32
      %dma_start3A_58 = tpu.memref_slice %arg10[%add3A_41, %dma_start3A_57] : memref<10240x128xf32, #tpu.memory_space<vmem_shared>> -> memref<128x128xf32, #tpu.memory_space<vmem_shared>>
      tpu.enqueue_dma source(%dma_start3A_58 : memref<128x128xf32, #tpu.memory_space<vmem_shared>>) target(%dma_start3A_56 : memref<128x128xf32, #tpu.memory_space<hbm>>) target_semaphore(%run_scoped3A_54 : memref<!tpu.dma_semaphore, #tpu.memory_space<semaphore_mem>>)
      %dma_wait3A = arith.constant 0 : i32
      %dma_wait3A_59 = tpu.memref_slice %arg5[%arg0, %add3A_41, %dma_wait3A] : memref<2x10240x128xf32, #tpu.memory_space<hbm>> -> memref<1x128x128xf32, #tpu.memory_space<hbm>>
      %dma_wait3A_60 = tpu.memref_squeeze %dma_wait3A_59 : memref<1x128x128xf32, #tpu.memory_space<hbm>> -> memref<128x128xf32, #tpu.memory_space<hbm>>
      %dma_wait3A_61 = arith.constant 0 : i32
      %dma_wait3A_62 = tpu.memref_slice %arg10[%add3A_41, %dma_wait3A_61] : memref<10240x128xf32, #tpu.memory_space<vmem_shared>> -> memref<128x128xf32, #tpu.memory_space<vmem_shared>>
      tpu.wait_dma2 semaphore(%run_scoped3A_54 : memref<!tpu.dma_semaphore, #tpu.memory_space<semaphore_mem>>) src(%dma_wait3A_62 : memref<128x128xf32, #tpu.memory_space<vmem_shared>>) dst(%dma_wait3A_60 : memref<128x128xf32, #tpu.memory_space<hbm>>)
      tpu.yield
    }) : () -> ()
    %mul3A_42 = arith.constant 640 : i32
    %mul3A_43 = arith.muli %arg1, %mul3A_42 : i32
    %add3A_44 = arith.constant 256 : i32
    %add3A_45 = arith.addi %mul3A_43, %add3A_44 : i32
    "tpu.region"() ({
      %run_scoped3A_54 = tpu.sem_alloc : memref<!tpu.dma_semaphore, #tpu.memory_space<semaphore_mem>>
      %dma_start3A = arith.constant 0 : i32
      %dma_start3A_55 = tpu.memref_slice %arg5[%arg0, %add3A_45, %dma_start3A] : memref<2x10240x128xf32, #tpu.memory_space<hbm>> -> memref<1x128x128xf32, #tpu.memory_space<hbm>>
      %dma_start3A_56 = tpu.memref_squeeze %dma_start3A_55 : memref<1x128x128xf32, #tpu.memory_space<hbm>> -> memref<128x128xf32, #tpu.memory_space<hbm>>
      %dma_start3A_57 = arith.constant 0 : i32
      %dma_start3A_58 = tpu.memref_slice %arg10[%add3A_45, %dma_start3A_57] : memref<10240x128xf32, #tpu.memory_space<vmem_shared>> -> memref<128x128xf32, #tpu.memory_space<vmem_shared>>
      tpu.enqueue_dma source(%dma_start3A_58 : memref<128x128xf32, #tpu.memory_space<vmem_shared>>) target(%dma_start3A_56 : memref<128x128xf32, #tpu.memory_space<hbm>>) target_semaphore(%run_scoped3A_54 : memref<!tpu.dma_semaphore, #tpu.memory_space<semaphore_mem>>)
      %dma_wait3A = arith.constant 0 : i32
      %dma_wait3A_59 = tpu.memref_slice %arg5[%arg0, %add3A_45, %dma_wait3A] : memref<2x10240x128xf32, #tpu.memory_space<hbm>> -> memref<1x128x128xf32, #tpu.memory_space<hbm>>
      %dma_wait3A_60 = tpu.memref_squeeze %dma_wait3A_59 : memref<1x128x128xf32, #tpu.memory_space<hbm>> -> memref<128x128xf32, #tpu.memory_space<hbm>>
      %dma_wait3A_61 = arith.constant 0 : i32
      %dma_wait3A_62 = tpu.memref_slice %arg10[%add3A_45, %dma_wait3A_61] : memref<10240x128xf32, #tpu.memory_space<vmem_shared>> -> memref<128x128xf32, #tpu.memory_space<vmem_shared>>
      tpu.wait_dma2 semaphore(%run_scoped3A_54 : memref<!tpu.dma_semaphore, #tpu.memory_space<semaphore_mem>>) src(%dma_wait3A_62 : memref<128x128xf32, #tpu.memory_space<vmem_shared>>) dst(%dma_wait3A_60 : memref<128x128xf32, #tpu.memory_space<hbm>>)
      tpu.yield
    }) : () -> ()
    %mul3A_46 = arith.constant 640 : i32
    %mul3A_47 = arith.muli %arg1, %mul3A_46 : i32
    %add3A_48 = arith.constant 384 : i32
    %add3A_49 = arith.addi %mul3A_47, %add3A_48 : i32
    "tpu.region"() ({
      %run_scoped3A_54 = tpu.sem_alloc : memref<!tpu.dma_semaphore, #tpu.memory_space<semaphore_mem>>
      %dma_start3A = arith.constant 0 : i32
      %dma_start3A_55 = tpu.memref_slice %arg5[%arg0, %add3A_49, %dma_start3A] : memref<2x10240x128xf32, #tpu.memory_space<hbm>> -> memref<1x128x128xf32, #tpu.memory_space<hbm>>
      %dma_start3A_56 = tpu.memref_squeeze %dma_start3A_55 : memref<1x128x128xf32, #tpu.memory_space<hbm>> -> memref<128x128xf32, #tpu.memory_space<hbm>>
      %dma_start3A_57 = arith.constant 0 : i32
      %dma_start3A_58 = tpu.memref_slice %arg10[%add3A_49, %dma_start3A_57] : memref<10240x128xf32, #tpu.memory_space<vmem_shared>> -> memref<128x128xf32, #tpu.memory_space<vmem_shared>>
      tpu.enqueue_dma source(%dma_start3A_58 : memref<128x128xf32, #tpu.memory_space<vmem_shared>>) target(%dma_start3A_56 : memref<128x128xf32, #tpu.memory_space<hbm>>) target_semaphore(%run_scoped3A_54 : memref<!tpu.dma_semaphore, #tpu.memory_space<semaphore_mem>>)
      %dma_wait3A = arith.constant 0 : i32
      %dma_wait3A_59 = tpu.memref_slice %arg5[%arg0, %add3A_49, %dma_wait3A] : memref<2x10240x128xf32, #tpu.memory_space<hbm>> -> memref<1x128x128xf32, #tpu.memory_space<hbm>>
      %dma_wait3A_60 = tpu.memref_squeeze %dma_wait3A_59 : memref<1x128x128xf32, #tpu.memory_space<hbm>> -> memref<128x128xf32, #tpu.memory_space<hbm>>
      %dma_wait3A_61 = arith.constant 0 : i32
      %dma_wait3A_62 = tpu.memref_slice %arg10[%add3A_49, %dma_wait3A_61] : memref<10240x128xf32, #tpu.memory_space<vmem_shared>> -> memref<128x128xf32, #tpu.memory_space<vmem_shared>>
      tpu.wait_dma2 semaphore(%run_scoped3A_54 : memref<!tpu.dma_semaphore, #tpu.memory_space<semaphore_mem>>) src(%dma_wait3A_62 : memref<128x128xf32, #tpu.memory_space<vmem_shared>>) dst(%dma_wait3A_60 : memref<128x128xf32, #tpu.memory_space<hbm>>)
      tpu.yield
    }) : () -> ()
    %mul3A_50 = arith.constant 640 : i32
    %mul3A_51 = arith.muli %arg1, %mul3A_50 : i32
    %add3A_52 = arith.constant 512 : i32
    %add3A_53 = arith.addi %mul3A_51, %add3A_52 : i32
    "tpu.region"() ({
      %run_scoped3A_54 = tpu.sem_alloc : memref<!tpu.dma_semaphore, #tpu.memory_space<semaphore_mem>>
      %dma_start3A = arith.constant 0 : i32
      %dma_start3A_55 = tpu.memref_slice %arg5[%arg0, %add3A_53, %dma_start3A] : memref<2x10240x128xf32, #tpu.memory_space<hbm>> -> memref<1x128x128xf32, #tpu.memory_space<hbm>>
      %dma_start3A_56 = tpu.memref_squeeze %dma_start3A_55 : memref<1x128x128xf32, #tpu.memory_space<hbm>> -> memref<128x128xf32, #tpu.memory_space<hbm>>
      %dma_start3A_57 = arith.constant 0 : i32
      %dma_start3A_58 = tpu.memref_slice %arg10[%add3A_53, %dma_start3A_57] : memref<10240x128xf32, #tpu.memory_space<vmem_shared>> -> memref<128x128xf32, #tpu.memory_space<vmem_shared>>
      tpu.enqueue_dma source(%dma_start3A_58 : memref<128x128xf32, #tpu.memory_space<vmem_shared>>) target(%dma_start3A_56 : memref<128x128xf32, #tpu.memory_space<hbm>>) target_semaphore(%run_scoped3A_54 : memref<!tpu.dma_semaphore, #tpu.memory_space<semaphore_mem>>)
      %dma_wait3A = arith.constant 0 : i32
      %dma_wait3A_59 = tpu.memref_slice %arg5[%arg0, %add3A_53, %dma_wait3A] : memref<2x10240x128xf32, #tpu.memory_space<hbm>> -> memref<1x128x128xf32, #tpu.memory_space<hbm>>
      %dma_wait3A_60 = tpu.memref_squeeze %dma_wait3A_59 : memref<1x128x128xf32, #tpu.memory_space<hbm>> -> memref<128x128xf32, #tpu.memory_space<hbm>>
      %dma_wait3A_61 = arith.constant 0 : i32
      %dma_wait3A_62 = tpu.memref_slice %arg10[%add3A_53, %dma_wait3A_61] : memref<10240x128xf32, #tpu.memory_space<vmem_shared>> -> memref<128x128xf32, #tpu.memory_space<vmem_shared>>
      tpu.wait_dma2 semaphore(%run_scoped3A_54 : memref<!tpu.dma_semaphore, #tpu.memory_space<semaphore_mem>>) src(%dma_wait3A_62 : memref<128x128xf32, #tpu.memory_space<vmem_shared>>) dst(%dma_wait3A_60 : memref<128x128xf32, #tpu.memory_space<hbm>>)
      tpu.yield
    }) : () -> ()
    return
  }
}

#map = affine_map<(d0, d1) -> (0, 0, 0)>
#map1 = affine_map<(d0, d1) -> (0, 0)>
module attributes {stable_mosaic.version = 14 : i64} {
  func.func @_sc_spmm_body(%arg0: i32, %arg1: i32, %arg2: memref<16x160x128xi32, #tpu.memory_space<hbm>>, %arg3: memref<16x160x128xi32, #tpu.memory_space<hbm>>, %arg4: memref<20480x128xf32, #tpu.memory_space<hbm>>, %arg5: memref<2x10240x128xf32, #tpu.memory_space<hbm>>, %arg6: memref<16x128xi32, #tpu.memory_space<vmem>>, %arg7: memref<16x128xi32, #tpu.memory_space<vmem>>, %arg8: memref<2x128xi32, #tpu.memory_space<vmem>>, %arg9: memref<2x128x128xf32, #tpu.memory_space<vmem>>, %arg10: memref<10240x128xf32, #tpu.memory_space<vmem_shared>>, %arg11: memref<!tpu.dma_semaphore, #tpu.memory_space<semaphore_mem>>, %arg12: memref<!tpu.dma_semaphore, #tpu.memory_space<semaphore_mem>>, %arg13: memref<!tpu.dma_semaphore, #tpu.memory_space<semaphore_mem>>, %arg14: memref<!tpu.dma_semaphore, #tpu.memory_space<semaphore_mem>>) attributes {dimension_semantics = [#tpu.dimension_semantics<core_parallel>, #tpu.dimension_semantics<subcore_parallel>], iteration_bounds = array<i64: 2, 16>, scalar_prefetch = 0 : i64, scratch_operands = 9 : i64, tpu.core_type = #tpu.core_type<sc_vector_subcore>, window_params = [{transform_indices = #map}, {transform_indices = #map}, {transform_indices = #map1}, {transform_indices = #map}]} {
    %scan3A = arith.constant 0 : i32
    %scan3A_0 = arith.constant 0 : i32
    %scan3A_1 = arith.constant 128 : i32
    %scan3A_2 = arith.addi %scan3A_0, %scan3A_1 : i32
    %scan3A_3 = arith.constant 1 : i32
    scf.for %scan3A_54 = %scan3A_0 to %scan3A_2 step %scan3A_3  : i32 {
      %broadcast_in_dim3A = arith.constant 0.000000e+00 : f32
      %broadcast_in_dim3A_55 = vector.broadcast %broadcast_in_dim3A : f32 to vector<16xf32>
      %swap3A = arith.constant 0 : i32
      %swap3A_56 = arith.index_cast %swap3A : i32 to index
      %swap3A_57 = arith.index_cast %scan3A_54 : i32 to index
      %swap3A_58 = arith.constant 0 : index
      %swap3A_59 = tpu.vector_load %arg9[%swap3A_56, %swap3A_57, %swap3A_58] {strides = array<i32>} : memref<2x128x128xf32, #tpu.memory_space<vmem>>, vector<1x1x16xf32>,
      %swap3A_60 = vector.shape_cast %swap3A_59 : vector<1x1x16xf32> to vector<16xf32>
      %swap3A_61 = vector.shape_cast %broadcast_in_dim3A_55 : vector<16xf32> to vector<1x1x16xf32>
      tpu.vector_store %arg9[%swap3A_56, %swap3A_57, %swap3A_58], %swap3A_61 {strides = array<i32>} : memref<2x128x128xf32, #tpu.memory_space<vmem>>, vector<1x1x16xf32>,
      %broadcast_in_dim3A_62 = arith.constant 0.000000e+00 : f32
      %broadcast_in_dim3A_63 = vector.broadcast %broadcast_in_dim3A_62 : f32 to vector<16xf32>
      %swap3A_64 = arith.constant 0 : i32
      %swap3A_65 = arith.index_cast %swap3A_64 : i32 to index
      %swap3A_66 = arith.index_cast %scan3A_54 : i32 to index
      %swap3A_67 = arith.constant 16 : index
      %swap3A_68 = tpu.vector_load %arg9[%swap3A_65, %swap3A_66, %swap3A_67] {strides = array<i32>} : memref<2x128x128xf32, #tpu.memory_space<vmem>>, vector<1x1x16xf32>,
      %swap3A_69 = vector.shape_cast %swap3A_68 : vector<1x1x16xf32> to vector<16xf32>
      %swap3A_70 = vector.shape_cast %broadcast_in_dim3A_63 : vector<16xf32> to vector<1x1x16xf32>
      tpu.vector_store %arg9[%swap3A_65, %swap3A_66, %swap3A_67], %swap3A_70 {strides = array<i32>} : memref<2x128x128xf32, #tpu.memory_space<vmem>>, vector<1x1x16xf32>,
      %broadcast_in_dim3A_71 = arith.constant 0.000000e+00 : f32
      %broadcast_in_dim3A_72 = vector.broadcast %broadcast_in_dim3A_71 : f32 to vector<16xf32>
      %swap3A_73 = arith.constant 0 : i32
      %swap3A_74 = arith.index_cast %swap3A_73 : i32 to index
      %swap3A_75 = arith.index_cast %scan3A_54 : i32 to index
      %swap3A_76 = arith.constant 32 : index
      %swap3A_77 = tpu.vector_load %arg9[%swap3A_74, %swap3A_75, %swap3A_76] {strides = array<i32>} : memref<2x128x128xf32, #tpu.memory_space<vmem>>, vector<1x1x16xf32>,
      %swap3A_78 = vector.shape_cast %swap3A_77 : vector<1x1x16xf32> to vector<16xf32>
      %swap3A_79 = vector.shape_cast %broadcast_in_dim3A_72 : vector<16xf32> to vector<1x1x16xf32>
      tpu.vector_store %arg9[%swap3A_74, %swap3A_75, %swap3A_76], %swap3A_79 {strides = array<i32>} : memref<2x128x128xf32, #tpu.memory_space<vmem>>, vector<1x1x16xf32>,
      %broadcast_in_dim3A_80 = arith.constant 0.000000e+00 : f32
      %broadcast_in_dim3A_81 = vector.broadcast %broadcast_in_dim3A_80 : f32 to vector<16xf32>
      %swap3A_82 = arith.constant 0 : i32
      %swap3A_83 = arith.index_cast %swap3A_82 : i32 to index
      %swap3A_84 = arith.index_cast %scan3A_54 : i32 to index
      %swap3A_85 = arith.constant 48 : index
      %swap3A_86 = tpu.vector_load %arg9[%swap3A_83, %swap3A_84, %swap3A_85] {strides = array<i32>} : memref<2x128x128xf32, #tpu.memory_space<vmem>>, vector<1x1x16xf32>,
      %swap3A_87 = vector.shape_cast %swap3A_86 : vector<1x1x16xf32> to vector<16xf32>
      %swap3A_88 = vector.shape_cast %broadcast_in_dim3A_81 : vector<16xf32> to vector<1x1x16xf32>
      tpu.vector_store %arg9[%swap3A_83, %swap3A_84, %swap3A_85], %swap3A_88 {strides = array<i32>} : memref<2x128x128xf32, #tpu.memory_space<vmem>>, vector<1x1x16xf32>,
      %broadcast_in_dim3A_89 = arith.constant 0.000000e+00 : f32
      %broadcast_in_dim3A_90 = vector.broadcast %broadcast_in_dim3A_89 : f32 to vector<16xf32>
      %swap3A_91 = arith.constant 0 : i32
      %swap3A_92 = arith.index_cast %swap3A_91 : i32 to index
      %swap3A_93 = arith.index_cast %scan3A_54 : i32 to index
      %swap3A_94 = arith.constant 64 : index
      %swap3A_95 = tpu.vector_load %arg9[%swap3A_92, %swap3A_93, %swap3A_94] {strides = array<i32>} : memref<2x128x128xf32, #tpu.memory_space<vmem>>, vector<1x1x16xf32>,
      %swap3A_96 = vector.shape_cast %swap3A_95 : vector<1x1x16xf32> to vector<16xf32>
      %swap3A_97 = vector.shape_cast %broadcast_in_dim3A_90 : vector<16xf32> to vector<1x1x16xf32>
      tpu.vector_store %arg9[%swap3A_92, %swap3A_93, %swap3A_94], %swap3A_97 {strides = array<i32>} : memref<2x128x128xf32, #tpu.memory_space<vmem>>, vector<1x1x16xf32>,
      %broadcast_in_dim3A_98 = arith.constant 0.000000e+00 : f32
      %broadcast_in_dim3A_99 = vector.broadcast %broadcast_in_dim3A_98 : f32 to vector<16xf32>
      %swap3A_100 = arith.constant 0 : i32
      %swap3A_101 = arith.index_cast %swap3A_100 : i32 to index
      %swap3A_102 = arith.index_cast %scan3A_54 : i32 to index
      %swap3A_103 = arith.constant 80 : index
      %swap3A_104 = tpu.vector_load %arg9[%swap3A_101, %swap3A_102, %swap3A_103] {strides = array<i32>} : memref<2x128x128xf32, #tpu.memory_space<vmem>>, vector<1x1x16xf32>,
      %swap3A_105 = vector.shape_cast %swap3A_104 : vector<1x1x16xf32> to vector<16xf32>
      %swap3A_106 = vector.shape_cast %broadcast_in_dim3A_99 : vector<16xf32> to vector<1x1x16xf32>
      tpu.vector_store %arg9[%swap3A_101, %swap3A_102, %swap3A_103], %swap3A_106 {strides = array<i32>} : memref<2x128x128xf32, #tpu.memory_space<vmem>>, vector<1x1x16xf32>,
      %broadcast_in_dim3A_107 = arith.constant 0.000000e+00 : f32
      %broadcast_in_dim3A_108 = vector.broadcast %broadcast_in_dim3A_107 : f32 to vector<16xf32>
      %swap3A_109 = arith.constant 0 : i32
      %swap3A_110 = arith.index_cast %swap3A_109 : i32 to index
      %swap3A_111 = arith.index_cast %scan3A_54 : i32 to index
      %swap3A_112 = arith.constant 96 : index
      %swap3A_113 = tpu.vector_load %arg9[%swap3A_110, %swap3A_111, %swap3A_112] {strides = array<i32>} : memref<2x128x128xf32, #tpu.memory_space<vmem>>, vector<1x1x16xf32>,
      %swap3A_114 = vector.shape_cast %swap3A_113 : vector<1x1x16xf32> to vector<16xf32>
      %swap3A_115 = vector.shape_cast %broadcast_in_dim3A_108 : vector<16xf32> to vector<1x1x16xf32>
      tpu.vector_store %arg9[%swap3A_110, %swap3A_111, %swap3A_112], %swap3A_115 {strides = array<i32>} : memref<2x128x128xf32, #tpu.memory_space<vmem>>, vector<1x1x16xf32>,
      %broadcast_in_dim3A_116 = arith.constant 0.000000e+00 : f32
      %broadcast_in_dim3A_117 = vector.broadcast %broadcast_in_dim3A_116 : f32 to vector<16xf32>
      %swap3A_118 = arith.constant 0 : i32
      %swap3A_119 = arith.index_cast %swap3A_118 : i32 to index
      %swap3A_120 = arith.index_cast %scan3A_54 : i32 to index
      %swap3A_121 = arith.constant 112 : index
      %swap3A_122 = tpu.vector_load %arg9[%swap3A_119, %swap3A_120, %swap3A_121] {strides = array<i32>} : memref<2x128x128xf32, #tpu.memory_space<vmem>>, vector<1x1x16xf32>,
      %swap3A_123 = vector.shape_cast %swap3A_122 : vector<1x1x16xf32> to vector<16xf32>
      %swap3A_124 = vector.shape_cast %broadcast_in_dim3A_117 : vector<16xf32> to vector<1x1x16xf32>
      tpu.vector_store %arg9[%swap3A_119, %swap3A_120, %swap3A_121], %swap3A_124 {strides = array<i32>} : memref<2x128x128xf32, #tpu.memory_space<vmem>>, vector<1x1x16xf32>,
    }
    %scan3A_4 = arith.constant 128 : i32
    %mul3A = arith.constant 640 : i32
    %mul3A_5 = arith.muli %arg1, %mul3A : i32
    %add3A = arith.constant 0 : i32
    %add3A_6 = arith.addi %mul3A_5, %add3A : i32
    %run_scoped3A = arith.constant 0 : i32
    "tpu.region"() ({
      %run_scoped3A_54 = tpu.sem_alloc : memref<!tpu.dma_semaphore, #tpu.memory_space<semaphore_mem>>
      %dma_start3A = arith.constant 0 : i32
      %dma_start3A_55 = arith.constant 0 : i32
      %dma_start3A_56 = tpu.memref_slice %arg9[%run_scoped3A, %dma_start3A, %dma_start3A_55] : memref<2x128x128xf32, #tpu.memory_space<vmem>> -> memref<1x128x128xf32, #tpu.memory_space<vmem>>
      %dma_start3A_57 = tpu.memref_squeeze %dma_start3A_56 : memref<1x128x128xf32, #tpu.memory_space<vmem>> -> memref<128x128xf32, #tpu.memory_space<vmem>>
      %dma_start3A_58 = arith.constant 0 : i32
      %dma_start3A_59 = tpu.memref_slice %arg10[%add3A_6, %dma_start3A_58] : memref<10240x128xf32, #tpu.memory_space<vmem_shared>> -> memref<128x128xf32, #tpu.memory_space<vmem_shared>>
      %dma_start3A_60 = arith.constant 0 : i32
      %dma_start3A_61 = tpu.memref_slice %arg10[%add3A_6, %dma_start3A_60] : memref<10240x128xf32, #tpu.memory_space<vmem_shared>> -> memref<128x128xf32, #tpu.memory_space<vmem_shared>>
      %dma_start3A_62 = arith.constant 0 : i32
      %dma_start3A_63 = arith.constant 0 : i32
      %dma_start3A_64 = tpu.memref_slice %arg9[%run_scoped3A, %dma_start3A_62, %dma_start3A_63] : memref<2x128x128xf32, #tpu.memory_space<vmem>> -> memref<1x128x128xf32, #tpu.memory_space<vmem>>
      %dma_start3A_65 = tpu.memref_squeeze %dma_start3A_64 : memref<1x128x128xf32, #tpu.memory_space<vmem>> -> memref<128x128xf32, #tpu.memory_space<vmem>>
      tpu.enqueue_dma source(%dma_start3A_65 : memref<128x128xf32, #tpu.memory_space<vmem>>) target(%dma_start3A_61 : memref<128x128xf32, #tpu.memory_space<vmem_shared>>) target_semaphore(%run_scoped3A_54 : memref<!tpu.dma_semaphore, #tpu.memory_space<semaphore_mem>>)
      %dma_wait3A = arith.constant 0 : i32
      %dma_wait3A_66 = arith.constant 0 : i32
      %dma_wait3A_67 = tpu.memref_slice %arg9[%run_scoped3A, %dma_wait3A, %dma_wait3A_66] : memref<2x128x128xf32, #tpu.memory_space<vmem>> -> memref<1x128x128xf32, #tpu.memory_space<vmem>>
      %dma_wait3A_68 = tpu.memref_squeeze %dma_wait3A_67 : memref<1x128x128xf32, #tpu.memory_space<vmem>> -> memref<128x128xf32, #tpu.memory_space<vmem>>
      %dma_wait3A_69 = arith.constant 0 : i32
      %dma_wait3A_70 = tpu.memref_slice %arg10[%add3A_6, %dma_wait3A_69] : memref<10240x128xf32, #tpu.memory_space<vmem_shared>> -> memref<128x128xf32, #tpu.memory_space<vmem_shared>>
      %dma_wait3A_71 = arith.constant 0 : i32
      %dma_wait3A_72 = tpu.memref_slice %arg10[%add3A_6, %dma_wait3A_71] : memref<10240x128xf32, #tpu.memory_space<vmem_shared>> -> memref<128x128xf32, #tpu.memory_space<vmem_shared>>
      %dma_wait3A_73 = arith.constant 0 : i32
      %dma_wait3A_74 = arith.constant 0 : i32
      %dma_wait3A_75 = tpu.memref_slice %arg9[%run_scoped3A, %dma_wait3A_73, %dma_wait3A_74] : memref<2x128x128xf32, #tpu.memory_space<vmem>> -> memref<1x128x128xf32, #tpu.memory_space<vmem>>
      %dma_wait3A_76 = tpu.memref_squeeze %dma_wait3A_75 : memref<1x128x128xf32, #tpu.memory_space<vmem>> -> memref<128x128xf32, #tpu.memory_space<vmem>>
      tpu.wait_dma2 semaphore(%run_scoped3A_54 : memref<!tpu.dma_semaphore, #tpu.memory_space<semaphore_mem>>) src(%dma_wait3A_76 : memref<128x128xf32, #tpu.memory_space<vmem>>) dst(%dma_wait3A_72 : memref<128x128xf32, #tpu.memory_space<vmem_shared>>)
      tpu.yield
    }) : () -> ()
    %mul3A_7 = arith.constant 640 : i32
    %mul3A_8 = arith.muli %arg1, %mul3A_7 : i32
    %add3A_9 = arith.constant 128 : i32
    %add3A_10 = arith.addi %mul3A_8, %add3A_9 : i32
    %run_scoped3A_11 = arith.constant 0 : i32
    "tpu.region"() ({
      %run_scoped3A_54 = tpu.sem_alloc : memref<!tpu.dma_semaphore, #tpu.memory_space<semaphore_mem>>
      %dma_start3A = arith.constant 0 : i32
      %dma_start3A_55 = arith.constant 0 : i32
      %dma_start3A_56 = tpu.memref_slice %arg9[%run_scoped3A_11, %dma_start3A, %dma_start3A_55] : memref<2x128x128xf32, #tpu.memory_space<vmem>> -> memref<1x128x128xf32, #tpu.memory_space<vmem>>
      %dma_start3A_57 = tpu.memref_squeeze %dma_start3A_56 : memref<1x128x128xf32, #tpu.memory_space<vmem>> -> memref<128x128xf32, #tpu.memory_space<vmem>>
      %dma_start3A_58 = arith.constant 0 : i32
      %dma_start3A_59 = tpu.memref_slice %arg10[%add3A_10, %dma_start3A_58] : memref<10240x128xf32, #tpu.memory_space<vmem_shared>> -> memref<128x128xf32, #tpu.memory_space<vmem_shared>>
      %dma_start3A_60 = arith.constant 0 : i32
      %dma_start3A_61 = tpu.memref_slice %arg10[%add3A_10, %dma_start3A_60] : memref<10240x128xf32, #tpu.memory_space<vmem_shared>> -> memref<128x128xf32, #tpu.memory_space<vmem_shared>>
      %dma_start3A_62 = arith.constant 0 : i32
      %dma_start3A_63 = arith.constant 0 : i32
      %dma_start3A_64 = tpu.memref_slice %arg9[%run_scoped3A_11, %dma_start3A_62, %dma_start3A_63] : memref<2x128x128xf32, #tpu.memory_space<vmem>> -> memref<1x128x128xf32, #tpu.memory_space<vmem>>
      %dma_start3A_65 = tpu.memref_squeeze %dma_start3A_64 : memref<1x128x128xf32, #tpu.memory_space<vmem>> -> memref<128x128xf32, #tpu.memory_space<vmem>>
      tpu.enqueue_dma source(%dma_start3A_65 : memref<128x128xf32, #tpu.memory_space<vmem>>) target(%dma_start3A_61 : memref<128x128xf32, #tpu.memory_space<vmem_shared>>) target_semaphore(%run_scoped3A_54 : memref<!tpu.dma_semaphore, #tpu.memory_space<semaphore_mem>>)
      %dma_wait3A = arith.constant 0 : i32
      %dma_wait3A_66 = arith.constant 0 : i32
      %dma_wait3A_67 = tpu.memref_slice %arg9[%run_scoped3A_11, %dma_wait3A, %dma_wait3A_66] : memref<2x128x128xf32, #tpu.memory_space<vmem>> -> memref<1x128x128xf32, #tpu.memory_space<vmem>>
      %dma_wait3A_68 = tpu.memref_squeeze %dma_wait3A_67 : memref<1x128x128xf32, #tpu.memory_space<vmem>> -> memref<128x128xf32, #tpu.memory_space<vmem>>
      %dma_wait3A_69 = arith.constant 0 : i32
      %dma_wait3A_70 = tpu.memref_slice %arg10[%add3A_10, %dma_wait3A_69] : memref<10240x128xf32, #tpu.memory_space<vmem_shared>> -> memref<128x128xf32, #tpu.memory_space<vmem_shared>>
      %dma_wait3A_71 = arith.constant 0 : i32
      %dma_wait3A_72 = tpu.memref_slice %arg10[%add3A_10, %dma_wait3A_71] : memref<10240x128xf32, #tpu.memory_space<vmem_shared>> -> memref<128x128xf32, #tpu.memory_space<vmem_shared>>
      %dma_wait3A_73 = arith.constant 0 : i32
      %dma_wait3A_74 = arith.constant 0 : i32
      %dma_wait3A_75 = tpu.memref_slice %arg9[%run_scoped3A_11, %dma_wait3A_73, %dma_wait3A_74] : memref<2x128x128xf32, #tpu.memory_space<vmem>> -> memref<1x128x128xf32, #tpu.memory_space<vmem>>
      %dma_wait3A_76 = tpu.memref_squeeze %dma_wait3A_75 : memref<1x128x128xf32, #tpu.memory_space<vmem>> -> memref<128x128xf32, #tpu.memory_space<vmem>>
      tpu.wait_dma2 semaphore(%run_scoped3A_54 : memref<!tpu.dma_semaphore, #tpu.memory_space<semaphore_mem>>) src(%dma_wait3A_76 : memref<128x128xf32, #tpu.memory_space<vmem>>) dst(%dma_wait3A_72 : memref<128x128xf32, #tpu.memory_space<vmem_shared>>)
      tpu.yield
    }) : () -> ()
    %mul3A_12 = arith.constant 640 : i32
    %mul3A_13 = arith.muli %arg1, %mul3A_12 : i32
    %add3A_14 = arith.constant 256 : i32
    %add3A_15 = arith.addi %mul3A_13, %add3A_14 : i32
    %run_scoped3A_16 = arith.constant 0 : i32
    "tpu.region"() ({
      %run_scoped3A_54 = tpu.sem_alloc : memref<!tpu.dma_semaphore, #tpu.memory_space<semaphore_mem>>
      %dma_start3A = arith.constant 0 : i32
      %dma_start3A_55 = arith.constant 0 : i32
      %dma_start3A_56 = tpu.memref_slice %arg9[%run_scoped3A_16, %dma_start3A, %dma_start3A_55] : memref<2x128x128xf32, #tpu.memory_space<vmem>> -> memref<1x128x128xf32, #tpu.memory_space<vmem>>
      %dma_start3A_57 = tpu.memref_squeeze %dma_start3A_56 : memref<1x128x128xf32, #tpu.memory_space<vmem>> -> memref<128x128xf32, #tpu.memory_space<vmem>>
      %dma_start3A_58 = arith.constant 0 : i32
      %dma_start3A_59 = tpu.memref_slice %arg10[%add3A_15, %dma_start3A_58] : memref<10240x128xf32, #tpu.memory_space<vmem_shared>> -> memref<128x128xf32, #tpu.memory_space<vmem_shared>>
      %dma_start3A_60 = arith.constant 0 : i32
      %dma_start3A_61 = tpu.memref_slice %arg10[%add3A_15, %dma_start3A_60] : memref<10240x128xf32, #tpu.memory_space<vmem_shared>> -> memref<128x128xf32, #tpu.memory_space<vmem_shared>>
      %dma_start3A_62 = arith.constant 0 : i32
      %dma_start3A_63 = arith.constant 0 : i32
      %dma_start3A_64 = tpu.memref_slice %arg9[%run_scoped3A_16, %dma_start3A_62, %dma_start3A_63] : memref<2x128x128xf32, #tpu.memory_space<vmem>> -> memref<1x128x128xf32, #tpu.memory_space<vmem>>
      %dma_start3A_65 = tpu.memref_squeeze %dma_start3A_64 : memref<1x128x128xf32, #tpu.memory_space<vmem>> -> memref<128x128xf32, #tpu.memory_space<vmem>>
      tpu.enqueue_dma source(%dma_start3A_65 : memref<128x128xf32, #tpu.memory_space<vmem>>) target(%dma_start3A_61 : memref<128x128xf32, #tpu.memory_space<vmem_shared>>) target_semaphore(%run_scoped3A_54 : memref<!tpu.dma_semaphore, #tpu.memory_space<semaphore_mem>>)
      %dma_wait3A = arith.constant 0 : i32
      %dma_wait3A_66 = arith.constant 0 : i32
      %dma_wait3A_67 = tpu.memref_slice %arg9[%run_scoped3A_16, %dma_wait3A, %dma_wait3A_66] : memref<2x128x128xf32, #tpu.memory_space<vmem>> -> memref<1x128x128xf32, #tpu.memory_space<vmem>>
      %dma_wait3A_68 = tpu.memref_squeeze %dma_wait3A_67 : memref<1x128x128xf32, #tpu.memory_space<vmem>> -> memref<128x128xf32, #tpu.memory_space<vmem>>
      %dma_wait3A_69 = arith.constant 0 : i32
      %dma_wait3A_70 = tpu.memref_slice %arg10[%add3A_15, %dma_wait3A_69] : memref<10240x128xf32, #tpu.memory_space<vmem_shared>> -> memref<128x128xf32, #tpu.memory_space<vmem_shared>>
      %dma_wait3A_71 = arith.constant 0 : i32
      %dma_wait3A_72 = tpu.memref_slice %arg10[%add3A_15, %dma_wait3A_71] : memref<10240x128xf32, #tpu.memory_space<vmem_shared>> -> memref<128x128xf32, #tpu.memory_space<vmem_shared>>
      %dma_wait3A_73 = arith.constant 0 : i32
      %dma_wait3A_74 = arith.constant 0 : i32
      %dma_wait3A_75 = tpu.memref_slice %arg9[%run_scoped3A_16, %dma_wait3A_73, %dma_wait3A_74] : memref<2x128x128xf32, #tpu.memory_space<vmem>> -> memref<1x128x128xf32, #tpu.memory_space<vmem>>
      %dma_wait3A_76 = tpu.memref_squeeze %dma_wait3A_75 : memref<1x128x128xf32, #tpu.memory_space<vmem>> -> memref<128x128xf32, #tpu.memory_space<vmem>>
      tpu.wait_dma2 semaphore(%run_scoped3A_54 : memref<!tpu.dma_semaphore, #tpu.memory_space<semaphore_mem>>) src(%dma_wait3A_76 : memref<128x128xf32, #tpu.memory_space<vmem>>) dst(%dma_wait3A_72 : memref<128x128xf32, #tpu.memory_space<vmem_shared>>)
      tpu.yield
    }) : () -> ()
    %mul3A_17 = arith.constant 640 : i32
    %mul3A_18 = arith.muli %arg1, %mul3A_17 : i32
    %add3A_19 = arith.constant 384 : i32
    %add3A_20 = arith.addi %mul3A_18, %add3A_19 : i32
    %run_scoped3A_21 = arith.constant 0 : i32
    "tpu.region"() ({
      %run_scoped3A_54 = tpu.sem_alloc : memref<!tpu.dma_semaphore, #tpu.memory_space<semaphore_mem>>
      %dma_start3A = arith.constant 0 : i32
      %dma_start3A_55 = arith.constant 0 : i32
      %dma_start3A_56 = tpu.memref_slice %arg9[%run_scoped3A_21, %dma_start3A, %dma_start3A_55] : memref<2x128x128xf32, #tpu.memory_space<vmem>> -> memref<1x128x128xf32, #tpu.memory_space<vmem>>
      %dma_start3A_57 = tpu.memref_squeeze %dma_start3A_56 : memref<1x128x128xf32, #tpu.memory_space<vmem>> -> memref<128x128xf32, #tpu.memory_space<vmem>>
      %dma_start3A_58 = arith.constant 0 : i32
      %dma_start3A_59 = tpu.memref_slice %arg10[%add3A_20, %dma_start3A_58] : memref<10240x128xf32, #tpu.memory_space<vmem_shared>> -> memref<128x128xf32, #tpu.memory_space<vmem_shared>>
      %dma_start3A_60 = arith.constant 0 : i32
      %dma_start3A_61 = tpu.memref_slice %arg10[%add3A_20, %dma_start3A_60] : memref<10240x128xf32, #tpu.memory_space<vmem_shared>> -> memref<128x128xf32, #tpu.memory_space<vmem_shared>>
      %dma_start3A_62 = arith.constant 0 : i32
      %dma_start3A_63 = arith.constant 0 : i32
      %dma_start3A_64 = tpu.memref_slice %arg9[%run_scoped3A_21, %dma_start3A_62, %dma_start3A_63] : memref<2x128x128xf32, #tpu.memory_space<vmem>> -> memref<1x128x128xf32, #tpu.memory_space<vmem>>
      %dma_start3A_65 = tpu.memref_squeeze %dma_start3A_64 : memref<1x128x128xf32, #tpu.memory_space<vmem>> -> memref<128x128xf32, #tpu.memory_space<vmem>>
      tpu.enqueue_dma source(%dma_start3A_65 : memref<128x128xf32, #tpu.memory_space<vmem>>) target(%dma_start3A_61 : memref<128x128xf32, #tpu.memory_space<vmem_shared>>) target_semaphore(%run_scoped3A_54 : memref<!tpu.dma_semaphore, #tpu.memory_space<semaphore_mem>>)
      %dma_wait3A = arith.constant 0 : i32
      %dma_wait3A_66 = arith.constant 0 : i32
      %dma_wait3A_67 = tpu.memref_slice %arg9[%run_scoped3A_21, %dma_wait3A, %dma_wait3A_66] : memref<2x128x128xf32, #tpu.memory_space<vmem>> -> memref<1x128x128xf32, #tpu.memory_space<vmem>>
      %dma_wait3A_68 = tpu.memref_squeeze %dma_wait3A_67 : memref<1x128x128xf32, #tpu.memory_space<vmem>> -> memref<128x128xf32, #tpu.memory_space<vmem>>
      %dma_wait3A_69 = arith.constant 0 : i32
      %dma_wait3A_70 = tpu.memref_slice %arg10[%add3A_20, %dma_wait3A_69] : memref<10240x128xf32, #tpu.memory_space<vmem_shared>> -> memref<128x128xf32, #tpu.memory_space<vmem_shared>>
      %dma_wait3A_71 = arith.constant 0 : i32
      %dma_wait3A_72 = tpu.memref_slice %arg10[%add3A_20, %dma_wait3A_71] : memref<10240x128xf32, #tpu.memory_space<vmem_shared>> -> memref<128x128xf32, #tpu.memory_space<vmem_shared>>
      %dma_wait3A_73 = arith.constant 0 : i32
      %dma_wait3A_74 = arith.constant 0 : i32
      %dma_wait3A_75 = tpu.memref_slice %arg9[%run_scoped3A_21, %dma_wait3A_73, %dma_wait3A_74] : memref<2x128x128xf32, #tpu.memory_space<vmem>> -> memref<1x128x128xf32, #tpu.memory_space<vmem>>
      %dma_wait3A_76 = tpu.memref_squeeze %dma_wait3A_75 : memref<1x128x128xf32, #tpu.memory_space<vmem>> -> memref<128x128xf32, #tpu.memory_space<vmem>>
      tpu.wait_dma2 semaphore(%run_scoped3A_54 : memref<!tpu.dma_semaphore, #tpu.memory_space<semaphore_mem>>) src(%dma_wait3A_76 : memref<128x128xf32, #tpu.memory_space<vmem>>) dst(%dma_wait3A_72 : memref<128x128xf32, #tpu.memory_space<vmem_shared>>)
      tpu.yield
    }) : () -> ()
    %mul3A_22 = arith.constant 640 : i32
    %mul3A_23 = arith.muli %arg1, %mul3A_22 : i32
    %add3A_24 = arith.constant 512 : i32
    %add3A_25 = arith.addi %mul3A_23, %add3A_24 : i32
    %run_scoped3A_26 = arith.constant 0 : i32
    "tpu.region"() ({
      %run_scoped3A_54 = tpu.sem_alloc : memref<!tpu.dma_semaphore, #tpu.memory_space<semaphore_mem>>
      %dma_start3A = arith.constant 0 : i32
      %dma_start3A_55 = arith.constant 0 : i32
      %dma_start3A_56 = tpu.memref_slice %arg9[%run_scoped3A_26, %dma_start3A, %dma_start3A_55] : memref<2x128x128xf32, #tpu.memory_space<vmem>> -> memref<1x128x128xf32, #tpu.memory_space<vmem>>
      %dma_start3A_57 = tpu.memref_squeeze %dma_start3A_56 : memref<1x128x128xf32, #tpu.memory_space<vmem>> -> memref<128x128xf32, #tpu.memory_space<vmem>>
      %dma_start3A_58 = arith.constant 0 : i32
      %dma_start3A_59 = tpu.memref_slice %arg10[%add3A_25, %dma_start3A_58] : memref<10240x128xf32, #tpu.memory_space<vmem_shared>> -> memref<128x128xf32, #tpu.memory_space<vmem_shared>>
      %dma_start3A_60 = arith.constant 0 : i32
      %dma_start3A_61 = tpu.memref_slice %arg10[%add3A_25, %dma_start3A_60] : memref<10240x128xf32, #tpu.memory_space<vmem_shared>> -> memref<128x128xf32, #tpu.memory_space<vmem_shared>>
      %dma_start3A_62 = arith.constant 0 : i32
      %dma_start3A_63 = arith.constant 0 : i32
      %dma_start3A_64 = tpu.memref_slice %arg9[%run_scoped3A_26, %dma_start3A_62, %dma_start3A_63] : memref<2x128x128xf32, #tpu.memory_space<vmem>> -> memref<1x128x128xf32, #tpu.memory_space<vmem>>
      %dma_start3A_65 = tpu.memref_squeeze %dma_start3A_64 : memref<1x128x128xf32, #tpu.memory_space<vmem>> -> memref<128x128xf32, #tpu.memory_space<vmem>>
      tpu.enqueue_dma source(%dma_start3A_65 : memref<128x128xf32, #tpu.memory_space<vmem>>) target(%dma_start3A_61 : memref<128x128xf32, #tpu.memory_space<vmem_shared>>) target_semaphore(%run_scoped3A_54 : memref<!tpu.dma_semaphore, #tpu.memory_space<semaphore_mem>>)
      %dma_wait3A = arith.constant 0 : i32
      %dma_wait3A_66 = arith.constant 0 : i32
      %dma_wait3A_67 = tpu.memref_slice %arg9[%run_scoped3A_26, %dma_wait3A, %dma_wait3A_66] : memref<2x128x128xf32, #tpu.memory_space<vmem>> -> memref<1x128x128xf32, #tpu.memory_space<vmem>>
      %dma_wait3A_68 = tpu.memref_squeeze %dma_wait3A_67 : memref<1x128x128xf32, #tpu.memory_space<vmem>> -> memref<128x128xf32, #tpu.memory_space<vmem>>
      %dma_wait3A_69 = arith.constant 0 : i32
      %dma_wait3A_70 = tpu.memref_slice %arg10[%add3A_25, %dma_wait3A_69] : memref<10240x128xf32, #tpu.memory_space<vmem_shared>> -> memref<128x128xf32, #tpu.memory_space<vmem_shared>>
      %dma_wait3A_71 = arith.constant 0 : i32
      %dma_wait3A_72 = tpu.memref_slice %arg10[%add3A_25, %dma_wait3A_71] : memref<10240x128xf32, #tpu.memory_space<vmem_shared>> -> memref<128x128xf32, #tpu.memory_space<vmem_shared>>
      %dma_wait3A_73 = arith.constant 0 : i32
      %dma_wait3A_74 = arith.constant 0 : i32
      %dma_wait3A_75 = tpu.memref_slice %arg9[%run_scoped3A_26, %dma_wait3A_73, %dma_wait3A_74] : memref<2x128x128xf32, #tpu.memory_space<vmem>> -> memref<1x128x128xf32, #tpu.memory_space<vmem>>
      %dma_wait3A_76 = tpu.memref_squeeze %dma_wait3A_75 : memref<1x128x128xf32, #tpu.memory_space<vmem>> -> memref<128x128xf32, #tpu.memory_space<vmem>>
      tpu.wait_dma2 semaphore(%run_scoped3A_54 : memref<!tpu.dma_semaphore, #tpu.memory_space<semaphore_mem>>) src(%dma_wait3A_76 : memref<128x128xf32, #tpu.memory_space<vmem>>) dst(%dma_wait3A_72 : memref<128x128xf32, #tpu.memory_space<vmem_shared>>)
      tpu.yield
    }) : () -> ()
    %barrier3A = arith.constant 0 : index
    tpu.barrier barrier_id(%barrier3A)
    %scan3A_27 = arith.constant 0 : i32
    %scan3A_28 = arith.constant 0 : i32
    %scan3A_29 = arith.constant 10 : i32
    %scan3A_30 = arith.addi %scan3A_28, %scan3A_29 : i32
    %scan3A_31 = arith.constant 1 : i32
    scf.for %scan3A_54 = %scan3A_28 to %scan3A_30 step %scan3A_31  : i32 {
      %mul3A_55 = arith.constant 16 : i32
      %mul3A_56 = arith.muli %scan3A_54, %mul3A_55 : i32
      "tpu.region"() ({
        %run_scoped3A_213 = tpu.sem_alloc : memref<!tpu.dma_semaphore, #tpu.memory_space<semaphore_mem>>
        %dma_start3A_214 = arith.constant 0 : i32
        %dma_start3A_215 = tpu.memref_slice %arg2[%arg1, %mul3A_56, %dma_start3A_214] : memref<16x160x128xi32, #tpu.memory_space<hbm>> -> memref<1x16x128xi32, #tpu.memory_space<hbm>>
        %dma_start3A_216 = tpu.memref_squeeze %dma_start3A_215 : memref<1x16x128xi32, #tpu.memory_space<hbm>> -> memref<16x128xi32, #tpu.memory_space<hbm>>
        %dma_start3A_217 = arith.constant 0 : i32
        %dma_start3A_218 = tpu.memref_slice %arg2[%arg1, %mul3A_56, %dma_start3A_217] : memref<16x160x128xi32, #tpu.memory_space<hbm>> -> memref<1x16x128xi32, #tpu.memory_space<hbm>>
        %dma_start3A_219 = tpu.memref_squeeze %dma_start3A_218 : memref<1x16x128xi32, #tpu.memory_space<hbm>> -> memref<16x128xi32, #tpu.memory_space<hbm>>
        tpu.enqueue_dma source(%dma_start3A_219 : memref<16x128xi32, #tpu.memory_space<hbm>>) target(%arg6 : memref<16x128xi32, #tpu.memory_space<vmem>>) target_semaphore(%run_scoped3A_213 : memref<!tpu.dma_semaphore, #tpu.memory_space<semaphore_mem>>)
        %dma_wait3A_220 = arith.constant 0 : i32
        %dma_wait3A_221 = tpu.memref_slice %arg2[%arg1, %mul3A_56, %dma_wait3A_220] : memref<16x160x128xi32, #tpu.memory_space<hbm>> -> memref<1x16x128xi32, #tpu.memory_space<hbm>>
        %dma_wait3A_222 = tpu.memref_squeeze %dma_wait3A_221 : memref<1x16x128xi32, #tpu.memory_space<hbm>> -> memref<16x128xi32, #tpu.memory_space<hbm>>
        %dma_wait3A_223 = arith.constant 0 : i32
        %dma_wait3A_224 = tpu.memref_slice %arg2[%arg1, %mul3A_56, %dma_wait3A_223] : memref<16x160x128xi32, #tpu.memory_space<hbm>> -> memref<1x16x128xi32, #tpu.memory_space<hbm>>
        %dma_wait3A_225 = tpu.memref_squeeze %dma_wait3A_224 : memref<1x16x128xi32, #tpu.memory_space<hbm>> -> memref<16x128xi32, #tpu.memory_space<hbm>>
        tpu.wait_dma2 semaphore(%run_scoped3A_213 : memref<!tpu.dma_semaphore, #tpu.memory_space<semaphore_mem>>) src(%dma_wait3A_225 : memref<16x128xi32, #tpu.memory_space<hbm>>) dst(%arg6 : memref<16x128xi32, #tpu.memory_space<vmem>>)
        tpu.yield
      }) : () -> ()
      %mul3A_57 = arith.constant 16 : i32
      %mul3A_58 = arith.muli %scan3A_54, %mul3A_57 : i32
      "tpu.region"() ({
        %run_scoped3A_213 = tpu.sem_alloc : memref<!tpu.dma_semaphore, #tpu.memory_space<semaphore_mem>>
        %dma_start3A_214 = arith.constant 0 : i32
        %dma_start3A_215 = tpu.memref_slice %arg3[%arg1, %mul3A_58, %dma_start3A_214] : memref<16x160x128xi32, #tpu.memory_space<hbm>> -> memref<1x16x128xi32, #tpu.memory_space<hbm>>
        %dma_start3A_216 = tpu.memref_squeeze %dma_start3A_215 : memref<1x16x128xi32, #tpu.memory_space<hbm>> -> memref<16x128xi32, #tpu.memory_space<hbm>>
        %dma_start3A_217 = arith.constant 0 : i32
        %dma_start3A_218 = tpu.memref_slice %arg3[%arg1, %mul3A_58, %dma_start3A_217] : memref<16x160x128xi32, #tpu.memory_space<hbm>> -> memref<1x16x128xi32, #tpu.memory_space<hbm>>
        %dma_start3A_219 = tpu.memref_squeeze %dma_start3A_218 : memref<1x16x128xi32, #tpu.memory_space<hbm>> -> memref<16x128xi32, #tpu.memory_space<hbm>>
        tpu.enqueue_dma source(%dma_start3A_219 : memref<16x128xi32, #tpu.memory_space<hbm>>) target(%arg7 : memref<16x128xi32, #tpu.memory_space<vmem>>) target_semaphore(%run_scoped3A_213 : memref<!tpu.dma_semaphore, #tpu.memory_space<semaphore_mem>>)
        %dma_wait3A_220 = arith.constant 0 : i32
        %dma_wait3A_221 = tpu.memref_slice %arg3[%arg1, %mul3A_58, %dma_wait3A_220] : memref<16x160x128xi32, #tpu.memory_space<hbm>> -> memref<1x16x128xi32, #tpu.memory_space<hbm>>
        %dma_wait3A_222 = tpu.memref_squeeze %dma_wait3A_221 : memref<1x16x128xi32, #tpu.memory_space<hbm>> -> memref<16x128xi32, #tpu.memory_space<hbm>>
        %dma_wait3A_223 = arith.constant 0 : i32
        %dma_wait3A_224 = tpu.memref_slice %arg3[%arg1, %mul3A_58, %dma_wait3A_223] : memref<16x160x128xi32, #tpu.memory_space<hbm>> -> memref<1x16x128xi32, #tpu.memory_space<hbm>>
        %dma_wait3A_225 = tpu.memref_squeeze %dma_wait3A_224 : memref<1x16x128xi32, #tpu.memory_space<hbm>> -> memref<16x128xi32, #tpu.memory_space<hbm>>
        tpu.wait_dma2 semaphore(%run_scoped3A_213 : memref<!tpu.dma_semaphore, #tpu.memory_space<semaphore_mem>>) src(%dma_wait3A_225 : memref<16x128xi32, #tpu.memory_space<hbm>>) dst(%arg7 : memref<16x128xi32, #tpu.memory_space<vmem>>)
        tpu.yield
      }) : () -> ()
      %get3A = arith.constant 0 : i32
      %get3A_59 = arith.index_cast %get3A : i32 to index
      %get3A_60 = arith.constant 0 : index
      %get3A_61 = tpu.vector_load %arg6[%get3A_59, %get3A_60] {strides = array<i32>} : memref<16x128xi32, #tpu.memory_space<vmem>>, vector<1x16xi32>,
      %get3A_62 = vector.shape_cast %get3A_61 : vector<1x16xi32> to vector<16xi32>
      %mul3A_63 = arith.constant 2 : i32
      %mul3A_64 = vector.broadcast %mul3A_63 : i32 to vector<16xi32>
      %mul3A_65 = arith.muli %get3A_62, %mul3A_64 : vector<16xi32>
      %add3A_66 = vector.broadcast %arg0 : i32 to vector<16xi32>
      %add3A_67 = arith.addi %mul3A_65, %add3A_66 : vector<16xi32>
      %swap3A = arith.constant 0 : i32
      %swap3A_68 = arith.index_cast %swap3A : i32 to index
      %swap3A_69 = arith.constant 0 : index
      %swap3A_70 = tpu.vector_load %arg8[%swap3A_68, %swap3A_69] {strides = array<i32>} : memref<2x128xi32, #tpu.memory_space<vmem>>, vector<1x16xi32>,
      %swap3A_71 = vector.shape_cast %swap3A_70 : vector<1x16xi32> to vector<16xi32>
      %swap3A_72 = vector.shape_cast %add3A_67 : vector<16xi32> to vector<1x16xi32>
      tpu.vector_store %arg8[%swap3A_68, %swap3A_69], %swap3A_72 {strides = array<i32>} : memref<2x128xi32, #tpu.memory_space<vmem>>, vector<1x16xi32>,
      %get3A_73 = arith.constant 0 : i32
      %get3A_74 = arith.index_cast %get3A_73 : i32 to index
      %get3A_75 = arith.constant 16 : index
      %get3A_76 = tpu.vector_load %arg6[%get3A_74, %get3A_75] {strides = array<i32>} : memref<16x128xi32, #tpu.memory_space<vmem>>, vector<1x16xi32>,
      %get3A_77 = vector.shape_cast %get3A_76 : vector<1x16xi32> to vector<16xi32>
      %mul3A_78 = arith.constant 2 : i32
      %mul3A_79 = vector.broadcast %mul3A_78 : i32 to vector<16xi32>
      %mul3A_80 = arith.muli %get3A_77, %mul3A_79 : vector<16xi32>
      %add3A_81 = vector.broadcast %arg0 : i32 to vector<16xi32>
      %add3A_82 = arith.addi %mul3A_80, %add3A_81 : vector<16xi32>
      %swap3A_83 = arith.constant 0 : i32
      %swap3A_84 = arith.index_cast %swap3A_83 : i32 to index
      %swap3A_85 = arith.constant 16 : index
      %swap3A_86 = tpu.vector_load %arg8[%swap3A_84, %swap3A_85] {strides = array<i32>} : memref<2x128xi32, #tpu.memory_space<vmem>>, vector<1x16xi32>,
      %swap3A_87 = vector.shape_cast %swap3A_86 : vector<1x16xi32> to vector<16xi32>
      %swap3A_88 = vector.shape_cast %add3A_82 : vector<16xi32> to vector<1x16xi32>
      tpu.vector_store %arg8[%swap3A_84, %swap3A_85], %swap3A_88 {strides = array<i32>} : memref<2x128xi32, #tpu.memory_space<vmem>>, vector<1x16xi32>,
      %get3A_89 = arith.constant 0 : i32
      %get3A_90 = arith.index_cast %get3A_89 : i32 to index
      %get3A_91 = arith.constant 32 : index
      %get3A_92 = tpu.vector_load %arg6[%get3A_90, %get3A_91] {strides = array<i32>} : memref<16x128xi32, #tpu.memory_space<vmem>>, vector<1x16xi32>,
      %get3A_93 = vector.shape_cast %get3A_92 : vector<1x16xi32> to vector<16xi32>
      %mul3A_94 = arith.constant 2 : i32
      %mul3A_95 = vector.broadcast %mul3A_94 : i32 to vector<16xi32>
      %mul3A_96 = arith.muli %get3A_93, %mul3A_95 : vector<16xi32>
      %add3A_97 = vector.broadcast %arg0 : i32 to vector<16xi32>
      %add3A_98 = arith.addi %mul3A_96, %add3A_97 : vector<16xi32>
      %swap3A_99 = arith.constant 0 : i32
      %swap3A_100 = arith.index_cast %swap3A_99 : i32 to index
      %swap3A_101 = arith.constant 32 : index
      %swap3A_102 = tpu.vector_load %arg8[%swap3A_100, %swap3A_101] {strides = array<i32>} : memref<2x128xi32, #tpu.memory_space<vmem>>, vector<1x16xi32>,
      %swap3A_103 = vector.shape_cast %swap3A_102 : vector<1x16xi32> to vector<16xi32>
      %swap3A_104 = vector.shape_cast %add3A_98 : vector<16xi32> to vector<1x16xi32>
      tpu.vector_store %arg8[%swap3A_100, %swap3A_101], %swap3A_104 {strides = array<i32>} : memref<2x128xi32, #tpu.memory_space<vmem>>, vector<1x16xi32>,
      %get3A_105 = arith.constant 0 : i32
      %get3A_106 = arith.index_cast %get3A_105 : i32 to index
      %get3A_107 = arith.constant 48 : index
      %get3A_108 = tpu.vector_load %arg6[%get3A_106, %get3A_107] {strides = array<i32>} : memref<16x128xi32, #tpu.memory_space<vmem>>, vector<1x16xi32>,
      %get3A_109 = vector.shape_cast %get3A_108 : vector<1x16xi32> to vector<16xi32>
      %mul3A_110 = arith.constant 2 : i32
      %mul3A_111 = vector.broadcast %mul3A_110 : i32 to vector<16xi32>
      %mul3A_112 = arith.muli %get3A_109, %mul3A_111 : vector<16xi32>
      %add3A_113 = vector.broadcast %arg0 : i32 to vector<16xi32>
      %add3A_114 = arith.addi %mul3A_112, %add3A_113 : vector<16xi32>
      %swap3A_115 = arith.constant 0 : i32
      %swap3A_116 = arith.index_cast %swap3A_115 : i32 to index
      %swap3A_117 = arith.constant 48 : index
      %swap3A_118 = tpu.vector_load %arg8[%swap3A_116, %swap3A_117] {strides = array<i32>} : memref<2x128xi32, #tpu.memory_space<vmem>>, vector<1x16xi32>,
      %swap3A_119 = vector.shape_cast %swap3A_118 : vector<1x16xi32> to vector<16xi32>
      %swap3A_120 = vector.shape_cast %add3A_114 : vector<16xi32> to vector<1x16xi32>
      tpu.vector_store %arg8[%swap3A_116, %swap3A_117], %swap3A_120 {strides = array<i32>} : memref<2x128xi32, #tpu.memory_space<vmem>>, vector<1x16xi32>,
      %get3A_121 = arith.constant 0 : i32
      %get3A_122 = arith.index_cast %get3A_121 : i32 to index
      %get3A_123 = arith.constant 64 : index
      %get3A_124 = tpu.vector_load %arg6[%get3A_122, %get3A_123] {strides = array<i32>} : memref<16x128xi32, #tpu.memory_space<vmem>>, vector<1x16xi32>,
      %get3A_125 = vector.shape_cast %get3A_124 : vector<1x16xi32> to vector<16xi32>
      %mul3A_126 = arith.constant 2 : i32
      %mul3A_127 = vector.broadcast %mul3A_126 : i32 to vector<16xi32>
      %mul3A_128 = arith.muli %get3A_125, %mul3A_127 : vector<16xi32>
      %add3A_129 = vector.broadcast %arg0 : i32 to vector<16xi32>
      %add3A_130 = arith.addi %mul3A_128, %add3A_129 : vector<16xi32>
      %swap3A_131 = arith.constant 0 : i32
      %swap3A_132 = arith.index_cast %swap3A_131 : i32 to index
      %swap3A_133 = arith.constant 64 : index
      %swap3A_134 = tpu.vector_load %arg8[%swap3A_132, %swap3A_133] {strides = array<i32>} : memref<2x128xi32, #tpu.memory_space<vmem>>, vector<1x16xi32>,
      %swap3A_135 = vector.shape_cast %swap3A_134 : vector<1x16xi32> to vector<16xi32>
      %swap3A_136 = vector.shape_cast %add3A_130 : vector<16xi32> to vector<1x16xi32>
      tpu.vector_store %arg8[%swap3A_132, %swap3A_133], %swap3A_136 {strides = array<i32>} : memref<2x128xi32, #tpu.memory_space<vmem>>, vector<1x16xi32>,
      %get3A_137 = arith.constant 0 : i32
      %get3A_138 = arith.index_cast %get3A_137 : i32 to index
      %get3A_139 = arith.constant 80 : index
      %get3A_140 = tpu.vector_load %arg6[%get3A_138, %get3A_139] {strides = array<i32>} : memref<16x128xi32, #tpu.memory_space<vmem>>, vector<1x16xi32>,
      %get3A_141 = vector.shape_cast %get3A_140 : vector<1x16xi32> to vector<16xi32>
      %mul3A_142 = arith.constant 2 : i32
      %mul3A_143 = vector.broadcast %mul3A_142 : i32 to vector<16xi32>
      %mul3A_144 = arith.muli %get3A_141, %mul3A_143 : vector<16xi32>
      %add3A_145 = vector.broadcast %arg0 : i32 to vector<16xi32>
      %add3A_146 = arith.addi %mul3A_144, %add3A_145 : vector<16xi32>
      %swap3A_147 = arith.constant 0 : i32
      %swap3A_148 = arith.index_cast %swap3A_147 : i32 to index
      %swap3A_149 = arith.constant 80 : index
      %swap3A_150 = tpu.vector_load %arg8[%swap3A_148, %swap3A_149] {strides = array<i32>} : memref<2x128xi32, #tpu.memory_space<vmem>>, vector<1x16xi32>,
      %swap3A_151 = vector.shape_cast %swap3A_150 : vector<1x16xi32> to vector<16xi32>
      %swap3A_152 = vector.shape_cast %add3A_146 : vector<16xi32> to vector<1x16xi32>
      tpu.vector_store %arg8[%swap3A_148, %swap3A_149], %swap3A_152 {strides = array<i32>} : memref<2x128xi32, #tpu.memory_space<vmem>>, vector<1x16xi32>,
      %get3A_153 = arith.constant 0 : i32
      %get3A_154 = arith.index_cast %get3A_153 : i32 to index
      %get3A_155 = arith.constant 96 : index
      %get3A_156 = tpu.vector_load %arg6[%get3A_154, %get3A_155] {strides = array<i32>} : memref<16x128xi32, #tpu.memory_space<vmem>>, vector<1x16xi32>,
      %get3A_157 = vector.shape_cast %get3A_156 : vector<1x16xi32> to vector<16xi32>
      %mul3A_158 = arith.constant 2 : i32
      %mul3A_159 = vector.broadcast %mul3A_158 : i32 to vector<16xi32>
      %mul3A_160 = arith.muli %get3A_157, %mul3A_159 : vector<16xi32>
      %add3A_161 = vector.broadcast %arg0 : i32 to vector<16xi32>
      %add3A_162 = arith.addi %mul3A_160, %add3A_161 : vector<16xi32>
      %swap3A_163 = arith.constant 0 : i32
      %swap3A_164 = arith.index_cast %swap3A_163 : i32 to index
      %swap3A_165 = arith.constant 96 : index
      %swap3A_166 = tpu.vector_load %arg8[%swap3A_164, %swap3A_165] {strides = array<i32>} : memref<2x128xi32, #tpu.memory_space<vmem>>, vector<1x16xi32>,
      %swap3A_167 = vector.shape_cast %swap3A_166 : vector<1x16xi32> to vector<16xi32>
      %swap3A_168 = vector.shape_cast %add3A_162 : vector<16xi32> to vector<1x16xi32>
      tpu.vector_store %arg8[%swap3A_164, %swap3A_165], %swap3A_168 {strides = array<i32>} : memref<2x128xi32, #tpu.memory_space<vmem>>, vector<1x16xi32>,
      %get3A_169 = arith.constant 0 : i32
      %get3A_170 = arith.index_cast %get3A_169 : i32 to index
      %get3A_171 = arith.constant 112 : index
      %get3A_172 = tpu.vector_load %arg6[%get3A_170, %get3A_171] {strides = array<i32>} : memref<16x128xi32, #tpu.memory_space<vmem>>, vector<1x16xi32>,
      %get3A_173 = vector.shape_cast %get3A_172 : vector<1x16xi32> to vector<16xi32>
      %mul3A_174 = arith.constant 2 : i32
      %mul3A_175 = vector.broadcast %mul3A_174 : i32 to vector<16xi32>
      %mul3A_176 = arith.muli %get3A_173, %mul3A_175 : vector<16xi32>
      %add3A_177 = vector.broadcast %arg0 : i32 to vector<16xi32>
      %add3A_178 = arith.addi %mul3A_176, %add3A_177 : vector<16xi32>
      %swap3A_179 = arith.constant 0 : i32
      %swap3A_180 = arith.index_cast %swap3A_179 : i32 to index
      %swap3A_181 = arith.constant 112 : index
      %swap3A_182 = tpu.vector_load %arg8[%swap3A_180, %swap3A_181] {strides = array<i32>} : memref<2x128xi32, #tpu.memory_space<vmem>>, vector<1x16xi32>,
      %swap3A_183 = vector.shape_cast %swap3A_182 : vector<1x16xi32> to vector<16xi32>
      %swap3A_184 = vector.shape_cast %add3A_178 : vector<16xi32> to vector<1x16xi32>
      tpu.vector_store %arg8[%swap3A_180, %swap3A_181], %swap3A_184 {strides = array<i32>} : memref<2x128xi32, #tpu.memory_space<vmem>>, vector<1x16xi32>,
      %dma_start3A = arith.constant 0 : i32
      %dma_start3A_185 = arith.constant 0 : i32
      %dma_start3A_186 = arith.constant 0 : i32
      %dma_start3A_187 = arith.constant 0 : i32
      %dma_start3A_188 = tpu.memref_slice %arg9[%dma_start3A_185, %dma_start3A_186, %dma_start3A_187] : memref<2x128x128xf32, #tpu.memory_space<vmem>> -> memref<1x128x128xf32, #tpu.memory_space<vmem>>
      %dma_start3A_189 = tpu.memref_squeeze %dma_start3A_188 : memref<1x128x128xf32, #tpu.memory_space<vmem>> -> memref<128x128xf32, #tpu.memory_space<vmem>>
      %dma_start3A_190 = arith.constant 0 : i32
      %dma_start3A_191 = tpu.memref_slice %arg8[%dma_start3A, %dma_start3A_190] : memref<2x128xi32, #tpu.memory_space<vmem>> -> memref<1x128xi32, #tpu.memory_space<vmem>>
      %dma_start3A_192 = tpu.memref_squeeze %dma_start3A_191 : memref<1x128xi32, #tpu.memory_space<vmem>> -> memref<128xi32, #tpu.memory_space<vmem>>
      %dma_start3A_193 = arith.constant 0 : i32
      %dma_start3A_194 = arith.constant 0 : i32
      %dma_start3A_195 = tpu.memref_slice %arg4[%dma_start3A_193, %dma_start3A_194] : memref<20480x128xf32, #tpu.memory_space<hbm>> -> memref<20480x128xf32, #tpu.memory_space<hbm>>
      tpu.enqueue_indirect_dma source(%dma_start3A_195 : memref<20480x128xf32, #tpu.memory_space<hbm>>) target(%dma_start3A_189 : memref<128x128xf32, #tpu.memory_space<vmem>>) offsets(%dma_start3A_192 : memref<128xi32, #tpu.memory_space<vmem>>) semaphore(%arg11 : memref<!tpu.dma_semaphore, #tpu.memory_space<semaphore_mem>>)
      %scan3A_196 = arith.constant 0 : i32
      %scan3A_197 = arith.constant 0 : i32
      %scan3A_198 = arith.constant 8 : i32
      %scan3A_199 = arith.addi %scan3A_197, %scan3A_198 : i32
      %scan3A_200 = arith.constant 1 : i32
      scf.for %scan3A_213 = %scan3A_197 to %scan3A_199 step %scan3A_200  : i32 {
        %dma_wait3A_214 = arith.constant 0 : i32
        %dma_wait3A_215 = arith.constant 0 : i32
        %dma_wait3A_216 = arith.constant 0 : i32
        %dma_wait3A_217 = arith.constant 0 : i32
        %dma_wait3A_218 = tpu.memref_slice %arg9[%dma_wait3A_215, %dma_wait3A_216, %dma_wait3A_217] : memref<2x128x128xf32, #tpu.memory_space<vmem>> -> memref<1x128x128xf32, #tpu.memory_space<vmem>>
        %dma_wait3A_219 = tpu.memref_squeeze %dma_wait3A_218 : memref<1x128x128xf32, #tpu.memory_space<vmem>> -> memref<128x128xf32, #tpu.memory_space<vmem>>
        %dma_wait3A_220 = arith.constant 0 : i32
        %dma_wait3A_221 = tpu.memref_slice %arg8[%dma_wait3A_214, %dma_wait3A_220] : memref<2x128xi32, #tpu.memory_space<vmem>> -> memref<1x128xi32, #tpu.memory_space<vmem>>
        %dma_wait3A_222 = tpu.memref_squeeze %dma_wait3A_221 : memref<1x128xi32, #tpu.memory_space<vmem>> -> memref<128xi32, #tpu.memory_space<vmem>>
        %dma_wait3A_223 = arith.constant 0 : i32
        %dma_wait3A_224 = arith.constant 0 : i32
        %dma_wait3A_225 = tpu.memref_slice %arg4[%dma_wait3A_223, %dma_wait3A_224] : memref<20480x128xf32, #tpu.memory_space<hbm>> -> memref<20480x128xf32, #tpu.memory_space<hbm>>
        tpu.wait_indirect_dma semaphore(%arg11 : memref<!tpu.dma_semaphore, #tpu.memory_space<semaphore_mem>>) src(%dma_wait3A_225 : memref<20480x128xf32, #tpu.memory_space<hbm>>) dst(%dma_wait3A_219 : memref<128x128xf32, #tpu.memory_space<vmem>>)
        %ge3A = arith.constant 1 : i32
        %ge3A_226 = arith.cmpi sge, %scan3A_213, %ge3A : i32
        %convert_element_type3A = arith.extui %ge3A_226 : i1 to i32
        %cond3A = arith.constant 0 : i32
        %cond3A_227 = arith.cmpi ne, %convert_element_type3A, %cond3A : i32
        scf.if %cond3A_227 {
          %mul3A_421 = arith.constant 2 : i32
          %mul3A_422 = arith.muli %mul3A_421, %scan3A_213 : i32
          %sub3A = arith.constant 1 : i32
          %sub3A_423 = arith.subi %mul3A_422, %sub3A : i32
          %dma_wait3A_424 = arith.constant 1 : i32
          %dma_wait3A_425 = arith.constant 0 : i32
          %dma_wait3A_426 = arith.constant 0 : i32
          %dma_wait3A_427 = tpu.memref_slice %arg9[%dma_wait3A_424, %dma_wait3A_425, %dma_wait3A_426] : memref<2x128x128xf32, #tpu.memory_space<vmem>> -> memref<1x128x128xf32, #tpu.memory_space<vmem>>
          %dma_wait3A_428 = tpu.memref_squeeze %dma_wait3A_427 : memref<1x128x128xf32, #tpu.memory_space<vmem>> -> memref<128x128xf32, #tpu.memory_space<vmem>>
          %dma_wait3A_429 = arith.constant 0 : i32
          %dma_wait3A_430 = tpu.memref_slice %arg7[%sub3A_423, %dma_wait3A_429] : memref<16x128xi32, #tpu.memory_space<vmem>> -> memref<1x128xi32, #tpu.memory_space<vmem>>
          %dma_wait3A_431 = tpu.memref_squeeze %dma_wait3A_430 : memref<1x128xi32, #tpu.memory_space<vmem>> -> memref<128xi32, #tpu.memory_space<vmem>>
          %dma_wait3A_432 = arith.constant 0 : i32
          %dma_wait3A_433 = arith.constant 0 : i32
          %dma_wait3A_434 = tpu.memref_slice %arg10[%dma_wait3A_432, %dma_wait3A_433] : memref<10240x128xf32, #tpu.memory_space<vmem_shared>> -> memref<10240x128xf32, #tpu.memory_space<vmem_shared>>
          tpu.wait_indirect_dma semaphore(%arg14 : memref<!tpu.dma_semaphore, #tpu.memory_space<semaphore_mem>>) src(%dma_wait3A_428 : memref<128x128xf32, #tpu.memory_space<vmem>>) dst(%dma_wait3A_434 : memref<10240x128xf32, #tpu.memory_space<vmem_shared>>)
        } else {
        }
        %mul3A_228 = arith.constant 2 : i32
        %mul3A_229 = arith.muli %mul3A_228, %scan3A_213 : i32
        %add3A_230 = arith.constant 1 : i32
        %add3A_231 = arith.addi %mul3A_229, %add3A_230 : i32
        %get3A_232 = arith.index_cast %add3A_231 : i32 to index
        %get3A_233 = arith.constant 0 : index
        %get3A_234 = tpu.vector_load %arg6[%get3A_232, %get3A_233] {strides = array<i32>} : memref<16x128xi32, #tpu.memory_space<vmem>>, vector<1x16xi32>,
        %get3A_235 = vector.shape_cast %get3A_234 : vector<1x16xi32> to vector<16xi32>
        %mul3A_236 = arith.constant 2 : i32
        %mul3A_237 = vector.broadcast %mul3A_236 : i32 to vector<16xi32>
        %mul3A_238 = arith.muli %get3A_235, %mul3A_237 : vector<16xi32>
        %add3A_239 = vector.broadcast %arg0 : i32 to vector<16xi32>
        %add3A_240 = arith.addi %mul3A_238, %add3A_239 : vector<16xi32>
        %swap3A_241 = arith.constant 1 : i32
        %swap3A_242 = arith.index_cast %swap3A_241 : i32 to index
        %swap3A_243 = arith.constant 0 : index
        %swap3A_244 = tpu.vector_load %arg8[%swap3A_242, %swap3A_243] {strides = array<i32>} : memref<2x128xi32, #tpu.memory_space<vmem>>, vector<1x16xi32>,
        %swap3A_245 = vector.shape_cast %swap3A_244 : vector<1x16xi32> to vector<16xi32>
        %swap3A_246 = vector.shape_cast %add3A_240 : vector<16xi32> to vector<1x16xi32>
        tpu.vector_store %arg8[%swap3A_242, %swap3A_243], %swap3A_246 {strides = array<i32>} : memref<2x128xi32, #tpu.memory_space<vmem>>, vector<1x16xi32>,
        %get3A_247 = arith.index_cast %add3A_231 : i32 to index
        %get3A_248 = arith.constant 16 : index
        %get3A_249 = tpu.vector_load %arg6[%get3A_247, %get3A_248] {strides = array<i32>} : memref<16x128xi32, #tpu.memory_space<vmem>>, vector<1x16xi32>,
        %get3A_250 = vector.shape_cast %get3A_249 : vector<1x16xi32> to vector<16xi32>
        %mul3A_251 = arith.constant 2 : i32
        %mul3A_252 = vector.broadcast %mul3A_251 : i32 to vector<16xi32>
        %mul3A_253 = arith.muli %get3A_250, %mul3A_252 : vector<16xi32>
        %add3A_254 = vector.broadcast %arg0 : i32 to vector<16xi32>
        %add3A_255 = arith.addi %mul3A_253, %add3A_254 : vector<16xi32>
        %swap3A_256 = arith.constant 1 : i32
        %swap3A_257 = arith.index_cast %swap3A_256 : i32 to index
        %swap3A_258 = arith.constant 16 : index
        %swap3A_259 = tpu.vector_load %arg8[%swap3A_257, %swap3A_258] {strides = array<i32>} : memref<2x128xi32, #tpu.memory_space<vmem>>, vector<1x16xi32>,
        %swap3A_260 = vector.shape_cast %swap3A_259 : vector<1x16xi32> to vector<16xi32>
        %swap3A_261 = vector.shape_cast %add3A_255 : vector<16xi32> to vector<1x16xi32>
        tpu.vector_store %arg8[%swap3A_257, %swap3A_258], %swap3A_261 {strides = array<i32>} : memref<2x128xi32, #tpu.memory_space<vmem>>, vector<1x16xi32>,
        %get3A_262 = arith.index_cast %add3A_231 : i32 to index
        %get3A_263 = arith.constant 32 : index
        %get3A_264 = tpu.vector_load %arg6[%get3A_262, %get3A_263] {strides = array<i32>} : memref<16x128xi32, #tpu.memory_space<vmem>>, vector<1x16xi32>,
        %get3A_265 = vector.shape_cast %get3A_264 : vector<1x16xi32> to vector<16xi32>
        %mul3A_266 = arith.constant 2 : i32
        %mul3A_267 = vector.broadcast %mul3A_266 : i32 to vector<16xi32>
        %mul3A_268 = arith.muli %get3A_265, %mul3A_267 : vector<16xi32>
        %add3A_269 = vector.broadcast %arg0 : i32 to vector<16xi32>
        %add3A_270 = arith.addi %mul3A_268, %add3A_269 : vector<16xi32>
        %swap3A_271 = arith.constant 1 : i32
        %swap3A_272 = arith.index_cast %swap3A_271 : i32 to index
        %swap3A_273 = arith.constant 32 : index
        %swap3A_274 = tpu.vector_load %arg8[%swap3A_272, %swap3A_273] {strides = array<i32>} : memref<2x128xi32, #tpu.memory_space<vmem>>, vector<1x16xi32>,
        %swap3A_275 = vector.shape_cast %swap3A_274 : vector<1x16xi32> to vector<16xi32>
        %swap3A_276 = vector.shape_cast %add3A_270 : vector<16xi32> to vector<1x16xi32>
        tpu.vector_store %arg8[%swap3A_272, %swap3A_273], %swap3A_276 {strides = array<i32>} : memref<2x128xi32, #tpu.memory_space<vmem>>, vector<1x16xi32>,
        %get3A_277 = arith.index_cast %add3A_231 : i32 to index
        %get3A_278 = arith.constant 48 : index
        %get3A_279 = tpu.vector_load %arg6[%get3A_277, %get3A_278] {strides = array<i32>} : memref<16x128xi32, #tpu.memory_space<vmem>>, vector<1x16xi32>,
        %get3A_280 = vector.shape_cast %get3A_279 : vector<1x16xi32> to vector<16xi32>
        %mul3A_281 = arith.constant 2 : i32
        %mul3A_282 = vector.broadcast %mul3A_281 : i32 to vector<16xi32>
        %mul3A_283 = arith.muli %get3A_280, %mul3A_282 : vector<16xi32>
        %add3A_284 = vector.broadcast %arg0 : i32 to vector<16xi32>
        %add3A_285 = arith.addi %mul3A_283, %add3A_284 : vector<16xi32>
        %swap3A_286 = arith.constant 1 : i32
        %swap3A_287 = arith.index_cast %swap3A_286 : i32 to index
        %swap3A_288 = arith.constant 48 : index
        %swap3A_289 = tpu.vector_load %arg8[%swap3A_287, %swap3A_288] {strides = array<i32>} : memref<2x128xi32, #tpu.memory_space<vmem>>, vector<1x16xi32>,
        %swap3A_290 = vector.shape_cast %swap3A_289 : vector<1x16xi32> to vector<16xi32>
        %swap3A_291 = vector.shape_cast %add3A_285 : vector<16xi32> to vector<1x16xi32>
        tpu.vector_store %arg8[%swap3A_287, %swap3A_288], %swap3A_291 {strides = array<i32>} : memref<2x128xi32, #tpu.memory_space<vmem>>, vector<1x16xi32>,
        %get3A_292 = arith.index_cast %add3A_231 : i32 to index
        %get3A_293 = arith.constant 64 : index
        %get3A_294 = tpu.vector_load %arg6[%get3A_292, %get3A_293] {strides = array<i32>} : memref<16x128xi32, #tpu.memory_space<vmem>>, vector<1x16xi32>,
        %get3A_295 = vector.shape_cast %get3A_294 : vector<1x16xi32> to vector<16xi32>
        %mul3A_296 = arith.constant 2 : i32
        %mul3A_297 = vector.broadcast %mul3A_296 : i32 to vector<16xi32>
        %mul3A_298 = arith.muli %get3A_295, %mul3A_297 : vector<16xi32>
        %add3A_299 = vector.broadcast %arg0 : i32 to vector<16xi32>
        %add3A_300 = arith.addi %mul3A_298, %add3A_299 : vector<16xi32>
        %swap3A_301 = arith.constant 1 : i32
        %swap3A_302 = arith.index_cast %swap3A_301 : i32 to index
        %swap3A_303 = arith.constant 64 : index
        %swap3A_304 = tpu.vector_load %arg8[%swap3A_302, %swap3A_303] {strides = array<i32>} : memref<2x128xi32, #tpu.memory_space<vmem>>, vector<1x16xi32>,
        %swap3A_305 = vector.shape_cast %swap3A_304 : vector<1x16xi32> to vector<16xi32>
        %swap3A_306 = vector.shape_cast %add3A_300 : vector<16xi32> to vector<1x16xi32>
        tpu.vector_store %arg8[%swap3A_302, %swap3A_303], %swap3A_306 {strides = array<i32>} : memref<2x128xi32, #tpu.memory_space<vmem>>, vector<1x16xi32>,
        %get3A_307 = arith.index_cast %add3A_231 : i32 to index
        %get3A_308 = arith.constant 80 : index
        %get3A_309 = tpu.vector_load %arg6[%get3A_307, %get3A_308] {strides = array<i32>} : memref<16x128xi32, #tpu.memory_space<vmem>>, vector<1x16xi32>,
        %get3A_310 = vector.shape_cast %get3A_309 : vector<1x16xi32> to vector<16xi32>
        %mul3A_311 = arith.constant 2 : i32
        %mul3A_312 = vector.broadcast %mul3A_311 : i32 to vector<16xi32>
        %mul3A_313 = arith.muli %get3A_310, %mul3A_312 : vector<16xi32>
        %add3A_314 = vector.broadcast %arg0 : i32 to vector<16xi32>
        %add3A_315 = arith.addi %mul3A_313, %add3A_314 : vector<16xi32>
        %swap3A_316 = arith.constant 1 : i32
        %swap3A_317 = arith.index_cast %swap3A_316 : i32 to index
        %swap3A_318 = arith.constant 80 : index
        %swap3A_319 = tpu.vector_load %arg8[%swap3A_317, %swap3A_318] {strides = array<i32>} : memref<2x128xi32, #tpu.memory_space<vmem>>, vector<1x16xi32>,
        %swap3A_320 = vector.shape_cast %swap3A_319 : vector<1x16xi32> to vector<16xi32>
        %swap3A_321 = vector.shape_cast %add3A_315 : vector<16xi32> to vector<1x16xi32>
        tpu.vector_store %arg8[%swap3A_317, %swap3A_318], %swap3A_321 {strides = array<i32>} : memref<2x128xi32, #tpu.memory_space<vmem>>, vector<1x16xi32>,
        %get3A_322 = arith.index_cast %add3A_231 : i32 to index
        %get3A_323 = arith.constant 96 : index
        %get3A_324 = tpu.vector_load %arg6[%get3A_322, %get3A_323] {strides = array<i32>} : memref<16x128xi32, #tpu.memory_space<vmem>>, vector<1x16xi32>,
        %get3A_325 = vector.shape_cast %get3A_324 : vector<1x16xi32> to vector<16xi32>
        %mul3A_326 = arith.constant 2 : i32
        %mul3A_327 = vector.broadcast %mul3A_326 : i32 to vector<16xi32>
        %mul3A_328 = arith.muli %get3A_325, %mul3A_327 : vector<16xi32>
        %add3A_329 = vector.broadcast %arg0 : i32 to vector<16xi32>
        %add3A_330 = arith.addi %mul3A_328, %add3A_329 : vector<16xi32>
        %swap3A_331 = arith.constant 1 : i32
        %swap3A_332 = arith.index_cast %swap3A_331 : i32 to index
        %swap3A_333 = arith.constant 96 : index
        %swap3A_334 = tpu.vector_load %arg8[%swap3A_332, %swap3A_333] {strides = array<i32>} : memref<2x128xi32, #tpu.memory_space<vmem>>, vector<1x16xi32>,
        %swap3A_335 = vector.shape_cast %swap3A_334 : vector<1x16xi32> to vector<16xi32>
        %swap3A_336 = vector.shape_cast %add3A_330 : vector<16xi32> to vector<1x16xi32>
        tpu.vector_store %arg8[%swap3A_332, %swap3A_333], %swap3A_336 {strides = array<i32>} : memref<2x128xi32, #tpu.memory_space<vmem>>, vector<1x16xi32>,
        %get3A_337 = arith.index_cast %add3A_231 : i32 to index
        %get3A_338 = arith.constant 112 : index
        %get3A_339 = tpu.vector_load %arg6[%get3A_337, %get3A_338] {strides = array<i32>} : memref<16x128xi32, #tpu.memory_space<vmem>>, vector<1x16xi32>,
        %get3A_340 = vector.shape_cast %get3A_339 : vector<1x16xi32> to vector<16xi32>
        %mul3A_341 = arith.constant 2 : i32
        %mul3A_342 = vector.broadcast %mul3A_341 : i32 to vector<16xi32>
        %mul3A_343 = arith.muli %get3A_340, %mul3A_342 : vector<16xi32>
        %add3A_344 = vector.broadcast %arg0 : i32 to vector<16xi32>
        %add3A_345 = arith.addi %mul3A_343, %add3A_344 : vector<16xi32>
        %swap3A_346 = arith.constant 1 : i32
        %swap3A_347 = arith.index_cast %swap3A_346 : i32 to index
        %swap3A_348 = arith.constant 112 : index
        %swap3A_349 = tpu.vector_load %arg8[%swap3A_347, %swap3A_348] {strides = array<i32>} : memref<2x128xi32, #tpu.memory_space<vmem>>, vector<1x16xi32>,
        %swap3A_350 = vector.shape_cast %swap3A_349 : vector<1x16xi32> to vector<16xi32>
        %swap3A_351 = vector.shape_cast %add3A_345 : vector<16xi32> to vector<1x16xi32>
        tpu.vector_store %arg8[%swap3A_347, %swap3A_348], %swap3A_351 {strides = array<i32>} : memref<2x128xi32, #tpu.memory_space<vmem>>, vector<1x16xi32>,
        %dma_start3A_352 = arith.constant 1 : i32
        %dma_start3A_353 = arith.constant 1 : i32
        %dma_start3A_354 = arith.constant 0 : i32
        %dma_start3A_355 = arith.constant 0 : i32
        %dma_start3A_356 = tpu.memref_slice %arg9[%dma_start3A_353, %dma_start3A_354, %dma_start3A_355] : memref<2x128x128xf32, #tpu.memory_space<vmem>> -> memref<1x128x128xf32, #tpu.memory_space<vmem>>
        %dma_start3A_357 = tpu.memref_squeeze %dma_start3A_356 : memref<1x128x128xf32, #tpu.memory_space<vmem>> -> memref<128x128xf32, #tpu.memory_space<vmem>>
        %dma_start3A_358 = arith.constant 0 : i32
        %dma_start3A_359 = tpu.memref_slice %arg8[%dma_start3A_352, %dma_start3A_358] : memref<2x128xi32, #tpu.memory_space<vmem>> -> memref<1x128xi32, #tpu.memory_space<vmem>>
        %dma_start3A_360 = tpu.memref_squeeze %dma_start3A_359 : memref<1x128xi32, #tpu.memory_space<vmem>> -> memref<128xi32, #tpu.memory_space<vmem>>
        %dma_start3A_361 = arith.constant 0 : i32
        %dma_start3A_362 = arith.constant 0 : i32
        %dma_start3A_363 = tpu.memref_slice %arg4[%dma_start3A_361, %dma_start3A_362] : memref<20480x128xf32, #tpu.memory_space<hbm>> -> memref<20480x128xf32, #tpu.memory_space<hbm>>
        tpu.enqueue_indirect_dma source(%dma_start3A_363 : memref<20480x128xf32, #tpu.memory_space<hbm>>) target(%dma_start3A_357 : memref<128x128xf32, #tpu.memory_space<vmem>>) offsets(%dma_start3A_360 : memref<128xi32, #tpu.memory_space<vmem>>) semaphore(%arg12 : memref<!tpu.dma_semaphore, #tpu.memory_space<semaphore_mem>>)
        %mul3A_364 = arith.constant 2 : i32
        %mul3A_365 = arith.muli %mul3A_364, %scan3A_213 : i32
        %dma_start3A_366 = arith.constant 0 : i32
        %dma_start3A_367 = arith.constant 0 : i32
        %dma_start3A_368 = arith.constant 0 : i32
        %dma_start3A_369 = tpu.memref_slice %arg9[%dma_start3A_366, %dma_start3A_367, %dma_start3A_368] : memref<2x128x128xf32, #tpu.memory_space<vmem>> -> memref<1x128x128xf32, #tpu.memory_space<vmem>>
        %dma_start3A_370 = tpu.memref_squeeze %dma_start3A_369 : memref<1x128x128xf32, #tpu.memory_space<vmem>> -> memref<128x128xf32, #tpu.memory_space<vmem>>
        %dma_start3A_371 = arith.constant 0 : i32
        %dma_start3A_372 = tpu.memref_slice %arg7[%mul3A_365, %dma_start3A_371] : memref<16x128xi32, #tpu.memory_space<vmem>> -> memref<1x128xi32, #tpu.memory_space<vmem>>
        %dma_start3A_373 = tpu.memref_squeeze %dma_start3A_372 : memref<1x128xi32, #tpu.memory_space<vmem>> -> memref<128xi32, #tpu.memory_space<vmem>>
        %dma_start3A_374 = arith.constant 0 : i32
        %dma_start3A_375 = arith.constant 0 : i32
        %dma_start3A_376 = tpu.memref_slice %arg10[%dma_start3A_374, %dma_start3A_375] : memref<10240x128xf32, #tpu.memory_space<vmem_shared>> -> memref<10240x128xf32, #tpu.memory_space<vmem_shared>>
        tpu.enqueue_indirect_dma source(%dma_start3A_370 : memref<128x128xf32, #tpu.memory_space<vmem>>) target(%dma_start3A_376 : memref<10240x128xf32, #tpu.memory_space<vmem_shared>>) offsets(%dma_start3A_373 : memref<128xi32, #tpu.memory_space<vmem>>) semaphore(%arg13 : memref<!tpu.dma_semaphore, #tpu.memory_space<semaphore_mem>>) {add = true}
        %dma_wait3A_377 = arith.constant 1 : i32
        %dma_wait3A_378 = arith.constant 1 : i32
        %dma_wait3A_379 = arith.constant 0 : i32
        %dma_wait3A_380 = arith.constant 0 : i32
        %dma_wait3A_381 = tpu.memref_slice %arg9[%dma_wait3A_378, %dma_wait3A_379, %dma_wait3A_380] : memref<2x128x128xf32, #tpu.memory_space<vmem>> -> memref<1x128x128xf32, #tpu.memory_space<vmem>>
        %dma_wait3A_382 = tpu.memref_squeeze %dma_wait3A_381 : memref<1x128x128xf32, #tpu.memory_space<vmem>> -> memref<128x128xf32, #tpu.memory_space<vmem>>
        %dma_wait3A_383 = arith.constant 0 : i32
        %dma_wait3A_384 = tpu.memref_slice %arg8[%dma_wait3A_377, %dma_wait3A_383] : memref<2x128xi32, #tpu.memory_space<vmem>> -> memref<1x128xi32, #tpu.memory_space<vmem>>
        %dma_wait3A_385 = tpu.memref_squeeze %dma_wait3A_384 : memref<1x128xi32, #tpu.memory_space<vmem>> -> memref<128xi32, #tpu.memory_space<vmem>>
        %dma_wait3A_386 = arith.constant 0 : i32
        %dma_wait3A_387 = arith.constant 0 : i32
        %dma_wait3A_388 = tpu.memref_slice %arg4[%dma_wait3A_386, %dma_wait3A_387] : memref<20480x128xf32, #tpu.memory_space<hbm>> -> memref<20480x128xf32, #tpu.memory_space<hbm>>
        tpu.wait_indirect_dma semaphore(%arg12 : memref<!tpu.dma_semaphore, #tpu.memory_space<semaphore_mem>>) src(%dma_wait3A_388 : memref<20480x128xf32, #tpu.memory_space<hbm>>) dst(%dma_wait3A_382 : memref<128x128xf32, #tpu.memory_space<vmem>>)
        %mul3A_389 = arith.constant 2 : i32
        %mul3A_390 = arith.muli %mul3A_389, %scan3A_213 : i32
        %dma_wait3A_391 = arith.constant 0 : i32
        %dma_wait3A_392 = arith.constant 0 : i32
        %dma_wait3A_393 = arith.constant 0 : i32
        %dma_wait3A_394 = tpu.memref_slice %arg9[%dma_wait3A_391, %dma_wait3A_392, %dma_wait3A_393] : memref<2x128x128xf32, #tpu.memory_space<vmem>> -> memref<1x128x128xf32, #tpu.memory_space<vmem>>
        %dma_wait3A_395 = tpu.memref_squeeze %dma_wait3A_394 : memref<1x128x128xf32, #tpu.memory_space<vmem>> -> memref<128x128xf32, #tpu.memory_space<vmem>>
        %dma_wait3A_396 = arith.constant 0 : i32
        %dma_wait3A_397 = tpu.memref_slice %arg7[%mul3A_390, %dma_wait3A_396] : memref<16x128xi32, #tpu.memory_space<vmem>> -> memref<1x128xi32, #tpu.memory_space<vmem>>
        %dma_wait3A_398 = tpu.memref_squeeze %dma_wait3A_397 : memref<1x128xi32, #tpu.memory_space<vmem>> -> memref<128xi32, #tpu.memory_space<vmem>>
        %dma_wait3A_399 = arith.constant 0 : i32
        %dma_wait3A_400 = arith.constant 0 : i32
        %dma_wait3A_401 = tpu.memref_slice %arg10[%dma_wait3A_399, %dma_wait3A_400] : memref<10240x128xf32, #tpu.memory_space<vmem_shared>> -> memref<10240x128xf32, #tpu.memory_space<vmem_shared>>
        tpu.wait_indirect_dma semaphore(%arg13 : memref<!tpu.dma_semaphore, #tpu.memory_space<semaphore_mem>>) src(%dma_wait3A_395 : memref<128x128xf32, #tpu.memory_space<vmem>>) dst(%dma_wait3A_401 : memref<10240x128xf32, #tpu.memory_space<vmem_shared>>)
        %lt3A = arith.constant 7 : i32
        %lt3A_402 = arith.cmpi slt, %scan3A_213, %lt3A : i32
        %convert_element_type3A_403 = arith.extui %lt3A_402 : i1 to i32
        %cond3A_404 = arith.constant 0 : i32
        %cond3A_405 = arith.cmpi ne, %convert_element_type3A_403, %cond3A_404 : i32
        scf.if %cond3A_405 {
          %mul3A_421 = arith.constant 2 : i32
          %mul3A_422 = arith.muli %mul3A_421, %scan3A_213 : i32
          %add3A_423 = arith.constant 2 : i32
          %add3A_424 = arith.addi %mul3A_422, %add3A_423 : i32
          %get3A_425 = arith.index_cast %add3A_424 : i32 to index
          %get3A_426 = arith.constant 0 : index
          %get3A_427 = tpu.vector_load %arg6[%get3A_425, %get3A_426] {strides = array<i32>} : memref<16x128xi32, #tpu.memory_space<vmem>>, vector<1x16xi32>,
          %get3A_428 = vector.shape_cast %get3A_427 : vector<1x16xi32> to vector<16xi32>
          %mul3A_429 = arith.constant 2 : i32
          %mul3A_430 = vector.broadcast %mul3A_429 : i32 to vector<16xi32>
          %mul3A_431 = arith.muli %get3A_428, %mul3A_430 : vector<16xi32>
          %add3A_432 = vector.broadcast %arg0 : i32 to vector<16xi32>
          %add3A_433 = arith.addi %mul3A_431, %add3A_432 : vector<16xi32>
          %swap3A_434 = arith.constant 0 : i32
          %swap3A_435 = arith.index_cast %swap3A_434 : i32 to index
          %swap3A_436 = arith.constant 0 : index
          %swap3A_437 = tpu.vector_load %arg8[%swap3A_435, %swap3A_436] {strides = array<i32>} : memref<2x128xi32, #tpu.memory_space<vmem>>, vector<1x16xi32>,
          %swap3A_438 = vector.shape_cast %swap3A_437 : vector<1x16xi32> to vector<16xi32>
          %swap3A_439 = vector.shape_cast %add3A_433 : vector<16xi32> to vector<1x16xi32>
          tpu.vector_store %arg8[%swap3A_435, %swap3A_436], %swap3A_439 {strides = array<i32>} : memref<2x128xi32, #tpu.memory_space<vmem>>, vector<1x16xi32>,
          %get3A_440 = arith.index_cast %add3A_424 : i32 to index
          %get3A_441 = arith.constant 16 : index
          %get3A_442 = tpu.vector_load %arg6[%get3A_440, %get3A_441] {strides = array<i32>} : memref<16x128xi32, #tpu.memory_space<vmem>>, vector<1x16xi32>,
          %get3A_443 = vector.shape_cast %get3A_442 : vector<1x16xi32> to vector<16xi32>
          %mul3A_444 = arith.constant 2 : i32
          %mul3A_445 = vector.broadcast %mul3A_444 : i32 to vector<16xi32>
          %mul3A_446 = arith.muli %get3A_443, %mul3A_445 : vector<16xi32>
          %add3A_447 = vector.broadcast %arg0 : i32 to vector<16xi32>
          %add3A_448 = arith.addi %mul3A_446, %add3A_447 : vector<16xi32>
          %swap3A_449 = arith.constant 0 : i32
          %swap3A_450 = arith.index_cast %swap3A_449 : i32 to index
          %swap3A_451 = arith.constant 16 : index
          %swap3A_452 = tpu.vector_load %arg8[%swap3A_450, %swap3A_451] {strides = array<i32>} : memref<2x128xi32, #tpu.memory_space<vmem>>, vector<1x16xi32>,
          %swap3A_453 = vector.shape_cast %swap3A_452 : vector<1x16xi32> to vector<16xi32>
          %swap3A_454 = vector.shape_cast %add3A_448 : vector<16xi32> to vector<1x16xi32>
          tpu.vector_store %arg8[%swap3A_450, %swap3A_451], %swap3A_454 {strides = array<i32>} : memref<2x128xi32, #tpu.memory_space<vmem>>, vector<1x16xi32>,
          %get3A_455 = arith.index_cast %add3A_424 : i32 to index
          %get3A_456 = arith.constant 32 : index
          %get3A_457 = tpu.vector_load %arg6[%get3A_455, %get3A_456] {strides = array<i32>} : memref<16x128xi32, #tpu.memory_space<vmem>>, vector<1x16xi32>,
          %get3A_458 = vector.shape_cast %get3A_457 : vector<1x16xi32> to vector<16xi32>
          %mul3A_459 = arith.constant 2 : i32
          %mul3A_460 = vector.broadcast %mul3A_459 : i32 to vector<16xi32>
          %mul3A_461 = arith.muli %get3A_458, %mul3A_460 : vector<16xi32>
          %add3A_462 = vector.broadcast %arg0 : i32 to vector<16xi32>
          %add3A_463 = arith.addi %mul3A_461, %add3A_462 : vector<16xi32>
          %swap3A_464 = arith.constant 0 : i32
          %swap3A_465 = arith.index_cast %swap3A_464 : i32 to index
          %swap3A_466 = arith.constant 32 : index
          %swap3A_467 = tpu.vector_load %arg8[%swap3A_465, %swap3A_466] {strides = array<i32>} : memref<2x128xi32, #tpu.memory_space<vmem>>, vector<1x16xi32>,
          %swap3A_468 = vector.shape_cast %swap3A_467 : vector<1x16xi32> to vector<16xi32>
          %swap3A_469 = vector.shape_cast %add3A_463 : vector<16xi32> to vector<1x16xi32>
          tpu.vector_store %arg8[%swap3A_465, %swap3A_466], %swap3A_469 {strides = array<i32>} : memref<2x128xi32, #tpu.memory_space<vmem>>, vector<1x16xi32>,
          %get3A_470 = arith.index_cast %add3A_424 : i32 to index
          %get3A_471 = arith.constant 48 : index
          %get3A_472 = tpu.vector_load %arg6[%get3A_470, %get3A_471] {strides = array<i32>} : memref<16x128xi32, #tpu.memory_space<vmem>>, vector<1x16xi32>,
          %get3A_473 = vector.shape_cast %get3A_472 : vector<1x16xi32> to vector<16xi32>
          %mul3A_474 = arith.constant 2 : i32
          %mul3A_475 = vector.broadcast %mul3A_474 : i32 to vector<16xi32>
          %mul3A_476 = arith.muli %get3A_473, %mul3A_475 : vector<16xi32>
          %add3A_477 = vector.broadcast %arg0 : i32 to vector<16xi32>
          %add3A_478 = arith.addi %mul3A_476, %add3A_477 : vector<16xi32>
          %swap3A_479 = arith.constant 0 : i32
          %swap3A_480 = arith.index_cast %swap3A_479 : i32 to index
          %swap3A_481 = arith.constant 48 : index
          %swap3A_482 = tpu.vector_load %arg8[%swap3A_480, %swap3A_481] {strides = array<i32>} : memref<2x128xi32, #tpu.memory_space<vmem>>, vector<1x16xi32>,
          %swap3A_483 = vector.shape_cast %swap3A_482 : vector<1x16xi32> to vector<16xi32>
          %swap3A_484 = vector.shape_cast %add3A_478 : vector<16xi32> to vector<1x16xi32>
          tpu.vector_store %arg8[%swap3A_480, %swap3A_481], %swap3A_484 {strides = array<i32>} : memref<2x128xi32, #tpu.memory_space<vmem>>, vector<1x16xi32>,
          %get3A_485 = arith.index_cast %add3A_424 : i32 to index
          %get3A_486 = arith.constant 64 : index
          %get3A_487 = tpu.vector_load %arg6[%get3A_485, %get3A_486] {strides = array<i32>} : memref<16x128xi32, #tpu.memory_space<vmem>>, vector<1x16xi32>,
          %get3A_488 = vector.shape_cast %get3A_487 : vector<1x16xi32> to vector<16xi32>
          %mul3A_489 = arith.constant 2 : i32
          %mul3A_490 = vector.broadcast %mul3A_489 : i32 to vector<16xi32>
          %mul3A_491 = arith.muli %get3A_488, %mul3A_490 : vector<16xi32>
          %add3A_492 = vector.broadcast %arg0 : i32 to vector<16xi32>
          %add3A_493 = arith.addi %mul3A_491, %add3A_492 : vector<16xi32>
          %swap3A_494 = arith.constant 0 : i32
          %swap3A_495 = arith.index_cast %swap3A_494 : i32 to index
          %swap3A_496 = arith.constant 64 : index
          %swap3A_497 = tpu.vector_load %arg8[%swap3A_495, %swap3A_496] {strides = array<i32>} : memref<2x128xi32, #tpu.memory_space<vmem>>, vector<1x16xi32>,
          %swap3A_498 = vector.shape_cast %swap3A_497 : vector<1x16xi32> to vector<16xi32>
          %swap3A_499 = vector.shape_cast %add3A_493 : vector<16xi32> to vector<1x16xi32>
          tpu.vector_store %arg8[%swap3A_495, %swap3A_496], %swap3A_499 {strides = array<i32>} : memref<2x128xi32, #tpu.memory_space<vmem>>, vector<1x16xi32>,
          %get3A_500 = arith.index_cast %add3A_424 : i32 to index
          %get3A_501 = arith.constant 80 : index
          %get3A_502 = tpu.vector_load %arg6[%get3A_500, %get3A_501] {strides = array<i32>} : memref<16x128xi32, #tpu.memory_space<vmem>>, vector<1x16xi32>,
          %get3A_503 = vector.shape_cast %get3A_502 : vector<1x16xi32> to vector<16xi32>
          %mul3A_504 = arith.constant 2 : i32
          %mul3A_505 = vector.broadcast %mul3A_504 : i32 to vector<16xi32>
          %mul3A_506 = arith.muli %get3A_503, %mul3A_505 : vector<16xi32>
          %add3A_507 = vector.broadcast %arg0 : i32 to vector<16xi32>
          %add3A_508 = arith.addi %mul3A_506, %add3A_507 : vector<16xi32>
          %swap3A_509 = arith.constant 0 : i32
          %swap3A_510 = arith.index_cast %swap3A_509 : i32 to index
          %swap3A_511 = arith.constant 80 : index
          %swap3A_512 = tpu.vector_load %arg8[%swap3A_510, %swap3A_511] {strides = array<i32>} : memref<2x128xi32, #tpu.memory_space<vmem>>, vector<1x16xi32>,
          %swap3A_513 = vector.shape_cast %swap3A_512 : vector<1x16xi32> to vector<16xi32>
          %swap3A_514 = vector.shape_cast %add3A_508 : vector<16xi32> to vector<1x16xi32>
          tpu.vector_store %arg8[%swap3A_510, %swap3A_511], %swap3A_514 {strides = array<i32>} : memref<2x128xi32, #tpu.memory_space<vmem>>, vector<1x16xi32>,
          %get3A_515 = arith.index_cast %add3A_424 : i32 to index
          %get3A_516 = arith.constant 96 : index
          %get3A_517 = tpu.vector_load %arg6[%get3A_515, %get3A_516] {strides = array<i32>} : memref<16x128xi32, #tpu.memory_space<vmem>>, vector<1x16xi32>,
          %get3A_518 = vector.shape_cast %get3A_517 : vector<1x16xi32> to vector<16xi32>
          %mul3A_519 = arith.constant 2 : i32
          %mul3A_520 = vector.broadcast %mul3A_519 : i32 to vector<16xi32>
          %mul3A_521 = arith.muli %get3A_518, %mul3A_520 : vector<16xi32>
          %add3A_522 = vector.broadcast %arg0 : i32 to vector<16xi32>
          %add3A_523 = arith.addi %mul3A_521, %add3A_522 : vector<16xi32>
          %swap3A_524 = arith.constant 0 : i32
          %swap3A_525 = arith.index_cast %swap3A_524 : i32 to index
          %swap3A_526 = arith.constant 96 : index
          %swap3A_527 = tpu.vector_load %arg8[%swap3A_525, %swap3A_526] {strides = array<i32>} : memref<2x128xi32, #tpu.memory_space<vmem>>, vector<1x16xi32>,
          %swap3A_528 = vector.shape_cast %swap3A_527 : vector<1x16xi32> to vector<16xi32>
          %swap3A_529 = vector.shape_cast %add3A_523 : vector<16xi32> to vector<1x16xi32>
          tpu.vector_store %arg8[%swap3A_525, %swap3A_526], %swap3A_529 {strides = array<i32>} : memref<2x128xi32, #tpu.memory_space<vmem>>, vector<1x16xi32>,
          %get3A_530 = arith.index_cast %add3A_424 : i32 to index
          %get3A_531 = arith.constant 112 : index
          %get3A_532 = tpu.vector_load %arg6[%get3A_530, %get3A_531] {strides = array<i32>} : memref<16x128xi32, #tpu.memory_space<vmem>>, vector<1x16xi32>,
          %get3A_533 = vector.shape_cast %get3A_532 : vector<1x16xi32> to vector<16xi32>
          %mul3A_534 = arith.constant 2 : i32
          %mul3A_535 = vector.broadcast %mul3A_534 : i32 to vector<16xi32>
          %mul3A_536 = arith.muli %get3A_533, %mul3A_535 : vector<16xi32>
          %add3A_537 = vector.broadcast %arg0 : i32 to vector<16xi32>
          %add3A_538 = arith.addi %mul3A_536, %add3A_537 : vector<16xi32>
          %swap3A_539 = arith.constant 0 : i32
          %swap3A_540 = arith.index_cast %swap3A_539 : i32 to index
          %swap3A_541 = arith.constant 112 : index
          %swap3A_542 = tpu.vector_load %arg8[%swap3A_540, %swap3A_541] {strides = array<i32>} : memref<2x128xi32, #tpu.memory_space<vmem>>, vector<1x16xi32>,
          %swap3A_543 = vector.shape_cast %swap3A_542 : vector<1x16xi32> to vector<16xi32>
          %swap3A_544 = vector.shape_cast %add3A_538 : vector<16xi32> to vector<1x16xi32>
          tpu.vector_store %arg8[%swap3A_540, %swap3A_541], %swap3A_544 {strides = array<i32>} : memref<2x128xi32, #tpu.memory_space<vmem>>, vector<1x16xi32>,
          %dma_start3A_545 = arith.constant 0 : i32
          %dma_start3A_546 = arith.constant 0 : i32
          %dma_start3A_547 = arith.constant 0 : i32
          %dma_start3A_548 = arith.constant 0 : i32
          %dma_start3A_549 = tpu.memref_slice %arg9[%dma_start3A_546, %dma_start3A_547, %dma_start3A_548] : memref<2x128x128xf32, #tpu.memory_space<vmem>> -> memref<1x128x128xf32, #tpu.memory_space<vmem>>
          %dma_start3A_550 = tpu.memref_squeeze %dma_start3A_549 : memref<1x128x128xf32, #tpu.memory_space<vmem>> -> memref<128x128xf32, #tpu.memory_space<vmem>>
          %dma_start3A_551 = arith.constant 0 : i32
          %dma_start3A_552 = tpu.memref_slice %arg8[%dma_start3A_545, %dma_start3A_551] : memref<2x128xi32, #tpu.memory_space<vmem>> -> memref<1x128xi32, #tpu.memory_space<vmem>>
          %dma_start3A_553 = tpu.memref_squeeze %dma_start3A_552 : memref<1x128xi32, #tpu.memory_space<vmem>> -> memref<128xi32, #tpu.memory_space<vmem>>
          %dma_start3A_554 = arith.constant 0 : i32
          %dma_start3A_555 = arith.constant 0 : i32
          %dma_start3A_556 = tpu.memref_slice %arg4[%dma_start3A_554, %dma_start3A_555] : memref<20480x128xf32, #tpu.memory_space<hbm>> -> memref<20480x128xf32, #tpu.memory_space<hbm>>
          tpu.enqueue_indirect_dma source(%dma_start3A_556 : memref<20480x128xf32, #tpu.memory_space<hbm>>) target(%dma_start3A_550 : memref<128x128xf32, #tpu.memory_space<vmem>>) offsets(%dma_start3A_553 : memref<128xi32, #tpu.memory_space<vmem>>) semaphore(%arg11 : memref<!tpu.dma_semaphore, #tpu.memory_space<semaphore_mem>>)
        } else {
        }
        %mul3A_406 = arith.constant 2 : i32
        %mul3A_407 = arith.muli %mul3A_406, %scan3A_213 : i32
        %add3A_408 = arith.constant 1 : i32
        %add3A_409 = arith.addi %mul3A_407, %add3A_408 : i32
        %dma_start3A_410 = arith.constant 1 : i32
        %dma_start3A_411 = arith.constant 0 : i32
        %dma_start3A_412 = arith.constant 0 : i32
        %dma_start3A_413 = tpu.memref_slice %arg9[%dma_start3A_410, %dma_start3A_411, %dma_start3A_412] : memref<2x128x128xf32, #tpu.memory_space<vmem>> -> memref<1x128x128xf32, #tpu.memory_space<vmem>>
        %dma_start3A_414 = tpu.memref_squeeze %dma_start3A_413 : memref<1x128x128xf32, #tpu.memory_space<vmem>> -> memref<128x128xf32, #tpu.memory_space<vmem>>
        %dma_start3A_415 = arith.constant 0 : i32
        %dma_start3A_416 = tpu.memref_slice %arg7[%add3A_409, %dma_start3A_415] : memref<16x128xi32, #tpu.memory_space<vmem>> -> memref<1x128xi32, #tpu.memory_space<vmem>>
        %dma_start3A_417 = tpu.memref_squeeze %dma_start3A_416 : memref<1x128xi32, #tpu.memory_space<vmem>> -> memref<128xi32, #tpu.memory_space<vmem>>
        %dma_start3A_418 = arith.constant 0 : i32
        %dma_start3A_419 = arith.constant 0 : i32
        %dma_start3A_420 = tpu.memref_slice %arg10[%dma_start3A_418, %dma_start3A_419] : memref<10240x128xf32, #tpu.memory_space<vmem_shared>> -> memref<10240x128xf32, #tpu.memory_space<vmem_shared>>
        tpu.enqueue_indirect_dma source(%dma_start3A_414 : memref<128x128xf32, #tpu.memory_space<vmem>>) target(%dma_start3A_420 : memref<10240x128xf32, #tpu.memory_space<vmem_shared>>) offsets(%dma_start3A_417 : memref<128xi32, #tpu.memory_space<vmem>>) semaphore(%arg14 : memref<!tpu.dma_semaphore, #tpu.memory_space<semaphore_mem>>) {add = true}
      }
      %scan3A_201 = arith.constant 8 : i32
      %dma_wait3A = arith.constant 1 : i32
      %dma_wait3A_202 = arith.constant 15 : i32
      %dma_wait3A_203 = arith.constant 0 : i32
      %dma_wait3A_204 = arith.constant 0 : i32
      %dma_wait3A_205 = tpu.memref_slice %arg9[%dma_wait3A, %dma_wait3A_203, %dma_wait3A_204] : memref<2x128x128xf32, #tpu.memory_space<vmem>> -> memref<1x128x128xf32, #tpu.memory_space<vmem>>
      %dma_wait3A_206 = tpu.memref_squeeze %dma_wait3A_205 : memref<1x128x128xf32, #tpu.memory_space<vmem>> -> memref<128x128xf32, #tpu.memory_space<vmem>>
      %dma_wait3A_207 = arith.constant 0 : i32
      %dma_wait3A_208 = tpu.memref_slice %arg7[%dma_wait3A_202, %dma_wait3A_207] : memref<16x128xi32, #tpu.memory_space<vmem>> -> memref<1x128xi32, #tpu.memory_space<vmem>>
      %dma_wait3A_209 = tpu.memref_squeeze %dma_wait3A_208 : memref<1x128xi32, #tpu.memory_space<vmem>> -> memref<128xi32, #tpu.memory_space<vmem>>
      %dma_wait3A_210 = arith.constant 0 : i32
      %dma_wait3A_211 = arith.constant 0 : i32
      %dma_wait3A_212 = tpu.memref_slice %arg10[%dma_wait3A_210, %dma_wait3A_211] : memref<10240x128xf32, #tpu.memory_space<vmem_shared>> -> memref<10240x128xf32, #tpu.memory_space<vmem_shared>>
      tpu.wait_indirect_dma semaphore(%arg14 : memref<!tpu.dma_semaphore, #tpu.memory_space<semaphore_mem>>) src(%dma_wait3A_206 : memref<128x128xf32, #tpu.memory_space<vmem>>) dst(%dma_wait3A_212 : memref<10240x128xf32, #tpu.memory_space<vmem_shared>>)
    }
    %scan3A_32 = arith.constant 10 : i32
    %barrier3A_33 = arith.constant 0 : index
    tpu.barrier barrier_id(%barrier3A_33)
    %mul3A_34 = arith.constant 640 : i32
    %mul3A_35 = arith.muli %arg1, %mul3A_34 : i32
    %add3A_36 = arith.constant 0 : i32
    %add3A_37 = arith.addi %mul3A_35, %add3A_36 : i32
    "tpu.region"() ({
      %run_scoped3A_54 = tpu.sem_alloc : memref<!tpu.dma_semaphore, #tpu.memory_space<semaphore_mem>>
      %dma_start3A = arith.constant 0 : i32
      %dma_start3A_55 = tpu.memref_slice %arg5[%arg0, %add3A_37, %dma_start3A] : memref<2x10240x128xf32, #tpu.memory_space<hbm>> -> memref<1x128x128xf32, #tpu.memory_space<hbm>>
      %dma_start3A_56 = tpu.memref_squeeze %dma_start3A_55 : memref<1x128x128xf32, #tpu.memory_space<hbm>> -> memref<128x128xf32, #tpu.memory_space<hbm>>
      %dma_start3A_57 = arith.constant 0 : i32
      %dma_start3A_58 = tpu.memref_slice %arg10[%add3A_37, %dma_start3A_57] : memref<10240x128xf32, #tpu.memory_space<vmem_shared>> -> memref<128x128xf32, #tpu.memory_space<vmem_shared>>
      tpu.enqueue_dma source(%dma_start3A_58 : memref<128x128xf32, #tpu.memory_space<vmem_shared>>) target(%dma_start3A_56 : memref<128x128xf32, #tpu.memory_space<hbm>>) target_semaphore(%run_scoped3A_54 : memref<!tpu.dma_semaphore, #tpu.memory_space<semaphore_mem>>)
      %dma_wait3A = arith.constant 0 : i32
      %dma_wait3A_59 = tpu.memref_slice %arg5[%arg0, %add3A_37, %dma_wait3A] : memref<2x10240x128xf32, #tpu.memory_space<hbm>> -> memref<1x128x128xf32, #tpu.memory_space<hbm>>
      %dma_wait3A_60 = tpu.memref_squeeze %dma_wait3A_59 : memref<1x128x128xf32, #tpu.memory_space<hbm>> -> memref<128x128xf32, #tpu.memory_space<hbm>>
      %dma_wait3A_61 = arith.constant 0 : i32
      %dma_wait3A_62 = tpu.memref_slice %arg10[%add3A_37, %dma_wait3A_61] : memref<10240x128xf32, #tpu.memory_space<vmem_shared>> -> memref<128x128xf32, #tpu.memory_space<vmem_shared>>
      tpu.wait_dma2 semaphore(%run_scoped3A_54 : memref<!tpu.dma_semaphore, #tpu.memory_space<semaphore_mem>>) src(%dma_wait3A_62 : memref<128x128xf32, #tpu.memory_space<vmem_shared>>) dst(%dma_wait3A_60 : memref<128x128xf32, #tpu.memory_space<hbm>>)
      tpu.yield
    }) : () -> ()
    %mul3A_38 = arith.constant 640 : i32
    %mul3A_39 = arith.muli %arg1, %mul3A_38 : i32
    %add3A_40 = arith.constant 128 : i32
    %add3A_41 = arith.addi %mul3A_39, %add3A_40 : i32
    "tpu.region"() ({
      %run_scoped3A_54 = tpu.sem_alloc : memref<!tpu.dma_semaphore, #tpu.memory_space<semaphore_mem>>
      %dma_start3A = arith.constant 0 : i32
      %dma_start3A_55 = tpu.memref_slice %arg5[%arg0, %add3A_41, %dma_start3A] : memref<2x10240x128xf32, #tpu.memory_space<hbm>> -> memref<1x128x128xf32, #tpu.memory_space<hbm>>
      %dma_start3A_56 = tpu.memref_squeeze %dma_start3A_55 : memref<1x128x128xf32, #tpu.memory_space<hbm>> -> memref<128x128xf32, #tpu.memory_space<hbm>>
      %dma_start3A_57 = arith.constant 0 : i32
      %dma_start3A_58 = tpu.memref_slice %arg10[%add3A_41, %dma_start3A_57] : memref<10240x128xf32, #tpu.memory_space<vmem_shared>> -> memref<128x128xf32, #tpu.memory_space<vmem_shared>>
      tpu.enqueue_dma source(%dma_start3A_58 : memref<128x128xf32, #tpu.memory_space<vmem_shared>>) target(%dma_start3A_56 : memref<128x128xf32, #tpu.memory_space<hbm>>) target_semaphore(%run_scoped3A_54 : memref<!tpu.dma_semaphore, #tpu.memory_space<semaphore_mem>>)
      %dma_wait3A = arith.constant 0 : i32
      %dma_wait3A_59 = tpu.memref_slice %arg5[%arg0, %add3A_41, %dma_wait3A] : memref<2x10240x128xf32, #tpu.memory_space<hbm>> -> memref<1x128x128xf32, #tpu.memory_space<hbm>>
      %dma_wait3A_60 = tpu.memref_squeeze %dma_wait3A_59 : memref<1x128x128xf32, #tpu.memory_space<hbm>> -> memref<128x128xf32, #tpu.memory_space<hbm>>
      %dma_wait3A_61 = arith.constant 0 : i32
      %dma_wait3A_62 = tpu.memref_slice %arg10[%add3A_41, %dma_wait3A_61] : memref<10240x128xf32, #tpu.memory_space<vmem_shared>> -> memref<128x128xf32, #tpu.memory_space<vmem_shared>>
      tpu.wait_dma2 semaphore(%run_scoped3A_54 : memref<!tpu.dma_semaphore, #tpu.memory_space<semaphore_mem>>) src(%dma_wait3A_62 : memref<128x128xf32, #tpu.memory_space<vmem_shared>>) dst(%dma_wait3A_60 : memref<128x128xf32, #tpu.memory_space<hbm>>)
      tpu.yield
    }) : () -> ()
    %mul3A_42 = arith.constant 640 : i32
    %mul3A_43 = arith.muli %arg1, %mul3A_42 : i32
    %add3A_44 = arith.constant 256 : i32
    %add3A_45 = arith.addi %mul3A_43, %add3A_44 : i32
    "tpu.region"() ({
      %run_scoped3A_54 = tpu.sem_alloc : memref<!tpu.dma_semaphore, #tpu.memory_space<semaphore_mem>>
      %dma_start3A = arith.constant 0 : i32
      %dma_start3A_55 = tpu.memref_slice %arg5[%arg0, %add3A_45, %dma_start3A] : memref<2x10240x128xf32, #tpu.memory_space<hbm>> -> memref<1x128x128xf32, #tpu.memory_space<hbm>>
      %dma_start3A_56 = tpu.memref_squeeze %dma_start3A_55 : memref<1x128x128xf32, #tpu.memory_space<hbm>> -> memref<128x128xf32, #tpu.memory_space<hbm>>
      %dma_start3A_57 = arith.constant 0 : i32
      %dma_start3A_58 = tpu.memref_slice %arg10[%add3A_45, %dma_start3A_57] : memref<10240x128xf32, #tpu.memory_space<vmem_shared>> -> memref<128x128xf32, #tpu.memory_space<vmem_shared>>
      tpu.enqueue_dma source(%dma_start3A_58 : memref<128x128xf32, #tpu.memory_space<vmem_shared>>) target(%dma_start3A_56 : memref<128x128xf32, #tpu.memory_space<hbm>>) target_semaphore(%run_scoped3A_54 : memref<!tpu.dma_semaphore, #tpu.memory_space<semaphore_mem>>)
      %dma_wait3A = arith.constant 0 : i32
      %dma_wait3A_59 = tpu.memref_slice %arg5[%arg0, %add3A_45, %dma_wait3A] : memref<2x10240x128xf32, #tpu.memory_space<hbm>> -> memref<1x128x128xf32, #tpu.memory_space<hbm>>
      %dma_wait3A_60 = tpu.memref_squeeze %dma_wait3A_59 : memref<1x128x128xf32, #tpu.memory_space<hbm>> -> memref<128x128xf32, #tpu.memory_space<hbm>>
      %dma_wait3A_61 = arith.constant 0 : i32
      %dma_wait3A_62 = tpu.memref_slice %arg10[%add3A_45, %dma_wait3A_61] : memref<10240x128xf32, #tpu.memory_space<vmem_shared>> -> memref<128x128xf32, #tpu.memory_space<vmem_shared>>
      tpu.wait_dma2 semaphore(%run_scoped3A_54 : memref<!tpu.dma_semaphore, #tpu.memory_space<semaphore_mem>>) src(%dma_wait3A_62 : memref<128x128xf32, #tpu.memory_space<vmem_shared>>) dst(%dma_wait3A_60 : memref<128x128xf32, #tpu.memory_space<hbm>>)
      tpu.yield
    }) : () -> ()
    %mul3A_46 = arith.constant 640 : i32
    %mul3A_47 = arith.muli %arg1, %mul3A_46 : i32
    %add3A_48 = arith.constant 384 : i32
    %add3A_49 = arith.addi %mul3A_47, %add3A_48 : i32
    "tpu.region"() ({
      %run_scoped3A_54 = tpu.sem_alloc : memref<!tpu.dma_semaphore, #tpu.memory_space<semaphore_mem>>
      %dma_start3A = arith.constant 0 : i32
      %dma_start3A_55 = tpu.memref_slice %arg5[%arg0, %add3A_49, %dma_start3A] : memref<2x10240x128xf32, #tpu.memory_space<hbm>> -> memref<1x128x128xf32, #tpu.memory_space<hbm>>
      %dma_start3A_56 = tpu.memref_squeeze %dma_start3A_55 : memref<1x128x128xf32, #tpu.memory_space<hbm>> -> memref<128x128xf32, #tpu.memory_space<hbm>>
      %dma_start3A_57 = arith.constant 0 : i32
      %dma_start3A_58 = tpu.memref_slice %arg10[%add3A_49, %dma_start3A_57] : memref<10240x128xf32, #tpu.memory_space<vmem_shared>> -> memref<128x128xf32, #tpu.memory_space<vmem_shared>>
      tpu.enqueue_dma source(%dma_start3A_58 : memref<128x128xf32, #tpu.memory_space<vmem_shared>>) target(%dma_start3A_56 : memref<128x128xf32, #tpu.memory_space<hbm>>) target_semaphore(%run_scoped3A_54 : memref<!tpu.dma_semaphore, #tpu.memory_space<semaphore_mem>>)
      %dma_wait3A = arith.constant 0 : i32
      %dma_wait3A_59 = tpu.memref_slice %arg5[%arg0, %add3A_49, %dma_wait3A] : memref<2x10240x128xf32, #tpu.memory_space<hbm>> -> memref<1x128x128xf32, #tpu.memory_space<hbm>>
      %dma_wait3A_60 = tpu.memref_squeeze %dma_wait3A_59 : memref<1x128x128xf32, #tpu.memory_space<hbm>> -> memref<128x128xf32, #tpu.memory_space<hbm>>
      %dma_wait3A_61 = arith.constant 0 : i32
      %dma_wait3A_62 = tpu.memref_slice %arg10[%add3A_49, %dma_wait3A_61] : memref<10240x128xf32, #tpu.memory_space<vmem_shared>> -> memref<128x128xf32, #tpu.memory_space<vmem_shared>>
      tpu.wait_dma2 semaphore(%run_scoped3A_54 : memref<!tpu.dma_semaphore, #tpu.memory_space<semaphore_mem>>) src(%dma_wait3A_62 : memref<128x128xf32, #tpu.memory_space<vmem_shared>>) dst(%dma_wait3A_60 : memref<128x128xf32, #tpu.memory_space<hbm>>)
      tpu.yield
    }) : () -> ()
    %mul3A_50 = arith.constant 640 : i32
    %mul3A_51 = arith.muli %arg1, %mul3A_50 : i32
    %add3A_52 = arith.constant 512 : i32
    %add3A_53 = arith.addi %mul3A_51, %add3A_52 : i32
    "tpu.region"() ({
      %run_scoped3A_54 = tpu.sem_alloc : memref<!tpu.dma_semaphore, #tpu.memory_space<semaphore_mem>>
      %dma_start3A = arith.constant 0 : i32
      %dma_start3A_55 = tpu.memref_slice %arg5[%arg0, %add3A_53, %dma_start3A] : memref<2x10240x128xf32, #tpu.memory_space<hbm>> -> memref<1x128x128xf32, #tpu.memory_space<hbm>>
      %dma_start3A_56 = tpu.memref_squeeze %dma_start3A_55 : memref<1x128x128xf32, #tpu.memory_space<hbm>> -> memref<128x128xf32, #tpu.memory_space<hbm>>
      %dma_start3A_57 = arith.constant 0 : i32
      %dma_start3A_58 = tpu.memref_slice %arg10[%add3A_53, %dma_start3A_57] : memref<10240x128xf32, #tpu.memory_space<vmem_shared>> -> memref<128x128xf32, #tpu.memory_space<vmem_shared>>
      tpu.enqueue_dma source(%dma_start3A_58 : memref<128x128xf32, #tpu.memory_space<vmem_shared>>) target(%dma_start3A_56 : memref<128x128xf32, #tpu.memory_space<hbm>>) target_semaphore(%run_scoped3A_54 : memref<!tpu.dma_semaphore, #tpu.memory_space<semaphore_mem>>)
      %dma_wait3A = arith.constant 0 : i32
      %dma_wait3A_59 = tpu.memref_slice %arg5[%arg0, %add3A_53, %dma_wait3A] : memref<2x10240x128xf32, #tpu.memory_space<hbm>> -> memref<1x128x128xf32, #tpu.memory_space<hbm>>
      %dma_wait3A_60 = tpu.memref_squeeze %dma_wait3A_59 : memref<1x128x128xf32, #tpu.memory_space<hbm>> -> memref<128x128xf32, #tpu.memory_space<hbm>>
      %dma_wait3A_61 = arith.constant 0 : i32
      %dma_wait3A_62 = tpu.memref_slice %arg10[%add3A_53, %dma_wait3A_61] : memref<10240x128xf32, #tpu.memory_space<vmem_shared>> -> memref<128x128xf32, #tpu.memory_space<vmem_shared>>
      tpu.wait_dma2 semaphore(%run_scoped3A_54 : memref<!tpu.dma_semaphore, #tpu.memory_space<semaphore_mem>>) src(%dma_wait3A_62 : memref<128x128xf32, #tpu.memory_space<vmem_shared>>) dst(%dma_wait3A_60 : memref<128x128xf32, #tpu.memory_space<hbm>>)
      tpu.yield
    }) : () -> ()
    return
  }
}

module attributes {stable_mosaic.version = 14 : i64} {
  func.func @_enc_body(%arg0: i32, %arg1: memref<512x128xf32, #tpu.memory_space<vmem>>, %arg2: memref<512x128xf32, #tpu.memory_space<vmem>>, %arg3: memref<1x512x128xf32, #tpu.memory_space<vmem>>, %arg4: memref<1x512x128xf32, #tpu.memory_space<vmem>>, %arg5: memref<1x128xf32, #tpu.memory_space<vmem>>, %arg6: memref<128x256xf32, #tpu.memory_space<vmem>>, %arg7: memref<1x256xf32, #tpu.memory_space<vmem>>, %arg8: memref<256x256xf32, #tpu.memory_space<vmem>>, %arg9: memref<1x256xf32, #tpu.memory_space<vmem>>, %arg10: memref<256x256xf32, #tpu.memory_space<vmem>>, %arg11: memref<512x256xf32, #tpu.memory_space<vmem>>) attributes {dimension_semantics = [#tpu.dimension_semantics<arbitrary>], iteration_bounds = array<i64: 20>, scalar_prefetch = 0 : i64, scratch_operands = 0 : i64, tpu.core_type = #tpu.core_type<tc>, window_params = [{transform_indices = @transform_0, window_bounds = array<i64: 512, 128>}, {transform_indices = @transform_1, window_bounds = array<i64: 512, 128>}, {transform_indices = @transform_2, window_bounds = array<i64: 1, 512, 128>}, {transform_indices = @transform_3, window_bounds = array<i64: 1, 512, 128>}, {pipeline_mode = #tpu.pipeline_mode<synchronous>, transform_indices = @transform_4, window_bounds = array<i64: 1, 128>}, {pipeline_mode = #tpu.pipeline_mode<synchronous>, transform_indices = @transform_5, window_bounds = array<i64: 128, 256>}, {pipeline_mode = #tpu.pipeline_mode<synchronous>, transform_indices = @transform_6, window_bounds = array<i64: 1, 256>}, {pipeline_mode = #tpu.pipeline_mode<synchronous>, transform_indices = @transform_7, window_bounds = array<i64: 256, 256>}, {pipeline_mode = #tpu.pipeline_mode<synchronous>, transform_indices = @transform_8, window_bounds = array<i64: 1, 256>}, {pipeline_mode = #tpu.pipeline_mode<synchronous>, transform_indices = @transform_9, window_bounds = array<i64: 256, 256>}, {transform_indices = @transform_10, window_bounds = array<i64: 512, 256>}]} {
    %get3A = arith.constant 0 : index
    %get3A_0 = arith.constant 0 : index
    %get3A_1 = arith.constant 0 : index
    %get3A_2 = vector.load %arg3[%get3A, %get3A_0, %get3A_1] : memref<1x512x128xf32, #tpu.memory_space<vmem>>, vector<1x512x1xf32>
    %get3A_3 = vector.shape_cast %get3A_2 : vector<1x512x1xf32> to vector<512x1xf32>
    %get3A_4 = arith.constant 0 : index
    %get3A_5 = arith.constant 0 : index
    %get3A_6 = arith.constant 0 : index
    %get3A_7 = vector.load %arg4[%get3A_4, %get3A_5, %get3A_6] : memref<1x512x128xf32, #tpu.memory_space<vmem>>, vector<1x512x1xf32>
    %get3A_8 = vector.shape_cast %get3A_7 : vector<1x512x1xf32> to vector<512x1xf32>
    %add3A = arith.addf %get3A_3, %get3A_8 : vector<512x1xf32>
    %add3A_9 = arith.constant 1.000000e+00 : f32
    %add3A_10 = vector.broadcast %add3A_9 : f32 to vector<512x1xf32>
    %add3A_11 = arith.addf %add3A, %add3A_10 : vector<512x1xf32>
    %rsqrt3A = math.rsqrt %add3A_11 : vector<512x1xf32>
    %get3A_12 = arith.constant 0 : index
    %get3A_13 = arith.constant 0 : index
    %get3A_14 = vector.load %arg2[%get3A_12, %get3A_13] : memref<512x128xf32, #tpu.memory_space<vmem>>, vector<512x1xf32>
    %gt3A = arith.constant 5.000000e-01 : f32
    %gt3A_15 = vector.broadcast %gt3A : f32 to vector<512x1xf32>
    %gt3A_16 = arith.cmpf ogt, %get3A_14, %gt3A_15 : vector<512x1xf32>
    %get3A_17 = arith.constant 0 : index
    %get3A_18 = arith.constant 0 : index
    %get3A_19 = vector.load %arg5[%get3A_17, %get3A_18] : memref<1x128xf32, #tpu.memory_space<vmem>>, vector<1x128xf32>
    %get3A_20 = arith.constant 0 : index
    %get3A_21 = arith.constant 0 : index
    %get3A_22 = vector.load %arg1[%get3A_20, %get3A_21] : memref<512x128xf32, #tpu.memory_space<vmem>>, vector<512x128xf32>
    %broadcast_in_dim3A = vector.shape_cast %gt3A_16 : vector<512x1xi1> to vector<512x1xi1>
    %broadcast_in_dim3A_23 = vector.broadcast %broadcast_in_dim3A : vector<512x1xi1> to vector<512x128xi1>
    %broadcast_in_dim3A_24 = vector.shape_cast %get3A_19 : vector<1x128xf32> to vector<1x128xf32>
    %broadcast_in_dim3A_25 = vector.broadcast %broadcast_in_dim3A_24 : vector<1x128xf32> to vector<512x128xf32>
    %select_n3A = arith.select %broadcast_in_dim3A_23, %broadcast_in_dim3A_25, %get3A_22 : vector<512x128xi1>, vector<512x128xf32>
    %get3A_26 = arith.constant 0 : index
    %get3A_27 = arith.constant 0 : index
    %get3A_28 = vector.load %arg6[%get3A_26, %get3A_27] : memref<128x256xf32, #tpu.memory_space<vmem>>, vector<128x256xf32>
    %dot_general3A = arith.constant dense<0.000000e+00> : vector<512x256xf32>
    %dot_general3A_29 = tpu.matmul %select_n3A, %get3A_28, %dot_general3A {dimension_numbers = #tpu.dot_dimension_numbers<[1], [0], [0], [1], [0, 0, 1, 1], [], []>, transpose_lhs_hint = false} : vector<512x128xf32>, vector<128x256xf32>, vector<512x256xf32> -> vector<512x256xf32>
    %get3A_30 = arith.constant 0 : index
    %get3A_31 = arith.constant 0 : index
    %get3A_32 = vector.load %arg7[%get3A_30, %get3A_31] : memref<1x256xf32, #tpu.memory_space<vmem>>, vector<1x256xf32>
    %add3A_33 = vector.broadcast %get3A_32 : vector<1x256xf32> to vector<512x256xf32>
    %add3A_34 = arith.addf %dot_general3A_29, %add3A_33 : vector<512x256xf32>
    %max3A = arith.constant 0.000000e+00 : f32
    %max3A_35 = vector.broadcast %max3A : f32 to vector<512x256xf32>
    %max3A_36 = arith.maximumf %add3A_34, %max3A_35 : vector<512x256xf32>
    %get3A_37 = arith.constant 0 : index
    %get3A_38 = arith.constant 0 : index
    %get3A_39 = vector.load %arg8[%get3A_37, %get3A_38] : memref<256x256xf32, #tpu.memory_space<vmem>>, vector<256x256xf32>
    %dot_general3A_40 = arith.constant dense<0.000000e+00> : vector<512x256xf32>
    %dot_general3A_41 = tpu.matmul %max3A_36, %get3A_39, %dot_general3A_40 {dimension_numbers = #tpu.dot_dimension_numbers<[1], [0], [0], [1], [0, 0, 1, 1], [], []>, transpose_lhs_hint = false} : vector<512x256xf32>, vector<256x256xf32>, vector<512x256xf32> -> vector<512x256xf32>
    %get3A_42 = arith.constant 0 : index
    %get3A_43 = arith.constant 0 : index
    %get3A_44 = vector.load %arg9[%get3A_42, %get3A_43] : memref<1x256xf32, #tpu.memory_space<vmem>>, vector<1x256xf32>
    %add3A_45 = vector.broadcast %get3A_44 : vector<1x256xf32> to vector<512x256xf32>
    %add3A_46 = arith.addf %dot_general3A_41, %add3A_45 : vector<512x256xf32>
    %get3A_47 = arith.constant 0 : index
    %get3A_48 = arith.constant 0 : index
    %get3A_49 = vector.load %arg10[%get3A_47, %get3A_48] : memref<256x256xf32, #tpu.memory_space<vmem>>, vector<256x256xf32>
    %dot_general3A_50 = arith.constant dense<0.000000e+00> : vector<512x256xf32>
    %dot_general3A_51 = tpu.matmul %add3A_46, %get3A_49, %dot_general3A_50 {dimension_numbers = #tpu.dot_dimension_numbers<[1], [0], [0], [1], [0, 0, 1, 1], [], []>, transpose_lhs_hint = false} : vector<512x256xf32>, vector<256x256xf32>, vector<512x256xf32> -> vector<512x256xf32>
    %mul3A = arith.constant 512 : i32
    %mul3A_52 = arith.muli %arg0, %mul3A : i32
    %iota3A = tpu.iota {dimensions = array<i32: 0>} : vector<512x1xi32>
    %add3A_53 = vector.broadcast %mul3A_52 : i32 to vector<512x1xi32>
    %add3A_54 = arith.addi %add3A_53, %iota3A : vector<512x1xi32>
    %lt3A = arith.constant 10000 : i32
    %lt3A_55 = vector.broadcast %lt3A : i32 to vector<512x1xi32>
    %lt3A_56 = arith.cmpi slt, %add3A_54, %lt3A_55 : vector<512x1xi32>
    %mul3A_57 = vector.broadcast %rsqrt3A : vector<512x1xf32> to vector<512x256xf32>
    %mul3A_58 = arith.mulf %mul3A_57, %dot_general3A_51 : vector<512x256xf32>
    %jit3A = arith.constant 0.000000e+00 : f32
    %broadcast_in_dim3A_59 = vector.shape_cast %lt3A_56 : vector<512x1xi1> to vector<512x1xi1>
    %broadcast_in_dim3A_60 = vector.broadcast %broadcast_in_dim3A_59 : vector<512x1xi1> to vector<512x256xi1>
    %broadcast_in_dim3A_61 = vector.broadcast %jit3A : f32 to vector<512x256xf32>
    %select_n3A_62 = arith.select %broadcast_in_dim3A_60, %mul3A_58, %broadcast_in_dim3A_61 : vector<512x256xi1>, vector<512x256xf32>
    %swap3A = arith.constant 0 : index
    %swap3A_63 = arith.constant 0 : index
    %swap3A_64 = vector.load %arg11[%swap3A, %swap3A_63] : memref<512x256xf32, #tpu.memory_space<vmem>>, vector<512x256xf32>
    tpu.vector_store %arg11[%swap3A, %swap3A_63], %select_n3A_62 {strides = array<i32>} : memref<512x256xf32, #tpu.memory_space<vmem>>, vector<512x256xf32>,
    return
  }
  func.func @transform_0(%arg0: i32) -> (i32, i32) {
    %c0_i32 = arith.constant 0 : i32
    %c0_i32_0 = arith.constant 0 : i32
    return %arg0, %c0_i32 : i32, i32
  }
  func.func @transform_1(%arg0: i32) -> (i32, i32) {
    %c0_i32 = arith.constant 0 : i32
    %c0_i32_0 = arith.constant 0 : i32
    return %arg0, %c0_i32 : i32, i32
  }
  func.func @transform_2(%arg0: i32) -> (i32, i32, i32) {
    %c0_i32 = arith.constant 0 : i32
    %c0_i32_0 = arith.constant 0 : i32
    %c0_i32_1 = arith.constant 0 : i32
    return %c0_i32, %arg0, %c0_i32_0 : i32, i32, i32
  }
  func.func @transform_3(%arg0: i32) -> (i32, i32, i32) {
    %c1_i32 = arith.constant 1 : i32
    %c0_i32 = arith.constant 0 : i32
    %c0_i32_0 = arith.constant 0 : i32
    return %c1_i32, %arg0, %c0_i32 : i32, i32, i32
  }
  func.func @transform_4(%arg0: i32) -> (i32, i32) {
    %c0_i32 = arith.constant 0 : i32
    %c0_i32_0 = arith.constant 0 : i32
    %c0_i32_1 = arith.constant 0 : i32
    return %c0_i32, %c0_i32_0 : i32, i32
  }
  func.func @transform_5(%arg0: i32) -> (i32, i32) {
    %c0_i32 = arith.constant 0 : i32
    %c0_i32_0 = arith.constant 0 : i32
    %c0_i32_1 = arith.constant 0 : i32
    return %c0_i32, %c0_i32_0 : i32, i32
  }
  func.func @transform_6(%arg0: i32) -> (i32, i32) {
    %c0_i32 = arith.constant 0 : i32
    %c0_i32_0 = arith.constant 0 : i32
    %c0_i32_1 = arith.constant 0 : i32
    return %c0_i32, %c0_i32_0 : i32, i32
  }
  func.func @transform_7(%arg0: i32) -> (i32, i32) {
    %c0_i32 = arith.constant 0 : i32
    %c0_i32_0 = arith.constant 0 : i32
    %c0_i32_1 = arith.constant 0 : i32
    return %c0_i32, %c0_i32_0 : i32, i32
  }
  func.func @transform_8(%arg0: i32) -> (i32, i32) {
    %c0_i32 = arith.constant 0 : i32
    %c0_i32_0 = arith.constant 0 : i32
    %c0_i32_1 = arith.constant 0 : i32
    return %c0_i32, %c0_i32_0 : i32, i32
  }
  func.func @transform_9(%arg0: i32) -> (i32, i32) {
    %c0_i32 = arith.constant 0 : i32
    %c0_i32_0 = arith.constant 0 : i32
    %c0_i32_1 = arith.constant 0 : i32
    return %c0_i32, %c0_i32_0 : i32, i32
  }
  func.func @transform_10(%arg0: i32) -> (i32, i32) {
    %c0_i32 = arith.constant 0 : i32
    %c0_i32_0 = arith.constant 0 : i32
    return %arg0, %c0_i32 : i32, i32
  }
}

module attributes {stable_mosaic.version = 14 : i64} {
  func.func @_fin_body(%arg0: i32, %arg1: memref<1x512x128xf32, #tpu.memory_space<vmem>>, %arg2: memref<1x512x128xf32, #tpu.memory_space<vmem>>, %arg3: memref<512x256xf32, #tpu.memory_space<vmem>>, %arg4: memref<1x512x128xf32, #tpu.memory_space<vmem>>, %arg5: memref<1x512x128xf32, #tpu.memory_space<vmem>>, %arg6: memref<1x256xf32, #tpu.memory_space<vmem>>, %arg7: memref<512x256xf32, #tpu.memory_space<vmem>>, %arg8: memref<1x256xf32, #tpu.memory_space<vmem>>, %arg9: memref<256x128xf32, #tpu.memory_space<vmem>>, %arg10: memref<1x128xf32, #tpu.memory_space<vmem>>, %arg11: memref<512x256xf32, #tpu.memory_space<vmem>>, %arg12: memref<8x128xf32, #tpu.memory_space<vmem>>, %arg13: memref<8x256xf32, #tpu.memory_space<vmem>>, %arg14: memref<8x256xf32, #tpu.memory_space<vmem>>) attributes {dimension_semantics = [#tpu.dimension_semantics<arbitrary>], iteration_bounds = array<i64: 20>, scalar_prefetch = 0 : i64, scratch_operands = 2 : i64, tpu.core_type = #tpu.core_type<tc>, window_params = [{transform_indices = @transform_0, window_bounds = array<i64: 1, 512, 128>}, {transform_indices = @transform_1, window_bounds = array<i64: 1, 512, 128>}, {transform_indices = @transform_2, window_bounds = array<i64: 512, 256>}, {transform_indices = @transform_3, window_bounds = array<i64: 1, 512, 128>}, {transform_indices = @transform_4, window_bounds = array<i64: 1, 512, 128>}, {pipeline_mode = #tpu.pipeline_mode<synchronous>, transform_indices = @transform_5, window_bounds = array<i64: 1, 256>}, {pipeline_mode = #tpu.pipeline_mode<synchronous>, transform_indices = @transform_6, window_bounds = array<i64: 512, 256>}, {pipeline_mode = #tpu.pipeline_mode<synchronous>, transform_indices = @transform_7, window_bounds = array<i64: 1, 256>}, {pipeline_mode = #tpu.pipeline_mode<synchronous>, transform_indices = @transform_8, window_bounds = array<i64: 256, 128>}, {pipeline_mode = #tpu.pipeline_mode<synchronous>, transform_indices = @transform_9, window_bounds = array<i64: 1, 128>}, {transform_indices = @transform_10, window_bounds = array<i64: 512, 256>}, {pipeline_mode = #tpu.pipeline_mode<synchronous>, transform_indices = @transform_11, window_bounds = array<i64: 8, 128>}]} {
    %get3A = arith.constant 0 : index
    %get3A_0 = arith.constant 0 : index
    %get3A_1 = arith.constant 0 : index
    %get3A_2 = vector.load %arg4[%get3A, %get3A_0, %get3A_1] : memref<1x512x128xf32, #tpu.memory_space<vmem>>, vector<1x512x1xf32>
    %get3A_3 = vector.shape_cast %get3A_2 : vector<1x512x1xf32> to vector<512x1xf32>
    %get3A_4 = arith.constant 0 : index
    %get3A_5 = arith.constant 0 : index
    %get3A_6 = arith.constant 0 : index
    %get3A_7 = vector.load %arg5[%get3A_4, %get3A_5, %get3A_6] : memref<1x512x128xf32, #tpu.memory_space<vmem>>, vector<1x512x1xf32>
    %get3A_8 = vector.shape_cast %get3A_7 : vector<1x512x1xf32> to vector<512x1xf32>
    %add3A = arith.addf %get3A_3, %get3A_8 : vector<512x1xf32>
    %add3A_9 = arith.constant 1.000000e+00 : f32
    %add3A_10 = vector.broadcast %add3A_9 : f32 to vector<512x1xf32>
    %add3A_11 = arith.addf %add3A, %add3A_10 : vector<512x1xf32>
    %rsqrt3A = math.rsqrt %add3A_11 : vector<512x1xf32>
    %get3A_12 = arith.constant 0 : index
    %get3A_13 = arith.constant 0 : index
    %get3A_14 = arith.constant 0 : index
    %get3A_15 = vector.load %arg1[%get3A_12, %get3A_13, %get3A_14] : memref<1x512x128xf32, #tpu.memory_space<vmem>>, vector<1x512x128xf32>
    %get3A_16 = vector.shape_cast %get3A_15 : vector<1x512x128xf32> to vector<512x128xf32>
    %get3A_17 = arith.constant 0 : index
    %get3A_18 = arith.constant 0 : index
    %get3A_19 = arith.constant 0 : index
    %get3A_20 = vector.load %arg2[%get3A_17, %get3A_18, %get3A_19] : memref<1x512x128xf32, #tpu.memory_space<vmem>>, vector<1x512x128xf32>
    %get3A_21 = vector.shape_cast %get3A_20 : vector<1x512x128xf32> to vector<512x128xf32>
    %concatenate3A = tpu.concatenate %get3A_16, %get3A_21 in 1 : vector<512x128xf32>, vector<512x128xf32> -> vector<512x256xf32>
    %mul3A = vector.broadcast %rsqrt3A : vector<512x1xf32> to vector<512x256xf32>
    %mul3A_22 = arith.mulf %mul3A, %concatenate3A : vector<512x256xf32>
    %get3A_23 = arith.constant 0 : index
    %get3A_24 = arith.constant 0 : index
    %get3A_25 = vector.load %arg3[%get3A_23, %get3A_24] : memref<512x256xf32, #tpu.memory_space<vmem>>, vector<512x256xf32>
    %mul3A_26 = vector.broadcast %rsqrt3A : vector<512x1xf32> to vector<512x256xf32>
    %mul3A_27 = arith.mulf %mul3A_26, %get3A_25 : vector<512x256xf32>
    %add3A_28 = arith.addf %mul3A_22, %mul3A_27 : vector<512x256xf32>
    %get3A_29 = arith.constant 0 : index
    %get3A_30 = arith.constant 0 : index
    %get3A_31 = vector.load %arg6[%get3A_29, %get3A_30] : memref<1x256xf32, #tpu.memory_space<vmem>>, vector<1x256xf32>
    %add3A_32 = vector.broadcast %get3A_31 : vector<1x256xf32> to vector<512x256xf32>
    %add3A_33 = arith.addf %add3A_28, %add3A_32 : vector<512x256xf32>
    %max3A = arith.constant 0.000000e+00 : f32
    %max3A_34 = vector.broadcast %max3A : f32 to vector<512x256xf32>
    %max3A_35 = arith.maximumf %add3A_33, %max3A_34 : vector<512x256xf32>
    %mul3A_36 = arith.constant 512 : i32
    %mul3A_37 = arith.muli %arg0, %mul3A_36 : i32
    %iota3A = tpu.iota {dimensions = array<i32: 0>} : vector<512x1xi32>
    %add3A_38 = vector.broadcast %mul3A_37 : i32 to vector<512x1xi32>
    %add3A_39 = arith.addi %add3A_38, %iota3A : vector<512x1xi32>
    %lt3A = arith.constant 10000 : i32
    %lt3A_40 = vector.broadcast %lt3A : i32 to vector<512x1xi32>
    %lt3A_41 = arith.cmpi slt, %add3A_39, %lt3A_40 : vector<512x1xi32>
    %jit3A = arith.constant 0.000000e+00 : f32
    %broadcast_in_dim3A = vector.shape_cast %lt3A_41 : vector<512x1xi1> to vector<512x1xi1>
    %broadcast_in_dim3A_42 = vector.broadcast %broadcast_in_dim3A : vector<512x1xi1> to vector<512x256xi1>
    %broadcast_in_dim3A_43 = vector.broadcast %jit3A : f32 to vector<512x256xf32>
    %select_n3A = arith.select %broadcast_in_dim3A_42, %max3A_35, %broadcast_in_dim3A_43 : vector<512x256xi1>, vector<512x256xf32>
    %swap3A = arith.constant 0 : index
    %swap3A_44 = arith.constant 0 : index
    %swap3A_45 = vector.load %arg11[%swap3A, %swap3A_44] : memref<512x256xf32, #tpu.memory_space<vmem>>, vector<512x256xf32>
    tpu.vector_store %arg11[%swap3A, %swap3A_44], %select_n3A {strides = array<i32>} : memref<512x256xf32, #tpu.memory_space<vmem>>, vector<512x256xf32>,
    %reduce_sum3A = arith.constant dense<0.000000e+00> : vector<256xf32>
    %reduce_sum3A_46 = vector.multi_reduction <add>, %select_n3A, %reduce_sum3A [0] : vector<512x256xf32> to vector<256xf32>
    %broadcast_in_dim3A_47 = vector.shape_cast %reduce_sum3A_46 : vector<256xf32> to vector<1x256xf32>
    %jit3A_48 = arith.constant 0xFF800000 : f32
    %broadcast_in_dim3A_49 = vector.shape_cast %lt3A_41 : vector<512x1xi1> to vector<512x1xi1>
    %broadcast_in_dim3A_50 = vector.broadcast %broadcast_in_dim3A_49 : vector<512x1xi1> to vector<512x256xi1>
    %broadcast_in_dim3A_51 = vector.broadcast %jit3A_48 : f32 to vector<512x256xf32>
    %select_n3A_52 = arith.select %broadcast_in_dim3A_50, %max3A_35, %broadcast_in_dim3A_51 : vector<512x256xi1>, vector<512x256xf32>
    %reduce_max3A = arith.constant dense<0xFF800000> : vector<256xf32>
    %reduce_max3A_53 = vector.multi_reduction <maximumf>, %select_n3A_52, %reduce_max3A [0] : vector<512x256xf32> to vector<256xf32>
    %broadcast_in_dim3A_54 = vector.shape_cast %reduce_max3A_53 : vector<256xf32> to vector<1x256xf32>
    %eq3A = arith.constant 0 : i32
    %eq3A_55 = arith.cmpi eq, %arg0, %eq3A : i32
    %convert_element_type3A = arith.extui %eq3A_55 : i1 to i32
    %cond3A = arith.constant 0 : i32
    %cond3A_56 = arith.cmpi ne, %convert_element_type3A, %cond3A : i32
    scf.if %cond3A_56 {
      %swap3A_66 = arith.constant 0 : index
      %swap3A_67 = arith.constant 0 : index
      %swap3A_68 = vector.load %arg13[%swap3A_66, %swap3A_67] : memref<8x256xf32, #tpu.memory_space<vmem>>, vector<1x256xf32>
      tpu.vector_store %arg13[%swap3A_66, %swap3A_67], %broadcast_in_dim3A_47 {strides = array<i32>} : memref<8x256xf32, #tpu.memory_space<vmem>>, vector<1x256xf32>,
      %swap3A_69 = arith.constant 0 : index
      %swap3A_70 = arith.constant 0 : index
      %swap3A_71 = vector.load %arg14[%swap3A_69, %swap3A_70] : memref<8x256xf32, #tpu.memory_space<vmem>>, vector<1x256xf32>
      tpu.vector_store %arg14[%swap3A_69, %swap3A_70], %broadcast_in_dim3A_54 {strides = array<i32>} : memref<8x256xf32, #tpu.memory_space<vmem>>, vector<1x256xf32>,
    } else {
    }
    %gt3A = arith.constant 0 : i32
    %gt3A_57 = arith.cmpi sgt, %arg0, %gt3A : i32
    %convert_element_type3A_58 = arith.extui %gt3A_57 : i1 to i32
    %cond3A_59 = arith.constant 0 : i32
    %cond3A_60 = arith.cmpi ne, %convert_element_type3A_58, %cond3A_59 : i32
    scf.if %cond3A_60 {
      %get3A_66 = arith.constant 0 : index
      %get3A_67 = arith.constant 0 : index
      %get3A_68 = vector.load %arg13[%get3A_66, %get3A_67] : memref<8x256xf32, #tpu.memory_space<vmem>>, vector<1x256xf32>
      %add3A_69 = arith.addf %get3A_68, %broadcast_in_dim3A_47 : vector<1x256xf32>
      %swap3A_70 = arith.constant 0 : index
      %swap3A_71 = arith.constant 0 : index
      %swap3A_72 = vector.load %arg13[%swap3A_70, %swap3A_71] : memref<8x256xf32, #tpu.memory_space<vmem>>, vector<1x256xf32>
      tpu.vector_store %arg13[%swap3A_70, %swap3A_71], %add3A_69 {strides = array<i32>} : memref<8x256xf32, #tpu.memory_space<vmem>>, vector<1x256xf32>,
      %get3A_73 = arith.constant 0 : index
      %get3A_74 = arith.constant 0 : index
      %get3A_75 = vector.load %arg14[%get3A_73, %get3A_74] : memref<8x256xf32, #tpu.memory_space<vmem>>, vector<1x256xf32>
      %max3A_76 = arith.maximumf %get3A_75, %broadcast_in_dim3A_54 : vector<1x256xf32>
      %swap3A_77 = arith.constant 0 : index
      %swap3A_78 = arith.constant 0 : index
      %swap3A_79 = vector.load %arg14[%swap3A_77, %swap3A_78] : memref<8x256xf32, #tpu.memory_space<vmem>>, vector<1x256xf32>
      tpu.vector_store %arg14[%swap3A_77, %swap3A_78], %max3A_76 {strides = array<i32>} : memref<8x256xf32, #tpu.memory_space<vmem>>, vector<1x256xf32>,
    } else {
    }
    %eq3A_61 = arith.constant 19 : i32
    %eq3A_62 = arith.cmpi eq, %arg0, %eq3A_61 : i32
    %convert_element_type3A_63 = arith.extui %eq3A_62 : i1 to i32
    %cond3A_64 = arith.constant 0 : i32
    %cond3A_65 = arith.cmpi ne, %convert_element_type3A_63, %cond3A_64 : i32
    scf.if %cond3A_65 {
      %get3A_66 = arith.constant 0 : index
      %get3A_67 = arith.constant 0 : index
      %get3A_68 = vector.load %arg13[%get3A_66, %get3A_67] : memref<8x256xf32, #tpu.memory_space<vmem>>, vector<1x256xf32>
      %div3A = arith.constant 1.000000e+04 : f32
      %div3A_69 = vector.broadcast %div3A : f32 to vector<1x256xf32>
      %div3A_70 = arith.divf %get3A_68, %div3A_69 : vector<1x256xf32>
      %get3A_71 = arith.constant 0 : index
      %get3A_72 = arith.constant 0 : index
      %get3A_73 = vector.load %arg14[%get3A_71, %get3A_72] : memref<8x256xf32, #tpu.memory_space<vmem>>, vector<1x256xf32>
      %concatenate3A_74 = tpu.concatenate %div3A_70, %get3A_73 in 1 : vector<1x256xf32>, vector<1x256xf32> -> vector<1x512xf32>
      %get3A_75 = arith.constant 0 : index
      %get3A_76 = arith.constant 0 : index
      %get3A_77 = vector.load %arg7[%get3A_75, %get3A_76] : memref<512x256xf32, #tpu.memory_space<vmem>>, vector<512x256xf32>
      %dot_general3A = arith.constant dense<0.000000e+00> : vector<1x256xf32>
      %dot_general3A_78 = tpu.matmul %concatenate3A_74, %get3A_77, %dot_general3A {dimension_numbers = #tpu.dot_dimension_numbers<[1], [0], [0], [1], [0, 0, 1, 1], [], []>, transpose_lhs_hint = false} : vector<1x512xf32>, vector<512x256xf32>, vector<1x256xf32> -> vector<1x256xf32>
      %get3A_79 = arith.constant 0 : index
      %get3A_80 = arith.constant 0 : index
      %get3A_81 = vector.load %arg8[%get3A_79, %get3A_80] : memref<1x256xf32, #tpu.memory_space<vmem>>, vector<1x256xf32>
      %add3A_82 = arith.addf %dot_general3A_78, %get3A_81 : vector<1x256xf32>
      %max3A_83 = arith.constant 0.000000e+00 : f32
      %max3A_84 = vector.broadcast %max3A_83 : f32 to vector<1x256xf32>
      %max3A_85 = arith.maximumf %add3A_82, %max3A_84 : vector<1x256xf32>
      %get3A_86 = arith.constant 0 : index
      %get3A_87 = arith.constant 0 : index
      %get3A_88 = vector.load %arg9[%get3A_86, %get3A_87] : memref<256x128xf32, #tpu.memory_space<vmem>>, vector<256x128xf32>
      %dot_general3A_89 = arith.constant dense<0.000000e+00> : vector<1x128xf32>
      %dot_general3A_90 = tpu.matmul %max3A_85, %get3A_88, %dot_general3A_89 {dimension_numbers = #tpu.dot_dimension_numbers<[1], [0], [0], [1], [0, 0, 1, 1], [], []>, transpose_lhs_hint = false} : vector<1x256xf32>, vector<256x128xf32>, vector<1x128xf32> -> vector<1x128xf32>
      %get3A_91 = arith.constant 0 : index
      %get3A_92 = arith.constant 0 : index
      %get3A_93 = vector.load %arg10[%get3A_91, %get3A_92] : memref<1x128xf32, #tpu.memory_space<vmem>>, vector<1x128xf32>
      %add3A_94 = arith.addf %dot_general3A_90, %get3A_93 : vector<1x128xf32>
      %broadcast_in_dim3A_95 = vector.shape_cast %add3A_94 : vector<1x128xf32> to vector<1x128xf32>
      %broadcast_in_dim3A_96 = vector.broadcast %broadcast_in_dim3A_95 : vector<1x128xf32> to vector<8x128xf32>
      %swap3A_97 = arith.constant 0 : index
      %swap3A_98 = arith.constant 0 : index
      %swap3A_99 = vector.load %arg12[%swap3A_97, %swap3A_98] : memref<8x128xf32, #tpu.memory_space<vmem>>, vector<8x128xf32>
      tpu.vector_store %arg12[%swap3A_97, %swap3A_98], %broadcast_in_dim3A_96 {strides = array<i32>} : memref<8x128xf32, #tpu.memory_space<vmem>>, vector<8x128xf32>,
    } else {
    }
    return
  }
  func.func @transform_0(%arg0: i32) -> (i32, i32, i32) {
    %c0_i32 = arith.constant 0 : i32
    %c0_i32_0 = arith.constant 0 : i32
    %c0_i32_1 = arith.constant 0 : i32
    return %c0_i32, %arg0, %c0_i32_0 : i32, i32, i32
  }
  func.func @transform_1(%arg0: i32) -> (i32, i32, i32) {
    %c1_i32 = arith.constant 1 : i32
    %c0_i32 = arith.constant 0 : i32
    %c0_i32_0 = arith.constant 0 : i32
    return %c1_i32, %arg0, %c0_i32 : i32, i32, i32
  }
  func.func @transform_2(%arg0: i32) -> (i32, i32) {
    %c0_i32 = arith.constant 0 : i32
    %c0_i32_0 = arith.constant 0 : i32
    return %arg0, %c0_i32 : i32, i32
  }
  func.func @transform_3(%arg0: i32) -> (i32, i32, i32) {
    %c0_i32 = arith.constant 0 : i32
    %c0_i32_0 = arith.constant 0 : i32
    %c0_i32_1 = arith.constant 0 : i32
    return %c0_i32, %arg0, %c0_i32_0 : i32, i32, i32
  }
  func.func @transform_4(%arg0: i32) -> (i32, i32, i32) {
    %c1_i32 = arith.constant 1 : i32
    %c0_i32 = arith.constant 0 : i32
    %c0_i32_0 = arith.constant 0 : i32
    return %c1_i32, %arg0, %c0_i32 : i32, i32, i32
  }
  func.func @transform_5(%arg0: i32) -> (i32, i32) {
    %c0_i32 = arith.constant 0 : i32
    %c0_i32_0 = arith.constant 0 : i32
    %c0_i32_1 = arith.constant 0 : i32
    return %c0_i32, %c0_i32_0 : i32, i32
  }
  func.func @transform_6(%arg0: i32) -> (i32, i32) {
    %c0_i32 = arith.constant 0 : i32
    %c0_i32_0 = arith.constant 0 : i32
    %c0_i32_1 = arith.constant 0 : i32
    return %c0_i32, %c0_i32_0 : i32, i32
  }
  func.func @transform_7(%arg0: i32) -> (i32, i32) {
    %c0_i32 = arith.constant 0 : i32
    %c0_i32_0 = arith.constant 0 : i32
    %c0_i32_1 = arith.constant 0 : i32
    return %c0_i32, %c0_i32_0 : i32, i32
  }
  func.func @transform_8(%arg0: i32) -> (i32, i32) {
    %c0_i32 = arith.constant 0 : i32
    %c0_i32_0 = arith.constant 0 : i32
    %c0_i32_1 = arith.constant 0 : i32
    return %c0_i32, %c0_i32_0 : i32, i32
  }
  func.func @transform_9(%arg0: i32) -> (i32, i32) {
    %c0_i32 = arith.constant 0 : i32
    %c0_i32_0 = arith.constant 0 : i32
    %c0_i32_1 = arith.constant 0 : i32
    return %c0_i32, %c0_i32_0 : i32, i32
  }
  func.func @transform_10(%arg0: i32) -> (i32, i32) {
    %c0_i32 = arith.constant 0 : i32
    %c0_i32_0 = arith.constant 0 : i32
    return %arg0, %c0_i32 : i32, i32
  }
  func.func @transform_11(%arg0: i32) -> (i32, i32) {
    %c0_i32 = arith.constant 0 : i32
    %c0_i32_0 = arith.constant 0 : i32
    %c0_i32_1 = arith.constant 0 : i32
    return %c0_i32, %c0_i32_0 : i32, i32
  }
}

module attributes {stable_mosaic.version = 14 : i64} {
  func.func @_dm_body(%arg0: i32, %arg1: memref<1x512x128xf32, #tpu.memory_space<vmem>>, %arg2: memref<1x512x128xf32, #tpu.memory_space<vmem>>, %arg3: memref<512x256xf32, #tpu.memory_space<vmem>>, %arg4: memref<1x512x128xf32, #tpu.memory_space<vmem>>, %arg5: memref<1x512x128xf32, #tpu.memory_space<vmem>>, %arg6: memref<1x256xf32, #tpu.memory_space<vmem>>, %arg7: memref<256x256xf32, #tpu.memory_space<vmem>>, %arg8: memref<512x256xf32, #tpu.memory_space<vmem>>) attributes {dimension_semantics = [#tpu.dimension_semantics<arbitrary>], iteration_bounds = array<i64: 20>, scalar_prefetch = 0 : i64, scratch_operands = 0 : i64, tpu.core_type = #tpu.core_type<tc>, window_params = [{transform_indices = @transform_0, window_bounds = array<i64: 1, 512, 128>}, {transform_indices = @transform_1, window_bounds = array<i64: 1, 512, 128>}, {transform_indices = @transform_2, window_bounds = array<i64: 512, 256>}, {transform_indices = @transform_3, window_bounds = array<i64: 1, 512, 128>}, {transform_indices = @transform_4, window_bounds = array<i64: 1, 512, 128>}, {pipeline_mode = #tpu.pipeline_mode<synchronous>, transform_indices = @transform_5, window_bounds = array<i64: 1, 256>}, {pipeline_mode = #tpu.pipeline_mode<synchronous>, transform_indices = @transform_6, window_bounds = array<i64: 256, 256>}, {transform_indices = @transform_7, window_bounds = array<i64: 512, 256>}]} {
    %get3A = arith.constant 0 : index
    %get3A_0 = arith.constant 0 : index
    %get3A_1 = arith.constant 0 : index
    %get3A_2 = vector.load %arg4[%get3A, %get3A_0, %get3A_1] : memref<1x512x128xf32, #tpu.memory_space<vmem>>, vector<1x512x1xf32>
    %get3A_3 = vector.shape_cast %get3A_2 : vector<1x512x1xf32> to vector<512x1xf32>
    %get3A_4 = arith.constant 0 : index
    %get3A_5 = arith.constant 0 : index
    %get3A_6 = arith.constant 0 : index
    %get3A_7 = vector.load %arg5[%get3A_4, %get3A_5, %get3A_6] : memref<1x512x128xf32, #tpu.memory_space<vmem>>, vector<1x512x1xf32>
    %get3A_8 = vector.shape_cast %get3A_7 : vector<1x512x1xf32> to vector<512x1xf32>
    %add3A = arith.addf %get3A_3, %get3A_8 : vector<512x1xf32>
    %add3A_9 = arith.constant 1.000000e+00 : f32
    %add3A_10 = vector.broadcast %add3A_9 : f32 to vector<512x1xf32>
    %add3A_11 = arith.addf %add3A, %add3A_10 : vector<512x1xf32>
    %rsqrt3A = math.rsqrt %add3A_11 : vector<512x1xf32>
    %get3A_12 = arith.constant 0 : index
    %get3A_13 = arith.constant 0 : index
    %get3A_14 = arith.constant 0 : index
    %get3A_15 = vector.load %arg1[%get3A_12, %get3A_13, %get3A_14] : memref<1x512x128xf32, #tpu.memory_space<vmem>>, vector<1x512x128xf32>
    %get3A_16 = vector.shape_cast %get3A_15 : vector<1x512x128xf32> to vector<512x128xf32>
    %get3A_17 = arith.constant 0 : index
    %get3A_18 = arith.constant 0 : index
    %get3A_19 = arith.constant 0 : index
    %get3A_20 = vector.load %arg2[%get3A_17, %get3A_18, %get3A_19] : memref<1x512x128xf32, #tpu.memory_space<vmem>>, vector<1x512x128xf32>
    %get3A_21 = vector.shape_cast %get3A_20 : vector<1x512x128xf32> to vector<512x128xf32>
    %concatenate3A = tpu.concatenate %get3A_16, %get3A_21 in 1 : vector<512x128xf32>, vector<512x128xf32> -> vector<512x256xf32>
    %mul3A = vector.broadcast %rsqrt3A : vector<512x1xf32> to vector<512x256xf32>
    %mul3A_22 = arith.mulf %mul3A, %concatenate3A : vector<512x256xf32>
    %get3A_23 = arith.constant 0 : index
    %get3A_24 = arith.constant 0 : index
    %get3A_25 = vector.load %arg3[%get3A_23, %get3A_24] : memref<512x256xf32, #tpu.memory_space<vmem>>, vector<512x256xf32>
    %mul3A_26 = vector.broadcast %rsqrt3A : vector<512x1xf32> to vector<512x256xf32>
    %mul3A_27 = arith.mulf %mul3A_26, %get3A_25 : vector<512x256xf32>
    %add3A_28 = arith.addf %mul3A_22, %mul3A_27 : vector<512x256xf32>
    %get3A_29 = arith.constant 0 : index
    %get3A_30 = arith.constant 0 : index
    %get3A_31 = vector.load %arg6[%get3A_29, %get3A_30] : memref<1x256xf32, #tpu.memory_space<vmem>>, vector<1x256xf32>
    %add3A_32 = vector.broadcast %get3A_31 : vector<1x256xf32> to vector<512x256xf32>
    %add3A_33 = arith.addf %add3A_28, %add3A_32 : vector<512x256xf32>
    %max3A = arith.constant 0.000000e+00 : f32
    %max3A_34 = vector.broadcast %max3A : f32 to vector<512x256xf32>
    %max3A_35 = arith.maximumf %add3A_33, %max3A_34 : vector<512x256xf32>
    %get3A_36 = arith.constant 0 : index
    %get3A_37 = arith.constant 0 : index
    %get3A_38 = vector.load %arg7[%get3A_36, %get3A_37] : memref<256x256xf32, #tpu.memory_space<vmem>>, vector<256x256xf32>
    %dot_general3A = arith.constant dense<0.000000e+00> : vector<512x256xf32>
    %dot_general3A_39 = tpu.matmul %max3A_35, %get3A_38, %dot_general3A {dimension_numbers = #tpu.dot_dimension_numbers<[1], [0], [0], [1], [0, 0, 1, 1], [], []>, transpose_lhs_hint = false} : vector<512x256xf32>, vector<256x256xf32>, vector<512x256xf32> -> vector<512x256xf32>
    %mul3A_40 = arith.constant 512 : i32
    %mul3A_41 = arith.muli %arg0, %mul3A_40 : i32
    %iota3A = tpu.iota {dimensions = array<i32: 0>} : vector<512x1xi32>
    %add3A_42 = vector.broadcast %mul3A_41 : i32 to vector<512x1xi32>
    %add3A_43 = arith.addi %add3A_42, %iota3A : vector<512x1xi32>
    %lt3A = arith.constant 10000 : i32
    %lt3A_44 = vector.broadcast %lt3A : i32 to vector<512x1xi32>
    %lt3A_45 = arith.cmpi slt, %add3A_43, %lt3A_44 : vector<512x1xi32>
    %mul3A_46 = vector.broadcast %rsqrt3A : vector<512x1xf32> to vector<512x256xf32>
    %mul3A_47 = arith.mulf %mul3A_46, %dot_general3A_39 : vector<512x256xf32>
    %jit3A = arith.constant 0.000000e+00 : f32
    %broadcast_in_dim3A = vector.shape_cast %lt3A_45 : vector<512x1xi1> to vector<512x1xi1>
    %broadcast_in_dim3A_48 = vector.broadcast %broadcast_in_dim3A : vector<512x1xi1> to vector<512x256xi1>
    %broadcast_in_dim3A_49 = vector.broadcast %jit3A : f32 to vector<512x256xf32>
    %select_n3A = arith.select %broadcast_in_dim3A_48, %mul3A_47, %broadcast_in_dim3A_49 : vector<512x256xi1>, vector<512x256xf32>
    %swap3A = arith.constant 0 : index
    %swap3A_50 = arith.constant 0 : index
    %swap3A_51 = vector.load %arg8[%swap3A, %swap3A_50] : memref<512x256xf32, #tpu.memory_space<vmem>>, vector<512x256xf32>
    tpu.vector_store %arg8[%swap3A, %swap3A_50], %select_n3A {strides = array<i32>} : memref<512x256xf32, #tpu.memory_space<vmem>>, vector<512x256xf32>,
    return
  }
  func.func @transform_0(%arg0: i32) -> (i32, i32, i32) {
    %c0_i32 = arith.constant 0 : i32
    %c0_i32_0 = arith.constant 0 : i32
    %c0_i32_1 = arith.constant 0 : i32
    return %c0_i32, %arg0, %c0_i32_0 : i32, i32, i32
  }
  func.func @transform_1(%arg0: i32) -> (i32, i32, i32) {
    %c1_i32 = arith.constant 1 : i32
    %c0_i32 = arith.constant 0 : i32
    %c0_i32_0 = arith.constant 0 : i32
    return %c1_i32, %arg0, %c0_i32 : i32, i32, i32
  }
  func.func @transform_2(%arg0: i32) -> (i32, i32) {
    %c0_i32 = arith.constant 0 : i32
    %c0_i32_0 = arith.constant 0 : i32
    return %arg0, %c0_i32 : i32, i32
  }
  func.func @transform_3(%arg0: i32) -> (i32, i32, i32) {
    %c0_i32 = arith.constant 0 : i32
    %c0_i32_0 = arith.constant 0 : i32
    %c0_i32_1 = arith.constant 0 : i32
    return %c0_i32, %arg0, %c0_i32_0 : i32, i32, i32
  }
  func.func @transform_4(%arg0: i32) -> (i32, i32, i32) {
    %c1_i32 = arith.constant 1 : i32
    %c0_i32 = arith.constant 0 : i32
    %c0_i32_0 = arith.constant 0 : i32
    return %c1_i32, %arg0, %c0_i32 : i32, i32, i32
  }
  func.func @transform_5(%arg0: i32) -> (i32, i32) {
    %c0_i32 = arith.constant 0 : i32
    %c0_i32_0 = arith.constant 0 : i32
    %c0_i32_1 = arith.constant 0 : i32
    return %c0_i32, %c0_i32_0 : i32, i32
  }
  func.func @transform_6(%arg0: i32) -> (i32, i32) {
    %c0_i32 = arith.constant 0 : i32
    %c0_i32_0 = arith.constant 0 : i32
    %c0_i32_1 = arith.constant 0 : i32
    return %c0_i32, %c0_i32_0 : i32, i32
  }
  func.func @transform_7(%arg0: i32) -> (i32, i32) {
    %c0_i32 = arith.constant 0 : i32
    %c0_i32_0 = arith.constant 0 : i32
    return %arg0, %c0_i32 : i32, i32
  }
}

</mosaic_0001>

<sc_bundles>
// kernel: kernel.10.cloned.1.call-start
scs
__scs_entry_jumppad:
0x0: {  	(pc) =	sbr.rel $0x88, $3  }
0x1: {  	(tag) =	ssettag $0x0;
	lr =	simm.s32 $0x1  }
0x2: {  	[smem:$0x3F8F] =	sst lr;
	_ =	strace $0xD0000000  }
0x3: {  	_ = 	snop  }
0x4: {  	_ = 	snop  }
0x5: {  	_ = 	snop  }
0x6: {  	_ = 	snop  }
0x7: {  	_ = 	snop  }
__scs_overlays_trampoline_lowered:
0x8: {  	[smem:$0x3F9E] =	sst s0  }
0x9: {  	[smem:$0x3F9F] =	sst s1  }
0xa: {  	[smem:$0x3FA0] =	sst s2  }
0xb: {  	[smem:$0x3FA1] =	sst s3  }
0xc: {  	[smem:$0x3FA2] =	sst s4  }
0xd: {  	[smem:$0x3FA3] =	sst s5  }
0xe: {  	[smem:$0x3FA4] =	sst s6  }
0xf: {  	[smem:$0x3FA5] =	sst s7  }
0x10: {  	[smem:$0x3FA6] =	sst s8  }
0x11: {  	[smem:$0x3FA7] =	sst s9;
	s0 =	simm.s32 @!p0 $0x0  }
0x12: {  	s1 =	sld [smem:$0x3F8D];
	s0 =	simm.s32 @p0 $0x1  }
0x13: {  	[smem:$0x3FA8] =	sst s0;
	s0 =	simm.s32 @!p1 $0x0  }
0x14: {  	s2 =	sld [smem:$0x3F8C];
	s0 =	simm.s32 @p1 $0x1  }
0x15: {  	[smem:$0x3FA9] =	sst s0;
	s0 =	simm.s32 @!p2 $0x0  }
0x16: {  	s3 =	sld [smem:$0x3FDB];
	s0 =	simm.s32 @p2 $0x1  }
0x17: {  	s4 =	simm.s32 $0x1BF5;
	[smem:$0x3FAB] =	sst s0  }
0x18: {  	s0 =	sld [smem:$0x3F8E];
	_ =	swait.ge [sflag:s4], $0x0  }
0x19: {  	s7 =	sld [smem:$0x3F8F]  }
0x1a: {  	s8 =	sadd.s32 $0xFFFFE003, lr  }
0x1b: {  	s9 =	sadd.s32 $0xFFFFFEF7, lr;
	s5 =	simm.s32 $0xFFFFFFFF;
	p2 =	slt.u32 s8, $0xFFFFF086  }
0x1c: {  	p1 =	slt.u32 s9, $0xF7A;
	s5 =	simm.s32 @!p2 $0x0  }
0x1d: {  	s5 =	simm.s32 @p1 $0x1;
	p0 =	seq.s32 s7, s2  }
0x1e: {  	s7 =	smul.u32 @!p0 $0xF7A, s2;
	p2 =	seq.s32 @!p0 s5, $0x0  }
0x1f: {  	s9 =	smul.u32 $0xF7A, s1;
	s8 =	simm.s32 @!p0 $0x1BF5;
	p2 =	por !p2, p0  }
0x20: {  	[sflag:s8] =	ssyncset.s32 @!p0 $0xFFFFF086;
	s6 =	sadd.s32 @!p0 s3, s7;
	s7 =	simm.s32 @!p0 $0x108  }
0x21: {  	s3 =	sadd.s32 s3, s9;
	s6 =	sadd.s32 @!p0 $0x88, s6;
	s7 =	simm.s32 @p2 $0x1082  }
0x22: {  	[simem:s7], [sflag:s8] =	dma.local @!p0 [hbm:s6], $0xF7A  }
0x23: {  	s9 =	sor.u32 $0xD0000000, s2;
	s6 =	simm.s32 $0x108;
	_ =	swait.ge @!p0 [sflag:s8], $0x0  }
0x24: {  	s3 =	sadd.s32 $0x88, s3;
	s6 =	simm.s32 @!p1 $0x1082;
	[sflag:s4] =	ssyncset.s32 $0xFFFFF086  }
0x25: {  	[simem:s6], [sflag:s4] =	dma.local [hbm:s3], $0xF7A  }
0x26: {  	[smem:$0x3F8F] =	sst s1;
	(tag) =	ssettag s2;
	_ =	strace s9  }
0x27: {  	s1 =	sld [smem:$0x3F9F]  }
0x28: {  	s2 =	sld [smem:$0x3FA0]  }
0x29: {  	s4 =	sld [smem:$0x3FA2]  }
0x2a: {  	p0 =	seq.s32 s5, $0x0;
	s5 =	sld [smem:$0x3FA3]  }
0x2b: {  	s6 =	sld [smem:$0x3FA4]  }
0x2c: {  	s7 =	sld [smem:$0x3FA5]  }
0x2d: {  	s3 =	simm.s32 $0x108;
	s8 =	sld [smem:$0x3FA6]  }
0x2e: {  	s3 =	simm.s32 @!p0 $0x1082;
	s9 =	sld [smem:$0x3FA7]  }
0x2f: {  	lr =	sadd.s32 s0, s3;
	s0 =	sld [smem:$0x3F9E]  }
0x30: {  	s3 =	sld [smem:$0x3FA1]  }
0x31: {  	[smem:$0x3FAA] =	sst s10  }
0x32: {  	s10 =	sld [smem:$0x3FA8];
	_ =	sdelay $0x3  }
0x33: {  	p0 =	seq.s32 s10, $0x1;
	s10 =	sld [smem:$0x3FAA];
	_ =	sdelay $0x3  }
0x34: {  	[smem:$0x3FAA] =	sst s10  }
0x35: {  	s10 =	sld [smem:$0x3FA9];
	_ =	sdelay $0x3  }
0x36: {  	p1 =	seq.s32 s10, $0x1;
	s10 =	sld [smem:$0x3FAA];
	_ =	sdelay $0x3  }
0x37: {  	[smem:$0x3FAA] =	sst s10  }
0x38: {  	s10 =	sld [smem:$0x3FAB]  }
0x39: {  	_ = 	snop;
	(pc) =	sbr.ind lr, $3  }
0x3a: {  	_ = 	snop  }
0x3b: {  	_ = 	snop  }
0x3c: {  	p2 =	seq.s32 s10, $0x1;
	s10 =	sld [smem:$0x3FAA]  }
0x3d: {  	_ =	shalt  }
0x3e: {  	_ =	shalt  }
0x3f: {  	_ =	shalt  }
0x40: {  	_ =	shalt  }
0x41: {  	_ =	shalt  }
0x42: {  	_ =	shalt  }
0x43: {  	_ =	shalt  }
0x44: {  	_ =	shalt  }
0x45: {  	_ =	shalt  }
0x46: {  	_ =	shalt  }
0x47: {  	_ =	shalt  }
0x48: {  	_ =	shalt  }
0x49: {  	_ =	shalt  }
0x4a: {  	_ =	shalt  }
0x4b: {  	_ =	shalt  }
0x4c: {  	_ =	shalt  }
0x4d: {  	_ =	shalt  }
0x4e: {  	_ =	shalt  }
0x4f: {  	_ =	shalt  }
0x50: {  	_ =	shalt  }
0x51: {  	_ =	shalt  }
0x52: {  	_ =	shalt  }
0x53: {  	_ =	shalt  }
0x54: {  	_ =	shalt  }
0x55: {  	_ =	shalt  }
0x56: {  	_ =	shalt  }
0x57: {  	_ =	shalt  }
0x58: {  	_ =	shalt  }
0x59: {  	_ =	shalt  }
0x5a: {  	_ =	shalt  }
0x5b: {  	_ =	shalt  }
0x5c: {  	_ =	shalt  }
0x5d: {  	_ =	shalt  }
0x5e: {  	_ =	shalt  }
0x5f: {  	_ =	shalt  }
0x60: {  	_ =	shalt  }
0x61: {  	_ =	shalt  }
0x62: {  	_ =	shalt  }
0x63: {  	_ =	shalt  }
0x64: {  	_ =	shalt  }
0x65: {  	_ =	shalt  }
0x66: {  	_ =	shalt  }
0x67: {  	_ =	shalt  }
0x68: {  	_ =	shalt  }
0x69: {  	_ =	shalt  }
0x6a: {  	_ =	shalt  }
0x6b: {  	_ =	shalt  }
0x6c: {  	_ =	shalt  }
0x6d: {  	_ =	shalt  }
0x6e: {  	_ =	shalt  }
0x6f: {  	_ =	shalt  }
0x70: {  	_ =	shalt  }
0x71: {  	_ =	shalt  }
0x72: {  	_ =	shalt  }
0x73: {  	_ =	shalt  }
0x74: {  	_ =	shalt  }
0x75: {  	_ =	shalt  }
0x76: {  	_ =	shalt  }
0x77: {  	_ =	shalt  }
0x78: {  	_ =	shalt  }
0x79: {  	_ =	shalt  }
0x7a: {  	_ =	shalt  }
0x7b: {  	_ =	shalt  }
0x7c: {  	_ =	shalt  }
0x7d: {  	_ =	shalt  }
0x7e: {  	_ =	shalt  }
0x7f: {  	_ =	shalt  }
0x80: {  	_ =	shalt  }
0x81: {  	_ =	shalt  }
0x82: {  	_ =	shalt  }
0x83: {  	_ =	shalt  }
0x84: {  	_ =	shalt  }
0x85: {  	_ =	shalt  }
0x86: {  	_ =	shalt  }
0x87: {  	_ =	shalt  }
.Lfunc_end0:
.L_simem_size_0:
called_computation_lowered:
.L_overlay_start_0:
0x88: {  	s2 =	sld [smem:$0x3FD9]  }
0x89: {  	s3 =	sld [smem:$0x3FFE];
	_ =	sdelay $0x1  }
0x8a: {  	s1 =	srdreg.scid  }
0x8b: {  	s0 =	sand.u32 $0x1, s1  }
0x8c: {  	s14 =	sshll.u32 s0, $0xA;
	s2 =	sadd.s32 s3, s2  }
0x8d: {  	s2 =	sadd.s32 s2, s14  }
0x8e: {  	[smem:$0x3FB6] =	sst s2  }
0x8f: {  	_ = 	snop  }
0x90: {  	s2 =	sld [smem:$0x3FD0];
	_ =	sdelay $0x2  }
0x91: {  	s15 =	simm.s32 $0xA;
	s4 =	simm.s32 $0x10  }
0x92: {  	[smem:s4], [sflag:s15] =	dma.local [hbm:s2], $0x1  }
0x93: {  	_ =	swait.eq [sflag:s15], $0x1  }
0x94: {  	[sflag:s15] =	ssyncset.done $0x0  }
0x95: {  	[sflag:s15] =	ssyncadd.s32 $0xFFFFFFFF  }
0x96: {  	s16 =	sld [smem:$0x11];
	(tm) =	ssettm $0x1  }
0x97: {  	s17 =	sld [smem:$0x3FFB];
	_ =	sdelay $0x3  }
0x98: {  	_ =	strace s17  }
0x99: {  	s3 =	sld [smem:$0x3FFC];
	_ =	sdelay $0x3  }
0x9a: {  	_ =	strace s3  }
0x9b: {  	s3 =	sld [smem:$0x3FFD];
	_ =	sdelay $0x3  }
0x9c: {  	_ =	strace s3  }
0x9d: {  	_ =	strace $0x8FFFFFFF  }
0x9e: {  	s18 =	sld [smem:$0x3FDB];
	_ =	sdelay $0x1  }
0x9f: {  	s19 =	simm.s32 $_scs_section_size  }
0xa0: {  	s5 =	simm.s32 $_size__tile_overlayer_lowered;
	s6 =	simm.s32 $_tile_overlayer_lowered  }
0xa1: {  	s22 =	simm.s32 $0x1BFF;
	s21 =	sshll.u32 s6, $0x1;
	s3 =	sadd.s32 s19, s18  }
0xa2: {  	s7 =	simm.s32 $0x0;
	s20 =	sshll.u32 s5, $0x1;
	s5 =	sadd.s32 s21, s3  }
0xa3: {  	[timem:s7], [sflag:s22] =	dma.local [hbm:s5], s20  }
0xa4: {  	_ =	swait.ge [sflag:s22], s20  }
0xa5: {  	s4 =	ssub.s32 $0x0, s20;
	[sflag:s22] =	ssyncset.done $0x0  }
0xa6: {  	[sflag:s22] =	ssyncadd.s32 s4;
	_ =	sdelay $0x1  }
0xa7: {  	s23 =	simm.s32 $0x1B8B  }
0xa8: {  	_ =	swait.ge [sflag:s23], $0x1  }
0xa9: {  	[sflag:s23] =	ssyncset.done $0x0  }
0xaa: {  	s25 =	simm.s32 $0x1B8E;
	s24 =	sld [smem:$0x3FFE];
	[sflag:s23] =	ssyncadd.s32 $0xFFFFFFFF  }
0xab: {  	s26 =	simm.s32 $execute0_lowered;
	[smem:$0x3FD2] =	sst s25  }
0xac: {  	s5 =	sshll.u32 s26, $0x1;
	_ =	strace $0x80000046;
	[dreg:$0x1] =	wrdreg $0xFFFFFFFF  }
0xad: {  	s28 =	simm.s32 $_size_execute0_lowered;
	s3 =	sadd.s32 s3, s5;
	[dreg:$0x0] =	wrdreg $0x0  }
0xae: {  	s5 =	sshll.u32 s28, $0x1;
	[dreg:$0x2] =	wrdreg s3  }
0xaf: {  	[dreg:$0x3] =	wrdreg s5  }
0xb0: {  	[dreg:$0x4] =	wrdreg $0xC0  }
0xb1: {  	_ =	task [dreg:s7], $0x5FFFF  }
0xb2: {  	[dreg:$0x1] =	wrdreg $0xFFFFFFFF  }
0xb3: {  	[dreg:$0x0] =	wrdreg $0x60  }
0xb4: {  	[dreg:$0x2] =	wrdreg s24  }
0xb5: {  	[dreg:$0x3] =	wrdreg s16  }
0xb6: {  	[dreg:$0x4] =	wrdreg $0x68800  }
0xb7: {  	[dreg:$0x5] =	wrdreg $0x9  }
0xb8: {  	_ =	task.clear_ibuf [dreg:s7], $0x6FFFF;
	_ =	strace $0x90000046  }
0xb9: {  	s29 =	simm.s32 $0x9;
	_ =	strace $0x80000048  }
0xba: {  	_ =	swait.ge [sflag:s29], $0x1  }
0xbb: {  	[sflag:s29] =	ssyncadd.s32 $0xFFFFFFFF  }
0xbc: {  	_ =	strace $0x90000048  }
0xbd: {  	_ =	sfence  }
0xbe: {  	s30 =	sld [smem:$0x0];
	_ =	sdelay $0x2  }
0xbf: {  	s31 =	sshll.u32 s1, $0xD;
	s1 =	sshrl.u32 s1, $0x2  }
0xc0: {  	s3 =	sand.u32 $0x4000, s31;
	s1 =	sadd.s32 s1, s30  }
0xc1: {  	s0 =	sor.u32 s3, s0;
	s1 =	sshll.u32 s1, $0x11  }
0xc2: {  	s0 =	sor.u32 s1, s0  }
0xc3: {  	s0 =	sadd.s32 $0x8F2B, s0  }
0xc4: {  	[sflag:s0] =	ssyncadd.remote.s32 $0x1  }
0xc5: {  	_ =	sfence.sel $0xFFFF  }
0xc6: {  	[dreg:$0x0] =	wrdreg $0xFFFFFFFF;
	(pc) =	sbr.abs _section_cstart, $3  }
0xc7: {  	[dreg:$0x1] =	wrdreg $0xFFFFFFFF  }
0xc8: {  	_ =	task.clear_ibuf [dreg:s7], $0x2FFFF;
	_ =	strace $0x9FFFFFFF  }
0xc9: {  	(tm) =	ssettm $0x7FFFFFFF  }
tec
execute0_lowered:
.L_overlay_start_1:
0x0: {  	(tag) =	ssettag $0x1  }
0x1: {  	s4 =	rddreg [dreg:$0x0];
	s0 =	srdreg.scid  }
0x2: {  	s20 =	rddreg [dreg:$0x1];
	s25 =	sand.u32 $0x1, s0  }
0x3: {  	s0 =	stileid.u32;
	s5 =	smul.u32 $0x28000, s25  }
0x4: {  	s2 =	rddreg [dreg:$0x2];
	s6 =	smul.u32 $0x2800, s0  }
0x5: {  	s1 =	rddreg [dreg:$0x3];
	s3 =	simm.s32 $0x0;
	s26 =	smul.u32 $0x280, s0  }
0x6: {  	[smem:$0x7FF] =	sst s3;
	s14 =	sadd.s32 $0xE400, s4;
	s7 =	smul.u32 $0x50000, s0  }
0x7: {  	_ =	strace $0x80000047;
	s24 =	sshll.u32 s0, $0x4;
	s13 =	smul.u32 $0x140000, s25  }
0x8: {  	s28 =	ssub.s32 $0x2, s25;
	s23 =	smul.u32 $0x14000, s0;
	p0 =	sne.s32 s25, $0x0  }
0x9: {  	s15 =	sadd.s32 s24, s4;
	s29 =	sshrl.u32 s28, $0x1;
	s5 =	sadd.s32 s6, s5  }
0xa: {  	s17 =	sadd.s32 $0x80, s26;
	s21 =	ssub.s32 s28, s29;
	s30 =	sshrl.u32 s7, $0x2  }
0xb: {  	s18 =	sadd.s32 $0x100, s26;
	s19 =	sadd.s32 $0x180, s26;
	s22 =	sadd.s32 $0x200, s26  }
0xc: {  	s11 =	sadd.s32 s23, s13;
	s31 =	sshrl.u32 s23, $0x3;
	s15 =	sadd.s32 $0x4200, s15  }
0xd: {  	s23 =	simm.s32 $0x1;
	s5 =	sshrl.u32 s5, $0x3;
	s10 =	sshll.u32 s17, $0x7  }
0xe: {  	s12 =	sshll.u32 s18, $0x7;
	s16 =	sshll.u32 s19, $0x7;
	s24 =	sshll.u32 s22, $0x7  }
0xf: {  	s11 =	sshrl.u32 s11, $0x3;
	s17 =	sshll.u32 s17, $0x4;
	s18 =	sshll.u32 s18, $0x4  }
0x10: {  	s19 =	sshll.u32 s19, $0x4;
	s22 =	sshll.u32 s22, $0x4;
	s21 =	smax.u32 s21, $0x1  }
0x11: {  	s9 =	sadd.s32 s5, s4;
	s4 =	sadd.s32 s30, s2;
	s5 =	sadd.s32 s10, s2  }
0x12: {  	s6 =	sadd.s32 s12, s2;
	s7 =	sadd.s32 s16, s2;
	s8 =	sadd.s32 s24, s2  }
0x13: {  	s10 =	sadd.s32 s13, s10;
	s12 =	sadd.s32 s13, s12;
	s16 =	sadd.s32 s13, s16  }
0x14: {  	s13 =	sadd.s32 s13, s24;
	s17 =	sadd.s32 s20, s17;
	s18 =	sadd.s32 s20, s18  }
0x15: {  	s19 =	sadd.s32 s20, s19;
	s9 =	sadd.s32 $0x4400, s9;
	s26 =	sshrl.u32 s10, $0x3  }
0x16: {  	s10 =	sadd.s32 s14, s11;
	s12 =	sshrl.u32 s12, $0x3;
	s16 =	sshrl.u32 s16, $0x3  }
0x17: {  	s24 =	sshrl.u32 s13, $0x3;
	s11 =	sadd.s32 s14, s26;
	s12 =	sadd.s32 s14, s12  }
0x18: {  	s13 =	sadd.s32 s14, s16;
	s14 =	sadd.s32 s14, s24;
	s16 =	sadd.s32 s20, s31  }
0x19: {  	v0 =	vimm.f32 $0.0e+00;
	v1 =	vimm.f32 $1.000000000e+00;
	s20 =	sadd.s32 s20, s22;
	s22 =	simm.s32 $0x2880;
	s24 =	simm.s32 $0x80  }
.LBB2_1:
0x1a: {  	s25 =	simm.s32 $0x0;
	s26 =	simm.s32 $0x200  }
.LBB2_2:
0x1b: {  	p1 =	sne.s32 s26, $0xFE00;
	[tilespmem:s25+$0x28F0] =	vst v0  }
0x1c: {  	[tilespmem:s25+$0x2880] =	vst v0  }
0x1d: {  	[tilespmem:s25+$0x2890] =	vst v0  }
.Ltmp0:
0x1e: {  	[tilespmem:s25+$0x28A0] =	vst v0;
	(pc) =	sbr.rel @p1 .LBB2_2-.Ltmp0, $4  }
0x1f: {  	[tilespmem:s25+$0x28B0] =	vst v0  }
0x20: {  	[tilespmem:s25+$0x28C0] =	vst v0  }
0x21: {  	[tilespmem:s25+$0x28D0] =	vst v0  }
0x22: {  	[tilespmem:s25+$0x28E0] =	vst v0;
	s25 =	sshra.s32 s26, $0x2;
	s26 =	sadd.s32 $0x200, s26  }
0x23: {  	[tilespmem:s25+$0x28F0] =	vst v0  }
0x24: {  	[tilespmem:s25+$0x2880] =	vst v0  }
0x25: {  	[tilespmem:s25+$0x2890] =	vst v0  }
0x26: {  	[tilespmem:s25+$0x28A0] =	vst v0  }
0x27: {  	[tilespmem:s25+$0x28B0] =	vst v0  }
0x28: {  	[tilespmem:s25+$0x28C0] =	vst v0  }
0x29: {  	[tilespmem:s25+$0x28D0] =	vst v0  }
0x2a: {  	[tilespmem:s25+$0x28E0] =	vst v0  }
0x2b: {  	[spmem:s4] =	stream.linear.scatter [tilespmem:s22], [sflag:$0x1], $0x4000, $0x38;
	[tilespmem:$0x1A880] =	vst v63  }
0x2c: {  	_ =	swait.ge [sflag:s23], $0x4000  }
0x2d: {  	[sflag:s23] =	ssyncset.done $0x0  }
0x2e: {  	[sflag:s23] =	ssyncadd.s32 $0xFFFFC000  }
0x2f: {  	[spmem:s5] =	stream.linear.scatter [tilespmem:s22], [sflag:$0x1], $0x4000, $0x38;
	[tilespmem:$0x1A880] =	vst v63  }
0x30: {  	_ =	swait.ge [sflag:s23], $0x4000  }
0x31: {  	[sflag:s23] =	ssyncset.done $0x0  }
0x32: {  	[sflag:s23] =	ssyncadd.s32 $0xFFFFC000  }
0x33: {  	[spmem:s6] =	stream.linear.scatter [tilespmem:s22], [sflag:$0x1], $0x4000, $0x38;
	[tilespmem:$0x1A880] =	vst v63  }
0x34: {  	_ =	swait.ge [sflag:s23], $0x4000  }
0x35: {  	[sflag:s23] =	ssyncset.done $0x0  }
0x36: {  	[sflag:s23] =	ssyncadd.s32 $0xFFFFC000  }
0x37: {  	[spmem:s7] =	stream.linear.scatter [tilespmem:s22], [sflag:$0x1], $0x4000, $0x38;
	[tilespmem:$0x1A880] =	vst v63  }
0x38: {  	_ =	swait.ge [sflag:s23], $0x4000  }
0x39: {  	[sflag:s23] =	ssyncset.done $0x0  }
0x3a: {  	[sflag:s23] =	ssyncadd.s32 $0xFFFFC000  }
0x3b: {  	[spmem:s8] =	stream.linear.scatter [tilespmem:s22], [sflag:$0x1], $0x4000, $0x38;
	[tilespmem:$0x1A880] =	vst v63  }
0x3c: {  	_ =	swait.ge [sflag:s23], $0x4000  }
0x3d: {  	[sflag:s23] =	ssyncset.done $0x0  }
0x3e: {  	s25 =	simm.s32 $0x0;
	s26 =	simm.s32 $0x200;
	[sflag:s23] =	ssyncadd.s32 $0xFFFFC000  }
.LBB2_4:
0x3f: {  	p1 =	sne.s32 s26, $0xFE00;
	[tilespmem:s25+$0x28F0] =	vst v1  }
0x40: {  	[tilespmem:s25+$0x2880] =	vst v1  }
0x41: {  	[tilespmem:s25+$0x2890] =	vst v1  }
.Ltmp1:
0x42: {  	[tilespmem:s25+$0x28A0] =	vst v1;
	(pc) =	sbr.rel @p1 .LBB2_4-.Ltmp1, $4  }
0x43: {  	[tilespmem:s25+$0x28B0] =	vst v1  }
0x44: {  	[tilespmem:s25+$0x28C0] =	vst v1  }
0x45: {  	[tilespmem:s25+$0x28D0] =	vst v1  }
0x46: {  	[tilespmem:s25+$0x28E0] =	vst v1;
	s25 =	sshra.s32 s26, $0x2;
	s26 =	sadd.s32 $0x200, s26  }
0x47: {  	[tilespmem:s25+$0x28F0] =	vst v1  }
0x48: {  	[tilespmem:s25+$0x2880] =	vst v1  }
0x49: {  	[tilespmem:s25+$0x2890] =	vst v1  }
0x4a: {  	[tilespmem:s25+$0x28A0] =	vst v1  }
0x4b: {  	[tilespmem:s25+$0x28B0] =	vst v1  }
0x4c: {  	[tilespmem:s25+$0x28C0] =	vst v1  }
0x4d: {  	[tilespmem:s25+$0x28D0] =	vst v1  }
0x4e: {  	[tilespmem:s25+$0x28E0] =	vst v1  }
0x4f: {  	s30 =	simm.s32 $0x0;
	[bflag:$0x0] =	sbarrier.arrive $0xFFFF  }
0x50: {  	[tilespmem:s30], [sflag:$0x1] =	stream.linear.gather [hbm4b:s9+s30], $0x2780, $0x38;
	[tilespmem:$0x1A880] =	vst v63  }
0x51: {  	_ =	swait.ge [sflag:s23], $0x2780  }
0x52: {  	[sflag:s23] =	ssyncset.done $0x0  }
0x53: {  	s31 =	simm.s32 $0x0;
	[sflag:s23] =	ssyncadd.s32 $0xFFFFD880  }
0x54: {  	[spmem:s2] =	stream.indirect.scatter.add.f32 [tilespmem:s22], [sflag:$0x1], $0x80, s31, s24, $0xb8;
	[tilespmem:$0x1A880] =	vst v63  }
0x55: {  	_ =	swait.ge [sflag:s23], $0x4000  }
0x56: {  	s25 =	simm.s32 $0x200;
	[sflag:s23] =	ssyncset.done $0x0  }
.LBB2_6:
0x57: {  	s26 =	sshra.s32 s25, $0x2;
	[sflag:s23] =	ssyncadd.s32 $0xFFFFC000;
	p1 =	sne.s32 s25, $0x9C00  }
0x58: {  	[spmem:s2] =	stream.indirect.scatter.add.f32 [tilespmem:s22], [sflag:$0x1], $0x80, s26, s24, $0xb8;
	[tilespmem:$0x1A880] =	vst v63  }
.Ltmp2:
0x59: {  	_ = 	snop;
	(pc) =	sbr.rel @p1 .LBB2_6-.Ltmp2, $4  }
0x5a: {  	_ = 	snop  }
0x5b: {  	s25 =	sadd.s32 $0x200, s25  }
0x5c: {  	_ =	swait.ge [sflag:s23], $0x4000  }
0x5d: {  	[sflag:s23] =	ssyncset.done $0x0  }
0x5e: {  	[sflag:s23] =	ssyncadd.s32 $0xFFFFC000;
	s25 =	sshll.u32 s0, $0x6  }
0x5f: {  	s26 =	sshrl.u32 s4, $0x3;
	[bflag:$0x0] =	sbarrier.arrive $0xFFFF;
	s25 =	sor.u32 $0x1C01, s25  }
0x60: {  	[hbm:s10], [sflag:s25] =	dma.local [spmem:s26], $0x800  }
0x61: {  	_ =	swait.ge [sflag:s23], $0x800  }
0x62: {  	[sflag:s23] =	ssyncset.done $0x0  }
0x63: {  	s31 =	sshrl.u32 s5, $0x3;
	[sflag:s23] =	ssyncadd.s32 $0xFFFFF800  }
0x64: {  	[hbm:s11], [sflag:s25] =	dma.local [spmem:s31], $0x800  }
0x65: {  	_ =	swait.ge [sflag:s23], $0x800  }
0x66: {  	[sflag:s23] =	ssyncset.done $0x0  }
0x67: {  	s29 =	sshrl.u32 s6, $0x3;
	[sflag:s23] =	ssyncadd.s32 $0xFFFFF800  }
0x68: {  	[hbm:s12], [sflag:s25] =	dma.local [spmem:s29], $0x800  }
0x69: {  	_ =	swait.ge [sflag:s23], $0x800  }
0x6a: {  	[sflag:s23] =	ssyncset.done $0x0  }
0x6b: {  	s30 =	sshrl.u32 s7, $0x3;
	[sflag:s23] =	ssyncadd.s32 $0xFFFFF800  }
0x6c: {  	[hbm:s13], [sflag:s25] =	dma.local [spmem:s30], $0x800  }
0x6d: {  	_ =	swait.ge [sflag:s23], $0x800  }
0x6e: {  	[sflag:s23] =	ssyncset.done $0x0  }
0x6f: {  	s31 =	sshrl.u32 s8, $0x3;
	[sflag:s23] =	ssyncadd.s32 $0xFFFFF800  }
0x70: {  	[hbm:s14], [sflag:s25] =	dma.local [spmem:s31], $0x800  }
0x71: {  	_ =	swait.ge [sflag:s23], $0x800  }
0x72: {  	[sflag:s23] =	ssyncset.done $0x0  }
0x73: {  	s28 =	simm.s32 $0x200;
	s26 =	simm.s32 $0x0;
	[sflag:s23] =	ssyncadd.s32 $0xFFFFF800  }
.LBB2_8:
0x74: {  	p1 =	sne.s32 s28, $0xFE00;
	[tilespmem:s26+$0x28F0] =	vst v0  }
0x75: {  	[tilespmem:s26+$0x2880] =	vst v0  }
0x76: {  	[tilespmem:s26+$0x2890] =	vst v0  }
.Ltmp3:
0x77: {  	[tilespmem:s26+$0x28A0] =	vst v0;
	(pc) =	sbr.rel @p1 .LBB2_8-.Ltmp3, $4  }
0x78: {  	[tilespmem:s26+$0x28B0] =	vst v0  }
0x79: {  	[tilespmem:s26+$0x28C0] =	vst v0  }
0x7a: {  	[tilespmem:s26+$0x28D0] =	vst v0  }
0x7b: {  	[tilespmem:s26+$0x28E0] =	vst v0;
	s26 =	sshra.s32 s28, $0x2;
	s28 =	sadd.s32 $0x200, s28  }
0x7c: {  	[tilespmem:s26+$0x28F0] =	vst v0  }
0x7d: {  	[tilespmem:s26+$0x2880] =	vst v0  }
0x7e: {  	[tilespmem:s26+$0x2890] =	vst v0  }
0x7f: {  	[tilespmem:s26+$0x28A0] =	vst v0  }
0x80: {  	[tilespmem:s26+$0x28B0] =	vst v0  }
0x81: {  	[tilespmem:s26+$0x28C0] =	vst v0  }
0x82: {  	[tilespmem:s26+$0x28D0] =	vst v0  }
0x83: {  	[tilespmem:s26+$0x28E0] =	vst v0  }
0x84: {  	[spmem:s4] =	stream.linear.scatter [tilespmem:s22], [sflag:$0x1], $0x4000, $0x38;
	[tilespmem:$0x1A880] =	vst v63  }
0x85: {  	_ =	swait.ge [sflag:s23], $0x4000  }
0x86: {  	[sflag:s23] =	ssyncset.done $0x0  }
0x87: {  	[sflag:s23] =	ssyncadd.s32 $0xFFFFC000  }
0x88: {  	[spmem:s5] =	stream.linear.scatter [tilespmem:s22], [sflag:$0x1], $0x4000, $0x38;
	[tilespmem:$0x1A880] =	vst v63  }
0x89: {  	_ =	swait.ge [sflag:s23], $0x4000  }
0x8a: {  	[sflag:s23] =	ssyncset.done $0x0  }
0x8b: {  	[sflag:s23] =	ssyncadd.s32 $0xFFFFC000  }
0x8c: {  	[spmem:s6] =	stream.linear.scatter [tilespmem:s22], [sflag:$0x1], $0x4000, $0x38;
	[tilespmem:$0x1A880] =	vst v63  }
0x8d: {  	_ =	swait.ge [sflag:s23], $0x4000  }
0x8e: {  	[sflag:s23] =	ssyncset.done $0x0  }
0x8f: {  	[sflag:s23] =	ssyncadd.s32 $0xFFFFC000  }
0x90: {  	[spmem:s7] =	stream.linear.scatter [tilespmem:s22], [sflag:$0x1], $0x4000, $0x38;
	[tilespmem:$0x1A880] =	vst v63  }
0x91: {  	_ =	swait.ge [sflag:s23], $0x4000  }
0x92: {  	[sflag:s23] =	ssyncset.done $0x0  }
0x93: {  	[sflag:s23] =	ssyncadd.s32 $0xFFFFC000  }
0x94: {  	[spmem:s8] =	stream.linear.scatter [tilespmem:s22], [sflag:$0x1], $0x4000, $0x38;
	[tilespmem:$0x1A880] =	vst v63  }
0x95: {  	_ =	swait.ge [sflag:s23], $0x4000  }
0x96: {  	[sflag:s23] =	ssyncset.done $0x0  }
0x97: {  	s26 =	simm.s32 $0x0;
	s28 =	simm.s32 $0x200;
	[sflag:s23] =	ssyncadd.s32 $0xFFFFC000  }
.LBB2_10:
0x98: {  	p1 =	sne.s32 s28, $0xFE00;
	[tilespmem:s26+$0x28F0] =	vst v1  }
0x99: {  	[tilespmem:s26+$0x2880] =	vst v1  }
0x9a: {  	[tilespmem:s26+$0x2890] =	vst v1  }
.Ltmp4:
0x9b: {  	[tilespmem:s26+$0x28A0] =	vst v1;
	(pc) =	sbr.rel @p1 .LBB2_10-.Ltmp4, $4  }
0x9c: {  	[tilespmem:s26+$0x28B0] =	vst v1  }
0x9d: {  	[tilespmem:s26+$0x28C0] =	vst v1  }
0x9e: {  	[tilespmem:s26+$0x28D0] =	vst v1  }
0x9f: {  	[tilespmem:s26+$0x28E0] =	vst v1;
	s26 =	sshra.s32 s28, $0x2;
	s28 =	sadd.s32 $0x200, s28  }
0xa0: {  	[tilespmem:s26+$0x28F0] =	vst v1  }
0xa1: {  	[tilespmem:s26+$0x2880] =	vst v1  }
0xa2: {  	[tilespmem:s26+$0x2890] =	vst v1  }
0xa3: {  	[tilespmem:s26+$0x28A0] =	vst v1  }
0xa4: {  	[tilespmem:s26+$0x28B0] =	vst v1  }
0xa5: {  	[tilespmem:s26+$0x28C0] =	vst v1  }
0xa6: {  	[tilespmem:s26+$0x28D0] =	vst v1  }
0xa7: {  	[tilespmem:s26+$0x28E0] =	vst v1  }
0xa8: {  	[bflag:$0x0] =	sbarrier.arrive $0xFFFF  }
0xa9: {  	s26 =	simm.s32 @!p0 $0x0;
	s28 =	simm.s32 @!p0 $0x2800;
	[bflag:$0x0] =	sbarrier.arrive @p0 $0xFFFF  }
0xaa: {  	[tilespmem:s28], [sflag:$0x1] =	stream.linear.gather @!p0 [hbm4b:s15+s26], $0x80, $0x38;
	[tilespmem:$0x1A880] =	vst v63  }
0xab: {  	s26 =	simm.s32 @!p0 $0x1  }
0xac: {  	_ =	swait.ge @!p0 [sflag:s26], $0x80  }
0xad: {  	[sflag:s26] =	ssyncset.done @!p0 $0x0  }
0xae: {  	s29 =	simm.s32 @!p0 $0x80;
	s30 =	simm.s32 @!p0 $0x2880;
	[sflag:s26] =	ssyncadd.s32 @!p0 $0xFFFFFF80  }
0xaf: {  	[spmem:s2] =	stream.indirect.scatter.add.f32 @!p0 [tilespmem:s30], [sflag:$0x1], $0x80, s28, s29, $0xb8;
	[tilespmem:$0x1A880] =	vst v63  }
0xb0: {  	_ =	swait.ge @!p0 [sflag:s26], $0x4000  }
0xb1: {  	[sflag:s26] =	ssyncset.done @!p0 $0x0  }
0xb2: {  	[sflag:s26] =	ssyncadd.s32 @!p0 $0xFFFFC000  }
0xb3: {  	s28 =	sshrl.u32 @!p0 s4, $0x3;
	[bflag:$0x0] =	sbarrier.arrive @!p0 $0xFFFF  }
0xb4: {  	[hbm:s16], [sflag:s25] =	dma.local @!p0 [spmem:s28], $0x800  }
0xb5: {  	_ =	swait.ge @!p0 [sflag:s26], $0x800  }
0xb6: {  	[sflag:s26] =	ssyncset.done @!p0 $0x0  }
0xb7: {  	s28 =	sshrl.u32 @!p0 s5, $0x3;
	[sflag:s26] =	ssyncadd.s32 @!p0 $0xFFFFF800  }
0xb8: {  	[hbm:s17], [sflag:s25] =	dma.local @!p0 [spmem:s28], $0x800  }
0xb9: {  	_ =	swait.ge @!p0 [sflag:s26], $0x800  }
0xba: {  	[sflag:s26] =	ssyncset.done @!p0 $0x0  }
0xbb: {  	s28 =	sshrl.u32 @!p0 s6, $0x3;
	[sflag:s26] =	ssyncadd.s32 @!p0 $0xFFFFF800  }
0xbc: {  	[hbm:s18], [sflag:s25] =	dma.local @!p0 [spmem:s28], $0x800  }
0xbd: {  	_ =	swait.ge @!p0 [sflag:s26], $0x800  }
0xbe: {  	[sflag:s26] =	ssyncset.done @!p0 $0x0  }
0xbf: {  	s28 =	sshrl.u32 @!p0 s7, $0x3;
	[sflag:s26] =	ssyncadd.s32 @!p0 $0xFFFFF800  }
0xc0: {  	[hbm:s19], [sflag:s25] =	dma.local @!p0 [spmem:s28], $0x800  }
0xc1: {  	s3 =	sadd.s32 $0x1, s3;
	_ =	swait.ge @!p0 [sflag:s26], $0x800  }
0xc2: {  	p1 =	sne.s32 s3, s21;
	[sflag:s26] =	ssyncset.done @!p0 $0x0  }
.Ltmp5:
0xc3: {  	s28 =	sshrl.u32 @!p0 s8, $0x3;
	[sflag:s26] =	ssyncadd.s32 @!p0 $0xFFFFF800;
	(pc) =	sbr.rel @p1 .LBB2_1-.Ltmp5, $4  }
0xc4: {  	[hbm:s20], [sflag:s25] =	dma.local @!p0 [spmem:s28], $0x800  }
0xc5: {  	_ =	swait.ge @!p0 [sflag:s26], $0x800  }
0xc6: {  	[sflag:s26] =	ssyncset.done @!p0 $0x0  }
0xc7: {  	[sflag:s26] =	ssyncadd.s32 @!p0 $0xFFFFF800  }
0xc8: {  	_ =	sfence.sel $0x180000  }
0xc9: {  	[bflag:$0x0] =	sbarrier.arrive $0xFFFF  }
0xca: {  	p0 =	sne.s32 s0, $0x0;
	_ =	strace $0x90000047  }
0xcb: {  	s0 =	sadd.s32 @!p0 $0x100000, s1;
	[bflag:$0x2] =	sbarrier.arrive $0xFFFF  }
0xcc: {  	[sflag:s0] =	ssyncadd.tile.s32 @!p0 $0x1;
	_ =	shalt  }
.Lfunc_end2:
_tile_overlayer_lowered:
.L_overlay_start_2:
0xcd: {  	(tag) =	ssettag $0x2  }
0xce: {  	s0 =	rddreg [dreg:$0x0];
	s2 =	stileid.u32  }
0xcf: {  	s1 =	rddreg [dreg:$0x1];
	p0 =	sne.s32 s2, $0x0  }
0xd0: {  	s3 =	rddreg [dreg:$0x2];
	[bflag:$0x3] =	sbarrier.arrive $0xFFFF;
	s2 =	simm.s32 @!p0 $0x1C01  }
0xd1: {  	[timem:s3], [sflag:s2] =	dma.local @!p0 [hbm:s0], s1  }
0xd2: {  	s0 =	simm.s32 @!p0 $0x1  }
0xd3: {  	_ =	swait.ge @!p0 [sflag:s0], s1  }
0xd4: {  	s1 =	ssub.s32 @!p0 $0x0, s1;
	[sflag:s0] =	ssyncset.done @!p0 $0x0  }
0xd5: {  	[sflag:s0] =	ssyncadd.s32 @!p0 s1  }
0xd6: {  	[bflag:$0x3] =	sbarrier.arrive $0xFFFF  }
0xd7: {  	_ =	shalt  }

// kernel: kernel.13.cloned.1.call-start
scs
__scs_entry_jumppad:
0x0: {  	(pc) =	sbr.rel $0x88, $3  }
0x1: {  	(tag) =	ssettag $0x0;
	lr =	simm.s32 $0x1  }
0x2: {  	[smem:$0x3F8F] =	sst lr;
	_ =	strace $0xD0000000  }
0x3: {  	_ = 	snop  }
0x4: {  	_ = 	snop  }
0x5: {  	_ = 	snop  }
0x6: {  	_ = 	snop  }
0x7: {  	_ = 	snop  }
__scs_overlays_trampoline_lowered:
0x8: {  	[smem:$0x3F9E] =	sst s0  }
0x9: {  	[smem:$0x3F9F] =	sst s1  }
0xa: {  	[smem:$0x3FA0] =	sst s2  }
0xb: {  	[smem:$0x3FA1] =	sst s3  }
0xc: {  	[smem:$0x3FA2] =	sst s4  }
0xd: {  	[smem:$0x3FA3] =	sst s5  }
0xe: {  	[smem:$0x3FA4] =	sst s6  }
0xf: {  	[smem:$0x3FA5] =	sst s7  }
0x10: {  	[smem:$0x3FA6] =	sst s8  }
0x11: {  	[smem:$0x3FA7] =	sst s9;
	s0 =	simm.s32 @!p0 $0x0  }
0x12: {  	s1 =	sld [smem:$0x3F8D];
	s0 =	simm.s32 @p0 $0x1  }
0x13: {  	[smem:$0x3FA8] =	sst s0;
	s0 =	simm.s32 @!p1 $0x0  }
0x14: {  	s2 =	sld [smem:$0x3F8C];
	s0 =	simm.s32 @p1 $0x1  }
0x15: {  	[smem:$0x3FA9] =	sst s0;
	s0 =	simm.s32 @!p2 $0x0  }
0x16: {  	s3 =	sld [smem:$0x3FDB];
	s0 =	simm.s32 @p2 $0x1  }
0x17: {  	s4 =	simm.s32 $0x1BF5;
	[smem:$0x3FAB] =	sst s0  }
0x18: {  	s0 =	sld [smem:$0x3F8E];
	_ =	swait.ge [sflag:s4], $0x0  }
0x19: {  	s7 =	sld [smem:$0x3F8F]  }
0x1a: {  	s8 =	sadd.s32 $0xFFFFE003, lr  }
0x1b: {  	s9 =	sadd.s32 $0xFFFFFEF7, lr;
	s5 =	simm.s32 $0xFFFFFFFF;
	p2 =	slt.u32 s8, $0xFFFFF086  }
0x1c: {  	p1 =	slt.u32 s9, $0xF7A;
	s5 =	simm.s32 @!p2 $0x0  }
0x1d: {  	s5 =	simm.s32 @p1 $0x1;
	p0 =	seq.s32 s7, s2  }
0x1e: {  	s7 =	smul.u32 @!p0 $0xF7A, s2;
	p2 =	seq.s32 @!p0 s5, $0x0  }
0x1f: {  	s9 =	smul.u32 $0xF7A, s1;
	s8 =	simm.s32 @!p0 $0x1BF5;
	p2 =	por !p2, p0  }
0x20: {  	[sflag:s8] =	ssyncset.s32 @!p0 $0xFFFFF086;
	s6 =	sadd.s32 @!p0 s3, s7;
	s7 =	simm.s32 @!p0 $0x108  }
0x21: {  	s3 =	sadd.s32 s3, s9;
	s6 =	sadd.s32 @!p0 $0x88, s6;
	s7 =	simm.s32 @p2 $0x1082  }
0x22: {  	[simem:s7], [sflag:s8] =	dma.local @!p0 [hbm:s6], $0xF7A  }
0x23: {  	s9 =	sor.u32 $0xD0000000, s2;
	s6 =	simm.s32 $0x108;
	_ =	swait.ge @!p0 [sflag:s8], $0x0  }
0x24: {  	s3 =	sadd.s32 $0x88, s3;
	s6 =	simm.s32 @!p1 $0x1082;
	[sflag:s4] =	ssyncset.s32 $0xFFFFF086  }
0x25: {  	[simem:s6], [sflag:s4] =	dma.local [hbm:s3], $0xF7A  }
0x26: {  	[smem:$0x3F8F] =	sst s1;
	(tag) =	ssettag s2;
	_ =	strace s9  }
0x27: {  	s1 =	sld [smem:$0x3F9F]  }
0x28: {  	s2 =	sld [smem:$0x3FA0]  }
0x29: {  	s4 =	sld [smem:$0x3FA2]  }
0x2a: {  	p0 =	seq.s32 s5, $0x0;
	s5 =	sld [smem:$0x3FA3]  }
0x2b: {  	s6 =	sld [smem:$0x3FA4]  }
0x2c: {  	s7 =	sld [smem:$0x3FA5]  }
0x2d: {  	s3 =	simm.s32 $0x108;
	s8 =	sld [smem:$0x3FA6]  }
0x2e: {  	s3 =	simm.s32 @!p0 $0x1082;
	s9 =	sld [smem:$0x3FA7]  }
0x2f: {  	lr =	sadd.s32 s0, s3;
	s0 =	sld [smem:$0x3F9E]  }
0x30: {  	s3 =	sld [smem:$0x3FA1]  }
0x31: {  	[smem:$0x3FAA] =	sst s10  }
0x32: {  	s10 =	sld [smem:$0x3FA8];
	_ =	sdelay $0x3  }
0x33: {  	p0 =	seq.s32 s10, $0x1;
	s10 =	sld [smem:$0x3FAA];
	_ =	sdelay $0x3  }
0x34: {  	[smem:$0x3FAA] =	sst s10  }
0x35: {  	s10 =	sld [smem:$0x3FA9];
	_ =	sdelay $0x3  }
0x36: {  	p1 =	seq.s32 s10, $0x1;
	s10 =	sld [smem:$0x3FAA];
	_ =	sdelay $0x3  }
0x37: {  	[smem:$0x3FAA] =	sst s10  }
0x38: {  	s10 =	sld [smem:$0x3FAB]  }
0x39: {  	_ = 	snop;
	(pc) =	sbr.ind lr, $3  }
0x3a: {  	_ = 	snop  }
0x3b: {  	_ = 	snop  }
0x3c: {  	p2 =	seq.s32 s10, $0x1;
	s10 =	sld [smem:$0x3FAA]  }
0x3d: {  	_ =	shalt  }
0x3e: {  	_ =	shalt  }
0x3f: {  	_ =	shalt  }
0x40: {  	_ =	shalt  }
0x41: {  	_ =	shalt  }
0x42: {  	_ =	shalt  }
0x43: {  	_ =	shalt  }
0x44: {  	_ =	shalt  }
0x45: {  	_ =	shalt  }
0x46: {  	_ =	shalt  }
0x47: {  	_ =	shalt  }
0x48: {  	_ =	shalt  }
0x49: {  	_ =	shalt  }
0x4a: {  	_ =	shalt  }
0x4b: {  	_ =	shalt  }
0x4c: {  	_ =	shalt  }
0x4d: {  	_ =	shalt  }
0x4e: {  	_ =	shalt  }
0x4f: {  	_ =	shalt  }
0x50: {  	_ =	shalt  }
0x51: {  	_ =	shalt  }
0x52: {  	_ =	shalt  }
0x53: {  	_ =	shalt  }
0x54: {  	_ =	shalt  }
0x55: {  	_ =	shalt  }
0x56: {  	_ =	shalt  }
0x57: {  	_ =	shalt  }
0x58: {  	_ =	shalt  }
0x59: {  	_ =	shalt  }
0x5a: {  	_ =	shalt  }
0x5b: {  	_ =	shalt  }
0x5c: {  	_ =	shalt  }
0x5d: {  	_ =	shalt  }
0x5e: {  	_ =	shalt  }
0x5f: {  	_ =	shalt  }
0x60: {  	_ =	shalt  }
0x61: {  	_ =	shalt  }
0x62: {  	_ =	shalt  }
0x63: {  	_ =	shalt  }
0x64: {  	_ =	shalt  }
0x65: {  	_ =	shalt  }
0x66: {  	_ =	shalt  }
0x67: {  	_ =	shalt  }
0x68: {  	_ =	shalt  }
0x69: {  	_ =	shalt  }
0x6a: {  	_ =	shalt  }
0x6b: {  	_ =	shalt  }
0x6c: {  	_ =	shalt  }
0x6d: {  	_ =	shalt  }
0x6e: {  	_ =	shalt  }
0x6f: {  	_ =	shalt  }
0x70: {  	_ =	shalt  }
0x71: {  	_ =	shalt  }
0x72: {  	_ =	shalt  }
0x73: {  	_ =	shalt  }
0x74: {  	_ =	shalt  }
0x75: {  	_ =	shalt  }
0x76: {  	_ =	shalt  }
0x77: {  	_ =	shalt  }
0x78: {  	_ =	shalt  }
0x79: {  	_ =	shalt  }
0x7a: {  	_ =	shalt  }
0x7b: {  	_ =	shalt  }
0x7c: {  	_ =	shalt  }
0x7d: {  	_ =	shalt  }
0x7e: {  	_ =	shalt  }
0x7f: {  	_ =	shalt  }
0x80: {  	_ =	shalt  }
0x81: {  	_ =	shalt  }
0x82: {  	_ =	shalt  }
0x83: {  	_ =	shalt  }
0x84: {  	_ =	shalt  }
0x85: {  	_ =	shalt  }
0x86: {  	_ =	shalt  }
0x87: {  	_ =	shalt  }
.Lfunc_end0:
.L_simem_size_0:
called_computation.1_lowered:
.L_overlay_start_0:
0x88: {  	s2 =	sld [smem:$0x3FD9]  }
0x89: {  	s3 =	sld [smem:$0x3FFE];
	_ =	sdelay $0x1  }
0x8a: {  	s1 =	srdreg.scid  }
0x8b: {  	s0 =	sand.u32 $0x1, s1  }
0x8c: {  	s16 =	sshll.u32 s0, $0xA;
	s2 =	sadd.s32 s3, s2  }
0x8d: {  	s2 =	sadd.s32 s2, s16  }
0x8e: {  	[smem:$0x3FB6] =	sst s2  }
0x8f: {  	_ = 	snop  }
0x90: {  	(tm) =	ssettm $0x1  }
0x91: {  	s17 =	sld [smem:$0x3FFB];
	_ =	sdelay $0x3  }
0x92: {  	_ =	strace s17  }
0x93: {  	s2 =	sld [smem:$0x3FFC];
	_ =	sdelay $0x3  }
0x94: {  	_ =	strace s2  }
0x95: {  	s2 =	sld [smem:$0x3FFD];
	_ =	sdelay $0x3  }
0x96: {  	_ =	strace s2  }
0x97: {  	_ =	strace $0x8FFFFFFF  }
0x98: {  	s18 =	sld [smem:$0x3FDB];
	_ =	sdelay $0x1  }
0x99: {  	s19 =	simm.s32 $_scs_section_size  }
0x9a: {  	s4 =	simm.s32 $_size__tile_overlayer_lowered;
	s5 =	simm.s32 $_tile_overlayer_lowered  }
0x9b: {  	s22 =	simm.s32 $0x1BFF;
	s21 =	sshll.u32 s5, $0x1;
	s2 =	sadd.s32 s19, s18  }
0x9c: {  	s6 =	simm.s32 $0x0;
	s20 =	sshll.u32 s4, $0x1;
	s4 =	sadd.s32 s21, s2  }
0x9d: {  	[timem:s6], [sflag:s22] =	dma.local [hbm:s4], s20  }
0x9e: {  	_ =	swait.ge [sflag:s22], s20  }
0x9f: {  	s3 =	ssub.s32 $0x0, s20;
	[sflag:s22] =	ssyncset.done $0x0  }
0xa0: {  	[sflag:s22] =	ssyncadd.s32 s3;
	_ =	sdelay $0x1  }
0xa1: {  	s23 =	simm.s32 $0x1B8B  }
0xa2: {  	_ =	swait.ge [sflag:s23], $0x1  }
0xa3: {  	[sflag:s23] =	ssyncset.done $0x0  }
0xa4: {  	s25 =	simm.s32 $0x1B8E;
	s24 =	sld [smem:$0x3FFE];
	[sflag:s23] =	ssyncadd.s32 $0xFFFFFFFF  }
0xa5: {  	s26 =	simm.s32 $execute0_lowered;
	[smem:$0x3FD2] =	sst s25  }
0xa6: {  	s4 =	sshll.u32 s26, $0x1;
	_ =	strace $0x80000049;
	[dreg:$0x1] =	wrdreg $0xFFFFFFFF  }
0xa7: {  	s28 =	simm.s32 $_size_execute0_lowered;
	s2 =	sadd.s32 s2, s4;
	[dreg:$0x0] =	wrdreg $0x0  }
0xa8: {  	s4 =	sshll.u32 s28, $0x1;
	[dreg:$0x2] =	wrdreg s2  }
0xa9: {  	[dreg:$0x3] =	wrdreg s4  }
0xaa: {  	[dreg:$0x4] =	wrdreg $0xC0  }
0xab: {  	_ =	task [dreg:s6], $0x5FFFF  }
0xac: {  	[dreg:$0x1] =	wrdreg $0xFFFFFFFF  }
0xad: {  	[dreg:$0x0] =	wrdreg $0x60  }
0xae: {  	[dreg:$0x2] =	wrdreg s24  }
0xaf: {  	[dreg:$0x3] =	wrdreg $0x91000  }
0xb0: {  	[dreg:$0x4] =	wrdreg $0x9  }
0xb1: {  	_ =	task.clear_ibuf [dreg:s6], $0x5FFFF;
	_ =	strace $0x90000049  }
0xb2: {  	s29 =	simm.s32 $0x9;
	_ =	strace $0x8000004B  }
0xb3: {  	_ =	swait.ge [sflag:s29], $0x1  }
0xb4: {  	[sflag:s29] =	ssyncadd.s32 $0xFFFFFFFF  }
0xb5: {  	_ =	strace $0x9000004B  }
0xb6: {  	_ =	sfence  }
0xb7: {  	s30 =	sld [smem:$0x0];
	_ =	sdelay $0x2  }
0xb8: {  	s31 =	sshll.u32 s1, $0xD;
	s1 =	sshrl.u32 s1, $0x2  }
0xb9: {  	s3 =	sand.u32 $0x4000, s31;
	s1 =	sadd.s32 s1, s30  }
0xba: {  	s0 =	sor.u32 s3, s0;
	s1 =	sshll.u32 s1, $0x11  }
0xbb: {  	s0 =	sor.u32 s1, s0  }
0xbc: {  	s0 =	sadd.s32 $0x8F2B, s0  }
0xbd: {  	[sflag:s0] =	ssyncadd.remote.s32 $0x1  }
0xbe: {  	_ =	sfence.sel $0xFFFF  }
0xbf: {  	[dreg:$0x0] =	wrdreg $0xFFFFFFFF;
	(pc) =	sbr.abs _section_cstart, $3  }
0xc0: {  	[dreg:$0x1] =	wrdreg $0xFFFFFFFF  }
0xc1: {  	_ =	task.clear_ibuf [dreg:s6], $0x2FFFF;
	_ =	strace $0x9FFFFFFF  }
0xc2: {  	(tm) =	ssettm $0x7FFFFFFF  }
0xc3: {  	_ =	shalt  }
tec
execute0_lowered:
.L_overlay_start_1:
0x0: {  	(tag) =	ssettag $0x1  }
0x1: {  	s0 =	rddreg [dreg:$0x0]  }
0x2: {  	s1 =	rddreg [dreg:$0x1];
	s2 =	simm.s32 $0x0  }
0x3: {  	s3 =	srdreg.scid;
	s20 =	stileid.u32;
	s21 =	simm.s32 $0x800  }
0x4: {  	s22 =	simm.s32 $0x80;
	s23 =	simm.s32 $0x1000;
	s28 =	simm.s32 $0x2  }
0x5: {  	s29 =	simm.s32 $0x3;
	s30 =	simm.s32 $0x4;
	s31 =	simm.s32 $0x0  }
0x6: {  	[smem:$0x7FF] =	sst s2;
	s4 =	sadd.s32 $0x68400, s0;
	s5 =	sadd.s32 $0x5E400, s0  }
0x7: {  	s3 =	sand.u32 $0x1, s3;
	s7 =	smul.u32 $0x50000, s20;
	s6 =	sadd.s32 $0xC2400, s0  }
0x8: {  	s11 =	smul.u32 $0x14000, s20;
	s0 =	sadd.s32 $0x112400, s0;
	s8 =	ssub.s32 $0x2, s3  }
0x9: {  	_ =	strace $0x8000004A;
	s16 =	smul.u32 $0x140000, s3;
	s9 =	sshrl.u32 s8, $0x1  }
0xa: {  	s7 =	sshrl.u32 s7, $0x2;
	s12 =	sadd.s32 $0x4000, s11;
	s14 =	sadd.s32 $0x8000, s11  }
0xb: {  	s15 =	sadd.s32 $0xC000, s11;
	s17 =	sadd.s32 $0x10000, s11;
	s13 =	ssub.s32 s8, s9  }
0xc: {  	s7 =	sadd.s32 s7, s1;
	s8 =	sadd.s32 s12, s1;
	s9 =	sadd.s32 s14, s1  }
0xd: {  	s10 =	sadd.s32 s15, s1;
	s18 =	sadd.s32 s11, s16;
	s12 =	sadd.s32 s16, s12  }
0xe: {  	s11 =	sadd.s32 s17, s1;
	s14 =	sadd.s32 s16, s14;
	s15 =	sadd.s32 s16, s15  }
0xf: {  	s16 =	sadd.s32 s16, s17;
	s18 =	sshrl.u32 s18, $0x3;
	s19 =	sshrl.u32 s12, $0x3  }
0x10: {  	s12 =	smul.u32 $0x5000, s20;
	s14 =	sshrl.u32 s14, $0x3;
	s25 =	sshrl.u32 s15, $0x3  }
.Ltmp0:
0x11: {  	s26 =	sshrl.u32 s16, $0x3;
	s20 =	simm.s32 $0x5;
	(pc) =	sbr.rel .LBB2_1-.Ltmp0, $4  }
0x12: {  	s18 =	sadd.s32 s0, s18;
	s24 =	sadd.s32 s0, s19;
	s15 =	sadd.s32 s0, s14  }
0x13: {  	s16 =	sadd.s32 s0, s25;
	s17 =	sadd.s32 s0, s26;
	s19 =	simm.s32 $0x1100  }
0x14: {  	s25 =	simm.s32 $0x1080;
	s26 =	simm.s32 $0x5100;
	[dreg:$0x3] =	wrdreg s18  }
0x15: {  	v1 =	vimm.f32 $0.0e+00;
	v0 =	vmov s3;
	[dreg:$0x4] =	wrdreg s24;
	s18 =	smax.u32 s13, $0x1;
	s24 =	simm.s32 $0x1  }
.LBB2_8:
0x16: {  	s0 =	stileid.u32  }
0x17: {  	[bflag:$0x0] =	sbarrier.arrive $0xFFFF;
	s0 =	sshll.u32 s0, $0x6  }
0x18: {  	s3 =	sshrl.u32 s7, $0x3;
	s13 =	rddreg [dreg:$0x3];
	s0 =	sor.u32 $0x1C05, s0  }
0x19: {  	[hbm:s13], [sflag:s0] =	dma.local [spmem:s3], $0x800  }
0x1a: {  	_ =	swait.ge [sflag:s20], $0x800  }
0x1b: {  	[sflag:s20] =	ssyncset.done $0x0  }
0x1c: {  	s13 =	sshrl.u32 s8, $0x3;
	s14 =	rddreg [dreg:$0x4];
	[sflag:s20] =	ssyncadd.s32 $0xFFFFF800  }
0x1d: {  	[hbm:s14], [sflag:s0] =	dma.local [spmem:s13], $0x800  }
0x1e: {  	_ =	swait.ge [sflag:s20], $0x800  }
0x1f: {  	[sflag:s20] =	ssyncset.done $0x0  }
0x20: {  	s14 =	sshrl.u32 s9, $0x3;
	[sflag:s20] =	ssyncadd.s32 $0xFFFFF800  }
0x21: {  	[hbm:s15], [sflag:s0] =	dma.local [spmem:s14], $0x800  }
0x22: {  	_ =	swait.ge [sflag:s20], $0x800  }
0x23: {  	[sflag:s20] =	ssyncset.done $0x0  }
0x24: {  	s13 =	sshrl.u32 s10, $0x3;
	[sflag:s20] =	ssyncadd.s32 $0xFFFFF800  }
0x25: {  	[hbm:s16], [sflag:s0] =	dma.local [spmem:s13], $0x800  }
0x26: {  	s2 =	sadd.s32 $0x1, s2;
	_ =	swait.ge [sflag:s20], $0x800  }
0x27: {  	p0 =	sne.s32 s2, s18;
	[sflag:s20] =	ssyncset.done $0x0  }
.Ltmp1:
0x28: {  	s14 =	sshrl.u32 s11, $0x3;
	[sflag:s20] =	ssyncadd.s32 $0xFFFFF800;
	(pc) =	sbr.rel @!p0 .LBB2_9-.Ltmp1, $4  }
0x29: {  	[hbm:s17], [sflag:s0] =	dma.local [spmem:s14], $0x800  }
0x2a: {  	_ =	swait.ge [sflag:s20], $0x800  }
0x2b: {  	[sflag:s20] =	ssyncset.done $0x0  }
0x2c: {  	[sflag:s20] =	ssyncadd.s32 $0xFFFFF800  }
.LBB2_1:
0x2d: {  	s0 =	simm.s32 $0x0;
	s3 =	simm.s32 $0x200  }
.LBB2_2:
0x2e: {  	p0 =	sne.s32 s3, $0xFE00;
	[tilespmem:s0+$0x1170] =	vst v1  }
0x2f: {  	[tilespmem:s0+$0x1100] =	vst v1  }
0x30: {  	[tilespmem:s0+$0x1110] =	vst v1  }
.Ltmp2:
0x31: {  	[tilespmem:s0+$0x1120] =	vst v1;
	(pc) =	sbr.rel @p0 .LBB2_2-.Ltmp2, $4  }
0x32: {  	[tilespmem:s0+$0x1130] =	vst v1  }
0x33: {  	[tilespmem:s0+$0x1140] =	vst v1  }
0x34: {  	[tilespmem:s0+$0x1150] =	vst v1  }
0x35: {  	[tilespmem:s0+$0x1160] =	vst v1;
	s0 =	sshra.s32 s3, $0x2;
	s3 =	sadd.s32 $0x200, s3  }
0x36: {  	[tilespmem:s0+$0x1170] =	vst v1  }
0x37: {  	[tilespmem:s0+$0x1100] =	vst v1  }
0x38: {  	[tilespmem:s0+$0x1110] =	vst v1  }
0x39: {  	[tilespmem:s0+$0x1120] =	vst v1  }
0x3a: {  	[tilespmem:s0+$0x1130] =	vst v1  }
0x3b: {  	[tilespmem:s0+$0x1140] =	vst v1  }
0x3c: {  	[tilespmem:s0+$0x1150] =	vst v1  }
0x3d: {  	[tilespmem:s0+$0x1160] =	vst v1  }
0x3e: {  	[spmem:s7] =	stream.linear.scatter [tilespmem:s19], [sflag:$0x5], $0x4000, $0x38;
	[tilespmem:$0x1D100] =	vst v63  }
0x3f: {  	_ =	swait.ge [sflag:s20], $0x4000  }
0x40: {  	[sflag:s20] =	ssyncset.done $0x0  }
0x41: {  	[sflag:s20] =	ssyncadd.s32 $0xFFFFC000  }
0x42: {  	[spmem:s8] =	stream.linear.scatter [tilespmem:s19], [sflag:$0x5], $0x4000, $0x38;
	[tilespmem:$0x1D100] =	vst v63  }
0x43: {  	_ =	swait.ge [sflag:s20], $0x4000  }
0x44: {  	[sflag:s20] =	ssyncset.done $0x0  }
0x45: {  	[sflag:s20] =	ssyncadd.s32 $0xFFFFC000  }
0x46: {  	[spmem:s9] =	stream.linear.scatter [tilespmem:s19], [sflag:$0x5], $0x4000, $0x38;
	[tilespmem:$0x1D100] =	vst v63  }
0x47: {  	_ =	swait.ge [sflag:s20], $0x4000  }
0x48: {  	[sflag:s20] =	ssyncset.done $0x0  }
0x49: {  	[sflag:s20] =	ssyncadd.s32 $0xFFFFC000  }
0x4a: {  	[spmem:s10] =	stream.linear.scatter [tilespmem:s19], [sflag:$0x5], $0x4000, $0x38;
	[tilespmem:$0x1D100] =	vst v63  }
0x4b: {  	_ =	swait.ge [sflag:s20], $0x4000  }
0x4c: {  	[sflag:s20] =	ssyncset.done $0x0  }
0x4d: {  	[sflag:s20] =	ssyncadd.s32 $0xFFFFC000  }
0x4e: {  	[spmem:s11] =	stream.linear.scatter [tilespmem:s19], [sflag:$0x5], $0x4000, $0x38;
	[tilespmem:$0x1D100] =	vst v63  }
.Ltmp3:
0x4f: {  	_ =	swait.ge [sflag:s20], $0x4000;
	(pc) =	sbr.rel .LBB2_4-.Ltmp3, $4  }
0x50: {  	[sflag:s20] =	ssyncset.done $0x0  }
0x51: {  	[sflag:s20] =	ssyncadd.s32 $0xFFFFC000  }
0x52: {  	[bflag:$0x0] =	sbarrier.arrive $0xFFFF  }
0x53: {  	s0 =	simm.s32 $0x0  }
.LBB2_7:
0x54: {  	s0 =	sadd.s32 $0x1, s0  }
0x55: {  	p0 =	sne.s32 s0, $0xA  }
.Ltmp4:
0x56: {  	_ = 	snop;
	(pc) =	sbr.rel @!p0 .LBB2_8-.Ltmp4, $4  }
0x57: {  	[spmem:s1] =	stream.indirect.scatter.add.f32 [tilespmem:s26], [sflag:$0x4], $0x80, s14, s22, $0xb8;
	[tilespmem:$0x1D100] =	vst v63  }
0x58: {  	_ =	swait.ge [sflag:s30], $0x4000  }
0x59: {  	[sflag:s30] =	ssyncset.done $0x0  }
0x5a: {  	[sflag:s30] =	ssyncadd.s32 $0xFFFFC000  }
.LBB2_4:
0x5b: {  	s3 =	sshll.u32 s0, $0xB  }
0x5c: {  	s3 =	sadd.s32 s12, s3  }
0x5d: {  	s3 =	sshrl.u32 s3, $0x3  }
0x5e: {  	s13 =	sadd.s32 s4, s3  }
0x5f: {  	[tilespmem:s31], [sflag:$0x5] =	stream.linear.gather [hbm4b:s13+s31], $0x800, $0x38;
	[tilespmem:$0x1D100] =	vst v63  }
0x60: {  	_ =	swait.ge [sflag:s20], $0x800  }
0x61: {  	[sflag:s20] =	ssyncset.done $0x0  }
0x62: {  	s3 =	sadd.s32 s5, s3;
	[sflag:s20] =	ssyncadd.s32 $0xFFFFF800  }
0x63: {  	[tilespmem:s21], [sflag:$0x5] =	stream.linear.gather [hbm4b:s3+s31], $0x800, $0x38;
	[tilespmem:$0x1D100] =	vst v63  }
0x64: {  	_ =	swait.ge [sflag:s20], $0x800  }
0x65: {  	[sflag:s20] =	ssyncset.done $0x0  }
0x66: {  	[sflag:s20] =	ssyncadd.s32 $0xFFFFF800  }
0x67: {  	v2 =	vld [tilespmem:$0x0]  }
0x68: {  	v3 =	vld [tilespmem:$0x10]  }
0x69: {  	v4 =	vld [tilespmem:$0x20]  }
0x6a: {  	v5 =	vld [tilespmem:$0x30]  }
0x6b: {  	v6 =	vld [tilespmem:$0x40]  }
0x6c: {  	v7 =	vld [tilespmem:$0x50];
	v2 =	vshll.u32 v2, $0x1  }
0x6d: {  	v8 =	vld [tilespmem:$0x60];
	v3 =	vshll.u32 v3, $0x1;
	v2 =	vor.u32 v0, v2  }
0x6e: {  	v63 =	vld [tilespmem:$0x70];
	[tilespmem:$0x1000] =	vst v2;
	v2 =	vor.u32 v0, v3;
	v3 =	vshll.u32 v4, $0x1  }
0x6f: {  	[tilespmem:$0x1010] =	vst v2;
	v2 =	vor.u32 v0, v3;
	v3 =	vshll.u32 v5, $0x1  }
0x70: {  	[tilespmem:$0x1020] =	vst v2;
	v2 =	vor.u32 v0, v3;
	v3 =	vshll.u32 v6, $0x1  }
0x71: {  	[tilespmem:$0x1030] =	vst v2;
	v2 =	vor.u32 v0, v3;
	v3 =	vshll.u32 v7, $0x1  }
0x72: {  	[tilespmem:$0x1040] =	vst v2;
	v2 =	vor.u32 v0, v3;
	v3 =	vshll.u32 v8, $0x1  }
0x73: {  	[tilespmem:$0x1050] =	vst v2;
	v2 =	vor.u32 v0, v3;
	v3 =	vshll.u32 v63, $0x1  }
0x74: {  	[tilespmem:$0x1060] =	vst v2;
	v2 =	vor.u32 v0, v3  }
0x75: {  	s3 =	simm.s32 $0x0;
	[tilespmem:$0x1070] =	vst v2  }
0x76: {  	[tilespmem:s19], [sflag:$0x1] =	stream.indirect.gather [hbm4b:s6+s22], $0x80, s23, s22, $0xb8;
	[tilespmem:$0x1D100] =	vst v63  }
.LBB2_5:
0x77: {  	_ =	swait.ge [sflag:s24], $0x4000  }
0x78: {  	p0 =	seq.s32 s3, $0x0;
	[sflag:s24] =	ssyncset.done $0x0  }
0x79: {  	s13 =	simm.s32 @!p0 $0x4;
	[sflag:s24] =	ssyncadd.s32 $0xFFFFC000  }
0x7a: {  	_ =	swait.ge @!p0 [sflag:s13], $0x4000  }
0x7b: {  	[sflag:s13] =	ssyncset.done @!p0 $0x0  }
0x7c: {  	[sflag:s13] =	ssyncadd.s32 @!p0 $0xFFFFC000;
	s13 =	sshra.s32 s3, $0x2  }
0x7d: {  	v2 =	vld [tilespmem:s13+$0x80];
	_ =	sdelay $0x4  }
0x7e: {  	v2 =	vshll.u32 v2, $0x1  }
0x7f: {  	v2 =	vor.u32 v0, v2  }
0x80: {  	[tilespmem:$0x1080] =	vst v2  }
0x81: {  	v2 =	vld [tilespmem:s13+$0x90];
	_ =	sdelay $0x4  }
0x82: {  	v2 =	vshll.u32 v2, $0x1  }
0x83: {  	v2 =	vor.u32 v0, v2  }
0x84: {  	[tilespmem:$0x1090] =	vst v2  }
0x85: {  	v2 =	vld [tilespmem:s13+$0xA0];
	_ =	sdelay $0x4  }
0x86: {  	v2 =	vshll.u32 v2, $0x1  }
0x87: {  	v2 =	vor.u32 v0, v2  }
0x88: {  	[tilespmem:$0x10A0] =	vst v2  }
0x89: {  	v2 =	vld [tilespmem:s13+$0xB0];
	_ =	sdelay $0x4  }
0x8a: {  	v2 =	vshll.u32 v2, $0x1  }
0x8b: {  	v2 =	vor.u32 v0, v2  }
0x8c: {  	[tilespmem:$0x10B0] =	vst v2  }
0x8d: {  	v2 =	vld [tilespmem:s13+$0xC0];
	_ =	sdelay $0x4  }
0x8e: {  	v2 =	vshll.u32 v2, $0x1  }
0x8f: {  	v2 =	vor.u32 v0, v2  }
0x90: {  	[tilespmem:$0x10C0] =	vst v2  }
0x91: {  	v2 =	vld [tilespmem:s13+$0xD0];
	_ =	sdelay $0x4  }
0x92: {  	v2 =	vshll.u32 v2, $0x1  }
0x93: {  	v2 =	vor.u32 v0, v2  }
0x94: {  	[tilespmem:$0x10D0] =	vst v2  }
0x95: {  	v2 =	vld [tilespmem:s13+$0xE0];
	_ =	sdelay $0x4  }
0x96: {  	v2 =	vshll.u32 v2, $0x1  }
0x97: {  	v2 =	vor.u32 v0, v2  }
0x98: {  	[tilespmem:$0x10E0] =	vst v2  }
0x99: {  	v2 =	vld [tilespmem:s13+$0xF0];
	_ =	sdelay $0x4  }
0x9a: {  	v2 =	vshll.u32 v2, $0x1  }
0x9b: {  	v2 =	vor.u32 v0, v2  }
0x9c: {  	[tilespmem:$0x10F0] =	vst v2  }
0x9d: {  	[tilespmem:s26], [sflag:$0x2] =	stream.indirect.gather [hbm4b:s6+s22], $0x80, s25, s22, $0xb8;
	[tilespmem:$0x1D100] =	vst v63  }
0x9e: {  	s14 =	sadd.s32 $0x800, s13  }
0x9f: {  	[spmem:s1] =	stream.indirect.scatter.add.f32 [tilespmem:s19], [sflag:$0x3], $0x80, s14, s22, $0xb8;
	[tilespmem:$0x1D100] =	vst v63  }
0xa0: {  	p0 =	seq.s32 s3, $0x1C00;
	_ =	swait.ge [sflag:s28], $0x4000  }
.Ltmp5:
0xa1: {  	[sflag:s28] =	ssyncset.done $0x0;
	(pc) =	sbr.rel @p0 .LBB2_7-.Ltmp5, $4  }
0xa2: {  	[sflag:s28] =	ssyncadd.s32 $0xFFFFC000  }
0xa3: {  	_ =	swait.ge [sflag:s29], $0x4000  }
0xa4: {  	[sflag:s29] =	ssyncset.done $0x0  }
0xa5: {  	s14 =	sadd.s32 $0x880, s13;
	[sflag:s29] =	ssyncadd.s32 $0xFFFFC000  }
0xa6: {  	v2 =	vld [tilespmem:s13+$0x100];
	_ =	sdelay $0x4  }
0xa7: {  	v2 =	vshll.u32 v2, $0x1  }
0xa8: {  	v2 =	vor.u32 v0, v2  }
0xa9: {  	[tilespmem:$0x1000] =	vst v2  }
0xaa: {  	v2 =	vld [tilespmem:s13+$0x110];
	_ =	sdelay $0x4  }
0xab: {  	v2 =	vshll.u32 v2, $0x1  }
0xac: {  	v2 =	vor.u32 v0, v2  }
0xad: {  	[tilespmem:$0x1010] =	vst v2  }
0xae: {  	v2 =	vld [tilespmem:s13+$0x120];
	_ =	sdelay $0x4  }
0xaf: {  	v2 =	vshll.u32 v2, $0x1  }
0xb0: {  	v2 =	vor.u32 v0, v2  }
0xb1: {  	[tilespmem:$0x1020] =	vst v2  }
0xb2: {  	v2 =	vld [tilespmem:s13+$0x130];
	_ =	sdelay $0x4  }
0xb3: {  	v2 =	vshll.u32 v2, $0x1  }
0xb4: {  	v2 =	vor.u32 v0, v2  }
0xb5: {  	[tilespmem:$0x1030] =	vst v2  }
0xb6: {  	v2 =	vld [tilespmem:s13+$0x140];
	_ =	sdelay $0x4  }
0xb7: {  	v2 =	vshll.u32 v2, $0x1  }
0xb8: {  	v2 =	vor.u32 v0, v2  }
0xb9: {  	[tilespmem:$0x1040] =	vst v2  }
0xba: {  	v2 =	vld [tilespmem:s13+$0x150];
	_ =	sdelay $0x4  }
0xbb: {  	v2 =	vshll.u32 v2, $0x1  }
0xbc: {  	v2 =	vor.u32 v0, v2  }
0xbd: {  	[tilespmem:$0x1050] =	vst v2  }
0xbe: {  	v2 =	vld [tilespmem:s13+$0x160];
	_ =	sdelay $0x4  }
0xbf: {  	v2 =	vshll.u32 v2, $0x1  }
0xc0: {  	v2 =	vor.u32 v0, v2  }
0xc1: {  	[tilespmem:$0x1060] =	vst v2  }
0xc2: {  	v2 =	vld [tilespmem:s13+$0x170];
	_ =	sdelay $0x4  }
0xc3: {  	v2 =	vshll.u32 v2, $0x1  }
.Ltmp6:
0xc4: {  	v2 =	vor.u32 v0, v2;
	(pc) =	sbr.rel .LBB2_5-.Ltmp6, $4  }
0xc5: {  	[tilespmem:$0x1070] =	vst v2  }
0xc6: {  	[tilespmem:s19], [sflag:$0x1] =	stream.indirect.gather [hbm4b:s6+s22], $0x80, s23, s22, $0xb8;
	[tilespmem:$0x1D100] =	vst v63  }
0xc7: {  	s3 =	sadd.s32 $0x400, s3  }
0xc8: {  	[spmem:s1] =	stream.indirect.scatter.add.f32 [tilespmem:s26], [sflag:$0x4], $0x80, s14, s22, $0xb8;
	[tilespmem:$0x1D100] =	vst v63  }
.LBB2_9:
0xc9: {  	_ =	sfence.sel $0x180000  }
0xca: {  	[bflag:$0x0] =	sbarrier.arrive $0xFFFF  }
0xcb: {  	_ =	strace $0x9000004A  }
0xcc: {  	s0 =	stileid.u32;
	[bflag:$0x2] =	sbarrier.arrive $0xFFFF  }
0xcd: {  	p0 =	sne.s32 s0, $0x0;
	s0 =	rddreg [dreg:$0x2]  }
0xce: {  	s0 =	sadd.s32 @!p0 $0x100000, s0  }
0xcf: {  	[sflag:s0] =	ssyncadd.tile.s32 @!p0 $0x1;
	_ =	shalt  }
.Lfunc_end2:
_tile_overlayer_lowered:
.L_overlay_start_2:
0xd0: {  	(tag) =	ssettag $0x2  }
0xd1: {  	s0 =	rddreg [dreg:$0x0];
	s2 =	stileid.u32  }
0xd2: {  	s1 =	rddreg [dreg:$0x1];
	p0 =	sne.s32 s2, $0x0  }
0xd3: {  	s3 =	rddreg [dreg:$0x2];
	[bflag:$0x3] =	sbarrier.arrive $0xFFFF;
	s2 =	simm.s32 @!p0 $0x1C05  }
0xd4: {  	[timem:s3], [sflag:s2] =	dma.local @!p0 [hbm:s0], s1  }
0xd5: {  	s0 =	simm.s32 @!p0 $0x5  }
0xd6: {  	_ =	swait.ge @!p0 [sflag:s0], s1  }
0xd7: {  	s1 =	ssub.s32 @!p0 $0x0, s1;
	[sflag:s0] =	ssyncset.done @!p0 $0x0  }
0xd8: {  	[sflag:s0] =	ssyncadd.s32 @!p0 s1  }
0xd9: {  	[bflag:$0x3] =	sbarrier.arrive $0xFFFF  }
0xda: {  	_ =	shalt  }

// kernel: kernel.16.cloned.1.call-start
scs
__scs_entry_jumppad:
0x0: {  	(pc) =	sbr.rel $0x88, $3  }
0x1: {  	(tag) =	ssettag $0x0;
	lr =	simm.s32 $0x1  }
0x2: {  	[smem:$0x3F8F] =	sst lr;
	_ =	strace $0xD0000000  }
0x3: {  	_ = 	snop  }
0x4: {  	_ = 	snop  }
0x5: {  	_ = 	snop  }
0x6: {  	_ = 	snop  }
0x7: {  	_ = 	snop  }
__scs_overlays_trampoline_lowered:
0x8: {  	[smem:$0x3F9E] =	sst s0  }
0x9: {  	[smem:$0x3F9F] =	sst s1  }
0xa: {  	[smem:$0x3FA0] =	sst s2  }
0xb: {  	[smem:$0x3FA1] =	sst s3  }
0xc: {  	[smem:$0x3FA2] =	sst s4  }
0xd: {  	[smem:$0x3FA3] =	sst s5  }
0xe: {  	[smem:$0x3FA4] =	sst s6  }
0xf: {  	[smem:$0x3FA5] =	sst s7  }
0x10: {  	[smem:$0x3FA6] =	sst s8  }
0x11: {  	[smem:$0x3FA7] =	sst s9;
	s0 =	simm.s32 @!p0 $0x0  }
0x12: {  	s1 =	sld [smem:$0x3F8D];
	s0 =	simm.s32 @p0 $0x1  }
0x13: {  	[smem:$0x3FA8] =	sst s0;
	s0 =	simm.s32 @!p1 $0x0  }
0x14: {  	s2 =	sld [smem:$0x3F8C];
	s0 =	simm.s32 @p1 $0x1  }
0x15: {  	[smem:$0x3FA9] =	sst s0;
	s0 =	simm.s32 @!p2 $0x0  }
0x16: {  	s3 =	sld [smem:$0x3FDB];
	s0 =	simm.s32 @p2 $0x1  }
0x17: {  	s4 =	simm.s32 $0x1BF5;
	[smem:$0x3FAB] =	sst s0  }
0x18: {  	s0 =	sld [smem:$0x3F8E];
	_ =	swait.ge [sflag:s4], $0x0  }
0x19: {  	s7 =	sld [smem:$0x3F8F]  }
0x1a: {  	s8 =	sadd.s32 $0xFFFFE003, lr  }
0x1b: {  	s9 =	sadd.s32 $0xFFFFFEF7, lr;
	s5 =	simm.s32 $0xFFFFFFFF;
	p2 =	slt.u32 s8, $0xFFFFF086  }
0x1c: {  	p1 =	slt.u32 s9, $0xF7A;
	s5 =	simm.s32 @!p2 $0x0  }
0x1d: {  	s5 =	simm.s32 @p1 $0x1;
	p0 =	seq.s32 s7, s2  }
0x1e: {  	s7 =	smul.u32 @!p0 $0xF7A, s2;
	p2 =	seq.s32 @!p0 s5, $0x0  }
0x1f: {  	s9 =	smul.u32 $0xF7A, s1;
	s8 =	simm.s32 @!p0 $0x1BF5;
	p2 =	por !p2, p0  }
0x20: {  	[sflag:s8] =	ssyncset.s32 @!p0 $0xFFFFF086;
	s6 =	sadd.s32 @!p0 s3, s7;
	s7 =	simm.s32 @!p0 $0x108  }
0x21: {  	s3 =	sadd.s32 s3, s9;
	s6 =	sadd.s32 @!p0 $0x88, s6;
	s7 =	simm.s32 @p2 $0x1082  }
0x22: {  	[simem:s7], [sflag:s8] =	dma.local @!p0 [hbm:s6], $0xF7A  }
0x23: {  	s9 =	sor.u32 $0xD0000000, s2;
	s6 =	simm.s32 $0x108;
	_ =	swait.ge @!p0 [sflag:s8], $0x0  }
0x24: {  	s3 =	sadd.s32 $0x88, s3;
	s6 =	simm.s32 @!p1 $0x1082;
	[sflag:s4] =	ssyncset.s32 $0xFFFFF086  }
0x25: {  	[simem:s6], [sflag:s4] =	dma.local [hbm:s3], $0xF7A  }
0x26: {  	[smem:$0x3F8F] =	sst s1;
	(tag) =	ssettag s2;
	_ =	strace s9  }
0x27: {  	s1 =	sld [smem:$0x3F9F]  }
0x28: {  	s2 =	sld [smem:$0x3FA0]  }
0x29: {  	s4 =	sld [smem:$0x3FA2]  }
0x2a: {  	p0 =	seq.s32 s5, $0x0;
	s5 =	sld [smem:$0x3FA3]  }
0x2b: {  	s6 =	sld [smem:$0x3FA4]  }
0x2c: {  	s7 =	sld [smem:$0x3FA5]  }
0x2d: {  	s3 =	simm.s32 $0x108;
	s8 =	sld [smem:$0x3FA6]  }
0x2e: {  	s3 =	simm.s32 @!p0 $0x1082;
	s9 =	sld [smem:$0x3FA7]  }
0x2f: {  	lr =	sadd.s32 s0, s3;
	s0 =	sld [smem:$0x3F9E]  }
0x30: {  	s3 =	sld [smem:$0x3FA1]  }
0x31: {  	[smem:$0x3FAA] =	sst s10  }
0x32: {  	s10 =	sld [smem:$0x3FA8];
	_ =	sdelay $0x3  }
0x33: {  	p0 =	seq.s32 s10, $0x1;
	s10 =	sld [smem:$0x3FAA];
	_ =	sdelay $0x3  }
0x34: {  	[smem:$0x3FAA] =	sst s10  }
0x35: {  	s10 =	sld [smem:$0x3FA9];
	_ =	sdelay $0x3  }
0x36: {  	p1 =	seq.s32 s10, $0x1;
	s10 =	sld [smem:$0x3FAA];
	_ =	sdelay $0x3  }
0x37: {  	[smem:$0x3FAA] =	sst s10  }
0x38: {  	s10 =	sld [smem:$0x3FAB]  }
0x39: {  	_ = 	snop;
	(pc) =	sbr.ind lr, $3  }
0x3a: {  	_ = 	snop  }
0x3b: {  	_ = 	snop  }
0x3c: {  	p2 =	seq.s32 s10, $0x1;
	s10 =	sld [smem:$0x3FAA]  }
0x3d: {  	_ =	shalt  }
0x3e: {  	_ =	shalt  }
0x3f: {  	_ =	shalt  }
0x40: {  	_ =	shalt  }
0x41: {  	_ =	shalt  }
0x42: {  	_ =	shalt  }
0x43: {  	_ =	shalt  }
0x44: {  	_ =	shalt  }
0x45: {  	_ =	shalt  }
0x46: {  	_ =	shalt  }
0x47: {  	_ =	shalt  }
0x48: {  	_ =	shalt  }
0x49: {  	_ =	shalt  }
0x4a: {  	_ =	shalt  }
0x4b: {  	_ =	shalt  }
0x4c: {  	_ =	shalt  }
0x4d: {  	_ =	shalt  }
0x4e: {  	_ =	shalt  }
0x4f: {  	_ =	shalt  }
0x50: {  	_ =	shalt  }
0x51: {  	_ =	shalt  }
0x52: {  	_ =	shalt  }
0x53: {  	_ =	shalt  }
0x54: {  	_ =	shalt  }
0x55: {  	_ =	shalt  }
0x56: {  	_ =	shalt  }
0x57: {  	_ =	shalt  }
0x58: {  	_ =	shalt  }
0x59: {  	_ =	shalt  }
0x5a: {  	_ =	shalt  }
0x5b: {  	_ =	shalt  }
0x5c: {  	_ =	shalt  }
0x5d: {  	_ =	shalt  }
0x5e: {  	_ =	shalt  }
0x5f: {  	_ =	shalt  }
0x60: {  	_ =	shalt  }
0x61: {  	_ =	shalt  }
0x62: {  	_ =	shalt  }
0x63: {  	_ =	shalt  }
0x64: {  	_ =	shalt  }
0x65: {  	_ =	shalt  }
0x66: {  	_ =	shalt  }
0x67: {  	_ =	shalt  }
0x68: {  	_ =	shalt  }
0x69: {  	_ =	shalt  }
0x6a: {  	_ =	shalt  }
0x6b: {  	_ =	shalt  }
0x6c: {  	_ =	shalt  }
0x6d: {  	_ =	shalt  }
0x6e: {  	_ =	shalt  }
0x6f: {  	_ =	shalt  }
0x70: {  	_ =	shalt  }
0x71: {  	_ =	shalt  }
0x72: {  	_ =	shalt  }
0x73: {  	_ =	shalt  }
0x74: {  	_ =	shalt  }
0x75: {  	_ =	shalt  }
0x76: {  	_ =	shalt  }
0x77: {  	_ =	shalt  }
0x78: {  	_ =	shalt  }
0x79: {  	_ =	shalt  }
0x7a: {  	_ =	shalt  }
0x7b: {  	_ =	shalt  }
0x7c: {  	_ =	shalt  }
0x7d: {  	_ =	shalt  }
0x7e: {  	_ =	shalt  }
0x7f: {  	_ =	shalt  }
0x80: {  	_ =	shalt  }
0x81: {  	_ =	shalt  }
0x82: {  	_ =	shalt  }
0x83: {  	_ =	shalt  }
0x84: {  	_ =	shalt  }
0x85: {  	_ =	shalt  }
0x86: {  	_ =	shalt  }
0x87: {  	_ =	shalt  }
.Lfunc_end0:
.L_simem_size_0:
called_computation.2_lowered:
.L_overlay_start_0:
0x88: {  	s2 =	sld [smem:$0x3FD9]  }
0x89: {  	s3 =	sld [smem:$0x3FFE];
	_ =	sdelay $0x1  }
0x8a: {  	s1 =	srdreg.scid  }
0x8b: {  	s0 =	sand.u32 $0x1, s1  }
0x8c: {  	s16 =	sshll.u32 s0, $0xA;
	s2 =	sadd.s32 s3, s2  }
0x8d: {  	s2 =	sadd.s32 s2, s16  }
0x8e: {  	[smem:$0x3FB6] =	sst s2  }
0x8f: {  	_ = 	snop  }
0x90: {  	(tm) =	ssettm $0x1  }
0x91: {  	s17 =	sld [smem:$0x3FFB];
	_ =	sdelay $0x3  }
0x92: {  	_ =	strace s17  }
0x93: {  	s2 =	sld [smem:$0x3FFC];
	_ =	sdelay $0x3  }
0x94: {  	_ =	strace s2  }
0x95: {  	s2 =	sld [smem:$0x3FFD];
	_ =	sdelay $0x3  }
0x96: {  	_ =	strace s2  }
0x97: {  	_ =	strace $0x8FFFFFFF  }
0x98: {  	s18 =	sld [smem:$0x3FDB];
	_ =	sdelay $0x1  }
0x99: {  	s19 =	simm.s32 $_scs_section_size  }
0x9a: {  	s4 =	simm.s32 $_size__tile_overlayer_lowered;
	s5 =	simm.s32 $_tile_overlayer_lowered  }
0x9b: {  	s22 =	simm.s32 $0x1BFF;
	s21 =	sshll.u32 s5, $0x1;
	s2 =	sadd.s32 s19, s18  }
0x9c: {  	s6 =	simm.s32 $0x0;
	s20 =	sshll.u32 s4, $0x1;
	s4 =	sadd.s32 s21, s2  }
0x9d: {  	[timem:s6], [sflag:s22] =	dma.local [hbm:s4], s20  }
0x9e: {  	_ =	swait.ge [sflag:s22], s20  }
0x9f: {  	s3 =	ssub.s32 $0x0, s20;
	[sflag:s22] =	ssyncset.done $0x0  }
0xa0: {  	[sflag:s22] =	ssyncadd.s32 s3;
	_ =	sdelay $0x1  }
0xa1: {  	s23 =	simm.s32 $0x1B8B  }
0xa2: {  	_ =	swait.ge [sflag:s23], $0x1  }
0xa3: {  	[sflag:s23] =	ssyncset.done $0x0  }
0xa4: {  	s25 =	simm.s32 $0x1B8E;
	s24 =	sld [smem:$0x3FFE];
	[sflag:s23] =	ssyncadd.s32 $0xFFFFFFFF  }
0xa5: {  	s26 =	simm.s32 $execute0_lowered;
	[smem:$0x3FD2] =	sst s25  }
0xa6: {  	s4 =	sshll.u32 s26, $0x1;
	_ =	strace $0x8000004C;
	[dreg:$0x1] =	wrdreg $0xFFFFFFFF  }
0xa7: {  	s28 =	simm.s32 $_size_execute0_lowered;
	s2 =	sadd.s32 s2, s4;
	[dreg:$0x0] =	wrdreg $0x0  }
0xa8: {  	s4 =	sshll.u32 s28, $0x1;
	[dreg:$0x2] =	wrdreg s2  }
0xa9: {  	[dreg:$0x3] =	wrdreg s4  }
0xaa: {  	[dreg:$0x4] =	wrdreg $0xC0  }
0xab: {  	_ =	task [dreg:s6], $0x5FFFF  }
0xac: {  	[dreg:$0x1] =	wrdreg $0xFFFFFFFF  }
0xad: {  	[dreg:$0x0] =	wrdreg $0x60  }
0xae: {  	[dreg:$0x2] =	wrdreg s24  }
0xaf: {  	[dreg:$0x3] =	wrdreg $0x91000  }
0xb0: {  	[dreg:$0x4] =	wrdreg $0x9  }
0xb1: {  	_ =	task.clear_ibuf [dreg:s6], $0x5FFFF;
	_ =	strace $0x9000004C  }
0xb2: {  	s29 =	simm.s32 $0x9;
	_ =	strace $0x8000004E  }
0xb3: {  	_ =	swait.ge [sflag:s29], $0x1  }
0xb4: {  	[sflag:s29] =	ssyncadd.s32 $0xFFFFFFFF  }
0xb5: {  	_ =	strace $0x9000004E  }
0xb6: {  	_ =	sfence  }
0xb7: {  	s30 =	sld [smem:$0x0];
	_ =	sdelay $0x2  }
0xb8: {  	s31 =	sshll.u32 s1, $0xD;
	s1 =	sshrl.u32 s1, $0x2  }
0xb9: {  	s3 =	sand.u32 $0x4000, s31;
	s1 =	sadd.s32 s1, s30  }
0xba: {  	s0 =	sor.u32 s3, s0;
	s1 =	sshll.u32 s1, $0x11  }
0xbb: {  	s0 =	sor.u32 s1, s0  }
0xbc: {  	s0 =	sadd.s32 $0x8F2B, s0  }
0xbd: {  	[sflag:s0] =	ssyncadd.remote.s32 $0x1  }
0xbe: {  	_ =	sfence.sel $0xFFFF  }
0xbf: {  	[dreg:$0x0] =	wrdreg $0xFFFFFFFF;
	(pc) =	sbr.abs _section_cstart, $3  }
0xc0: {  	[dreg:$0x1] =	wrdreg $0xFFFFFFFF  }
0xc1: {  	_ =	task.clear_ibuf [dreg:s6], $0x2FFFF;
	_ =	strace $0x9FFFFFFF  }
0xc2: {  	(tm) =	ssettm $0x7FFFFFFF  }
0xc3: {  	_ =	shalt  }
tec
execute0_lowered:
.L_overlay_start_1:
0x0: {  	(tag) =	ssettag $0x1  }
0x1: {  	s0 =	rddreg [dreg:$0x0]  }
0x2: {  	s1 =	rddreg [dreg:$0x1];
	s2 =	simm.s32 $0x0  }
0x3: {  	s3 =	srdreg.scid;
	s20 =	stileid.u32;
	s21 =	simm.s32 $0x800  }
0x4: {  	s22 =	simm.s32 $0x80;
	s23 =	simm.s32 $0x1000;
	s28 =	simm.s32 $0x2  }
0x5: {  	s29 =	simm.s32 $0x3;
	s30 =	simm.s32 $0x4;
	s31 =	simm.s32 $0x0  }
0x6: {  	[smem:$0x7FF] =	sst s2;
	s4 =	sadd.s32 $0x68400, s0;
	s5 =	sadd.s32 $0x5E400, s0  }
0x7: {  	s3 =	sand.u32 $0x1, s3;
	s7 =	smul.u32 $0x50000, s20;
	s6 =	sadd.s32 $0xC2400, s0  }
0x8: {  	s11 =	smul.u32 $0x14000, s20;
	s0 =	sadd.s32 $0x112400, s0;
	s8 =	ssub.s32 $0x2, s3  }
0x9: {  	_ =	strace $0x8000004D;
	s16 =	smul.u32 $0x140000, s3;
	s9 =	sshrl.u32 s8, $0x1  }
0xa: {  	s7 =	sshrl.u32 s7, $0x2;
	s12 =	sadd.s32 $0x4000, s11;
	s14 =	sadd.s32 $0x8000, s11  }
0xb: {  	s15 =	sadd.s32 $0xC000, s11;
	s17 =	sadd.s32 $0x10000, s11;
	s13 =	ssub.s32 s8, s9  }
0xc: {  	s7 =	sadd.s32 s7, s1;
	s8 =	sadd.s32 s12, s1;
	s9 =	sadd.s32 s14, s1  }
0xd: {  	s10 =	sadd.s32 s15, s1;
	s18 =	sadd.s32 s11, s16;
	s12 =	sadd.s32 s16, s12  }
0xe: {  	s11 =	sadd.s32 s17, s1;
	s14 =	sadd.s32 s16, s14;
	s15 =	sadd.s32 s16, s15  }
0xf: {  	s16 =	sadd.s32 s16, s17;
	s18 =	sshrl.u32 s18, $0x3;
	s19 =	sshrl.u32 s12, $0x3  }
0x10: {  	s12 =	smul.u32 $0x5000, s20;
	s14 =	sshrl.u32 s14, $0x3;
	s25 =	sshrl.u32 s15, $0x3  }
.Ltmp0:
0x11: {  	s26 =	sshrl.u32 s16, $0x3;
	s20 =	simm.s32 $0x5;
	(pc) =	sbr.rel .LBB2_1-.Ltmp0, $4  }
0x12: {  	s18 =	sadd.s32 s0, s18;
	s24 =	sadd.s32 s0, s19;
	s15 =	sadd.s32 s0, s14  }
0x13: {  	s16 =	sadd.s32 s0, s25;
	s17 =	sadd.s32 s0, s26;
	s19 =	simm.s32 $0x1100  }
0x14: {  	s25 =	simm.s32 $0x1080;
	s26 =	simm.s32 $0x5100;
	[dreg:$0x3] =	wrdreg s18  }
0x15: {  	v1 =	vimm.f32 $0.0e+00;
	v0 =	vmov s3;
	[dreg:$0x4] =	wrdreg s24;
	s18 =	smax.u32 s13, $0x1;
	s24 =	simm.s32 $0x1  }
.LBB2_8:
0x16: {  	s0 =	stileid.u32  }
0x17: {  	[bflag:$0x0] =	sbarrier.arrive $0xFFFF;
	s0 =	sshll.u32 s0, $0x6  }
0x18: {  	s3 =	sshrl.u32 s7, $0x3;
	s13 =	rddreg [dreg:$0x3];
	s0 =	sor.u32 $0x1C05, s0  }
0x19: {  	[hbm:s13], [sflag:s0] =	dma.local [spmem:s3], $0x800  }
0x1a: {  	_ =	swait.ge [sflag:s20], $0x800  }
0x1b: {  	[sflag:s20] =	ssyncset.done $0x0  }
0x1c: {  	s13 =	sshrl.u32 s8, $0x3;
	s14 =	rddreg [dreg:$0x4];
	[sflag:s20] =	ssyncadd.s32 $0xFFFFF800  }
0x1d: {  	[hbm:s14], [sflag:s0] =	dma.local [spmem:s13], $0x800  }
0x1e: {  	_ =	swait.ge [sflag:s20], $0x800  }
0x1f: {  	[sflag:s20] =	ssyncset.done $0x0  }
0x20: {  	s14 =	sshrl.u32 s9, $0x3;
	[sflag:s20] =	ssyncadd.s32 $0xFFFFF800  }
0x21: {  	[hbm:s15], [sflag:s0] =	dma.local [spmem:s14], $0x800  }
0x22: {  	_ =	swait.ge [sflag:s20], $0x800  }
0x23: {  	[sflag:s20] =	ssyncset.done $0x0  }
0x24: {  	s13 =	sshrl.u32 s10, $0x3;
	[sflag:s20] =	ssyncadd.s32 $0xFFFFF800  }
0x25: {  	[hbm:s16], [sflag:s0] =	dma.local [spmem:s13], $0x800  }
0x26: {  	s2 =	sadd.s32 $0x1, s2;
	_ =	swait.ge [sflag:s20], $0x800  }
0x27: {  	p0 =	sne.s32 s2, s18;
	[sflag:s20] =	ssyncset.done $0x0  }
.Ltmp1:
0x28: {  	s14 =	sshrl.u32 s11, $0x3;
	[sflag:s20] =	ssyncadd.s32 $0xFFFFF800;
	(pc) =	sbr.rel @!p0 .LBB2_9-.Ltmp1, $4  }
0x29: {  	[hbm:s17], [sflag:s0] =	dma.local [spmem:s14], $0x800  }
0x2a: {  	_ =	swait.ge [sflag:s20], $0x800  }
0x2b: {  	[sflag:s20] =	ssyncset.done $0x0  }
0x2c: {  	[sflag:s20] =	ssyncadd.s32 $0xFFFFF800  }
.LBB2_1:
0x2d: {  	s0 =	simm.s32 $0x0;
	s3 =	simm.s32 $0x200  }
.LBB2_2:
0x2e: {  	p0 =	sne.s32 s3, $0xFE00;
	[tilespmem:s0+$0x1170] =	vst v1  }
0x2f: {  	[tilespmem:s0+$0x1100] =	vst v1  }
0x30: {  	[tilespmem:s0+$0x1110] =	vst v1  }
.Ltmp2:
0x31: {  	[tilespmem:s0+$0x1120] =	vst v1;
	(pc) =	sbr.rel @p0 .LBB2_2-.Ltmp2, $4  }
0x32: {  	[tilespmem:s0+$0x1130] =	vst v1  }
0x33: {  	[tilespmem:s0+$0x1140] =	vst v1  }
0x34: {  	[tilespmem:s0+$0x1150] =	vst v1  }
0x35: {  	[tilespmem:s0+$0x1160] =	vst v1;
	s0 =	sshra.s32 s3, $0x2;
	s3 =	sadd.s32 $0x200, s3  }
0x36: {  	[tilespmem:s0+$0x1170] =	vst v1  }
0x37: {  	[tilespmem:s0+$0x1100] =	vst v1  }
0x38: {  	[tilespmem:s0+$0x1110] =	vst v1  }
0x39: {  	[tilespmem:s0+$0x1120] =	vst v1  }
0x3a: {  	[tilespmem:s0+$0x1130] =	vst v1  }
0x3b: {  	[tilespmem:s0+$0x1140] =	vst v1  }
0x3c: {  	[tilespmem:s0+$0x1150] =	vst v1  }
0x3d: {  	[tilespmem:s0+$0x1160] =	vst v1  }
0x3e: {  	[spmem:s7] =	stream.linear.scatter [tilespmem:s19], [sflag:$0x5], $0x4000, $0x38;
	[tilespmem:$0x1D100] =	vst v63  }
0x3f: {  	_ =	swait.ge [sflag:s20], $0x4000  }
0x40: {  	[sflag:s20] =	ssyncset.done $0x0  }
0x41: {  	[sflag:s20] =	ssyncadd.s32 $0xFFFFC000  }
0x42: {  	[spmem:s8] =	stream.linear.scatter [tilespmem:s19], [sflag:$0x5], $0x4000, $0x38;
	[tilespmem:$0x1D100] =	vst v63  }
0x43: {  	_ =	swait.ge [sflag:s20], $0x4000  }
0x44: {  	[sflag:s20] =	ssyncset.done $0x0  }
0x45: {  	[sflag:s20] =	ssyncadd.s32 $0xFFFFC000  }
0x46: {  	[spmem:s9] =	stream.linear.scatter [tilespmem:s19], [sflag:$0x5], $0x4000, $0x38;
	[tilespmem:$0x1D100] =	vst v63  }
0x47: {  	_ =	swait.ge [sflag:s20], $0x4000  }
0x48: {  	[sflag:s20] =	ssyncset.done $0x0  }
0x49: {  	[sflag:s20] =	ssyncadd.s32 $0xFFFFC000  }
0x4a: {  	[spmem:s10] =	stream.linear.scatter [tilespmem:s19], [sflag:$0x5], $0x4000, $0x38;
	[tilespmem:$0x1D100] =	vst v63  }
0x4b: {  	_ =	swait.ge [sflag:s20], $0x4000  }
0x4c: {  	[sflag:s20] =	ssyncset.done $0x0  }
0x4d: {  	[sflag:s20] =	ssyncadd.s32 $0xFFFFC000  }
0x4e: {  	[spmem:s11] =	stream.linear.scatter [tilespmem:s19], [sflag:$0x5], $0x4000, $0x38;
	[tilespmem:$0x1D100] =	vst v63  }
.Ltmp3:
0x4f: {  	_ =	swait.ge [sflag:s20], $0x4000;
	(pc) =	sbr.rel .LBB2_4-.Ltmp3, $4  }
0x50: {  	[sflag:s20] =	ssyncset.done $0x0  }
0x51: {  	[sflag:s20] =	ssyncadd.s32 $0xFFFFC000  }
0x52: {  	[bflag:$0x0] =	sbarrier.arrive $0xFFFF  }
0x53: {  	s0 =	simm.s32 $0x0  }
.LBB2_7:
0x54: {  	s0 =	sadd.s32 $0x1, s0  }
0x55: {  	p0 =	sne.s32 s0, $0xA  }
.Ltmp4:
0x56: {  	_ = 	snop;
	(pc) =	sbr.rel @!p0 .LBB2_8-.Ltmp4, $4  }
0x57: {  	[spmem:s1] =	stream.indirect.scatter.add.f32 [tilespmem:s26], [sflag:$0x4], $0x80, s14, s22, $0xb8;
	[tilespmem:$0x1D100] =	vst v63  }
0x58: {  	_ =	swait.ge [sflag:s30], $0x4000  }
0x59: {  	[sflag:s30] =	ssyncset.done $0x0  }
0x5a: {  	[sflag:s30] =	ssyncadd.s32 $0xFFFFC000  }
.LBB2_4:
0x5b: {  	s3 =	sshll.u32 s0, $0xB  }
0x5c: {  	s3 =	sadd.s32 s12, s3  }
0x5d: {  	s3 =	sshrl.u32 s3, $0x3  }
0x5e: {  	s13 =	sadd.s32 s4, s3  }
0x5f: {  	[tilespmem:s31], [sflag:$0x5] =	stream.linear.gather [hbm4b:s13+s31], $0x800, $0x38;
	[tilespmem:$0x1D100] =	vst v63  }
0x60: {  	_ =	swait.ge [sflag:s20], $0x800  }
0x61: {  	[sflag:s20] =	ssyncset.done $0x0  }
0x62: {  	s3 =	sadd.s32 s5, s3;
	[sflag:s20] =	ssyncadd.s32 $0xFFFFF800  }
0x63: {  	[tilespmem:s21], [sflag:$0x5] =	stream.linear.gather [hbm4b:s3+s31], $0x800, $0x38;
	[tilespmem:$0x1D100] =	vst v63  }
0x64: {  	_ =	swait.ge [sflag:s20], $0x800  }
0x65: {  	[sflag:s20] =	ssyncset.done $0x0  }
0x66: {  	[sflag:s20] =	ssyncadd.s32 $0xFFFFF800  }
0x67: {  	v2 =	vld [tilespmem:$0x0]  }
0x68: {  	v3 =	vld [tilespmem:$0x10]  }
0x69: {  	v4 =	vld [tilespmem:$0x20]  }
0x6a: {  	v5 =	vld [tilespmem:$0x30]  }
0x6b: {  	v6 =	vld [tilespmem:$0x40]  }
0x6c: {  	v7 =	vld [tilespmem:$0x50];
	v2 =	vshll.u32 v2, $0x1  }
0x6d: {  	v8 =	vld [tilespmem:$0x60];
	v3 =	vshll.u32 v3, $0x1;
	v2 =	vor.u32 v0, v2  }
0x6e: {  	v63 =	vld [tilespmem:$0x70];
	[tilespmem:$0x1000] =	vst v2;
	v2 =	vor.u32 v0, v3;
	v3 =	vshll.u32 v4, $0x1  }
0x6f: {  	[tilespmem:$0x1010] =	vst v2;
	v2 =	vor.u32 v0, v3;
	v3 =	vshll.u32 v5, $0x1  }
0x70: {  	[tilespmem:$0x1020] =	vst v2;
	v2 =	vor.u32 v0, v3;
	v3 =	vshll.u32 v6, $0x1  }
0x71: {  	[tilespmem:$0x1030] =	vst v2;
	v2 =	vor.u32 v0, v3;
	v3 =	vshll.u32 v7, $0x1  }
0x72: {  	[tilespmem:$0x1040] =	vst v2;
	v2 =	vor.u32 v0, v3;
	v3 =	vshll.u32 v8, $0x1  }
0x73: {  	[tilespmem:$0x1050] =	vst v2;
	v2 =	vor.u32 v0, v3;
	v3 =	vshll.u32 v63, $0x1  }
0x74: {  	[tilespmem:$0x1060] =	vst v2;
	v2 =	vor.u32 v0, v3  }
0x75: {  	s3 =	simm.s32 $0x0;
	[tilespmem:$0x1070] =	vst v2  }
0x76: {  	[tilespmem:s19], [sflag:$0x1] =	stream.indirect.gather [hbm4b:s6+s22], $0x80, s23, s22, $0xb8;
	[tilespmem:$0x1D100] =	vst v63  }
.LBB2_5:
0x77: {  	_ =	swait.ge [sflag:s24], $0x4000  }
0x78: {  	p0 =	seq.s32 s3, $0x0;
	[sflag:s24] =	ssyncset.done $0x0  }
0x79: {  	s13 =	simm.s32 @!p0 $0x4;
	[sflag:s24] =	ssyncadd.s32 $0xFFFFC000  }
0x7a: {  	_ =	swait.ge @!p0 [sflag:s13], $0x4000  }
0x7b: {  	[sflag:s13] =	ssyncset.done @!p0 $0x0  }
0x7c: {  	[sflag:s13] =	ssyncadd.s32 @!p0 $0xFFFFC000;
	s13 =	sshra.s32 s3, $0x2  }
0x7d: {  	v2 =	vld [tilespmem:s13+$0x80];
	_ =	sdelay $0x4  }
0x7e: {  	v2 =	vshll.u32 v2, $0x1  }
0x7f: {  	v2 =	vor.u32 v0, v2  }
0x80: {  	[tilespmem:$0x1080] =	vst v2  }
0x81: {  	v2 =	vld [tilespmem:s13+$0x90];
	_ =	sdelay $0x4  }
0x82: {  	v2 =	vshll.u32 v2, $0x1  }
0x83: {  	v2 =	vor.u32 v0, v2  }
0x84: {  	[tilespmem:$0x1090] =	vst v2  }
0x85: {  	v2 =	vld [tilespmem:s13+$0xA0];
	_ =	sdelay $0x4  }
0x86: {  	v2 =	vshll.u32 v2, $0x1  }
0x87: {  	v2 =	vor.u32 v0, v2  }
0x88: {  	[tilespmem:$0x10A0] =	vst v2  }
0x89: {  	v2 =	vld [tilespmem:s13+$0xB0];
	_ =	sdelay $0x4  }
0x8a: {  	v2 =	vshll.u32 v2, $0x1  }
0x8b: {  	v2 =	vor.u32 v0, v2  }
0x8c: {  	[tilespmem:$0x10B0] =	vst v2  }
0x8d: {  	v2 =	vld [tilespmem:s13+$0xC0];
	_ =	sdelay $0x4  }
0x8e: {  	v2 =	vshll.u32 v2, $0x1  }
0x8f: {  	v2 =	vor.u32 v0, v2  }
0x90: {  	[tilespmem:$0x10C0] =	vst v2  }
0x91: {  	v2 =	vld [tilespmem:s13+$0xD0];
	_ =	sdelay $0x4  }
0x92: {  	v2 =	vshll.u32 v2, $0x1  }
0x93: {  	v2 =	vor.u32 v0, v2  }
0x94: {  	[tilespmem:$0x10D0] =	vst v2  }
0x95: {  	v2 =	vld [tilespmem:s13+$0xE0];
	_ =	sdelay $0x4  }
0x96: {  	v2 =	vshll.u32 v2, $0x1  }
0x97: {  	v2 =	vor.u32 v0, v2  }
0x98: {  	[tilespmem:$0x10E0] =	vst v2  }
0x99: {  	v2 =	vld [tilespmem:s13+$0xF0];
	_ =	sdelay $0x4  }
0x9a: {  	v2 =	vshll.u32 v2, $0x1  }
0x9b: {  	v2 =	vor.u32 v0, v2  }
0x9c: {  	[tilespmem:$0x10F0] =	vst v2  }
0x9d: {  	[tilespmem:s26], [sflag:$0x2] =	stream.indirect.gather [hbm4b:s6+s22], $0x80, s25, s22, $0xb8;
	[tilespmem:$0x1D100] =	vst v63  }
0x9e: {  	s14 =	sadd.s32 $0x800, s13  }
0x9f: {  	[spmem:s1] =	stream.indirect.scatter.add.f32 [tilespmem:s19], [sflag:$0x3], $0x80, s14, s22, $0xb8;
	[tilespmem:$0x1D100] =	vst v63  }
0xa0: {  	p0 =	seq.s32 s3, $0x1C00;
	_ =	swait.ge [sflag:s28], $0x4000  }
.Ltmp5:
0xa1: {  	[sflag:s28] =	ssyncset.done $0x0;
	(pc) =	sbr.rel @p0 .LBB2_7-.Ltmp5, $4  }
0xa2: {  	[sflag:s28] =	ssyncadd.s32 $0xFFFFC000  }
0xa3: {  	_ =	swait.ge [sflag:s29], $0x4000  }
0xa4: {  	[sflag:s29] =	ssyncset.done $0x0  }
0xa5: {  	s14 =	sadd.s32 $0x880, s13;
	[sflag:s29] =	ssyncadd.s32 $0xFFFFC000  }
0xa6: {  	v2 =	vld [tilespmem:s13+$0x100];
	_ =	sdelay $0x4  }
0xa7: {  	v2 =	vshll.u32 v2, $0x1  }
0xa8: {  	v2 =	vor.u32 v0, v2  }
0xa9: {  	[tilespmem:$0x1000] =	vst v2  }
0xaa: {  	v2 =	vld [tilespmem:s13+$0x110];
	_ =	sdelay $0x4  }
0xab: {  	v2 =	vshll.u32 v2, $0x1  }
0xac: {  	v2 =	vor.u32 v0, v2  }
0xad: {  	[tilespmem:$0x1010] =	vst v2  }
0xae: {  	v2 =	vld [tilespmem:s13+$0x120];
	_ =	sdelay $0x4  }
0xaf: {  	v2 =	vshll.u32 v2, $0x1  }
0xb0: {  	v2 =	vor.u32 v0, v2  }
0xb1: {  	[tilespmem:$0x1020] =	vst v2  }
0xb2: {  	v2 =	vld [tilespmem:s13+$0x130];
	_ =	sdelay $0x4  }
0xb3: {  	v2 =	vshll.u32 v2, $0x1  }
0xb4: {  	v2 =	vor.u32 v0, v2  }
0xb5: {  	[tilespmem:$0x1030] =	vst v2  }
0xb6: {  	v2 =	vld [tilespmem:s13+$0x140];
	_ =	sdelay $0x4  }
0xb7: {  	v2 =	vshll.u32 v2, $0x1  }
0xb8: {  	v2 =	vor.u32 v0, v2  }
0xb9: {  	[tilespmem:$0x1040] =	vst v2  }
0xba: {  	v2 =	vld [tilespmem:s13+$0x150];
	_ =	sdelay $0x4  }
0xbb: {  	v2 =	vshll.u32 v2, $0x1  }
0xbc: {  	v2 =	vor.u32 v0, v2  }
0xbd: {  	[tilespmem:$0x1050] =	vst v2  }
0xbe: {  	v2 =	vld [tilespmem:s13+$0x160];
	_ =	sdelay $0x4  }
0xbf: {  	v2 =	vshll.u32 v2, $0x1  }
0xc0: {  	v2 =	vor.u32 v0, v2  }
0xc1: {  	[tilespmem:$0x1060] =	vst v2  }
0xc2: {  	v2 =	vld [tilespmem:s13+$0x170];
	_ =	sdelay $0x4  }
0xc3: {  	v2 =	vshll.u32 v2, $0x1  }
.Ltmp6:
0xc4: {  	v2 =	vor.u32 v0, v2;
	(pc) =	sbr.rel .LBB2_5-.Ltmp6, $4  }
0xc5: {  	[tilespmem:$0x1070] =	vst v2  }
0xc6: {  	[tilespmem:s19], [sflag:$0x1] =	stream.indirect.gather [hbm4b:s6+s22], $0x80, s23, s22, $0xb8;
	[tilespmem:$0x1D100] =	vst v63  }
0xc7: {  	s3 =	sadd.s32 $0x400, s3  }
0xc8: {  	[spmem:s1] =	stream.indirect.scatter.add.f32 [tilespmem:s26], [sflag:$0x4], $0x80, s14, s22, $0xb8;
	[tilespmem:$0x1D100] =	vst v63  }
.LBB2_9:
0xc9: {  	_ =	sfence.sel $0x180000  }
0xca: {  	[bflag:$0x0] =	sbarrier.arrive $0xFFFF  }
0xcb: {  	_ =	strace $0x9000004D  }
0xcc: {  	s0 =	stileid.u32;
	[bflag:$0x2] =	sbarrier.arrive $0xFFFF  }
0xcd: {  	p0 =	sne.s32 s0, $0x0;
	s0 =	rddreg [dreg:$0x2]  }
0xce: {  	s0 =	sadd.s32 @!p0 $0x100000, s0  }
0xcf: {  	[sflag:s0] =	ssyncadd.tile.s32 @!p0 $0x1;
	_ =	shalt  }
.Lfunc_end2:
_tile_overlayer_lowered:
.L_overlay_start_2:
0xd0: {  	(tag) =	ssettag $0x2  }
0xd1: {  	s0 =	rddreg [dreg:$0x0];
	s2 =	stileid.u32  }
0xd2: {  	s1 =	rddreg [dreg:$0x1];
	p0 =	sne.s32 s2, $0x0  }
0xd3: {  	s3 =	rddreg [dreg:$0x2];
	[bflag:$0x3] =	sbarrier.arrive $0xFFFF;
	s2 =	simm.s32 @!p0 $0x1C05  }
0xd4: {  	[timem:s3], [sflag:s2] =	dma.local @!p0 [hbm:s0], s1  }
0xd5: {  	s0 =	simm.s32 @!p0 $0x5  }
0xd6: {  	_ =	swait.ge @!p0 [sflag:s0], s1  }
0xd7: {  	s1 =	ssub.s32 @!p0 $0x0, s1;
	[sflag:s0] =	ssyncset.done @!p0 $0x0  }
0xd8: {  	[sflag:s0] =	ssyncadd.s32 @!p0 s1  }
0xd9: {  	[bflag:$0x3] =	sbarrier.arrive $0xFFFF  }
0xda: {  	_ =	shalt  }

// kernel: kernel.19.cloned.1.call-start
scs
__scs_entry_jumppad:
0x0: {  	(pc) =	sbr.rel $0x88, $3  }
0x1: {  	(tag) =	ssettag $0x0;
	lr =	simm.s32 $0x1  }
0x2: {  	[smem:$0x3F8F] =	sst lr;
	_ =	strace $0xD0000000  }
0x3: {  	_ = 	snop  }
0x4: {  	_ = 	snop  }
0x5: {  	_ = 	snop  }
0x6: {  	_ = 	snop  }
0x7: {  	_ = 	snop  }
__scs_overlays_trampoline_lowered:
0x8: {  	[smem:$0x3F9E] =	sst s0  }
0x9: {  	[smem:$0x3F9F] =	sst s1  }
0xa: {  	[smem:$0x3FA0] =	sst s2  }
0xb: {  	[smem:$0x3FA1] =	sst s3  }
0xc: {  	[smem:$0x3FA2] =	sst s4  }
0xd: {  	[smem:$0x3FA3] =	sst s5  }
0xe: {  	[smem:$0x3FA4] =	sst s6  }
0xf: {  	[smem:$0x3FA5] =	sst s7  }
0x10: {  	[smem:$0x3FA6] =	sst s8  }
0x11: {  	[smem:$0x3FA7] =	sst s9;
	s0 =	simm.s32 @!p0 $0x0  }
0x12: {  	s1 =	sld [smem:$0x3F8D];
	s0 =	simm.s32 @p0 $0x1  }
0x13: {  	[smem:$0x3FA8] =	sst s0;
	s0 =	simm.s32 @!p1 $0x0  }
0x14: {  	s2 =	sld [smem:$0x3F8C];
	s0 =	simm.s32 @p1 $0x1  }
0x15: {  	[smem:$0x3FA9] =	sst s0;
	s0 =	simm.s32 @!p2 $0x0  }
0x16: {  	s3 =	sld [smem:$0x3FDB];
	s0 =	simm.s32 @p2 $0x1  }
0x17: {  	s4 =	simm.s32 $0x1BF5;
	[smem:$0x3FAB] =	sst s0  }
0x18: {  	s0 =	sld [smem:$0x3F8E];
	_ =	swait.ge [sflag:s4], $0x0  }
0x19: {  	s7 =	sld [smem:$0x3F8F]  }
0x1a: {  	s8 =	sadd.s32 $0xFFFFE003, lr  }
0x1b: {  	s9 =	sadd.s32 $0xFFFFFEF7, lr;
	s5 =	simm.s32 $0xFFFFFFFF;
	p2 =	slt.u32 s8, $0xFFFFF086  }
0x1c: {  	p1 =	slt.u32 s9, $0xF7A;
	s5 =	simm.s32 @!p2 $0x0  }
0x1d: {  	s5 =	simm.s32 @p1 $0x1;
	p0 =	seq.s32 s7, s2  }
0x1e: {  	s7 =	smul.u32 @!p0 $0xF7A, s2;
	p2 =	seq.s32 @!p0 s5, $0x0  }
0x1f: {  	s9 =	smul.u32 $0xF7A, s1;
	s8 =	simm.s32 @!p0 $0x1BF5;
	p2 =	por !p2, p0  }
0x20: {  	[sflag:s8] =	ssyncset.s32 @!p0 $0xFFFFF086;
	s6 =	sadd.s32 @!p0 s3, s7;
	s7 =	simm.s32 @!p0 $0x108  }
0x21: {  	s3 =	sadd.s32 s3, s9;
	s6 =	sadd.s32 @!p0 $0x88, s6;
	s7 =	simm.s32 @p2 $0x1082  }
0x22: {  	[simem:s7], [sflag:s8] =	dma.local @!p0 [hbm:s6], $0xF7A  }
0x23: {  	s9 =	sor.u32 $0xD0000000, s2;
	s6 =	simm.s32 $0x108;
	_ =	swait.ge @!p0 [sflag:s8], $0x0  }
0x24: {  	s3 =	sadd.s32 $0x88, s3;
	s6 =	simm.s32 @!p1 $0x1082;
	[sflag:s4] =	ssyncset.s32 $0xFFFFF086  }
0x25: {  	[simem:s6], [sflag:s4] =	dma.local [hbm:s3], $0xF7A  }
0x26: {  	[smem:$0x3F8F] =	sst s1;
	(tag) =	ssettag s2;
	_ =	strace s9  }
0x27: {  	s1 =	sld [smem:$0x3F9F]  }
0x28: {  	s2 =	sld [smem:$0x3FA0]  }
0x29: {  	s4 =	sld [smem:$0x3FA2]  }
0x2a: {  	p0 =	seq.s32 s5, $0x0;
	s5 =	sld [smem:$0x3FA3]  }
0x2b: {  	s6 =	sld [smem:$0x3FA4]  }
0x2c: {  	s7 =	sld [smem:$0x3FA5]  }
0x2d: {  	s3 =	simm.s32 $0x108;
	s8 =	sld [smem:$0x3FA6]  }
0x2e: {  	s3 =	simm.s32 @!p0 $0x1082;
	s9 =	sld [smem:$0x3FA7]  }
0x2f: {  	lr =	sadd.s32 s0, s3;
	s0 =	sld [smem:$0x3F9E]  }
0x30: {  	s3 =	sld [smem:$0x3FA1]  }
0x31: {  	[smem:$0x3FAA] =	sst s10  }
0x32: {  	s10 =	sld [smem:$0x3FA8];
	_ =	sdelay $0x3  }
0x33: {  	p0 =	seq.s32 s10, $0x1;
	s10 =	sld [smem:$0x3FAA];
	_ =	sdelay $0x3  }
0x34: {  	[smem:$0x3FAA] =	sst s10  }
0x35: {  	s10 =	sld [smem:$0x3FA9];
	_ =	sdelay $0x3  }
0x36: {  	p1 =	seq.s32 s10, $0x1;
	s10 =	sld [smem:$0x3FAA];
	_ =	sdelay $0x3  }
0x37: {  	[smem:$0x3FAA] =	sst s10  }
0x38: {  	s10 =	sld [smem:$0x3FAB]  }
0x39: {  	_ = 	snop;
	(pc) =	sbr.ind lr, $3  }
0x3a: {  	_ = 	snop  }
0x3b: {  	_ = 	snop  }
0x3c: {  	p2 =	seq.s32 s10, $0x1;
	s10 =	sld [smem:$0x3FAA]  }
0x3d: {  	_ =	shalt  }
0x3e: {  	_ =	shalt  }
0x3f: {  	_ =	shalt  }
0x40: {  	_ =	shalt  }
0x41: {  	_ =	shalt  }
0x42: {  	_ =	shalt  }
0x43: {  	_ =	shalt  }
0x44: {  	_ =	shalt  }
0x45: {  	_ =	shalt  }
0x46: {  	_ =	shalt  }
0x47: {  	_ =	shalt  }
0x48: {  	_ =	shalt  }
0x49: {  	_ =	shalt  }
0x4a: {  	_ =	shalt  }
0x4b: {  	_ =	shalt  }
0x4c: {  	_ =	shalt  }
0x4d: {  	_ =	shalt  }
0x4e: {  	_ =	shalt  }
0x4f: {  	_ =	shalt  }
0x50: {  	_ =	shalt  }
0x51: {  	_ =	shalt  }
0x52: {  	_ =	shalt  }
0x53: {  	_ =	shalt  }
0x54: {  	_ =	shalt  }
0x55: {  	_ =	shalt  }
0x56: {  	_ =	shalt  }
0x57: {  	_ =	shalt  }
0x58: {  	_ =	shalt  }
0x59: {  	_ =	shalt  }
0x5a: {  	_ =	shalt  }
0x5b: {  	_ =	shalt  }
0x5c: {  	_ =	shalt  }
0x5d: {  	_ =	shalt  }
0x5e: {  	_ =	shalt  }
0x5f: {  	_ =	shalt  }
0x60: {  	_ =	shalt  }
0x61: {  	_ =	shalt  }
0x62: {  	_ =	shalt  }
0x63: {  	_ =	shalt  }
0x64: {  	_ =	shalt  }
0x65: {  	_ =	shalt  }
0x66: {  	_ =	shalt  }
0x67: {  	_ =	shalt  }
0x68: {  	_ =	shalt  }
0x69: {  	_ =	shalt  }
0x6a: {  	_ =	shalt  }
0x6b: {  	_ =	shalt  }
0x6c: {  	_ =	shalt  }
0x6d: {  	_ =	shalt  }
0x6e: {  	_ =	shalt  }
0x6f: {  	_ =	shalt  }
0x70: {  	_ =	shalt  }
0x71: {  	_ =	shalt  }
0x72: {  	_ =	shalt  }
0x73: {  	_ =	shalt  }
0x74: {  	_ =	shalt  }
0x75: {  	_ =	shalt  }
0x76: {  	_ =	shalt  }
0x77: {  	_ =	shalt  }
0x78: {  	_ =	shalt  }
0x79: {  	_ =	shalt  }
0x7a: {  	_ =	shalt  }
0x7b: {  	_ =	shalt  }
0x7c: {  	_ =	shalt  }
0x7d: {  	_ =	shalt  }
0x7e: {  	_ =	shalt  }
0x7f: {  	_ =	shalt  }
0x80: {  	_ =	shalt  }
0x81: {  	_ =	shalt  }
0x82: {  	_ =	shalt  }
0x83: {  	_ =	shalt  }
0x84: {  	_ =	shalt  }
0x85: {  	_ =	shalt  }
0x86: {  	_ =	shalt  }
0x87: {  	_ =	shalt  }
.Lfunc_end0:
.L_simem_size_0:
called_computation.3_lowered:
.L_overlay_start_0:
0x88: {  	s2 =	sld [smem:$0x3FD9]  }
0x89: {  	s3 =	sld [smem:$0x3FFE];
	_ =	sdelay $0x1  }
0x8a: {  	s1 =	srdreg.scid  }
0x8b: {  	s0 =	sand.u32 $0x1, s1  }
0x8c: {  	s16 =	sshll.u32 s0, $0xA;
	s2 =	sadd.s32 s3, s2  }
0x8d: {  	s2 =	sadd.s32 s2, s16  }
0x8e: {  	[smem:$0x3FB6] =	sst s2  }
0x8f: {  	_ = 	snop  }
0x90: {  	(tm) =	ssettm $0x1  }
0x91: {  	s17 =	sld [smem:$0x3FFB];
	_ =	sdelay $0x3  }
0x92: {  	_ =	strace s17  }
0x93: {  	s2 =	sld [smem:$0x3FFC];
	_ =	sdelay $0x3  }
0x94: {  	_ =	strace s2  }
0x95: {  	s2 =	sld [smem:$0x3FFD];
	_ =	sdelay $0x3  }
0x96: {  	_ =	strace s2  }
0x97: {  	_ =	strace $0x8FFFFFFF  }
0x98: {  	s18 =	sld [smem:$0x3FDB];
	_ =	sdelay $0x1  }
0x99: {  	s19 =	simm.s32 $_scs_section_size  }
0x9a: {  	s4 =	simm.s32 $_size__tile_overlayer_lowered;
	s5 =	simm.s32 $_tile_overlayer_lowered  }
0x9b: {  	s22 =	simm.s32 $0x1BFF;
	s21 =	sshll.u32 s5, $0x1;
	s2 =	sadd.s32 s19, s18  }
0x9c: {  	s6 =	simm.s32 $0x0;
	s20 =	sshll.u32 s4, $0x1;
	s4 =	sadd.s32 s21, s2  }
0x9d: {  	[timem:s6], [sflag:s22] =	dma.local [hbm:s4], s20  }
0x9e: {  	_ =	swait.ge [sflag:s22], s20  }
0x9f: {  	s3 =	ssub.s32 $0x0, s20;
	[sflag:s22] =	ssyncset.done $0x0  }
0xa0: {  	[sflag:s22] =	ssyncadd.s32 s3;
	_ =	sdelay $0x1  }
0xa1: {  	s23 =	simm.s32 $0x1B8B  }
0xa2: {  	_ =	swait.ge [sflag:s23], $0x1  }
0xa3: {  	[sflag:s23] =	ssyncset.done $0x0  }
0xa4: {  	s25 =	simm.s32 $0x1B8E;
	s24 =	sld [smem:$0x3FFE];
	[sflag:s23] =	ssyncadd.s32 $0xFFFFFFFF  }
0xa5: {  	s26 =	simm.s32 $execute0_lowered;
	[smem:$0x3FD2] =	sst s25  }
0xa6: {  	s4 =	sshll.u32 s26, $0x1;
	_ =	strace $0x8000004F;
	[dreg:$0x1] =	wrdreg $0xFFFFFFFF  }
0xa7: {  	s28 =	simm.s32 $_size_execute0_lowered;
	s2 =	sadd.s32 s2, s4;
	[dreg:$0x0] =	wrdreg $0x0  }
0xa8: {  	s4 =	sshll.u32 s28, $0x1;
	[dreg:$0x2] =	wrdreg s2  }
0xa9: {  	[dreg:$0x3] =	wrdreg s4  }
0xaa: {  	[dreg:$0x4] =	wrdreg $0xC0  }
0xab: {  	_ =	task [dreg:s6], $0x5FFFF  }
0xac: {  	[dreg:$0x1] =	wrdreg $0xFFFFFFFF  }
0xad: {  	[dreg:$0x0] =	wrdreg $0x60  }
0xae: {  	[dreg:$0x2] =	wrdreg s24  }
0xaf: {  	[dreg:$0x3] =	wrdreg $0x91000  }
0xb0: {  	[dreg:$0x4] =	wrdreg $0x9  }
0xb1: {  	_ =	task.clear_ibuf [dreg:s6], $0x5FFFF;
	_ =	strace $0x9000004F  }
0xb2: {  	s29 =	simm.s32 $0x9;
	_ =	strace $0x80000051  }
0xb3: {  	_ =	swait.ge [sflag:s29], $0x1  }
0xb4: {  	[sflag:s29] =	ssyncadd.s32 $0xFFFFFFFF  }
0xb5: {  	_ =	strace $0x90000051  }
0xb6: {  	_ =	sfence  }
0xb7: {  	s30 =	sld [smem:$0x0];
	_ =	sdelay $0x2  }
0xb8: {  	s31 =	sshll.u32 s1, $0xD;
	s1 =	sshrl.u32 s1, $0x2  }
0xb9: {  	s3 =	sand.u32 $0x4000, s31;
	s1 =	sadd.s32 s1, s30  }
0xba: {  	s0 =	sor.u32 s3, s0;
	s1 =	sshll.u32 s1, $0x11  }
0xbb: {  	s0 =	sor.u32 s1, s0  }
0xbc: {  	s0 =	sadd.s32 $0x8F2B, s0  }
0xbd: {  	[sflag:s0] =	ssyncadd.remote.s32 $0x1  }
0xbe: {  	_ =	sfence.sel $0xFFFF  }
0xbf: {  	[dreg:$0x0] =	wrdreg $0xFFFFFFFF;
	(pc) =	sbr.abs _section_cstart, $3  }
0xc0: {  	[dreg:$0x1] =	wrdreg $0xFFFFFFFF  }
0xc1: {  	_ =	task.clear_ibuf [dreg:s6], $0x2FFFF;
	_ =	strace $0x9FFFFFFF  }
0xc2: {  	(tm) =	ssettm $0x7FFFFFFF  }
0xc3: {  	_ =	shalt  }
tec
execute0_lowered:
.L_overlay_start_1:
0x0: {  	(tag) =	ssettag $0x1  }
0x1: {  	s0 =	rddreg [dreg:$0x0]  }
0x2: {  	s1 =	rddreg [dreg:$0x1];
	s2 =	simm.s32 $0x0  }
0x3: {  	s3 =	srdreg.scid;
	s20 =	stileid.u32;
	s21 =	simm.s32 $0x800  }
0x4: {  	s22 =	simm.s32 $0x80;
	s23 =	simm.s32 $0x1000;
	s28 =	simm.s32 $0x2  }
0x5: {  	s29 =	simm.s32 $0x3;
	s30 =	simm.s32 $0x4;
	s31 =	simm.s32 $0x0  }
0x6: {  	[smem:$0x7FF] =	sst s2;
	s4 =	sadd.s32 $0x68400, s0;
	s5 =	sadd.s32 $0x5E400, s0  }
0x7: {  	s3 =	sand.u32 $0x1, s3;
	s7 =	smul.u32 $0x50000, s20;
	s6 =	sadd.s32 $0xC2400, s0  }
0x8: {  	s11 =	smul.u32 $0x14000, s20;
	s0 =	sadd.s32 $0x112400, s0;
	s8 =	ssub.s32 $0x2, s3  }
0x9: {  	_ =	strace $0x80000050;
	s16 =	smul.u32 $0x140000, s3;
	s9 =	sshrl.u32 s8, $0x1  }
0xa: {  	s7 =	sshrl.u32 s7, $0x2;
	s12 =	sadd.s32 $0x4000, s11;
	s14 =	sadd.s32 $0x8000, s11  }
0xb: {  	s15 =	sadd.s32 $0xC000, s11;
	s17 =	sadd.s32 $0x10000, s11;
	s13 =	ssub.s32 s8, s9  }
0xc: {  	s7 =	sadd.s32 s7, s1;
	s8 =	sadd.s32 s12, s1;
	s9 =	sadd.s32 s14, s1  }
0xd: {  	s10 =	sadd.s32 s15, s1;
	s18 =	sadd.s32 s11, s16;
	s12 =	sadd.s32 s16, s12  }
0xe: {  	s11 =	sadd.s32 s17, s1;
	s14 =	sadd.s32 s16, s14;
	s15 =	sadd.s32 s16, s15  }
0xf: {  	s16 =	sadd.s32 s16, s17;
	s18 =	sshrl.u32 s18, $0x3;
	s19 =	sshrl.u32 s12, $0x3  }
0x10: {  	s12 =	smul.u32 $0x5000, s20;
	s14 =	sshrl.u32 s14, $0x3;
	s25 =	sshrl.u32 s15, $0x3  }
.Ltmp0:
0x11: {  	s26 =	sshrl.u32 s16, $0x3;
	s20 =	simm.s32 $0x5;
	(pc) =	sbr.rel .LBB2_1-.Ltmp0, $4  }
0x12: {  	s18 =	sadd.s32 s0, s18;
	s24 =	sadd.s32 s0, s19;
	s15 =	sadd.s32 s0, s14  }
0x13: {  	s16 =	sadd.s32 s0, s25;
	s17 =	sadd.s32 s0, s26;
	s19 =	simm.s32 $0x1100  }
0x14: {  	s25 =	simm.s32 $0x1080;
	s26 =	simm.s32 $0x5100;
	[dreg:$0x3] =	wrdreg s18  }
0x15: {  	v1 =	vimm.f32 $0.0e+00;
	v0 =	vmov s3;
	[dreg:$0x4] =	wrdreg s24;
	s18 =	smax.u32 s13, $0x1;
	s24 =	simm.s32 $0x1  }
.LBB2_8:
0x16: {  	s0 =	stileid.u32  }
0x17: {  	[bflag:$0x0] =	sbarrier.arrive $0xFFFF;
	s0 =	sshll.u32 s0, $0x6  }
0x18: {  	s3 =	sshrl.u32 s7, $0x3;
	s13 =	rddreg [dreg:$0x3];
	s0 =	sor.u32 $0x1C05, s0  }
0x19: {  	[hbm:s13], [sflag:s0] =	dma.local [spmem:s3], $0x800  }
0x1a: {  	_ =	swait.ge [sflag:s20], $0x800  }
0x1b: {  	[sflag:s20] =	ssyncset.done $0x0  }
0x1c: {  	s13 =	sshrl.u32 s8, $0x3;
	s14 =	rddreg [dreg:$0x4];
	[sflag:s20] =	ssyncadd.s32 $0xFFFFF800  }
0x1d: {  	[hbm:s14], [sflag:s0] =	dma.local [spmem:s13], $0x800  }
0x1e: {  	_ =	swait.ge [sflag:s20], $0x800  }
0x1f: {  	[sflag:s20] =	ssyncset.done $0x0  }
0x20: {  	s14 =	sshrl.u32 s9, $0x3;
	[sflag:s20] =	ssyncadd.s32 $0xFFFFF800  }
0x21: {  	[hbm:s15], [sflag:s0] =	dma.local [spmem:s14], $0x800  }
0x22: {  	_ =	swait.ge [sflag:s20], $0x800  }
0x23: {  	[sflag:s20] =	ssyncset.done $0x0  }
0x24: {  	s13 =	sshrl.u32 s10, $0x3;
	[sflag:s20] =	ssyncadd.s32 $0xFFFFF800  }
0x25: {  	[hbm:s16], [sflag:s0] =	dma.local [spmem:s13], $0x800  }
0x26: {  	s2 =	sadd.s32 $0x1, s2;
	_ =	swait.ge [sflag:s20], $0x800  }
0x27: {  	p0 =	sne.s32 s2, s18;
	[sflag:s20] =	ssyncset.done $0x0  }
.Ltmp1:
0x28: {  	s14 =	sshrl.u32 s11, $0x3;
	[sflag:s20] =	ssyncadd.s32 $0xFFFFF800;
	(pc) =	sbr.rel @!p0 .LBB2_9-.Ltmp1, $4  }
0x29: {  	[hbm:s17], [sflag:s0] =	dma.local [spmem:s14], $0x800  }
0x2a: {  	_ =	swait.ge [sflag:s20], $0x800  }
0x2b: {  	[sflag:s20] =	ssyncset.done $0x0  }
0x2c: {  	[sflag:s20] =	ssyncadd.s32 $0xFFFFF800  }
.LBB2_1:
0x2d: {  	s0 =	simm.s32 $0x0;
	s3 =	simm.s32 $0x200  }
.LBB2_2:
0x2e: {  	p0 =	sne.s32 s3, $0xFE00;
	[tilespmem:s0+$0x1170] =	vst v1  }
0x2f: {  	[tilespmem:s0+$0x1100] =	vst v1  }
0x30: {  	[tilespmem:s0+$0x1110] =	vst v1  }
.Ltmp2:
0x31: {  	[tilespmem:s0+$0x1120] =	vst v1;
	(pc) =	sbr.rel @p0 .LBB2_2-.Ltmp2, $4  }
0x32: {  	[tilespmem:s0+$0x1130] =	vst v1  }
0x33: {  	[tilespmem:s0+$0x1140] =	vst v1  }
0x34: {  	[tilespmem:s0+$0x1150] =	vst v1  }
0x35: {  	[tilespmem:s0+$0x1160] =	vst v1;
	s0 =	sshra.s32 s3, $0x2;
	s3 =	sadd.s32 $0x200, s3  }
0x36: {  	[tilespmem:s0+$0x1170] =	vst v1  }
0x37: {  	[tilespmem:s0+$0x1100] =	vst v1  }
0x38: {  	[tilespmem:s0+$0x1110] =	vst v1  }
0x39: {  	[tilespmem:s0+$0x1120] =	vst v1  }
0x3a: {  	[tilespmem:s0+$0x1130] =	vst v1  }
0x3b: {  	[tilespmem:s0+$0x1140] =	vst v1  }
0x3c: {  	[tilespmem:s0+$0x1150] =	vst v1  }
0x3d: {  	[tilespmem:s0+$0x1160] =	vst v1  }
0x3e: {  	[spmem:s7] =	stream.linear.scatter [tilespmem:s19], [sflag:$0x5], $0x4000, $0x38;
	[tilespmem:$0x1D100] =	vst v63  }
0x3f: {  	_ =	swait.ge [sflag:s20], $0x4000  }
0x40: {  	[sflag:s20] =	ssyncset.done $0x0  }
0x41: {  	[sflag:s20] =	ssyncadd.s32 $0xFFFFC000  }
0x42: {  	[spmem:s8] =	stream.linear.scatter [tilespmem:s19], [sflag:$0x5], $0x4000, $0x38;
	[tilespmem:$0x1D100] =	vst v63  }
0x43: {  	_ =	swait.ge [sflag:s20], $0x4000  }
0x44: {  	[sflag:s20] =	ssyncset.done $0x0  }
0x45: {  	[sflag:s20] =	ssyncadd.s32 $0xFFFFC000  }
0x46: {  	[spmem:s9] =	stream.linear.scatter [tilespmem:s19], [sflag:$0x5], $0x4000, $0x38;
	[tilespmem:$0x1D100] =	vst v63  }
0x47: {  	_ =	swait.ge [sflag:s20], $0x4000  }
0x48: {  	[sflag:s20] =	ssyncset.done $0x0  }
0x49: {  	[sflag:s20] =	ssyncadd.s32 $0xFFFFC000  }
0x4a: {  	[spmem:s10] =	stream.linear.scatter [tilespmem:s19], [sflag:$0x5], $0x4000, $0x38;
	[tilespmem:$0x1D100] =	vst v63  }
0x4b: {  	_ =	swait.ge [sflag:s20], $0x4000  }
0x4c: {  	[sflag:s20] =	ssyncset.done $0x0  }
0x4d: {  	[sflag:s20] =	ssyncadd.s32 $0xFFFFC000  }
0x4e: {  	[spmem:s11] =	stream.linear.scatter [tilespmem:s19], [sflag:$0x5], $0x4000, $0x38;
	[tilespmem:$0x1D100] =	vst v63  }
.Ltmp3:
0x4f: {  	_ =	swait.ge [sflag:s20], $0x4000;
	(pc) =	sbr.rel .LBB2_4-.Ltmp3, $4  }
0x50: {  	[sflag:s20] =	ssyncset.done $0x0  }
0x51: {  	[sflag:s20] =	ssyncadd.s32 $0xFFFFC000  }
0x52: {  	[bflag:$0x0] =	sbarrier.arrive $0xFFFF  }
0x53: {  	s0 =	simm.s32 $0x0  }
.LBB2_7:
0x54: {  	s0 =	sadd.s32 $0x1, s0  }
0x55: {  	p0 =	sne.s32 s0, $0xA  }
.Ltmp4:
0x56: {  	_ = 	snop;
	(pc) =	sbr.rel @!p0 .LBB2_8-.Ltmp4, $4  }
0x57: {  	[spmem:s1] =	stream.indirect.scatter.add.f32 [tilespmem:s26], [sflag:$0x4], $0x80, s14, s22, $0xb8;
	[tilespmem:$0x1D100] =	vst v63  }
0x58: {  	_ =	swait.ge [sflag:s30], $0x4000  }
0x59: {  	[sflag:s30] =	ssyncset.done $0x0  }
0x5a: {  	[sflag:s30] =	ssyncadd.s32 $0xFFFFC000  }
.LBB2_4:
0x5b: {  	s3 =	sshll.u32 s0, $0xB  }
0x5c: {  	s3 =	sadd.s32 s12, s3  }
0x5d: {  	s3 =	sshrl.u32 s3, $0x3  }
0x5e: {  	s13 =	sadd.s32 s4, s3  }
0x5f: {  	[tilespmem:s31], [sflag:$0x5] =	stream.linear.gather [hbm4b:s13+s31], $0x800, $0x38;
	[tilespmem:$0x1D100] =	vst v63  }
0x60: {  	_ =	swait.ge [sflag:s20], $0x800  }
0x61: {  	[sflag:s20] =	ssyncset.done $0x0  }
0x62: {  	s3 =	sadd.s32 s5, s3;
	[sflag:s20] =	ssyncadd.s32 $0xFFFFF800  }
0x63: {  	[tilespmem:s21], [sflag:$0x5] =	stream.linear.gather [hbm4b:s3+s31], $0x800, $0x38;
	[tilespmem:$0x1D100] =	vst v63  }
0x64: {  	_ =	swait.ge [sflag:s20], $0x800  }
0x65: {  	[sflag:s20] =	ssyncset.done $0x0  }
0x66: {  	[sflag:s20] =	ssyncadd.s32 $0xFFFFF800  }
0x67: {  	v2 =	vld [tilespmem:$0x0]  }
0x68: {  	v3 =	vld [tilespmem:$0x10]  }
0x69: {  	v4 =	vld [tilespmem:$0x20]  }
0x6a: {  	v5 =	vld [tilespmem:$0x30]  }
0x6b: {  	v6 =	vld [tilespmem:$0x40]  }
0x6c: {  	v7 =	vld [tilespmem:$0x50];
	v2 =	vshll.u32 v2, $0x1  }
0x6d: {  	v8 =	vld [tilespmem:$0x60];
	v3 =	vshll.u32 v3, $0x1;
	v2 =	vor.u32 v0, v2  }
0x6e: {  	v63 =	vld [tilespmem:$0x70];
	[tilespmem:$0x1000] =	vst v2;
	v2 =	vor.u32 v0, v3;
	v3 =	vshll.u32 v4, $0x1  }
0x6f: {  	[tilespmem:$0x1010] =	vst v2;
	v2 =	vor.u32 v0, v3;
	v3 =	vshll.u32 v5, $0x1  }
0x70: {  	[tilespmem:$0x1020] =	vst v2;
	v2 =	vor.u32 v0, v3;
	v3 =	vshll.u32 v6, $0x1  }
0x71: {  	[tilespmem:$0x1030] =	vst v2;
	v2 =	vor.u32 v0, v3;
	v3 =	vshll.u32 v7, $0x1  }
0x72: {  	[tilespmem:$0x1040] =	vst v2;
	v2 =	vor.u32 v0, v3;
	v3 =	vshll.u32 v8, $0x1  }
0x73: {  	[tilespmem:$0x1050] =	vst v2;
	v2 =	vor.u32 v0, v3;
	v3 =	vshll.u32 v63, $0x1  }
0x74: {  	[tilespmem:$0x1060] =	vst v2;
	v2 =	vor.u32 v0, v3  }
0x75: {  	s3 =	simm.s32 $0x0;
	[tilespmem:$0x1070] =	vst v2  }
0x76: {  	[tilespmem:s19], [sflag:$0x1] =	stream.indirect.gather [hbm4b:s6+s22], $0x80, s23, s22, $0xb8;
	[tilespmem:$0x1D100] =	vst v63  }
.LBB2_5:
0x77: {  	_ =	swait.ge [sflag:s24], $0x4000  }
0x78: {  	p0 =	seq.s32 s3, $0x0;
	[sflag:s24] =	ssyncset.done $0x0  }
0x79: {  	s13 =	simm.s32 @!p0 $0x4;
	[sflag:s24] =	ssyncadd.s32 $0xFFFFC000  }
0x7a: {  	_ =	swait.ge @!p0 [sflag:s13], $0x4000  }
0x7b: {  	[sflag:s13] =	ssyncset.done @!p0 $0x0  }
0x7c: {  	[sflag:s13] =	ssyncadd.s32 @!p0 $0xFFFFC000;
	s13 =	sshra.s32 s3, $0x2  }
0x7d: {  	v2 =	vld [tilespmem:s13+$0x80];
	_ =	sdelay $0x4  }
0x7e: {  	v2 =	vshll.u32 v2, $0x1  }
0x7f: {  	v2 =	vor.u32 v0, v2  }
0x80: {  	[tilespmem:$0x1080] =	vst v2  }
0x81: {  	v2 =	vld [tilespmem:s13+$0x90];
	_ =	sdelay $0x4  }
0x82: {  	v2 =	vshll.u32 v2, $0x1  }
0x83: {  	v2 =	vor.u32 v0, v2  }
0x84: {  	[tilespmem:$0x1090] =	vst v2  }
0x85: {  	v2 =	vld [tilespmem:s13+$0xA0];
	_ =	sdelay $0x4  }
0x86: {  	v2 =	vshll.u32 v2, $0x1  }
0x87: {  	v2 =	vor.u32 v0, v2  }
0x88: {  	[tilespmem:$0x10A0] =	vst v2  }
0x89: {  	v2 =	vld [tilespmem:s13+$0xB0];
	_ =	sdelay $0x4  }
0x8a: {  	v2 =	vshll.u32 v2, $0x1  }
0x8b: {  	v2 =	vor.u32 v0, v2  }
0x8c: {  	[tilespmem:$0x10B0] =	vst v2  }
0x8d: {  	v2 =	vld [tilespmem:s13+$0xC0];
	_ =	sdelay $0x4  }
0x8e: {  	v2 =	vshll.u32 v2, $0x1  }
0x8f: {  	v2 =	vor.u32 v0, v2  }
0x90: {  	[tilespmem:$0x10C0] =	vst v2  }
0x91: {  	v2 =	vld [tilespmem:s13+$0xD0];
	_ =	sdelay $0x4  }
0x92: {  	v2 =	vshll.u32 v2, $0x1  }
0x93: {  	v2 =	vor.u32 v0, v2  }
0x94: {  	[tilespmem:$0x10D0] =	vst v2  }
0x95: {  	v2 =	vld [tilespmem:s13+$0xE0];
	_ =	sdelay $0x4  }
0x96: {  	v2 =	vshll.u32 v2, $0x1  }
0x97: {  	v2 =	vor.u32 v0, v2  }
0x98: {  	[tilespmem:$0x10E0] =	vst v2  }
0x99: {  	v2 =	vld [tilespmem:s13+$0xF0];
	_ =	sdelay $0x4  }
0x9a: {  	v2 =	vshll.u32 v2, $0x1  }
0x9b: {  	v2 =	vor.u32 v0, v2  }
0x9c: {  	[tilespmem:$0x10F0] =	vst v2  }
0x9d: {  	[tilespmem:s26], [sflag:$0x2] =	stream.indirect.gather [hbm4b:s6+s22], $0x80, s25, s22, $0xb8;
	[tilespmem:$0x1D100] =	vst v63  }
0x9e: {  	s14 =	sadd.s32 $0x800, s13  }
0x9f: {  	[spmem:s1] =	stream.indirect.scatter.add.f32 [tilespmem:s19], [sflag:$0x3], $0x80, s14, s22, $0xb8;
	[tilespmem:$0x1D100] =	vst v63  }
0xa0: {  	p0 =	seq.s32 s3, $0x1C00;
	_ =	swait.ge [sflag:s28], $0x4000  }
.Ltmp5:
0xa1: {  	[sflag:s28] =	ssyncset.done $0x0;
	(pc) =	sbr.rel @p0 .LBB2_7-.Ltmp5, $4  }
0xa2: {  	[sflag:s28] =	ssyncadd.s32 $0xFFFFC000  }
0xa3: {  	_ =	swait.ge [sflag:s29], $0x4000  }
0xa4: {  	[sflag:s29] =	ssyncset.done $0x0  }
0xa5: {  	s14 =	sadd.s32 $0x880, s13;
	[sflag:s29] =	ssyncadd.s32 $0xFFFFC000  }
0xa6: {  	v2 =	vld [tilespmem:s13+$0x100];
	_ =	sdelay $0x4  }
0xa7: {  	v2 =	vshll.u32 v2, $0x1  }
0xa8: {  	v2 =	vor.u32 v0, v2  }
0xa9: {  	[tilespmem:$0x1000] =	vst v2  }
0xaa: {  	v2 =	vld [tilespmem:s13+$0x110];
	_ =	sdelay $0x4  }
0xab: {  	v2 =	vshll.u32 v2, $0x1  }
0xac: {  	v2 =	vor.u32 v0, v2  }
0xad: {  	[tilespmem:$0x1010] =	vst v2  }
0xae: {  	v2 =	vld [tilespmem:s13+$0x120];
	_ =	sdelay $0x4  }
0xaf: {  	v2 =	vshll.u32 v2, $0x1  }
0xb0: {  	v2 =	vor.u32 v0, v2  }
0xb1: {  	[tilespmem:$0x1020] =	vst v2  }
0xb2: {  	v2 =	vld [tilespmem:s13+$0x130];
	_ =	sdelay $0x4  }
0xb3: {  	v2 =	vshll.u32 v2, $0x1  }
0xb4: {  	v2 =	vor.u32 v0, v2  }
0xb5: {  	[tilespmem:$0x1030] =	vst v2  }
0xb6: {  	v2 =	vld [tilespmem:s13+$0x140];
	_ =	sdelay $0x4  }
0xb7: {  	v2 =	vshll.u32 v2, $0x1  }
0xb8: {  	v2 =	vor.u32 v0, v2  }
0xb9: {  	[tilespmem:$0x1040] =	vst v2  }
0xba: {  	v2 =	vld [tilespmem:s13+$0x150];
	_ =	sdelay $0x4  }
0xbb: {  	v2 =	vshll.u32 v2, $0x1  }
0xbc: {  	v2 =	vor.u32 v0, v2  }
0xbd: {  	[tilespmem:$0x1050] =	vst v2  }
0xbe: {  	v2 =	vld [tilespmem:s13+$0x160];
	_ =	sdelay $0x4  }
0xbf: {  	v2 =	vshll.u32 v2, $0x1  }
0xc0: {  	v2 =	vor.u32 v0, v2  }
0xc1: {  	[tilespmem:$0x1060] =	vst v2  }
0xc2: {  	v2 =	vld [tilespmem:s13+$0x170];
	_ =	sdelay $0x4  }
0xc3: {  	v2 =	vshll.u32 v2, $0x1  }
.Ltmp6:
0xc4: {  	v2 =	vor.u32 v0, v2;
	(pc) =	sbr.rel .LBB2_5-.Ltmp6, $4  }
0xc5: {  	[tilespmem:$0x1070] =	vst v2  }
0xc6: {  	[tilespmem:s19], [sflag:$0x1] =	stream.indirect.gather [hbm4b:s6+s22], $0x80, s23, s22, $0xb8;
	[tilespmem:$0x1D100] =	vst v63  }
0xc7: {  	s3 =	sadd.s32 $0x400, s3  }
0xc8: {  	[spmem:s1] =	stream.indirect.scatter.add.f32 [tilespmem:s26], [sflag:$0x4], $0x80, s14, s22, $0xb8;
	[tilespmem:$0x1D100] =	vst v63  }
.LBB2_9:
0xc9: {  	_ =	sfence.sel $0x180000  }
0xca: {  	[bflag:$0x0] =	sbarrier.arrive $0xFFFF  }
0xcb: {  	_ =	strace $0x90000050  }
0xcc: {  	s0 =	stileid.u32;
	[bflag:$0x2] =	sbarrier.arrive $0xFFFF  }
0xcd: {  	p0 =	sne.s32 s0, $0x0;
	s0 =	rddreg [dreg:$0x2]  }
0xce: {  	s0 =	sadd.s32 @!p0 $0x100000, s0  }
0xcf: {  	[sflag:s0] =	ssyncadd.tile.s32 @!p0 $0x1;
	_ =	shalt  }
.Lfunc_end2:
_tile_overlayer_lowered:
.L_overlay_start_2:
0xd0: {  	(tag) =	ssettag $0x2  }
0xd1: {  	s0 =	rddreg [dreg:$0x0];
	s2 =	stileid.u32  }
0xd2: {  	s1 =	rddreg [dreg:$0x1];
	p0 =	sne.s32 s2, $0x0  }
0xd3: {  	s3 =	rddreg [dreg:$0x2];
	[bflag:$0x3] =	sbarrier.arrive $0xFFFF;
	s2 =	simm.s32 @!p0 $0x1C05  }
0xd4: {  	[timem:s3], [sflag:s2] =	dma.local @!p0 [hbm:s0], s1  }
0xd5: {  	s0 =	simm.s32 @!p0 $0x5  }
0xd6: {  	_ =	swait.ge @!p0 [sflag:s0], s1  }
0xd7: {  	s1 =	ssub.s32 @!p0 $0x0, s1;
	[sflag:s0] =	ssyncset.done @!p0 $0x0  }
0xd8: {  	[sflag:s0] =	ssyncadd.s32 @!p0 s1  }
0xd9: {  	[bflag:$0x3] =	sbarrier.arrive $0xFFFF  }
0xda: {  	_ =	shalt  }

</sc_bundles>
